<compile_context>
chip_gen: v7x
topology: tpu7x:2x2x1
jax: 0.10.2.dev20260603
libtpu: 0.0.44.dev20260713+nightly
codegen_flags: <defaults>
</compile_context>

<pallas_src>
import functools

import jax
import jax.numpy as jnp
from jax import lax
from jax.experimental import pallas as pl
from jax.experimental.pallas import tpu as pltpu
from jax.experimental.pallas import tpu_sc as plsc

NCLS = 7
B_TOTAL = 1048576
UNC_THR = 0.5
DEC_THR = 0.25
SPEC_W = 0.7

_R_SC = 720896
_R_TC = B_TOTAL - _R_SC

_NC = 2
_NS = 16
_NW = _NC * _NS
_ROWS_PER_W = _R_SC // _NW
_CH = 2048
_N_CHUNKS = _ROWS_PER_W // _CH
_VECS = _CH // 16


def _sc_body(probs_hbm, cu_hbm, sr_hbm, pr_hbm, out_hbm,
             pv0, pv1, cv0, cv1, sv0, sv1, rv0, rv1, ov0, ov1,
             isem, osem):
    wid = lax.axis_index("s") * _NC + lax.axis_index("c")
    w0 = wid * _ROWS_PER_W

    pv = (pv0, pv1)
    cv = (cv0, cv1)
    sv = (sv0, sv1)
    rv = (rv0, rv1)
    ov = (ov0, ov1)

    def in_copies(t, s):
        base = w0 + t * _CH
        sl = pl.ds(base, _CH)
        return (
            pltpu.make_async_copy(probs_hbm.at[pl.ds(0, NCLS), sl], pv[s], isem.at[s, 0]),
            pltpu.make_async_copy(cu_hbm.at[sl], cv[s], isem.at[s, 1]),
            pltpu.make_async_copy(sr_hbm.at[sl], sv[s], isem.at[s, 2]),
            pltpu.make_async_copy(pr_hbm.at[sl], rv[s], isem.at[s, 3]),
        )

    def out_copy(t, s):
        base = w0 + t * _CH
        return pltpu.make_async_copy(ov[s], out_hbm.at[pl.ds(base, _CH)], osem.at[s])

    def compute(s):
        pvs, cvs, svs, rvs, ovs = pv[s], cv[s], sv[s], rv[s], ov[s]

        def vec_body(j, _):
            r0 = j * 16
            sl = pl.ds(r0, 16)
            mv = pvs[0, sl]
            mi = jnp.zeros((16,), jnp.int32)
            for c in range(1, NCLS):
                g = pvs[c, sl]
                p = g > mv
                mv = jnp.where(p, g, mv)
                mi = jnp.where(p, c, mi)

            cu = cvs[sl]
            sr = svs[sl]
            pr = rvs[sl]

            dm = jnp.abs(sr - pr) > DEC_THR
            us = sr > pr
            spec = jnp.maximum(1.0 - sr, SPEC_W * (1.0 - pr))
            spat = jnp.maximum(1.0 - pr, SPEC_W * (1.0 - sr))
            fu = jnp.where(dm, jnp.where(us, spec, spat), cu)
            rs = SPEC_W * fu + (1.0 - mv)
            unk = rs > UNC_THR
            ovs[sl] = jnp.where(unk, NCLS, mi)
            return 0

        lax.fori_loop(0, _VECS, vec_body, 0)

    for c in in_copies(0, 0):
        c.start()
    for t in range(_N_CHUNKS):
        s = t % 2
        if t + 1 < _N_CHUNKS:
            for c in in_copies(t + 1, (t + 1) % 2):
                c.start()
        for c in in_copies(t, s):
            c.wait()
        if t >= 2:
            out_copy(t - 2, s).wait()
        compute(s)
        out_copy(t, s).start()
    out_copy(_N_CHUNKS - 2, (_N_CHUNKS - 2) % 2).wait()
    out_copy(_N_CHUNKS - 1, (_N_CHUNKS - 1) % 2).wait()


_sc_call = functools.partial(
    pl.kernel,
    out_type=jax.ShapeDtypeStruct((_R_SC,), jnp.int32),
    mesh=plsc.VectorSubcoreMesh(core_axis_name="c", subcore_axis_name="s"),
    compiler_params=pltpu.CompilerParams(
        needs_layout_passes=False,
        use_tc_tiling_on_sc=True,
    ),
    scratch_types=(
        [pltpu.VMEM((NCLS, _CH), jnp.float32)] * 2
        + [pltpu.VMEM((_CH,), jnp.float32)] * 6
        + [pltpu.VMEM((_CH,), jnp.int32)] * 2
        + [pltpu.SemaphoreType.DMA((2, 4)), pltpu.SemaphoreType.DMA((2,))]
    ),
)(_sc_body)


_BR = 64
_TBLK = _BR * 128


def _tc_body(p_ref, cu_ref, sr_ref, pr_ref, o_ref):
    x = p_ref[...]
    mx = jnp.max(x, axis=0, keepdims=True)
    iota7 = jax.lax.broadcasted_iota(jnp.int32, (NCLS, _TBLK), 0)
    mi = jnp.min(jnp.where(x == mx, iota7, NCLS), axis=0, keepdims=True)
    mxr = mx.reshape(_BR, 128)
    mir = mi.reshape(_BR, 128)

    cu = cu_ref[...]
    sr = sr_ref[...]
    pr = pr_ref[...]
    dm = jnp.abs(sr - pr) > DEC_THR
    us = sr > pr
    spec = jnp.maximum(1.0 - sr, SPEC_W * (1.0 - pr))
    spat = jnp.maximum(1.0 - pr, SPEC_W * (1.0 - sr))
    fu = jnp.where(dm, jnp.where(us, spec, spat), cu)
    rs = SPEC_W * fu + (1.0 - mxr)
    unk = rs > UNC_THR
    o_ref[...] = jnp.where(unk, NCLS, mir)


_OFF_B = _R_SC // _TBLK
_OFF_R = _R_SC // 128 // _BR

_tc_call = pl.pallas_call(
    _tc_body,
    grid=(_R_TC // _TBLK,),
    in_specs=[
        pl.BlockSpec((NCLS, _TBLK), lambda i: (0, _OFF_B + i)),
        pl.BlockSpec((_BR, 128), lambda i: (_OFF_R + i, 0)),
        pl.BlockSpec((_BR, 128), lambda i: (_OFF_R + i, 0)),
        pl.BlockSpec((_BR, 128), lambda i: (_OFF_R + i, 0)),
    ],
    out_specs=pl.BlockSpec((_BR, 128), lambda i: (i, 0)),
    out_shape=jax.ShapeDtypeStruct((_R_TC // 128, 128), jnp.int32),
)


def kernel(probs, uncertainty_combined, spectral_reliability, spatial_reliability):
    pt = probs.T
    cu = uncertainty_combined.reshape(-1)
    sr = spectral_reliability.reshape(-1)
    pr = spatial_reliability.reshape(-1)
    cu2 = cu.reshape(-1, 128)
    sr2 = sr.reshape(-1, 128)
    pr2 = pr.reshape(-1, 128)
    sc_out = _sc_call(pt, cu, sr, pr)
    tc_out = _tc_call(pt, cu2, sr2, pr2)
    return jnp.concatenate([sc_out, tc_out.reshape(-1)])

# --- scband reference (transcript-rebuilt; emitter-appended) ---
"""Pipeline reference for scband-hybrid-ssudclassifier-fixed-41308995453552 (READ-ONLY COPY).

The authoritative reference and input builder live on the scoring server;
editing this copy changes nothing except your own understanding.
"""

import jax, jax.numpy as jnp
import numpy as np

NUM_CLASSES = 7
UNCERTAINTY_THRESHOLD = 0.5
DECOUPLING_THRESHOLD = 0.25
SPECTRAL_WEIGHT = 0.7
PROBABILITY_WEIGHT = 1.0
B = 1048576


def setup_inputs(seed: int = 0) -> dict:
    key = jax.random.key(seed)
    k1, k2, k3, k4 = jax.random.split(key, 4)
    probs = jax.random.uniform(k1, (B, NUM_CLASSES), dtype=jnp.float32)
    uncertainty_combined = jax.random.uniform(k2, (B, 1), dtype=jnp.float32)
    spectral_reliability = jax.random.uniform(k3, (B, 1), dtype=jnp.float32)
    spatial_reliability = jax.random.uniform(k4, (B, 1), dtype=jnp.float32)
    return {
        'probs': probs,
        'uncertainty_combined': uncertainty_combined,
        'spectral_reliability': spectral_reliability,
        'spatial_reliability': spatial_reliability,
    }


def reference(probs, uncertainty_combined, spectral_reliability, spatial_reliability):
    # torch.max(probs, 1)
    max_probs = jnp.max(probs, axis=1)
    predicted_class = jnp.argmax(probs, axis=1)

    cu = uncertainty_combined.reshape(-1)
    sr = spectral_reliability.reshape(-1)
    pr = spatial_reliability.reshape(-1)

    reliability_diff = jnp.abs(sr - pr)
    decoupling_mask = reliability_diff > DECOUPLING_THRESHOLD
    use_spectral = sr > pr

    # branch where spectral is more reliable
    spectral_uncertainty = 1.0 - sr
    scaled_spatial_uncertainty = 0.7 * (1.0 - pr)
    spec_branch = jnp.maximum(spectral_uncertainty, scaled_spatial_uncertainty)

    # branch where spatial is more reliable
    spatial_uncertainty = 1.0 - pr
    scaled_spectral_uncertainty = 0.7 * (1.0 - sr)
    spat_branch = jnp.maximum(spatial_uncertainty, scaled_spectral_uncertainty)

    final_uncertainty = jnp.where(
        decoupling_mask & use_spectral,
        spec_branch,
        jnp.where(decoupling_mask & (~use_spectral), spat_branch, cu),
    )

    rejection_score = SPECTRAL_WEIGHT * final_uncertainty + PROBABILITY_WEIGHT * (1.0 - max_probs)
    unknown_mask = rejection_score > UNCERTAINTY_THRESHOLD

    final_predictions = jnp.where(unknown_mask, NUM_CLASSES, predicted_class)
    return final_predictions

if __name__ == "__main__":
    import jax
    _d = setup_inputs()
    print(jax.jit(kernel)(*tuple(_d.values())))

</pallas_src>

<mosaic_0001>
#map = affine_map<(d0, d1) -> (0, 0)>
#map1 = affine_map<(d0, d1) -> (0)>
module attributes {stable_mosaic.version = 14 : i64} {
  func.func @_sc_body(%arg0: i32, %arg1: i32, %arg2: memref<7x1048576xf32, #tpu.memory_space<hbm>>, %arg3: memref<1048576xf32, #tpu.memory_space<hbm>>, %arg4: memref<1048576xf32, #tpu.memory_space<hbm>>, %arg5: memref<1048576xf32, #tpu.memory_space<hbm>>, %arg6: memref<720896xi32, #tpu.memory_space<hbm>>, %arg7: memref<7x2048xf32, #tpu.memory_space<vmem>>, %arg8: memref<7x2048xf32, #tpu.memory_space<vmem>>, %arg9: memref<2048xf32, #tpu.memory_space<vmem>>, %arg10: memref<2048xf32, #tpu.memory_space<vmem>>, %arg11: memref<2048xf32, #tpu.memory_space<vmem>>, %arg12: memref<2048xf32, #tpu.memory_space<vmem>>, %arg13: memref<2048xf32, #tpu.memory_space<vmem>>, %arg14: memref<2048xf32, #tpu.memory_space<vmem>>, %arg15: memref<2048xi32, #tpu.memory_space<vmem>>, %arg16: memref<2048xi32, #tpu.memory_space<vmem>>, %arg17: memref<2x4x!tpu.dma_semaphore, #tpu.memory_space<semaphore_mem>>, %arg18: memref<2x!tpu.dma_semaphore, #tpu.memory_space<semaphore_mem>>) attributes {dimension_semantics = [#tpu.dimension_semantics<core_parallel>, #tpu.dimension_semantics<subcore_parallel>], iteration_bounds = array<i64: 2, 16>, scalar_prefetch = 0 : i64, scratch_operands = 12 : i64, tpu.core_type = #tpu.core_type<sc_vector_subcore>, window_params = [{transform_indices = #map}, {transform_indices = #map1}, {transform_indices = #map1}, {transform_indices = #map1}, {transform_indices = #map1}]} {
    %mul3A = arith.constant 2 : i32
    %mul3A_0 = arith.muli %arg1, %mul3A : i32
    %add3A = arith.addi %mul3A_0, %arg0 : i32
    %mul3A_1 = arith.constant 22528 : i32
    %mul3A_2 = arith.muli %add3A, %mul3A_1 : i32
    %add3A_3 = arith.constant 0 : i32
    %add3A_4 = arith.addi %mul3A_2, %add3A_3 : i32
    %dma_start3A = arith.constant 0 : i32
    %dma_start3A_5 = arith.constant 0 : i32
    %dma_start3A_6 = arith.constant 0 : i32
    %dma_start3A_7 = tpu.memref_slice %arg2[%dma_start3A_6, %add3A_4] : memref<7x1048576xf32, #tpu.memory_space<hbm>> -> memref<7x2048xf32, #tpu.memory_space<hbm>>
    %dma_start3A_8 = tpu.memref_slice %arg17[%dma_start3A, %dma_start3A_5] : memref<2x4x!tpu.dma_semaphore, #tpu.memory_space<semaphore_mem>> -> memref<1x1x!tpu.dma_semaphore, #tpu.memory_space<semaphore_mem>>
    %dma_start3A_9 = tpu.memref_squeeze %dma_start3A_8 : memref<1x1x!tpu.dma_semaphore, #tpu.memory_space<semaphore_mem>> -> memref<!tpu.dma_semaphore, #tpu.memory_space<semaphore_mem>>
    %dma_start3A_10 = arith.constant 0 : i32
    %dma_start3A_11 = tpu.memref_slice %arg2[%dma_start3A_10, %add3A_4] : memref<7x1048576xf32, #tpu.memory_space<hbm>> -> memref<7x2048xf32, #tpu.memory_space<hbm>>
    tpu.enqueue_dma source(%dma_start3A_11 : memref<7x2048xf32, #tpu.memory_space<hbm>>) target(%arg7 : memref<7x2048xf32, #tpu.memory_space<vmem>>) target_semaphore(%dma_start3A_9 : memref<!tpu.dma_semaphore, #tpu.memory_space<semaphore_mem>>)
    %dma_start3A_12 = arith.constant 0 : i32
    %dma_start3A_13 = arith.constant 1 : i32
    %dma_start3A_14 = tpu.memref_slice %arg3[%add3A_4] : memref<1048576xf32, #tpu.memory_space<hbm>> -> memref<2048xf32, #tpu.memory_space<hbm>>
    %dma_start3A_15 = tpu.memref_slice %arg17[%dma_start3A_12, %dma_start3A_13] : memref<2x4x!tpu.dma_semaphore, #tpu.memory_space<semaphore_mem>> -> memref<1x1x!tpu.dma_semaphore, #tpu.memory_space<semaphore_mem>>
    %dma_start3A_16 = tpu.memref_squeeze %dma_start3A_15 : memref<1x1x!tpu.dma_semaphore, #tpu.memory_space<semaphore_mem>> -> memref<!tpu.dma_semaphore, #tpu.memory_space<semaphore_mem>>
    %dma_start3A_17 = tpu.memref_slice %arg3[%add3A_4] : memref<1048576xf32, #tpu.memory_space<hbm>> -> memref<2048xf32, #tpu.memory_space<hbm>>
    tpu.enqueue_dma source(%dma_start3A_17 : memref<2048xf32, #tpu.memory_space<hbm>>) target(%arg9 : memref<2048xf32, #tpu.memory_space<vmem>>) target_semaphore(%dma_start3A_16 : memref<!tpu.dma_semaphore, #tpu.memory_space<semaphore_mem>>)
    %dma_start3A_18 = arith.constant 0 : i32
    %dma_start3A_19 = arith.constant 2 : i32
    %dma_start3A_20 = tpu.memref_slice %arg4[%add3A_4] : memref<1048576xf32, #tpu.memory_space<hbm>> -> memref<2048xf32, #tpu.memory_space<hbm>>
    %dma_start3A_21 = tpu.memref_slice %arg17[%dma_start3A_18, %dma_start3A_19] : memref<2x4x!tpu.dma_semaphore, #tpu.memory_space<semaphore_mem>> -> memref<1x1x!tpu.dma_semaphore, #tpu.memory_space<semaphore_mem>>
    %dma_start3A_22 = tpu.memref_squeeze %dma_start3A_21 : memref<1x1x!tpu.dma_semaphore, #tpu.memory_space<semaphore_mem>> -> memref<!tpu.dma_semaphore, #tpu.memory_space<semaphore_mem>>
    %dma_start3A_23 = tpu.memref_slice %arg4[%add3A_4] : memref<1048576xf32, #tpu.memory_space<hbm>> -> memref<2048xf32, #tpu.memory_space<hbm>>
    tpu.enqueue_dma source(%dma_start3A_23 : memref<2048xf32, #tpu.memory_space<hbm>>) target(%arg11 : memref<2048xf32, #tpu.memory_space<vmem>>) target_semaphore(%dma_start3A_22 : memref<!tpu.dma_semaphore, #tpu.memory_space<semaphore_mem>>)
    %dma_start3A_24 = arith.constant 0 : i32
    %dma_start3A_25 = arith.constant 3 : i32
    %dma_start3A_26 = tpu.memref_slice %arg5[%add3A_4] : memref<1048576xf32, #tpu.memory_space<hbm>> -> memref<2048xf32, #tpu.memory_space<hbm>>
    %dma_start3A_27 = tpu.memref_slice %arg17[%dma_start3A_24, %dma_start3A_25] : memref<2x4x!tpu.dma_semaphore, #tpu.memory_space<semaphore_mem>> -> memref<1x1x!tpu.dma_semaphore, #tpu.memory_space<semaphore_mem>>
    %dma_start3A_28 = tpu.memref_squeeze %dma_start3A_27 : memref<1x1x!tpu.dma_semaphore, #tpu.memory_space<semaphore_mem>> -> memref<!tpu.dma_semaphore, #tpu.memory_space<semaphore_mem>>
    %dma_start3A_29 = tpu.memref_slice %arg5[%add3A_4] : memref<1048576xf32, #tpu.memory_space<hbm>> -> memref<2048xf32, #tpu.memory_space<hbm>>
    tpu.enqueue_dma source(%dma_start3A_29 : memref<2048xf32, #tpu.memory_space<hbm>>) target(%arg13 : memref<2048xf32, #tpu.memory_space<vmem>>) target_semaphore(%dma_start3A_28 : memref<!tpu.dma_semaphore, #tpu.memory_space<semaphore_mem>>)
    %add3A_30 = arith.constant 2048 : i32
    %add3A_31 = arith.addi %mul3A_2, %add3A_30 : i32
    %dma_start3A_32 = arith.constant 1 : i32
    %dma_start3A_33 = arith.constant 0 : i32
    %dma_start3A_34 = arith.constant 0 : i32
    %dma_start3A_35 = tpu.memref_slice %arg2[%dma_start3A_34, %add3A_31] : memref<7x1048576xf32, #tpu.memory_space<hbm>> -> memref<7x2048xf32, #tpu.memory_space<hbm>>
    %dma_start3A_36 = tpu.memref_slice %arg17[%dma_start3A_32, %dma_start3A_33] : memref<2x4x!tpu.dma_semaphore, #tpu.memory_space<semaphore_mem>> -> memref<1x1x!tpu.dma_semaphore, #tpu.memory_space<semaphore_mem>>
    %dma_start3A_37 = tpu.memref_squeeze %dma_start3A_36 : memref<1x1x!tpu.dma_semaphore, #tpu.memory_space<semaphore_mem>> -> memref<!tpu.dma_semaphore, #tpu.memory_space<semaphore_mem>>
    %dma_start3A_38 = arith.constant 0 : i32
    %dma_start3A_39 = tpu.memref_slice %arg2[%dma_start3A_38, %add3A_31] : memref<7x1048576xf32, #tpu.memory_space<hbm>> -> memref<7x2048xf32, #tpu.memory_space<hbm>>
    tpu.enqueue_dma source(%dma_start3A_39 : memref<7x2048xf32, #tpu.memory_space<hbm>>) target(%arg8 : memref<7x2048xf32, #tpu.memory_space<vmem>>) target_semaphore(%dma_start3A_37 : memref<!tpu.dma_semaphore, #tpu.memory_space<semaphore_mem>>)
    %dma_start3A_40 = arith.constant 1 : i32
    %dma_start3A_41 = arith.constant 1 : i32
    %dma_start3A_42 = tpu.memref_slice %arg3[%add3A_31] : memref<1048576xf32, #tpu.memory_space<hbm>> -> memref<2048xf32, #tpu.memory_space<hbm>>
    %dma_start3A_43 = tpu.memref_slice %arg17[%dma_start3A_40, %dma_start3A_41] : memref<2x4x!tpu.dma_semaphore, #tpu.memory_space<semaphore_mem>> -> memref<1x1x!tpu.dma_semaphore, #tpu.memory_space<semaphore_mem>>
    %dma_start3A_44 = tpu.memref_squeeze %dma_start3A_43 : memref<1x1x!tpu.dma_semaphore, #tpu.memory_space<semaphore_mem>> -> memref<!tpu.dma_semaphore, #tpu.memory_space<semaphore_mem>>
    %dma_start3A_45 = tpu.memref_slice %arg3[%add3A_31] : memref<1048576xf32, #tpu.memory_space<hbm>> -> memref<2048xf32, #tpu.memory_space<hbm>>
    tpu.enqueue_dma source(%dma_start3A_45 : memref<2048xf32, #tpu.memory_space<hbm>>) target(%arg10 : memref<2048xf32, #tpu.memory_space<vmem>>) target_semaphore(%dma_start3A_44 : memref<!tpu.dma_semaphore, #tpu.memory_space<semaphore_mem>>)
    %dma_start3A_46 = arith.constant 1 : i32
    %dma_start3A_47 = arith.constant 2 : i32
    %dma_start3A_48 = tpu.memref_slice %arg4[%add3A_31] : memref<1048576xf32, #tpu.memory_space<hbm>> -> memref<2048xf32, #tpu.memory_space<hbm>>
    %dma_start3A_49 = tpu.memref_slice %arg17[%dma_start3A_46, %dma_start3A_47] : memref<2x4x!tpu.dma_semaphore, #tpu.memory_space<semaphore_mem>> -> memref<1x1x!tpu.dma_semaphore, #tpu.memory_space<semaphore_mem>>
    %dma_start3A_50 = tpu.memref_squeeze %dma_start3A_49 : memref<1x1x!tpu.dma_semaphore, #tpu.memory_space<semaphore_mem>> -> memref<!tpu.dma_semaphore, #tpu.memory_space<semaphore_mem>>
    %dma_start3A_51 = tpu.memref_slice %arg4[%add3A_31] : memref<1048576xf32, #tpu.memory_space<hbm>> -> memref<2048xf32, #tpu.memory_space<hbm>>
    tpu.enqueue_dma source(%dma_start3A_51 : memref<2048xf32, #tpu.memory_space<hbm>>) target(%arg12 : memref<2048xf32, #tpu.memory_space<vmem>>) target_semaphore(%dma_start3A_50 : memref<!tpu.dma_semaphore, #tpu.memory_space<semaphore_mem>>)
    %dma_start3A_52 = arith.constant 1 : i32
    %dma_start3A_53 = arith.constant 3 : i32
    %dma_start3A_54 = tpu.memref_slice %arg5[%add3A_31] : memref<1048576xf32, #tpu.memory_space<hbm>> -> memref<2048xf32, #tpu.memory_space<hbm>>
    %dma_start3A_55 = tpu.memref_slice %arg17[%dma_start3A_52, %dma_start3A_53] : memref<2x4x!tpu.dma_semaphore, #tpu.memory_space<semaphore_mem>> -> memref<1x1x!tpu.dma_semaphore, #tpu.memory_space<semaphore_mem>>
    %dma_start3A_56 = tpu.memref_squeeze %dma_start3A_55 : memref<1x1x!tpu.dma_semaphore, #tpu.memory_space<semaphore_mem>> -> memref<!tpu.dma_semaphore, #tpu.memory_space<semaphore_mem>>
    %dma_start3A_57 = tpu.memref_slice %arg5[%add3A_31] : memref<1048576xf32, #tpu.memory_space<hbm>> -> memref<2048xf32, #tpu.memory_space<hbm>>
    tpu.enqueue_dma source(%dma_start3A_57 : memref<2048xf32, #tpu.memory_space<hbm>>) target(%arg14 : memref<2048xf32, #tpu.memory_space<vmem>>) target_semaphore(%dma_start3A_56 : memref<!tpu.dma_semaphore, #tpu.memory_space<semaphore_mem>>)
    %add3A_58 = arith.constant 0 : i32
    %add3A_59 = arith.addi %mul3A_2, %add3A_58 : i32
    %dma_wait3A = arith.constant 0 : i32
    %dma_wait3A_60 = arith.constant 0 : i32
    %dma_wait3A_61 = arith.constant 0 : i32
    %dma_wait3A_62 = tpu.memref_slice %arg2[%dma_wait3A_61, %add3A_59] : memref<7x1048576xf32, #tpu.memory_space<hbm>> -> memref<7x2048xf32, #tpu.memory_space<hbm>>
    %dma_wait3A_63 = tpu.memref_slice %arg17[%dma_wait3A, %dma_wait3A_60] : memref<2x4x!tpu.dma_semaphore, #tpu.memory_space<semaphore_mem>> -> memref<1x1x!tpu.dma_semaphore, #tpu.memory_space<semaphore_mem>>
    %dma_wait3A_64 = tpu.memref_squeeze %dma_wait3A_63 : memref<1x1x!tpu.dma_semaphore, #tpu.memory_space<semaphore_mem>> -> memref<!tpu.dma_semaphore, #tpu.memory_space<semaphore_mem>>
    %dma_wait3A_65 = arith.constant 0 : i32
    %dma_wait3A_66 = tpu.memref_slice %arg2[%dma_wait3A_65, %add3A_59] : memref<7x1048576xf32, #tpu.memory_space<hbm>> -> memref<7x2048xf32, #tpu.memory_space<hbm>>
    tpu.wait_dma2 semaphore(%dma_wait3A_64 : memref<!tpu.dma_semaphore, #tpu.memory_space<semaphore_mem>>) src(%dma_wait3A_66 : memref<7x2048xf32, #tpu.memory_space<hbm>>) dst(%arg7 : memref<7x2048xf32, #tpu.memory_space<vmem>>)
    %dma_wait3A_67 = arith.constant 0 : i32
    %dma_wait3A_68 = arith.constant 1 : i32
    %dma_wait3A_69 = tpu.memref_slice %arg3[%add3A_59] : memref<1048576xf32, #tpu.memory_space<hbm>> -> memref<2048xf32, #tpu.memory_space<hbm>>
    %dma_wait3A_70 = tpu.memref_slice %arg17[%dma_wait3A_67, %dma_wait3A_68] : memref<2x4x!tpu.dma_semaphore, #tpu.memory_space<semaphore_mem>> -> memref<1x1x!tpu.dma_semaphore, #tpu.memory_space<semaphore_mem>>
    %dma_wait3A_71 = tpu.memref_squeeze %dma_wait3A_70 : memref<1x1x!tpu.dma_semaphore, #tpu.memory_space<semaphore_mem>> -> memref<!tpu.dma_semaphore, #tpu.memory_space<semaphore_mem>>
    %dma_wait3A_72 = tpu.memref_slice %arg3[%add3A_59] : memref<1048576xf32, #tpu.memory_space<hbm>> -> memref<2048xf32, #tpu.memory_space<hbm>>
    tpu.wait_dma2 semaphore(%dma_wait3A_71 : memref<!tpu.dma_semaphore, #tpu.memory_space<semaphore_mem>>) src(%dma_wait3A_72 : memref<2048xf32, #tpu.memory_space<hbm>>) dst(%arg9 : memref<2048xf32, #tpu.memory_space<vmem>>)
    %dma_wait3A_73 = arith.constant 0 : i32
    %dma_wait3A_74 = arith.constant 2 : i32
    %dma_wait3A_75 = tpu.memref_slice %arg4[%add3A_59] : memref<1048576xf32, #tpu.memory_space<hbm>> -> memref<2048xf32, #tpu.memory_space<hbm>>
    %dma_wait3A_76 = tpu.memref_slice %arg17[%dma_wait3A_73, %dma_wait3A_74] : memref<2x4x!tpu.dma_semaphore, #tpu.memory_space<semaphore_mem>> -> memref<1x1x!tpu.dma_semaphore, #tpu.memory_space<semaphore_mem>>
    %dma_wait3A_77 = tpu.memref_squeeze %dma_wait3A_76 : memref<1x1x!tpu.dma_semaphore, #tpu.memory_space<semaphore_mem>> -> memref<!tpu.dma_semaphore, #tpu.memory_space<semaphore_mem>>
    %dma_wait3A_78 = tpu.memref_slice %arg4[%add3A_59] : memref<1048576xf32, #tpu.memory_space<hbm>> -> memref<2048xf32, #tpu.memory_space<hbm>>
    tpu.wait_dma2 semaphore(%dma_wait3A_77 : memref<!tpu.dma_semaphore, #tpu.memory_space<semaphore_mem>>) src(%dma_wait3A_78 : memref<2048xf32, #tpu.memory_space<hbm>>) dst(%arg11 : memref<2048xf32, #tpu.memory_space<vmem>>)
    %dma_wait3A_79 = arith.constant 0 : i32
    %dma_wait3A_80 = arith.constant 3 : i32
    %dma_wait3A_81 = tpu.memref_slice %arg5[%add3A_59] : memref<1048576xf32, #tpu.memory_space<hbm>> -> memref<2048xf32, #tpu.memory_space<hbm>>
    %dma_wait3A_82 = tpu.memref_slice %arg17[%dma_wait3A_79, %dma_wait3A_80] : memref<2x4x!tpu.dma_semaphore, #tpu.memory_space<semaphore_mem>> -> memref<1x1x!tpu.dma_semaphore, #tpu.memory_space<semaphore_mem>>
    %dma_wait3A_83 = tpu.memref_squeeze %dma_wait3A_82 : memref<1x1x!tpu.dma_semaphore, #tpu.memory_space<semaphore_mem>> -> memref<!tpu.dma_semaphore, #tpu.memory_space<semaphore_mem>>
    %dma_wait3A_84 = tpu.memref_slice %arg5[%add3A_59] : memref<1048576xf32, #tpu.memory_space<hbm>> -> memref<2048xf32, #tpu.memory_space<hbm>>
    tpu.wait_dma2 semaphore(%dma_wait3A_83 : memref<!tpu.dma_semaphore, #tpu.memory_space<semaphore_mem>>) src(%dma_wait3A_84 : memref<2048xf32, #tpu.memory_space<hbm>>) dst(%arg13 : memref<2048xf32, #tpu.memory_space<vmem>>)
    %scan3A = arith.constant 0 : i32
    %scan3A_85 = arith.constant 0 : i32
    %scan3A_86 = arith.constant 128 : i32
    %scan3A_87 = arith.addi %scan3A_85, %scan3A_86 : i32
    %scan3A_88 = arith.constant 1 : i32
    %scan3A_89 = scf.for %scan3A_847 = %scan3A_85 to %scan3A_87 step %scan3A_88 iter_args(%scan3A_848 = %scan3A) -> (i32)  : i32 {
      %mul3A_849 = arith.constant 16 : i32
      %mul3A_850 = arith.muli %scan3A_847, %mul3A_849 : i32
      %get3A = arith.constant 0 : i32
      %get3A_851 = arith.index_cast %get3A : i32 to index
      %get3A_852 = arith.index_cast %mul3A_850 : i32 to index
      %get3A_853 = tpu.vector_load %arg7[%get3A_851, %get3A_852] {strides = array<i32>} : memref<7x2048xf32, #tpu.memory_space<vmem>>, vector<16xf32>,
      %broadcast_in_dim3A = arith.constant 0 : i32
      %broadcast_in_dim3A_854 = vector.broadcast %broadcast_in_dim3A : i32 to vector<16xi32>
      %get3A_855 = arith.constant 1 : i32
      %get3A_856 = arith.index_cast %get3A_855 : i32 to index
      %get3A_857 = arith.index_cast %mul3A_850 : i32 to index
      %get3A_858 = tpu.vector_load %arg7[%get3A_856, %get3A_857] {strides = array<i32>} : memref<7x2048xf32, #tpu.memory_space<vmem>>, vector<16xf32>,
      %gt3A = arith.cmpf ogt, %get3A_858, %get3A_853 : vector<16xf32>
      %select_n3A = arith.select %gt3A, %get3A_858, %get3A_853 : vector<16xi1>, vector<16xf32>
      %jit3A = arith.constant 1 : i32
      %broadcast_in_dim3A_859 = vector.broadcast %jit3A : i32 to vector<16xi32>
      %select_n3A_860 = arith.select %gt3A, %broadcast_in_dim3A_859, %broadcast_in_dim3A_854 : vector<16xi1>, vector<16xi32>
      %get3A_861 = arith.constant 2 : i32
      %get3A_862 = arith.index_cast %get3A_861 : i32 to index
      %get3A_863 = arith.index_cast %mul3A_850 : i32 to index
      %get3A_864 = tpu.vector_load %arg7[%get3A_862, %get3A_863] {strides = array<i32>} : memref<7x2048xf32, #tpu.memory_space<vmem>>, vector<16xf32>,
      %gt3A_865 = arith.cmpf ogt, %get3A_864, %select_n3A : vector<16xf32>
      %select_n3A_866 = arith.select %gt3A_865, %get3A_864, %select_n3A : vector<16xi1>, vector<16xf32>
      %jit3A_867 = arith.constant 2 : i32
      %broadcast_in_dim3A_868 = vector.broadcast %jit3A_867 : i32 to vector<16xi32>
      %select_n3A_869 = arith.select %gt3A_865, %broadcast_in_dim3A_868, %select_n3A_860 : vector<16xi1>, vector<16xi32>
      %get3A_870 = arith.constant 3 : i32
      %get3A_871 = arith.index_cast %get3A_870 : i32 to index
      %get3A_872 = arith.index_cast %mul3A_850 : i32 to index
      %get3A_873 = tpu.vector_load %arg7[%get3A_871, %get3A_872] {strides = array<i32>} : memref<7x2048xf32, #tpu.memory_space<vmem>>, vector<16xf32>,
      %gt3A_874 = arith.cmpf ogt, %get3A_873, %select_n3A_866 : vector<16xf32>
      %select_n3A_875 = arith.select %gt3A_874, %get3A_873, %select_n3A_866 : vector<16xi1>, vector<16xf32>
      %jit3A_876 = arith.constant 3 : i32
      %broadcast_in_dim3A_877 = vector.broadcast %jit3A_876 : i32 to vector<16xi32>
      %select_n3A_878 = arith.select %gt3A_874, %broadcast_in_dim3A_877, %select_n3A_869 : vector<16xi1>, vector<16xi32>
      %get3A_879 = arith.constant 4 : i32
      %get3A_880 = arith.index_cast %get3A_879 : i32 to index
      %get3A_881 = arith.index_cast %mul3A_850 : i32 to index
      %get3A_882 = tpu.vector_load %arg7[%get3A_880, %get3A_881] {strides = array<i32>} : memref<7x2048xf32, #tpu.memory_space<vmem>>, vector<16xf32>,
      %gt3A_883 = arith.cmpf ogt, %get3A_882, %select_n3A_875 : vector<16xf32>
      %select_n3A_884 = arith.select %gt3A_883, %get3A_882, %select_n3A_875 : vector<16xi1>, vector<16xf32>
      %jit3A_885 = arith.constant 4 : i32
      %broadcast_in_dim3A_886 = vector.broadcast %jit3A_885 : i32 to vector<16xi32>
      %select_n3A_887 = arith.select %gt3A_883, %broadcast_in_dim3A_886, %select_n3A_878 : vector<16xi1>, vector<16xi32>
      %get3A_888 = arith.constant 5 : i32
      %get3A_889 = arith.index_cast %get3A_888 : i32 to index
      %get3A_890 = arith.index_cast %mul3A_850 : i32 to index
      %get3A_891 = tpu.vector_load %arg7[%get3A_889, %get3A_890] {strides = array<i32>} : memref<7x2048xf32, #tpu.memory_space<vmem>>, vector<16xf32>,
      %gt3A_892 = arith.cmpf ogt, %get3A_891, %select_n3A_884 : vector<16xf32>
      %select_n3A_893 = arith.select %gt3A_892, %get3A_891, %select_n3A_884 : vector<16xi1>, vector<16xf32>
      %jit3A_894 = arith.constant 5 : i32
      %broadcast_in_dim3A_895 = vector.broadcast %jit3A_894 : i32 to vector<16xi32>
      %select_n3A_896 = arith.select %gt3A_892, %broadcast_in_dim3A_895, %select_n3A_887 : vector<16xi1>, vector<16xi32>
      %get3A_897 = arith.constant 6 : i32
      %get3A_898 = arith.index_cast %get3A_897 : i32 to index
      %get3A_899 = arith.index_cast %mul3A_850 : i32 to index
      %get3A_900 = tpu.vector_load %arg7[%get3A_898, %get3A_899] {strides = array<i32>} : memref<7x2048xf32, #tpu.memory_space<vmem>>, vector<16xf32>,
      %gt3A_901 = arith.cmpf ogt, %get3A_900, %select_n3A_893 : vector<16xf32>
      %select_n3A_902 = arith.select %gt3A_901, %get3A_900, %select_n3A_893 : vector<16xi1>, vector<16xf32>
      %jit3A_903 = arith.constant 6 : i32
      %broadcast_in_dim3A_904 = vector.broadcast %jit3A_903 : i32 to vector<16xi32>
      %select_n3A_905 = arith.select %gt3A_901, %broadcast_in_dim3A_904, %select_n3A_896 : vector<16xi1>, vector<16xi32>
      %get3A_906 = arith.index_cast %mul3A_850 : i32 to index
      %get3A_907 = tpu.vector_load %arg9[%get3A_906] {strides = array<i32>} : memref<2048xf32, #tpu.memory_space<vmem>>, vector<16xf32>,
      %get3A_908 = arith.index_cast %mul3A_850 : i32 to index
      %get3A_909 = tpu.vector_load %arg11[%get3A_908] {strides = array<i32>} : memref<2048xf32, #tpu.memory_space<vmem>>, vector<16xf32>,
      %get3A_910 = arith.index_cast %mul3A_850 : i32 to index
      %get3A_911 = tpu.vector_load %arg13[%get3A_910] {strides = array<i32>} : memref<2048xf32, #tpu.memory_space<vmem>>, vector<16xf32>,
      %sub3A = arith.subf %get3A_909, %get3A_911 : vector<16xf32>
      %abs3A = math.absf %sub3A : vector<16xf32>
      %gt3A_912 = arith.constant 2.500000e-01 : f32
      %gt3A_913 = vector.broadcast %gt3A_912 : f32 to vector<16xf32>
      %gt3A_914 = arith.cmpf ogt, %abs3A, %gt3A_913 : vector<16xf32>
      %gt3A_915 = arith.cmpf ogt, %get3A_909, %get3A_911 : vector<16xf32>
      %sub3A_916 = arith.constant 1.000000e+00 : f32
      %sub3A_917 = vector.broadcast %sub3A_916 : f32 to vector<16xf32>
      %sub3A_918 = arith.subf %sub3A_917, %get3A_909 : vector<16xf32>
      %sub3A_919 = arith.constant 1.000000e+00 : f32
      %sub3A_920 = vector.broadcast %sub3A_919 : f32 to vector<16xf32>
      %sub3A_921 = arith.subf %sub3A_920, %get3A_911 : vector<16xf32>
      %mul3A_922 = arith.constant 0.699999988 : f32
      %mul3A_923 = vector.broadcast %mul3A_922 : f32 to vector<16xf32>
      %mul3A_924 = arith.mulf %mul3A_923, %sub3A_921 : vector<16xf32>
      %max3A = arith.maximumf %sub3A_918, %mul3A_924 : vector<16xf32>
      %sub3A_925 = arith.constant 1.000000e+00 : f32
      %sub3A_926 = vector.broadcast %sub3A_925 : f32 to vector<16xf32>
      %sub3A_927 = arith.subf %sub3A_926, %get3A_911 : vector<16xf32>
      %sub3A_928 = arith.constant 1.000000e+00 : f32
      %sub3A_929 = vector.broadcast %sub3A_928 : f32 to vector<16xf32>
      %sub3A_930 = arith.subf %sub3A_929, %get3A_909 : vector<16xf32>
      %mul3A_931 = arith.constant 0.699999988 : f32
      %mul3A_932 = vector.broadcast %mul3A_931 : f32 to vector<16xf32>
      %mul3A_933 = arith.mulf %mul3A_932, %sub3A_930 : vector<16xf32>
      %max3A_934 = arith.maximumf %sub3A_927, %mul3A_933 : vector<16xf32>
      %select_n3A_935 = arith.select %gt3A_915, %max3A, %max3A_934 : vector<16xi1>, vector<16xf32>
      %select_n3A_936 = arith.select %gt3A_914, %select_n3A_935, %get3A_907 : vector<16xi1>, vector<16xf32>
      %mul3A_937 = arith.constant 0.699999988 : f32
      %mul3A_938 = vector.broadcast %mul3A_937 : f32 to vector<16xf32>
      %mul3A_939 = arith.mulf %mul3A_938, %select_n3A_936 : vector<16xf32>
      %sub3A_940 = arith.constant 1.000000e+00 : f32
      %sub3A_941 = vector.broadcast %sub3A_940 : f32 to vector<16xf32>
      %sub3A_942 = arith.subf %sub3A_941, %select_n3A_902 : vector<16xf32>
      %add3A_943 = arith.addf %mul3A_939, %sub3A_942 : vector<16xf32>
      %gt3A_944 = arith.constant 5.000000e-01 : f32
      %gt3A_945 = vector.broadcast %gt3A_944 : f32 to vector<16xf32>
      %gt3A_946 = arith.cmpf ogt, %add3A_943, %gt3A_945 : vector<16xf32>
      %jit3A_947 = arith.constant 7 : i32
      %broadcast_in_dim3A_948 = vector.broadcast %jit3A_947 : i32 to vector<16xi32>
      %select_n3A_949 = arith.select %gt3A_946, %broadcast_in_dim3A_948, %select_n3A_905 : vector<16xi1>, vector<16xi32>
      %swap3A = arith.index_cast %mul3A_850 : i32 to index
      %swap3A_950 = tpu.vector_load %arg15[%swap3A] {strides = array<i32>} : memref<2048xi32, #tpu.memory_space<vmem>>, vector<16xi32>,
      tpu.vector_store %arg15[%swap3A], %select_n3A_949 {strides = array<i32>} : memref<2048xi32, #tpu.memory_space<vmem>>, vector<16xi32>,
      %scan3A_951 = arith.constant 0 : i32
      scf.yield %scan3A_951 : i32
    }
    %scan3A_90 = arith.constant 128 : i32
    %add3A_91 = arith.constant 0 : i32
    %add3A_92 = arith.addi %mul3A_2, %add3A_91 : i32
    %dma_start3A_93 = arith.constant 0 : i32
    %dma_start3A_94 = tpu.memref_slice %arg6[%add3A_92] : memref<720896xi32, #tpu.memory_space<hbm>> -> memref<2048xi32, #tpu.memory_space<hbm>>
    %dma_start3A_95 = tpu.memref_slice %arg18[%dma_start3A_93] : memref<2x!tpu.dma_semaphore, #tpu.memory_space<semaphore_mem>> -> memref<1x!tpu.dma_semaphore, #tpu.memory_space<semaphore_mem>>
    %dma_start3A_96 = tpu.memref_squeeze %dma_start3A_95 : memref<1x!tpu.dma_semaphore, #tpu.memory_space<semaphore_mem>> -> memref<!tpu.dma_semaphore, #tpu.memory_space<semaphore_mem>>
    %dma_start3A_97 = tpu.memref_slice %arg6[%add3A_92] : memref<720896xi32, #tpu.memory_space<hbm>> -> memref<2048xi32, #tpu.memory_space<hbm>>
    tpu.enqueue_dma source(%arg15 : memref<2048xi32, #tpu.memory_space<vmem>>) target(%dma_start3A_97 : memref<2048xi32, #tpu.memory_space<hbm>>) target_semaphore(%dma_start3A_96 : memref<!tpu.dma_semaphore, #tpu.memory_space<semaphore_mem>>)
    %add3A_98 = arith.constant 4096 : i32
    %add3A_99 = arith.addi %mul3A_2, %add3A_98 : i32
    %dma_start3A_100 = arith.constant 0 : i32
    %dma_start3A_101 = arith.constant 0 : i32
    %dma_start3A_102 = arith.constant 0 : i32
    %dma_start3A_103 = tpu.memref_slice %arg2[%dma_start3A_102, %add3A_99] : memref<7x1048576xf32, #tpu.memory_space<hbm>> -> memref<7x2048xf32, #tpu.memory_space<hbm>>
    %dma_start3A_104 = tpu.memref_slice %arg17[%dma_start3A_100, %dma_start3A_101] : memref<2x4x!tpu.dma_semaphore, #tpu.memory_space<semaphore_mem>> -> memref<1x1x!tpu.dma_semaphore, #tpu.memory_space<semaphore_mem>>
    %dma_start3A_105 = tpu.memref_squeeze %dma_start3A_104 : memref<1x1x!tpu.dma_semaphore, #tpu.memory_space<semaphore_mem>> -> memref<!tpu.dma_semaphore, #tpu.memory_space<semaphore_mem>>
    %dma_start3A_106 = arith.constant 0 : i32
    %dma_start3A_107 = tpu.memref_slice %arg2[%dma_start3A_106, %add3A_99] : memref<7x1048576xf32, #tpu.memory_space<hbm>> -> memref<7x2048xf32, #tpu.memory_space<hbm>>
    tpu.enqueue_dma source(%dma_start3A_107 : memref<7x2048xf32, #tpu.memory_space<hbm>>) target(%arg7 : memref<7x2048xf32, #tpu.memory_space<vmem>>) target_semaphore(%dma_start3A_105 : memref<!tpu.dma_semaphore, #tpu.memory_space<semaphore_mem>>)
    %dma_start3A_108 = arith.constant 0 : i32
    %dma_start3A_109 = arith.constant 1 : i32
    %dma_start3A_110 = tpu.memref_slice %arg3[%add3A_99] : memref<1048576xf32, #tpu.memory_space<hbm>> -> memref<2048xf32, #tpu.memory_space<hbm>>
    %dma_start3A_111 = tpu.memref_slice %arg17[%dma_start3A_108, %dma_start3A_109] : memref<2x4x!tpu.dma_semaphore, #tpu.memory_space<semaphore_mem>> -> memref<1x1x!tpu.dma_semaphore, #tpu.memory_space<semaphore_mem>>
    %dma_start3A_112 = tpu.memref_squeeze %dma_start3A_111 : memref<1x1x!tpu.dma_semaphore, #tpu.memory_space<semaphore_mem>> -> memref<!tpu.dma_semaphore, #tpu.memory_space<semaphore_mem>>
    %dma_start3A_113 = tpu.memref_slice %arg3[%add3A_99] : memref<1048576xf32, #tpu.memory_space<hbm>> -> memref<2048xf32, #tpu.memory_space<hbm>>
    tpu.enqueue_dma source(%dma_start3A_113 : memref<2048xf32, #tpu.memory_space<hbm>>) target(%arg9 : memref<2048xf32, #tpu.memory_space<vmem>>) target_semaphore(%dma_start3A_112 : memref<!tpu.dma_semaphore, #tpu.memory_space<semaphore_mem>>)
    %dma_start3A_114 = arith.constant 0 : i32
    %dma_start3A_115 = arith.constant 2 : i32
    %dma_start3A_116 = tpu.memref_slice %arg4[%add3A_99] : memref<1048576xf32, #tpu.memory_space<hbm>> -> memref<2048xf32, #tpu.memory_space<hbm>>
    %dma_start3A_117 = tpu.memref_slice %arg17[%dma_start3A_114, %dma_start3A_115] : memref<2x4x!tpu.dma_semaphore, #tpu.memory_space<semaphore_mem>> -> memref<1x1x!tpu.dma_semaphore, #tpu.memory_space<semaphore_mem>>
    %dma_start3A_118 = tpu.memref_squeeze %dma_start3A_117 : memref<1x1x!tpu.dma_semaphore, #tpu.memory_space<semaphore_mem>> -> memref<!tpu.dma_semaphore, #tpu.memory_space<semaphore_mem>>
    %dma_start3A_119 = tpu.memref_slice %arg4[%add3A_99] : memref<1048576xf32, #tpu.memory_space<hbm>> -> memref<2048xf32, #tpu.memory_space<hbm>>
    tpu.enqueue_dma source(%dma_start3A_119 : memref<2048xf32, #tpu.memory_space<hbm>>) target(%arg11 : memref<2048xf32, #tpu.memory_space<vmem>>) target_semaphore(%dma_start3A_118 : memref<!tpu.dma_semaphore, #tpu.memory_space<semaphore_mem>>)
    %dma_start3A_120 = arith.constant 0 : i32
    %dma_start3A_121 = arith.constant 3 : i32
    %dma_start3A_122 = tpu.memref_slice %arg5[%add3A_99] : memref<1048576xf32, #tpu.memory_space<hbm>> -> memref<2048xf32, #tpu.memory_space<hbm>>
    %dma_start3A_123 = tpu.memref_slice %arg17[%dma_start3A_120, %dma_start3A_121] : memref<2x4x!tpu.dma_semaphore, #tpu.memory_space<semaphore_mem>> -> memref<1x1x!tpu.dma_semaphore, #tpu.memory_space<semaphore_mem>>
    %dma_start3A_124 = tpu.memref_squeeze %dma_start3A_123 : memref<1x1x!tpu.dma_semaphore, #tpu.memory_space<semaphore_mem>> -> memref<!tpu.dma_semaphore, #tpu.memory_space<semaphore_mem>>
    %dma_start3A_125 = tpu.memref_slice %arg5[%add3A_99] : memref<1048576xf32, #tpu.memory_space<hbm>> -> memref<2048xf32, #tpu.memory_space<hbm>>
    tpu.enqueue_dma source(%dma_start3A_125 : memref<2048xf32, #tpu.memory_space<hbm>>) target(%arg13 : memref<2048xf32, #tpu.memory_space<vmem>>) target_semaphore(%dma_start3A_124 : memref<!tpu.dma_semaphore, #tpu.memory_space<semaphore_mem>>)
    %add3A_126 = arith.constant 2048 : i32
    %add3A_127 = arith.addi %mul3A_2, %add3A_126 : i32
    %dma_wait3A_128 = arith.constant 1 : i32
    %dma_wait3A_129 = arith.constant 0 : i32
    %dma_wait3A_130 = arith.constant 0 : i32
    %dma_wait3A_131 = tpu.memref_slice %arg2[%dma_wait3A_130, %add3A_127] : memref<7x1048576xf32, #tpu.memory_space<hbm>> -> memref<7x2048xf32, #tpu.memory_space<hbm>>
    %dma_wait3A_132 = tpu.memref_slice %arg17[%dma_wait3A_128, %dma_wait3A_129] : memref<2x4x!tpu.dma_semaphore, #tpu.memory_space<semaphore_mem>> -> memref<1x1x!tpu.dma_semaphore, #tpu.memory_space<semaphore_mem>>
    %dma_wait3A_133 = tpu.memref_squeeze %dma_wait3A_132 : memref<1x1x!tpu.dma_semaphore, #tpu.memory_space<semaphore_mem>> -> memref<!tpu.dma_semaphore, #tpu.memory_space<semaphore_mem>>
    %dma_wait3A_134 = arith.constant 0 : i32
    %dma_wait3A_135 = tpu.memref_slice %arg2[%dma_wait3A_134, %add3A_127] : memref<7x1048576xf32, #tpu.memory_space<hbm>> -> memref<7x2048xf32, #tpu.memory_space<hbm>>
    tpu.wait_dma2 semaphore(%dma_wait3A_133 : memref<!tpu.dma_semaphore, #tpu.memory_space<semaphore_mem>>) src(%dma_wait3A_135 : memref<7x2048xf32, #tpu.memory_space<hbm>>) dst(%arg8 : memref<7x2048xf32, #tpu.memory_space<vmem>>)
    %dma_wait3A_136 = arith.constant 1 : i32
    %dma_wait3A_137 = arith.constant 1 : i32
    %dma_wait3A_138 = tpu.memref_slice %arg3[%add3A_127] : memref<1048576xf32, #tpu.memory_space<hbm>> -> memref<2048xf32, #tpu.memory_space<hbm>>
    %dma_wait3A_139 = tpu.memref_slice %arg17[%dma_wait3A_136, %dma_wait3A_137] : memref<2x4x!tpu.dma_semaphore, #tpu.memory_space<semaphore_mem>> -> memref<1x1x!tpu.dma_semaphore, #tpu.memory_space<semaphore_mem>>
    %dma_wait3A_140 = tpu.memref_squeeze %dma_wait3A_139 : memref<1x1x!tpu.dma_semaphore, #tpu.memory_space<semaphore_mem>> -> memref<!tpu.dma_semaphore, #tpu.memory_space<semaphore_mem>>
    %dma_wait3A_141 = tpu.memref_slice %arg3[%add3A_127] : memref<1048576xf32, #tpu.memory_space<hbm>> -> memref<2048xf32, #tpu.memory_space<hbm>>
    tpu.wait_dma2 semaphore(%dma_wait3A_140 : memref<!tpu.dma_semaphore, #tpu.memory_space<semaphore_mem>>) src(%dma_wait3A_141 : memref<2048xf32, #tpu.memory_space<hbm>>) dst(%arg10 : memref<2048xf32, #tpu.memory_space<vmem>>)
    %dma_wait3A_142 = arith.constant 1 : i32
    %dma_wait3A_143 = arith.constant 2 : i32
    %dma_wait3A_144 = tpu.memref_slice %arg4[%add3A_127] : memref<1048576xf32, #tpu.memory_space<hbm>> -> memref<2048xf32, #tpu.memory_space<hbm>>
    %dma_wait3A_145 = tpu.memref_slice %arg17[%dma_wait3A_142, %dma_wait3A_143] : memref<2x4x!tpu.dma_semaphore, #tpu.memory_space<semaphore_mem>> -> memref<1x1x!tpu.dma_semaphore, #tpu.memory_space<semaphore_mem>>
    %dma_wait3A_146 = tpu.memref_squeeze %dma_wait3A_145 : memref<1x1x!tpu.dma_semaphore, #tpu.memory_space<semaphore_mem>> -> memref<!tpu.dma_semaphore, #tpu.memory_space<semaphore_mem>>
    %dma_wait3A_147 = tpu.memref_slice %arg4[%add3A_127] : memref<1048576xf32, #tpu.memory_space<hbm>> -> memref<2048xf32, #tpu.memory_space<hbm>>
    tpu.wait_dma2 semaphore(%dma_wait3A_146 : memref<!tpu.dma_semaphore, #tpu.memory_space<semaphore_mem>>) src(%dma_wait3A_147 : memref<2048xf32, #tpu.memory_space<hbm>>) dst(%arg12 : memref<2048xf32, #tpu.memory_space<vmem>>)
    %dma_wait3A_148 = arith.constant 1 : i32
    %dma_wait3A_149 = arith.constant 3 : i32
    %dma_wait3A_150 = tpu.memref_slice %arg5[%add3A_127] : memref<1048576xf32, #tpu.memory_space<hbm>> -> memref<2048xf32, #tpu.memory_space<hbm>>
    %dma_wait3A_151 = tpu.memref_slice %arg17[%dma_wait3A_148, %dma_wait3A_149] : memref<2x4x!tpu.dma_semaphore, #tpu.memory_space<semaphore_mem>> -> memref<1x1x!tpu.dma_semaphore, #tpu.memory_space<semaphore_mem>>
    %dma_wait3A_152 = tpu.memref_squeeze %dma_wait3A_151 : memref<1x1x!tpu.dma_semaphore, #tpu.memory_space<semaphore_mem>> -> memref<!tpu.dma_semaphore, #tpu.memory_space<semaphore_mem>>
    %dma_wait3A_153 = tpu.memref_slice %arg5[%add3A_127] : memref<1048576xf32, #tpu.memory_space<hbm>> -> memref<2048xf32, #tpu.memory_space<hbm>>
    tpu.wait_dma2 semaphore(%dma_wait3A_152 : memref<!tpu.dma_semaphore, #tpu.memory_space<semaphore_mem>>) src(%dma_wait3A_153 : memref<2048xf32, #tpu.memory_space<hbm>>) dst(%arg14 : memref<2048xf32, #tpu.memory_space<vmem>>)
    %scan3A_154 = arith.constant 0 : i32
    %scan3A_155 = arith.constant 0 : i32
    %scan3A_156 = arith.constant 128 : i32
    %scan3A_157 = arith.addi %scan3A_155, %scan3A_156 : i32
    %scan3A_158 = arith.constant 1 : i32
    %scan3A_159 = scf.for %scan3A_847 = %scan3A_155 to %scan3A_157 step %scan3A_158 iter_args(%scan3A_848 = %scan3A_154) -> (i32)  : i32 {
      %mul3A_849 = arith.constant 16 : i32
      %mul3A_850 = arith.muli %scan3A_847, %mul3A_849 : i32
      %get3A = arith.constant 0 : i32
      %get3A_851 = arith.index_cast %get3A : i32 to index
      %get3A_852 = arith.index_cast %mul3A_850 : i32 to index
      %get3A_853 = tpu.vector_load %arg8[%get3A_851, %get3A_852] {strides = array<i32>} : memref<7x2048xf32, #tpu.memory_space<vmem>>, vector<16xf32>,
      %broadcast_in_dim3A = arith.constant 0 : i32
      %broadcast_in_dim3A_854 = vector.broadcast %broadcast_in_dim3A : i32 to vector<16xi32>
      %get3A_855 = arith.constant 1 : i32
      %get3A_856 = arith.index_cast %get3A_855 : i32 to index
      %get3A_857 = arith.index_cast %mul3A_850 : i32 to index
      %get3A_858 = tpu.vector_load %arg8[%get3A_856, %get3A_857] {strides = array<i32>} : memref<7x2048xf32, #tpu.memory_space<vmem>>, vector<16xf32>,
      %gt3A = arith.cmpf ogt, %get3A_858, %get3A_853 : vector<16xf32>
      %select_n3A = arith.select %gt3A, %get3A_858, %get3A_853 : vector<16xi1>, vector<16xf32>
      %jit3A = arith.constant 1 : i32
      %broadcast_in_dim3A_859 = vector.broadcast %jit3A : i32 to vector<16xi32>
      %select_n3A_860 = arith.select %gt3A, %broadcast_in_dim3A_859, %broadcast_in_dim3A_854 : vector<16xi1>, vector<16xi32>
      %get3A_861 = arith.constant 2 : i32
      %get3A_862 = arith.index_cast %get3A_861 : i32 to index
      %get3A_863 = arith.index_cast %mul3A_850 : i32 to index
      %get3A_864 = tpu.vector_load %arg8[%get3A_862, %get3A_863] {strides = array<i32>} : memref<7x2048xf32, #tpu.memory_space<vmem>>, vector<16xf32>,
      %gt3A_865 = arith.cmpf ogt, %get3A_864, %select_n3A : vector<16xf32>
      %select_n3A_866 = arith.select %gt3A_865, %get3A_864, %select_n3A : vector<16xi1>, vector<16xf32>
      %jit3A_867 = arith.constant 2 : i32
      %broadcast_in_dim3A_868 = vector.broadcast %jit3A_867 : i32 to vector<16xi32>
      %select_n3A_869 = arith.select %gt3A_865, %broadcast_in_dim3A_868, %select_n3A_860 : vector<16xi1>, vector<16xi32>
      %get3A_870 = arith.constant 3 : i32
      %get3A_871 = arith.index_cast %get3A_870 : i32 to index
      %get3A_872 = arith.index_cast %mul3A_850 : i32 to index
      %get3A_873 = tpu.vector_load %arg8[%get3A_871, %get3A_872] {strides = array<i32>} : memref<7x2048xf32, #tpu.memory_space<vmem>>, vector<16xf32>,
      %gt3A_874 = arith.cmpf ogt, %get3A_873, %select_n3A_866 : vector<16xf32>
      %select_n3A_875 = arith.select %gt3A_874, %get3A_873, %select_n3A_866 : vector<16xi1>, vector<16xf32>
      %jit3A_876 = arith.constant 3 : i32
      %broadcast_in_dim3A_877 = vector.broadcast %jit3A_876 : i32 to vector<16xi32>
      %select_n3A_878 = arith.select %gt3A_874, %broadcast_in_dim3A_877, %select_n3A_869 : vector<16xi1>, vector<16xi32>
      %get3A_879 = arith.constant 4 : i32
      %get3A_880 = arith.index_cast %get3A_879 : i32 to index
      %get3A_881 = arith.index_cast %mul3A_850 : i32 to index
      %get3A_882 = tpu.vector_load %arg8[%get3A_880, %get3A_881] {strides = array<i32>} : memref<7x2048xf32, #tpu.memory_space<vmem>>, vector<16xf32>,
      %gt3A_883 = arith.cmpf ogt, %get3A_882, %select_n3A_875 : vector<16xf32>
      %select_n3A_884 = arith.select %gt3A_883, %get3A_882, %select_n3A_875 : vector<16xi1>, vector<16xf32>
      %jit3A_885 = arith.constant 4 : i32
      %broadcast_in_dim3A_886 = vector.broadcast %jit3A_885 : i32 to vector<16xi32>
      %select_n3A_887 = arith.select %gt3A_883, %broadcast_in_dim3A_886, %select_n3A_878 : vector<16xi1>, vector<16xi32>
      %get3A_888 = arith.constant 5 : i32
      %get3A_889 = arith.index_cast %get3A_888 : i32 to index
      %get3A_890 = arith.index_cast %mul3A_850 : i32 to index
      %get3A_891 = tpu.vector_load %arg8[%get3A_889, %get3A_890] {strides = array<i32>} : memref<7x2048xf32, #tpu.memory_space<vmem>>, vector<16xf32>,
      %gt3A_892 = arith.cmpf ogt, %get3A_891, %select_n3A_884 : vector<16xf32>
      %select_n3A_893 = arith.select %gt3A_892, %get3A_891, %select_n3A_884 : vector<16xi1>, vector<16xf32>
      %jit3A_894 = arith.constant 5 : i32
      %broadcast_in_dim3A_895 = vector.broadcast %jit3A_894 : i32 to vector<16xi32>
      %select_n3A_896 = arith.select %gt3A_892, %broadcast_in_dim3A_895, %select_n3A_887 : vector<16xi1>, vector<16xi32>
      %get3A_897 = arith.constant 6 : i32
      %get3A_898 = arith.index_cast %get3A_897 : i32 to index
      %get3A_899 = arith.index_cast %mul3A_850 : i32 to index
      %get3A_900 = tpu.vector_load %arg8[%get3A_898, %get3A_899] {strides = array<i32>} : memref<7x2048xf32, #tpu.memory_space<vmem>>, vector<16xf32>,
      %gt3A_901 = arith.cmpf ogt, %get3A_900, %select_n3A_893 : vector<16xf32>
      %select_n3A_902 = arith.select %gt3A_901, %get3A_900, %select_n3A_893 : vector<16xi1>, vector<16xf32>
      %jit3A_903 = arith.constant 6 : i32
      %broadcast_in_dim3A_904 = vector.broadcast %jit3A_903 : i32 to vector<16xi32>
      %select_n3A_905 = arith.select %gt3A_901, %broadcast_in_dim3A_904, %select_n3A_896 : vector<16xi1>, vector<16xi32>
      %get3A_906 = arith.index_cast %mul3A_850 : i32 to index
      %get3A_907 = tpu.vector_load %arg10[%get3A_906] {strides = array<i32>} : memref<2048xf32, #tpu.memory_space<vmem>>, vector<16xf32>,
      %get3A_908 = arith.index_cast %mul3A_850 : i32 to index
      %get3A_909 = tpu.vector_load %arg12[%get3A_908] {strides = array<i32>} : memref<2048xf32, #tpu.memory_space<vmem>>, vector<16xf32>,
      %get3A_910 = arith.index_cast %mul3A_850 : i32 to index
      %get3A_911 = tpu.vector_load %arg14[%get3A_910] {strides = array<i32>} : memref<2048xf32, #tpu.memory_space<vmem>>, vector<16xf32>,
      %sub3A = arith.subf %get3A_909, %get3A_911 : vector<16xf32>
      %abs3A = math.absf %sub3A : vector<16xf32>
      %gt3A_912 = arith.constant 2.500000e-01 : f32
      %gt3A_913 = vector.broadcast %gt3A_912 : f32 to vector<16xf32>
      %gt3A_914 = arith.cmpf ogt, %abs3A, %gt3A_913 : vector<16xf32>
      %gt3A_915 = arith.cmpf ogt, %get3A_909, %get3A_911 : vector<16xf32>
      %sub3A_916 = arith.constant 1.000000e+00 : f32
      %sub3A_917 = vector.broadcast %sub3A_916 : f32 to vector<16xf32>
      %sub3A_918 = arith.subf %sub3A_917, %get3A_909 : vector<16xf32>
      %sub3A_919 = arith.constant 1.000000e+00 : f32
      %sub3A_920 = vector.broadcast %sub3A_919 : f32 to vector<16xf32>
      %sub3A_921 = arith.subf %sub3A_920, %get3A_911 : vector<16xf32>
      %mul3A_922 = arith.constant 0.699999988 : f32
      %mul3A_923 = vector.broadcast %mul3A_922 : f32 to vector<16xf32>
      %mul3A_924 = arith.mulf %mul3A_923, %sub3A_921 : vector<16xf32>
      %max3A = arith.maximumf %sub3A_918, %mul3A_924 : vector<16xf32>
      %sub3A_925 = arith.constant 1.000000e+00 : f32
      %sub3A_926 = vector.broadcast %sub3A_925 : f32 to vector<16xf32>
      %sub3A_927 = arith.subf %sub3A_926, %get3A_911 : vector<16xf32>
      %sub3A_928 = arith.constant 1.000000e+00 : f32
      %sub3A_929 = vector.broadcast %sub3A_928 : f32 to vector<16xf32>
      %sub3A_930 = arith.subf %sub3A_929, %get3A_909 : vector<16xf32>
      %mul3A_931 = arith.constant 0.699999988 : f32
      %mul3A_932 = vector.broadcast %mul3A_931 : f32 to vector<16xf32>
      %mul3A_933 = arith.mulf %mul3A_932, %sub3A_930 : vector<16xf32>
      %max3A_934 = arith.maximumf %sub3A_927, %mul3A_933 : vector<16xf32>
      %select_n3A_935 = arith.select %gt3A_915, %max3A, %max3A_934 : vector<16xi1>, vector<16xf32>
      %select_n3A_936 = arith.select %gt3A_914, %select_n3A_935, %get3A_907 : vector<16xi1>, vector<16xf32>
      %mul3A_937 = arith.constant 0.699999988 : f32
      %mul3A_938 = vector.broadcast %mul3A_937 : f32 to vector<16xf32>
      %mul3A_939 = arith.mulf %mul3A_938, %select_n3A_936 : vector<16xf32>
      %sub3A_940 = arith.constant 1.000000e+00 : f32
      %sub3A_941 = vector.broadcast %sub3A_940 : f32 to vector<16xf32>
      %sub3A_942 = arith.subf %sub3A_941, %select_n3A_902 : vector<16xf32>
      %add3A_943 = arith.addf %mul3A_939, %sub3A_942 : vector<16xf32>
      %gt3A_944 = arith.constant 5.000000e-01 : f32
      %gt3A_945 = vector.broadcast %gt3A_944 : f32 to vector<16xf32>
      %gt3A_946 = arith.cmpf ogt, %add3A_943, %gt3A_945 : vector<16xf32>
      %jit3A_947 = arith.constant 7 : i32
      %broadcast_in_dim3A_948 = vector.broadcast %jit3A_947 : i32 to vector<16xi32>
      %select_n3A_949 = arith.select %gt3A_946, %broadcast_in_dim3A_948, %select_n3A_905 : vector<16xi1>, vector<16xi32>
      %swap3A = arith.index_cast %mul3A_850 : i32 to index
      %swap3A_950 = tpu.vector_load %arg16[%swap3A] {strides = array<i32>} : memref<2048xi32, #tpu.memory_space<vmem>>, vector<16xi32>,
      tpu.vector_store %arg16[%swap3A], %select_n3A_949 {strides = array<i32>} : memref<2048xi32, #tpu.memory_space<vmem>>, vector<16xi32>,
      %scan3A_951 = arith.constant 0 : i32
      scf.yield %scan3A_951 : i32
    }
    %scan3A_160 = arith.constant 128 : i32
    %add3A_161 = arith.constant 2048 : i32
    %add3A_162 = arith.addi %mul3A_2, %add3A_161 : i32
    %dma_start3A_163 = arith.constant 1 : i32
    %dma_start3A_164 = tpu.memref_slice %arg6[%add3A_162] : memref<720896xi32, #tpu.memory_space<hbm>> -> memref<2048xi32, #tpu.memory_space<hbm>>
    %dma_start3A_165 = tpu.memref_slice %arg18[%dma_start3A_163] : memref<2x!tpu.dma_semaphore, #tpu.memory_space<semaphore_mem>> -> memref<1x!tpu.dma_semaphore, #tpu.memory_space<semaphore_mem>>
    %dma_start3A_166 = tpu.memref_squeeze %dma_start3A_165 : memref<1x!tpu.dma_semaphore, #tpu.memory_space<semaphore_mem>> -> memref<!tpu.dma_semaphore, #tpu.memory_space<semaphore_mem>>
    %dma_start3A_167 = tpu.memref_slice %arg6[%add3A_162] : memref<720896xi32, #tpu.memory_space<hbm>> -> memref<2048xi32, #tpu.memory_space<hbm>>
    tpu.enqueue_dma source(%arg16 : memref<2048xi32, #tpu.memory_space<vmem>>) target(%dma_start3A_167 : memref<2048xi32, #tpu.memory_space<hbm>>) target_semaphore(%dma_start3A_166 : memref<!tpu.dma_semaphore, #tpu.memory_space<semaphore_mem>>)
    %add3A_168 = arith.constant 6144 : i32
    %add3A_169 = arith.addi %mul3A_2, %add3A_168 : i32
    %dma_start3A_170 = arith.constant 1 : i32
    %dma_start3A_171 = arith.constant 0 : i32
    %dma_start3A_172 = arith.constant 0 : i32
    %dma_start3A_173 = tpu.memref_slice %arg2[%dma_start3A_172, %add3A_169] : memref<7x1048576xf32, #tpu.memory_space<hbm>> -> memref<7x2048xf32, #tpu.memory_space<hbm>>
    %dma_start3A_174 = tpu.memref_slice %arg17[%dma_start3A_170, %dma_start3A_171] : memref<2x4x!tpu.dma_semaphore, #tpu.memory_space<semaphore_mem>> -> memref<1x1x!tpu.dma_semaphore, #tpu.memory_space<semaphore_mem>>
    %dma_start3A_175 = tpu.memref_squeeze %dma_start3A_174 : memref<1x1x!tpu.dma_semaphore, #tpu.memory_space<semaphore_mem>> -> memref<!tpu.dma_semaphore, #tpu.memory_space<semaphore_mem>>
    %dma_start3A_176 = arith.constant 0 : i32
    %dma_start3A_177 = tpu.memref_slice %arg2[%dma_start3A_176, %add3A_169] : memref<7x1048576xf32, #tpu.memory_space<hbm>> -> memref<7x2048xf32, #tpu.memory_space<hbm>>
    tpu.enqueue_dma source(%dma_start3A_177 : memref<7x2048xf32, #tpu.memory_space<hbm>>) target(%arg8 : memref<7x2048xf32, #tpu.memory_space<vmem>>) target_semaphore(%dma_start3A_175 : memref<!tpu.dma_semaphore, #tpu.memory_space<semaphore_mem>>)
    %dma_start3A_178 = arith.constant 1 : i32
    %dma_start3A_179 = arith.constant 1 : i32
    %dma_start3A_180 = tpu.memref_slice %arg3[%add3A_169] : memref<1048576xf32, #tpu.memory_space<hbm>> -> memref<2048xf32, #tpu.memory_space<hbm>>
    %dma_start3A_181 = tpu.memref_slice %arg17[%dma_start3A_178, %dma_start3A_179] : memref<2x4x!tpu.dma_semaphore, #tpu.memory_space<semaphore_mem>> -> memref<1x1x!tpu.dma_semaphore, #tpu.memory_space<semaphore_mem>>
    %dma_start3A_182 = tpu.memref_squeeze %dma_start3A_181 : memref<1x1x!tpu.dma_semaphore, #tpu.memory_space<semaphore_mem>> -> memref<!tpu.dma_semaphore, #tpu.memory_space<semaphore_mem>>
    %dma_start3A_183 = tpu.memref_slice %arg3[%add3A_169] : memref<1048576xf32, #tpu.memory_space<hbm>> -> memref<2048xf32, #tpu.memory_space<hbm>>
    tpu.enqueue_dma source(%dma_start3A_183 : memref<2048xf32, #tpu.memory_space<hbm>>) target(%arg10 : memref<2048xf32, #tpu.memory_space<vmem>>) target_semaphore(%dma_start3A_182 : memref<!tpu.dma_semaphore, #tpu.memory_space<semaphore_mem>>)
    %dma_start3A_184 = arith.constant 1 : i32
    %dma_start3A_185 = arith.constant 2 : i32
    %dma_start3A_186 = tpu.memref_slice %arg4[%add3A_169] : memref<1048576xf32, #tpu.memory_space<hbm>> -> memref<2048xf32, #tpu.memory_space<hbm>>
    %dma_start3A_187 = tpu.memref_slice %arg17[%dma_start3A_184, %dma_start3A_185] : memref<2x4x!tpu.dma_semaphore, #tpu.memory_space<semaphore_mem>> -> memref<1x1x!tpu.dma_semaphore, #tpu.memory_space<semaphore_mem>>
    %dma_start3A_188 = tpu.memref_squeeze %dma_start3A_187 : memref<1x1x!tpu.dma_semaphore, #tpu.memory_space<semaphore_mem>> -> memref<!tpu.dma_semaphore, #tpu.memory_space<semaphore_mem>>
    %dma_start3A_189 = tpu.memref_slice %arg4[%add3A_169] : memref<1048576xf32, #tpu.memory_space<hbm>> -> memref<2048xf32, #tpu.memory_space<hbm>>
    tpu.enqueue_dma source(%dma_start3A_189 : memref<2048xf32, #tpu.memory_space<hbm>>) target(%arg12 : memref<2048xf32, #tpu.memory_space<vmem>>) target_semaphore(%dma_start3A_188 : memref<!tpu.dma_semaphore, #tpu.memory_space<semaphore_mem>>)
    %dma_start3A_190 = arith.constant 1 : i32
    %dma_start3A_191 = arith.constant 3 : i32
    %dma_start3A_192 = tpu.memref_slice %arg5[%add3A_169] : memref<1048576xf32, #tpu.memory_space<hbm>> -> memref<2048xf32, #tpu.memory_space<hbm>>
    %dma_start3A_193 = tpu.memref_slice %arg17[%dma_start3A_190, %dma_start3A_191] : memref<2x4x!tpu.dma_semaphore, #tpu.memory_space<semaphore_mem>> -> memref<1x1x!tpu.dma_semaphore, #tpu.memory_space<semaphore_mem>>
    %dma_start3A_194 = tpu.memref_squeeze %dma_start3A_193 : memref<1x1x!tpu.dma_semaphore, #tpu.memory_space<semaphore_mem>> -> memref<!tpu.dma_semaphore, #tpu.memory_space<semaphore_mem>>
    %dma_start3A_195 = tpu.memref_slice %arg5[%add3A_169] : memref<1048576xf32, #tpu.memory_space<hbm>> -> memref<2048xf32, #tpu.memory_space<hbm>>
    tpu.enqueue_dma source(%dma_start3A_195 : memref<2048xf32, #tpu.memory_space<hbm>>) target(%arg14 : memref<2048xf32, #tpu.memory_space<vmem>>) target_semaphore(%dma_start3A_194 : memref<!tpu.dma_semaphore, #tpu.memory_space<semaphore_mem>>)
    %add3A_196 = arith.constant 4096 : i32
    %add3A_197 = arith.addi %mul3A_2, %add3A_196 : i32
    %dma_wait3A_198 = arith.constant 0 : i32
    %dma_wait3A_199 = arith.constant 0 : i32
    %dma_wait3A_200 = arith.constant 0 : i32
    %dma_wait3A_201 = tpu.memref_slice %arg2[%dma_wait3A_200, %add3A_197] : memref<7x1048576xf32, #tpu.memory_space<hbm>> -> memref<7x2048xf32, #tpu.memory_space<hbm>>
    %dma_wait3A_202 = tpu.memref_slice %arg17[%dma_wait3A_198, %dma_wait3A_199] : memref<2x4x!tpu.dma_semaphore, #tpu.memory_space<semaphore_mem>> -> memref<1x1x!tpu.dma_semaphore, #tpu.memory_space<semaphore_mem>>
    %dma_wait3A_203 = tpu.memref_squeeze %dma_wait3A_202 : memref<1x1x!tpu.dma_semaphore, #tpu.memory_space<semaphore_mem>> -> memref<!tpu.dma_semaphore, #tpu.memory_space<semaphore_mem>>
    %dma_wait3A_204 = arith.constant 0 : i32
    %dma_wait3A_205 = tpu.memref_slice %arg2[%dma_wait3A_204, %add3A_197] : memref<7x1048576xf32, #tpu.memory_space<hbm>> -> memref<7x2048xf32, #tpu.memory_space<hbm>>
    tpu.wait_dma2 semaphore(%dma_wait3A_203 : memref<!tpu.dma_semaphore, #tpu.memory_space<semaphore_mem>>) src(%dma_wait3A_205 : memref<7x2048xf32, #tpu.memory_space<hbm>>) dst(%arg7 : memref<7x2048xf32, #tpu.memory_space<vmem>>)
    %dma_wait3A_206 = arith.constant 0 : i32
    %dma_wait3A_207 = arith.constant 1 : i32
    %dma_wait3A_208 = tpu.memref_slice %arg3[%add3A_197] : memref<1048576xf32, #tpu.memory_space<hbm>> -> memref<2048xf32, #tpu.memory_space<hbm>>
    %dma_wait3A_209 = tpu.memref_slice %arg17[%dma_wait3A_206, %dma_wait3A_207] : memref<2x4x!tpu.dma_semaphore, #tpu.memory_space<semaphore_mem>> -> memref<1x1x!tpu.dma_semaphore, #tpu.memory_space<semaphore_mem>>
    %dma_wait3A_210 = tpu.memref_squeeze %dma_wait3A_209 : memref<1x1x!tpu.dma_semaphore, #tpu.memory_space<semaphore_mem>> -> memref<!tpu.dma_semaphore, #tpu.memory_space<semaphore_mem>>
    %dma_wait3A_211 = tpu.memref_slice %arg3[%add3A_197] : memref<1048576xf32, #tpu.memory_space<hbm>> -> memref<2048xf32, #tpu.memory_space<hbm>>
    tpu.wait_dma2 semaphore(%dma_wait3A_210 : memref<!tpu.dma_semaphore, #tpu.memory_space<semaphore_mem>>) src(%dma_wait3A_211 : memref<2048xf32, #tpu.memory_space<hbm>>) dst(%arg9 : memref<2048xf32, #tpu.memory_space<vmem>>)
    %dma_wait3A_212 = arith.constant 0 : i32
    %dma_wait3A_213 = arith.constant 2 : i32
    %dma_wait3A_214 = tpu.memref_slice %arg4[%add3A_197] : memref<1048576xf32, #tpu.memory_space<hbm>> -> memref<2048xf32, #tpu.memory_space<hbm>>
    %dma_wait3A_215 = tpu.memref_slice %arg17[%dma_wait3A_212, %dma_wait3A_213] : memref<2x4x!tpu.dma_semaphore, #tpu.memory_space<semaphore_mem>> -> memref<1x1x!tpu.dma_semaphore, #tpu.memory_space<semaphore_mem>>
    %dma_wait3A_216 = tpu.memref_squeeze %dma_wait3A_215 : memref<1x1x!tpu.dma_semaphore, #tpu.memory_space<semaphore_mem>> -> memref<!tpu.dma_semaphore, #tpu.memory_space<semaphore_mem>>
    %dma_wait3A_217 = tpu.memref_slice %arg4[%add3A_197] : memref<1048576xf32, #tpu.memory_space<hbm>> -> memref<2048xf32, #tpu.memory_space<hbm>>
    tpu.wait_dma2 semaphore(%dma_wait3A_216 : memref<!tpu.dma_semaphore, #tpu.memory_space<semaphore_mem>>) src(%dma_wait3A_217 : memref<2048xf32, #tpu.memory_space<hbm>>) dst(%arg11 : memref<2048xf32, #tpu.memory_space<vmem>>)
    %dma_wait3A_218 = arith.constant 0 : i32
    %dma_wait3A_219 = arith.constant 3 : i32
    %dma_wait3A_220 = tpu.memref_slice %arg5[%add3A_197] : memref<1048576xf32, #tpu.memory_space<hbm>> -> memref<2048xf32, #tpu.memory_space<hbm>>
    %dma_wait3A_221 = tpu.memref_slice %arg17[%dma_wait3A_218, %dma_wait3A_219] : memref<2x4x!tpu.dma_semaphore, #tpu.memory_space<semaphore_mem>> -> memref<1x1x!tpu.dma_semaphore, #tpu.memory_space<semaphore_mem>>
    %dma_wait3A_222 = tpu.memref_squeeze %dma_wait3A_221 : memref<1x1x!tpu.dma_semaphore, #tpu.memory_space<semaphore_mem>> -> memref<!tpu.dma_semaphore, #tpu.memory_space<semaphore_mem>>
    %dma_wait3A_223 = tpu.memref_slice %arg5[%add3A_197] : memref<1048576xf32, #tpu.memory_space<hbm>> -> memref<2048xf32, #tpu.memory_space<hbm>>
    tpu.wait_dma2 semaphore(%dma_wait3A_222 : memref<!tpu.dma_semaphore, #tpu.memory_space<semaphore_mem>>) src(%dma_wait3A_223 : memref<2048xf32, #tpu.memory_space<hbm>>) dst(%arg13 : memref<2048xf32, #tpu.memory_space<vmem>>)
    %add3A_224 = arith.constant 0 : i32
    %add3A_225 = arith.addi %mul3A_2, %add3A_224 : i32
    %dma_wait3A_226 = arith.constant 0 : i32
    %dma_wait3A_227 = tpu.memref_slice %arg6[%add3A_225] : memref<720896xi32, #tpu.memory_space<hbm>> -> memref<2048xi32, #tpu.memory_space<hbm>>
    %dma_wait3A_228 = tpu.memref_slice %arg18[%dma_wait3A_226] : memref<2x!tpu.dma_semaphore, #tpu.memory_space<semaphore_mem>> -> memref<1x!tpu.dma_semaphore, #tpu.memory_space<semaphore_mem>>
    %dma_wait3A_229 = tpu.memref_squeeze %dma_wait3A_228 : memref<1x!tpu.dma_semaphore, #tpu.memory_space<semaphore_mem>> -> memref<!tpu.dma_semaphore, #tpu.memory_space<semaphore_mem>>
    %dma_wait3A_230 = tpu.memref_slice %arg6[%add3A_225] : memref<720896xi32, #tpu.memory_space<hbm>> -> memref<2048xi32, #tpu.memory_space<hbm>>
    tpu.wait_dma2 semaphore(%dma_wait3A_229 : memref<!tpu.dma_semaphore, #tpu.memory_space<semaphore_mem>>) src(%arg15 : memref<2048xi32, #tpu.memory_space<vmem>>) dst(%dma_wait3A_230 : memref<2048xi32, #tpu.memory_space<hbm>>)
    %scan3A_231 = arith.constant 0 : i32
    %scan3A_232 = arith.constant 0 : i32
    %scan3A_233 = arith.constant 128 : i32
    %scan3A_234 = arith.addi %scan3A_232, %scan3A_233 : i32
    %scan3A_235 = arith.constant 1 : i32
    %scan3A_236 = scf.for %scan3A_847 = %scan3A_232 to %scan3A_234 step %scan3A_235 iter_args(%scan3A_848 = %scan3A_231) -> (i32)  : i32 {
      %mul3A_849 = arith.constant 16 : i32
      %mul3A_850 = arith.muli %scan3A_847, %mul3A_849 : i32
      %get3A = arith.constant 0 : i32
      %get3A_851 = arith.index_cast %get3A : i32 to index
      %get3A_852 = arith.index_cast %mul3A_850 : i32 to index
      %get3A_853 = tpu.vector_load %arg7[%get3A_851, %get3A_852] {strides = array<i32>} : memref<7x2048xf32, #tpu.memory_space<vmem>>, vector<16xf32>,
      %broadcast_in_dim3A = arith.constant 0 : i32
      %broadcast_in_dim3A_854 = vector.broadcast %broadcast_in_dim3A : i32 to vector<16xi32>
      %get3A_855 = arith.constant 1 : i32
      %get3A_856 = arith.index_cast %get3A_855 : i32 to index
      %get3A_857 = arith.index_cast %mul3A_850 : i32 to index
      %get3A_858 = tpu.vector_load %arg7[%get3A_856, %get3A_857] {strides = array<i32>} : memref<7x2048xf32, #tpu.memory_space<vmem>>, vector<16xf32>,
      %gt3A = arith.cmpf ogt, %get3A_858, %get3A_853 : vector<16xf32>
      %select_n3A = arith.select %gt3A, %get3A_858, %get3A_853 : vector<16xi1>, vector<16xf32>
      %jit3A = arith.constant 1 : i32
      %broadcast_in_dim3A_859 = vector.broadcast %jit3A : i32 to vector<16xi32>
      %select_n3A_860 = arith.select %gt3A, %broadcast_in_dim3A_859, %broadcast_in_dim3A_854 : vector<16xi1>, vector<16xi32>
      %get3A_861 = arith.constant 2 : i32
      %get3A_862 = arith.index_cast %get3A_861 : i32 to index
      %get3A_863 = arith.index_cast %mul3A_850 : i32 to index
      %get3A_864 = tpu.vector_load %arg7[%get3A_862, %get3A_863] {strides = array<i32>} : memref<7x2048xf32, #tpu.memory_space<vmem>>, vector<16xf32>,
      %gt3A_865 = arith.cmpf ogt, %get3A_864, %select_n3A : vector<16xf32>
      %select_n3A_866 = arith.select %gt3A_865, %get3A_864, %select_n3A : vector<16xi1>, vector<16xf32>
      %jit3A_867 = arith.constant 2 : i32
      %broadcast_in_dim3A_868 = vector.broadcast %jit3A_867 : i32 to vector<16xi32>
      %select_n3A_869 = arith.select %gt3A_865, %broadcast_in_dim3A_868, %select_n3A_860 : vector<16xi1>, vector<16xi32>
      %get3A_870 = arith.constant 3 : i32
      %get3A_871 = arith.index_cast %get3A_870 : i32 to index
      %get3A_872 = arith.index_cast %mul3A_850 : i32 to index
      %get3A_873 = tpu.vector_load %arg7[%get3A_871, %get3A_872] {strides = array<i32>} : memref<7x2048xf32, #tpu.memory_space<vmem>>, vector<16xf32>,
      %gt3A_874 = arith.cmpf ogt, %get3A_873, %select_n3A_866 : vector<16xf32>
      %select_n3A_875 = arith.select %gt3A_874, %get3A_873, %select_n3A_866 : vector<16xi1>, vector<16xf32>
      %jit3A_876 = arith.constant 3 : i32
      %broadcast_in_dim3A_877 = vector.broadcast %jit3A_876 : i32 to vector<16xi32>
      %select_n3A_878 = arith.select %gt3A_874, %broadcast_in_dim3A_877, %select_n3A_869 : vector<16xi1>, vector<16xi32>
      %get3A_879 = arith.constant 4 : i32
      %get3A_880 = arith.index_cast %get3A_879 : i32 to index
      %get3A_881 = arith.index_cast %mul3A_850 : i32 to index
      %get3A_882 = tpu.vector_load %arg7[%get3A_880, %get3A_881] {strides = array<i32>} : memref<7x2048xf32, #tpu.memory_space<vmem>>, vector<16xf32>,
      %gt3A_883 = arith.cmpf ogt, %get3A_882, %select_n3A_875 : vector<16xf32>
      %select_n3A_884 = arith.select %gt3A_883, %get3A_882, %select_n3A_875 : vector<16xi1>, vector<16xf32>
      %jit3A_885 = arith.constant 4 : i32
      %broadcast_in_dim3A_886 = vector.broadcast %jit3A_885 : i32 to vector<16xi32>
      %select_n3A_887 = arith.select %gt3A_883, %broadcast_in_dim3A_886, %select_n3A_878 : vector<16xi1>, vector<16xi32>
      %get3A_888 = arith.constant 5 : i32
      %get3A_889 = arith.index_cast %get3A_888 : i32 to index
      %get3A_890 = arith.index_cast %mul3A_850 : i32 to index
      %get3A_891 = tpu.vector_load %arg7[%get3A_889, %get3A_890] {strides = array<i32>} : memref<7x2048xf32, #tpu.memory_space<vmem>>, vector<16xf32>,
      %gt3A_892 = arith.cmpf ogt, %get3A_891, %select_n3A_884 : vector<16xf32>
      %select_n3A_893 = arith.select %gt3A_892, %get3A_891, %select_n3A_884 : vector<16xi1>, vector<16xf32>
      %jit3A_894 = arith.constant 5 : i32
      %broadcast_in_dim3A_895 = vector.broadcast %jit3A_894 : i32 to vector<16xi32>
      %select_n3A_896 = arith.select %gt3A_892, %broadcast_in_dim3A_895, %select_n3A_887 : vector<16xi1>, vector<16xi32>
      %get3A_897 = arith.constant 6 : i32
      %get3A_898 = arith.index_cast %get3A_897 : i32 to index
      %get3A_899 = arith.index_cast %mul3A_850 : i32 to index
      %get3A_900 = tpu.vector_load %arg7[%get3A_898, %get3A_899] {strides = array<i32>} : memref<7x2048xf32, #tpu.memory_space<vmem>>, vector<16xf32>,
      %gt3A_901 = arith.cmpf ogt, %get3A_900, %select_n3A_893 : vector<16xf32>
      %select_n3A_902 = arith.select %gt3A_901, %get3A_900, %select_n3A_893 : vector<16xi1>, vector<16xf32>
      %jit3A_903 = arith.constant 6 : i32
      %broadcast_in_dim3A_904 = vector.broadcast %jit3A_903 : i32 to vector<16xi32>
      %select_n3A_905 = arith.select %gt3A_901, %broadcast_in_dim3A_904, %select_n3A_896 : vector<16xi1>, vector<16xi32>
      %get3A_906 = arith.index_cast %mul3A_850 : i32 to index
      %get3A_907 = tpu.vector_load %arg9[%get3A_906] {strides = array<i32>} : memref<2048xf32, #tpu.memory_space<vmem>>, vector<16xf32>,
      %get3A_908 = arith.index_cast %mul3A_850 : i32 to index
      %get3A_909 = tpu.vector_load %arg11[%get3A_908] {strides = array<i32>} : memref<2048xf32, #tpu.memory_space<vmem>>, vector<16xf32>,
      %get3A_910 = arith.index_cast %mul3A_850 : i32 to index
      %get3A_911 = tpu.vector_load %arg13[%get3A_910] {strides = array<i32>} : memref<2048xf32, #tpu.memory_space<vmem>>, vector<16xf32>,
      %sub3A = arith.subf %get3A_909, %get3A_911 : vector<16xf32>
      %abs3A = math.absf %sub3A : vector<16xf32>
      %gt3A_912 = arith.constant 2.500000e-01 : f32
      %gt3A_913 = vector.broadcast %gt3A_912 : f32 to vector<16xf32>
      %gt3A_914 = arith.cmpf ogt, %abs3A, %gt3A_913 : vector<16xf32>
      %gt3A_915 = arith.cmpf ogt, %get3A_909, %get3A_911 : vector<16xf32>
      %sub3A_916 = arith.constant 1.000000e+00 : f32
      %sub3A_917 = vector.broadcast %sub3A_916 : f32 to vector<16xf32>
      %sub3A_918 = arith.subf %sub3A_917, %get3A_909 : vector<16xf32>
      %sub3A_919 = arith.constant 1.000000e+00 : f32
      %sub3A_920 = vector.broadcast %sub3A_919 : f32 to vector<16xf32>
      %sub3A_921 = arith.subf %sub3A_920, %get3A_911 : vector<16xf32>
      %mul3A_922 = arith.constant 0.699999988 : f32
      %mul3A_923 = vector.broadcast %mul3A_922 : f32 to vector<16xf32>
      %mul3A_924 = arith.mulf %mul3A_923, %sub3A_921 : vector<16xf32>
      %max3A = arith.maximumf %sub3A_918, %mul3A_924 : vector<16xf32>
      %sub3A_925 = arith.constant 1.000000e+00 : f32
      %sub3A_926 = vector.broadcast %sub3A_925 : f32 to vector<16xf32>
      %sub3A_927 = arith.subf %sub3A_926, %get3A_911 : vector<16xf32>
      %sub3A_928 = arith.constant 1.000000e+00 : f32
      %sub3A_929 = vector.broadcast %sub3A_928 : f32 to vector<16xf32>
      %sub3A_930 = arith.subf %sub3A_929, %get3A_909 : vector<16xf32>
      %mul3A_931 = arith.constant 0.699999988 : f32
      %mul3A_932 = vector.broadcast %mul3A_931 : f32 to vector<16xf32>
      %mul3A_933 = arith.mulf %mul3A_932, %sub3A_930 : vector<16xf32>
      %max3A_934 = arith.maximumf %sub3A_927, %mul3A_933 : vector<16xf32>
      %select_n3A_935 = arith.select %gt3A_915, %max3A, %max3A_934 : vector<16xi1>, vector<16xf32>
      %select_n3A_936 = arith.select %gt3A_914, %select_n3A_935, %get3A_907 : vector<16xi1>, vector<16xf32>
      %mul3A_937 = arith.constant 0.699999988 : f32
      %mul3A_938 = vector.broadcast %mul3A_937 : f32 to vector<16xf32>
      %mul3A_939 = arith.mulf %mul3A_938, %select_n3A_936 : vector<16xf32>
      %sub3A_940 = arith.constant 1.000000e+00 : f32
      %sub3A_941 = vector.broadcast %sub3A_940 : f32 to vector<16xf32>
      %sub3A_942 = arith.subf %sub3A_941, %select_n3A_902 : vector<16xf32>
      %add3A_943 = arith.addf %mul3A_939, %sub3A_942 : vector<16xf32>
      %gt3A_944 = arith.constant 5.000000e-01 : f32
      %gt3A_945 = vector.broadcast %gt3A_944 : f32 to vector<16xf32>
      %gt3A_946 = arith.cmpf ogt, %add3A_943, %gt3A_945 : vector<16xf32>
      %jit3A_947 = arith.constant 7 : i32
      %broadcast_in_dim3A_948 = vector.broadcast %jit3A_947 : i32 to vector<16xi32>
      %select_n3A_949 = arith.select %gt3A_946, %broadcast_in_dim3A_948, %select_n3A_905 : vector<16xi1>, vector<16xi32>
      %swap3A = arith.index_cast %mul3A_850 : i32 to index
      %swap3A_950 = tpu.vector_load %arg15[%swap3A] {strides = array<i32>} : memref<2048xi32, #tpu.memory_space<vmem>>, vector<16xi32>,
      tpu.vector_store %arg15[%swap3A], %select_n3A_949 {strides = array<i32>} : memref<2048xi32, #tpu.memory_space<vmem>>, vector<16xi32>,
      %scan3A_951 = arith.constant 0 : i32
      scf.yield %scan3A_951 : i32
    }
    %scan3A_237 = arith.constant 128 : i32
    %add3A_238 = arith.constant 4096 : i32
    %add3A_239 = arith.addi %mul3A_2, %add3A_238 : i32
    %dma_start3A_240 = arith.constant 0 : i32
    %dma_start3A_241 = tpu.memref_slice %arg6[%add3A_239] : memref<720896xi32, #tpu.memory_space<hbm>> -> memref<2048xi32, #tpu.memory_space<hbm>>
    %dma_start3A_242 = tpu.memref_slice %arg18[%dma_start3A_240] : memref<2x!tpu.dma_semaphore, #tpu.memory_space<semaphore_mem>> -> memref<1x!tpu.dma_semaphore, #tpu.memory_space<semaphore_mem>>
    %dma_start3A_243 = tpu.memref_squeeze %dma_start3A_242 : memref<1x!tpu.dma_semaphore, #tpu.memory_space<semaphore_mem>> -> memref<!tpu.dma_semaphore, #tpu.memory_space<semaphore_mem>>
    %dma_start3A_244 = tpu.memref_slice %arg6[%add3A_239] : memref<720896xi32, #tpu.memory_space<hbm>> -> memref<2048xi32, #tpu.memory_space<hbm>>
    tpu.enqueue_dma source(%arg15 : memref<2048xi32, #tpu.memory_space<vmem>>) target(%dma_start3A_244 : memref<2048xi32, #tpu.memory_space<hbm>>) target_semaphore(%dma_start3A_243 : memref<!tpu.dma_semaphore, #tpu.memory_space<semaphore_mem>>)
    %add3A_245 = arith.constant 8192 : i32
    %add3A_246 = arith.addi %mul3A_2, %add3A_245 : i32
    %dma_start3A_247 = arith.constant 0 : i32
    %dma_start3A_248 = arith.constant 0 : i32
    %dma_start3A_249 = arith.constant 0 : i32
    %dma_start3A_250 = tpu.memref_slice %arg2[%dma_start3A_249, %add3A_246] : memref<7x1048576xf32, #tpu.memory_space<hbm>> -> memref<7x2048xf32, #tpu.memory_space<hbm>>
    %dma_start3A_251 = tpu.memref_slice %arg17[%dma_start3A_247, %dma_start3A_248] : memref<2x4x!tpu.dma_semaphore, #tpu.memory_space<semaphore_mem>> -> memref<1x1x!tpu.dma_semaphore, #tpu.memory_space<semaphore_mem>>
    %dma_start3A_252 = tpu.memref_squeeze %dma_start3A_251 : memref<1x1x!tpu.dma_semaphore, #tpu.memory_space<semaphore_mem>> -> memref<!tpu.dma_semaphore, #tpu.memory_space<semaphore_mem>>
    %dma_start3A_253 = arith.constant 0 : i32
    %dma_start3A_254 = tpu.memref_slice %arg2[%dma_start3A_253, %add3A_246] : memref<7x1048576xf32, #tpu.memory_space<hbm>> -> memref<7x2048xf32, #tpu.memory_space<hbm>>
    tpu.enqueue_dma source(%dma_start3A_254 : memref<7x2048xf32, #tpu.memory_space<hbm>>) target(%arg7 : memref<7x2048xf32, #tpu.memory_space<vmem>>) target_semaphore(%dma_start3A_252 : memref<!tpu.dma_semaphore, #tpu.memory_space<semaphore_mem>>)
    %dma_start3A_255 = arith.constant 0 : i32
    %dma_start3A_256 = arith.constant 1 : i32
    %dma_start3A_257 = tpu.memref_slice %arg3[%add3A_246] : memref<1048576xf32, #tpu.memory_space<hbm>> -> memref<2048xf32, #tpu.memory_space<hbm>>
    %dma_start3A_258 = tpu.memref_slice %arg17[%dma_start3A_255, %dma_start3A_256] : memref<2x4x!tpu.dma_semaphore, #tpu.memory_space<semaphore_mem>> -> memref<1x1x!tpu.dma_semaphore, #tpu.memory_space<semaphore_mem>>
    %dma_start3A_259 = tpu.memref_squeeze %dma_start3A_258 : memref<1x1x!tpu.dma_semaphore, #tpu.memory_space<semaphore_mem>> -> memref<!tpu.dma_semaphore, #tpu.memory_space<semaphore_mem>>
    %dma_start3A_260 = tpu.memref_slice %arg3[%add3A_246] : memref<1048576xf32, #tpu.memory_space<hbm>> -> memref<2048xf32, #tpu.memory_space<hbm>>
    tpu.enqueue_dma source(%dma_start3A_260 : memref<2048xf32, #tpu.memory_space<hbm>>) target(%arg9 : memref<2048xf32, #tpu.memory_space<vmem>>) target_semaphore(%dma_start3A_259 : memref<!tpu.dma_semaphore, #tpu.memory_space<semaphore_mem>>)
    %dma_start3A_261 = arith.constant 0 : i32
    %dma_start3A_262 = arith.constant 2 : i32
    %dma_start3A_263 = tpu.memref_slice %arg4[%add3A_246] : memref<1048576xf32, #tpu.memory_space<hbm>> -> memref<2048xf32, #tpu.memory_space<hbm>>
    %dma_start3A_264 = tpu.memref_slice %arg17[%dma_start3A_261, %dma_start3A_262] : memref<2x4x!tpu.dma_semaphore, #tpu.memory_space<semaphore_mem>> -> memref<1x1x!tpu.dma_semaphore, #tpu.memory_space<semaphore_mem>>
    %dma_start3A_265 = tpu.memref_squeeze %dma_start3A_264 : memref<1x1x!tpu.dma_semaphore, #tpu.memory_space<semaphore_mem>> -> memref<!tpu.dma_semaphore, #tpu.memory_space<semaphore_mem>>
    %dma_start3A_266 = tpu.memref_slice %arg4[%add3A_246] : memref<1048576xf32, #tpu.memory_space<hbm>> -> memref<2048xf32, #tpu.memory_space<hbm>>
    tpu.enqueue_dma source(%dma_start3A_266 : memref<2048xf32, #tpu.memory_space<hbm>>) target(%arg11 : memref<2048xf32, #tpu.memory_space<vmem>>) target_semaphore(%dma_start3A_265 : memref<!tpu.dma_semaphore, #tpu.memory_space<semaphore_mem>>)
    %dma_start3A_267 = arith.constant 0 : i32
    %dma_start3A_268 = arith.constant 3 : i32
    %dma_start3A_269 = tpu.memref_slice %arg5[%add3A_246] : memref<1048576xf32, #tpu.memory_space<hbm>> -> memref<2048xf32, #tpu.memory_space<hbm>>
    %dma_start3A_270 = tpu.memref_slice %arg17[%dma_start3A_267, %dma_start3A_268] : memref<2x4x!tpu.dma_semaphore, #tpu.memory_space<semaphore_mem>> -> memref<1x1x!tpu.dma_semaphore, #tpu.memory_space<semaphore_mem>>
    %dma_start3A_271 = tpu.memref_squeeze %dma_start3A_270 : memref<1x1x!tpu.dma_semaphore, #tpu.memory_space<semaphore_mem>> -> memref<!tpu.dma_semaphore, #tpu.memory_space<semaphore_mem>>
    %dma_start3A_272 = tpu.memref_slice %arg5[%add3A_246] : memref<1048576xf32, #tpu.memory_space<hbm>> -> memref<2048xf32, #tpu.memory_space<hbm>>
    tpu.enqueue_dma source(%dma_start3A_272 : memref<2048xf32, #tpu.memory_space<hbm>>) target(%arg13 : memref<2048xf32, #tpu.memory_space<vmem>>) target_semaphore(%dma_start3A_271 : memref<!tpu.dma_semaphore, #tpu.memory_space<semaphore_mem>>)
    %add3A_273 = arith.constant 6144 : i32
    %add3A_274 = arith.addi %mul3A_2, %add3A_273 : i32
    %dma_wait3A_275 = arith.constant 1 : i32
    %dma_wait3A_276 = arith.constant 0 : i32
    %dma_wait3A_277 = arith.constant 0 : i32
    %dma_wait3A_278 = tpu.memref_slice %arg2[%dma_wait3A_277, %add3A_274] : memref<7x1048576xf32, #tpu.memory_space<hbm>> -> memref<7x2048xf32, #tpu.memory_space<hbm>>
    %dma_wait3A_279 = tpu.memref_slice %arg17[%dma_wait3A_275, %dma_wait3A_276] : memref<2x4x!tpu.dma_semaphore, #tpu.memory_space<semaphore_mem>> -> memref<1x1x!tpu.dma_semaphore, #tpu.memory_space<semaphore_mem>>
    %dma_wait3A_280 = tpu.memref_squeeze %dma_wait3A_279 : memref<1x1x!tpu.dma_semaphore, #tpu.memory_space<semaphore_mem>> -> memref<!tpu.dma_semaphore, #tpu.memory_space<semaphore_mem>>
    %dma_wait3A_281 = arith.constant 0 : i32
    %dma_wait3A_282 = tpu.memref_slice %arg2[%dma_wait3A_281, %add3A_274] : memref<7x1048576xf32, #tpu.memory_space<hbm>> -> memref<7x2048xf32, #tpu.memory_space<hbm>>
    tpu.wait_dma2 semaphore(%dma_wait3A_280 : memref<!tpu.dma_semaphore, #tpu.memory_space<semaphore_mem>>) src(%dma_wait3A_282 : memref<7x2048xf32, #tpu.memory_space<hbm>>) dst(%arg8 : memref<7x2048xf32, #tpu.memory_space<vmem>>)
    %dma_wait3A_283 = arith.constant 1 : i32
    %dma_wait3A_284 = arith.constant 1 : i32
    %dma_wait3A_285 = tpu.memref_slice %arg3[%add3A_274] : memref<1048576xf32, #tpu.memory_space<hbm>> -> memref<2048xf32, #tpu.memory_space<hbm>>
    %dma_wait3A_286 = tpu.memref_slice %arg17[%dma_wait3A_283, %dma_wait3A_284] : memref<2x4x!tpu.dma_semaphore, #tpu.memory_space<semaphore_mem>> -> memref<1x1x!tpu.dma_semaphore, #tpu.memory_space<semaphore_mem>>
    %dma_wait3A_287 = tpu.memref_squeeze %dma_wait3A_286 : memref<1x1x!tpu.dma_semaphore, #tpu.memory_space<semaphore_mem>> -> memref<!tpu.dma_semaphore, #tpu.memory_space<semaphore_mem>>
    %dma_wait3A_288 = tpu.memref_slice %arg3[%add3A_274] : memref<1048576xf32, #tpu.memory_space<hbm>> -> memref<2048xf32, #tpu.memory_space<hbm>>
    tpu.wait_dma2 semaphore(%dma_wait3A_287 : memref<!tpu.dma_semaphore, #tpu.memory_space<semaphore_mem>>) src(%dma_wait3A_288 : memref<2048xf32, #tpu.memory_space<hbm>>) dst(%arg10 : memref<2048xf32, #tpu.memory_space<vmem>>)
    %dma_wait3A_289 = arith.constant 1 : i32
    %dma_wait3A_290 = arith.constant 2 : i32
    %dma_wait3A_291 = tpu.memref_slice %arg4[%add3A_274] : memref<1048576xf32, #tpu.memory_space<hbm>> -> memref<2048xf32, #tpu.memory_space<hbm>>
    %dma_wait3A_292 = tpu.memref_slice %arg17[%dma_wait3A_289, %dma_wait3A_290] : memref<2x4x!tpu.dma_semaphore, #tpu.memory_space<semaphore_mem>> -> memref<1x1x!tpu.dma_semaphore, #tpu.memory_space<semaphore_mem>>
    %dma_wait3A_293 = tpu.memref_squeeze %dma_wait3A_292 : memref<1x1x!tpu.dma_semaphore, #tpu.memory_space<semaphore_mem>> -> memref<!tpu.dma_semaphore, #tpu.memory_space<semaphore_mem>>
    %dma_wait3A_294 = tpu.memref_slice %arg4[%add3A_274] : memref<1048576xf32, #tpu.memory_space<hbm>> -> memref<2048xf32, #tpu.memory_space<hbm>>
    tpu.wait_dma2 semaphore(%dma_wait3A_293 : memref<!tpu.dma_semaphore, #tpu.memory_space<semaphore_mem>>) src(%dma_wait3A_294 : memref<2048xf32, #tpu.memory_space<hbm>>) dst(%arg12 : memref<2048xf32, #tpu.memory_space<vmem>>)
    %dma_wait3A_295 = arith.constant 1 : i32
    %dma_wait3A_296 = arith.constant 3 : i32
    %dma_wait3A_297 = tpu.memref_slice %arg5[%add3A_274] : memref<1048576xf32, #tpu.memory_space<hbm>> -> memref<2048xf32, #tpu.memory_space<hbm>>
    %dma_wait3A_298 = tpu.memref_slice %arg17[%dma_wait3A_295, %dma_wait3A_296] : memref<2x4x!tpu.dma_semaphore, #tpu.memory_space<semaphore_mem>> -> memref<1x1x!tpu.dma_semaphore, #tpu.memory_space<semaphore_mem>>
    %dma_wait3A_299 = tpu.memref_squeeze %dma_wait3A_298 : memref<1x1x!tpu.dma_semaphore, #tpu.memory_space<semaphore_mem>> -> memref<!tpu.dma_semaphore, #tpu.memory_space<semaphore_mem>>
    %dma_wait3A_300 = tpu.memref_slice %arg5[%add3A_274] : memref<1048576xf32, #tpu.memory_space<hbm>> -> memref<2048xf32, #tpu.memory_space<hbm>>
    tpu.wait_dma2 semaphore(%dma_wait3A_299 : memref<!tpu.dma_semaphore, #tpu.memory_space<semaphore_mem>>) src(%dma_wait3A_300 : memref<2048xf32, #tpu.memory_space<hbm>>) dst(%arg14 : memref<2048xf32, #tpu.memory_space<vmem>>)
    %add3A_301 = arith.constant 2048 : i32
    %add3A_302 = arith.addi %mul3A_2, %add3A_301 : i32
    %dma_wait3A_303 = arith.constant 1 : i32
    %dma_wait3A_304 = tpu.memref_slice %arg6[%add3A_302] : memref<720896xi32, #tpu.memory_space<hbm>> -> memref<2048xi32, #tpu.memory_space<hbm>>
    %dma_wait3A_305 = tpu.memref_slice %arg18[%dma_wait3A_303] : memref<2x!tpu.dma_semaphore, #tpu.memory_space<semaphore_mem>> -> memref<1x!tpu.dma_semaphore, #tpu.memory_space<semaphore_mem>>
    %dma_wait3A_306 = tpu.memref_squeeze %dma_wait3A_305 : memref<1x!tpu.dma_semaphore, #tpu.memory_space<semaphore_mem>> -> memref<!tpu.dma_semaphore, #tpu.memory_space<semaphore_mem>>
    %dma_wait3A_307 = tpu.memref_slice %arg6[%add3A_302] : memref<720896xi32, #tpu.memory_space<hbm>> -> memref<2048xi32, #tpu.memory_space<hbm>>
    tpu.wait_dma2 semaphore(%dma_wait3A_306 : memref<!tpu.dma_semaphore, #tpu.memory_space<semaphore_mem>>) src(%arg16 : memref<2048xi32, #tpu.memory_space<vmem>>) dst(%dma_wait3A_307 : memref<2048xi32, #tpu.memory_space<hbm>>)
    %scan3A_308 = arith.constant 0 : i32
    %scan3A_309 = arith.constant 0 : i32
    %scan3A_310 = arith.constant 128 : i32
    %scan3A_311 = arith.addi %scan3A_309, %scan3A_310 : i32
    %scan3A_312 = arith.constant 1 : i32
    %scan3A_313 = scf.for %scan3A_847 = %scan3A_309 to %scan3A_311 step %scan3A_312 iter_args(%scan3A_848 = %scan3A_308) -> (i32)  : i32 {
      %mul3A_849 = arith.constant 16 : i32
      %mul3A_850 = arith.muli %scan3A_847, %mul3A_849 : i32
      %get3A = arith.constant 0 : i32
      %get3A_851 = arith.index_cast %get3A : i32 to index
      %get3A_852 = arith.index_cast %mul3A_850 : i32 to index
      %get3A_853 = tpu.vector_load %arg8[%get3A_851, %get3A_852] {strides = array<i32>} : memref<7x2048xf32, #tpu.memory_space<vmem>>, vector<16xf32>,
      %broadcast_in_dim3A = arith.constant 0 : i32
      %broadcast_in_dim3A_854 = vector.broadcast %broadcast_in_dim3A : i32 to vector<16xi32>
      %get3A_855 = arith.constant 1 : i32
      %get3A_856 = arith.index_cast %get3A_855 : i32 to index
      %get3A_857 = arith.index_cast %mul3A_850 : i32 to index
      %get3A_858 = tpu.vector_load %arg8[%get3A_856, %get3A_857] {strides = array<i32>} : memref<7x2048xf32, #tpu.memory_space<vmem>>, vector<16xf32>,
      %gt3A = arith.cmpf ogt, %get3A_858, %get3A_853 : vector<16xf32>
      %select_n3A = arith.select %gt3A, %get3A_858, %get3A_853 : vector<16xi1>, vector<16xf32>
      %jit3A = arith.constant 1 : i32
      %broadcast_in_dim3A_859 = vector.broadcast %jit3A : i32 to vector<16xi32>
      %select_n3A_860 = arith.select %gt3A, %broadcast_in_dim3A_859, %broadcast_in_dim3A_854 : vector<16xi1>, vector<16xi32>
      %get3A_861 = arith.constant 2 : i32
      %get3A_862 = arith.index_cast %get3A_861 : i32 to index
      %get3A_863 = arith.index_cast %mul3A_850 : i32 to index
      %get3A_864 = tpu.vector_load %arg8[%get3A_862, %get3A_863] {strides = array<i32>} : memref<7x2048xf32, #tpu.memory_space<vmem>>, vector<16xf32>,
      %gt3A_865 = arith.cmpf ogt, %get3A_864, %select_n3A : vector<16xf32>
      %select_n3A_866 = arith.select %gt3A_865, %get3A_864, %select_n3A : vector<16xi1>, vector<16xf32>
      %jit3A_867 = arith.constant 2 : i32
      %broadcast_in_dim3A_868 = vector.broadcast %jit3A_867 : i32 to vector<16xi32>
      %select_n3A_869 = arith.select %gt3A_865, %broadcast_in_dim3A_868, %select_n3A_860 : vector<16xi1>, vector<16xi32>
      %get3A_870 = arith.constant 3 : i32
      %get3A_871 = arith.index_cast %get3A_870 : i32 to index
      %get3A_872 = arith.index_cast %mul3A_850 : i32 to index
      %get3A_873 = tpu.vector_load %arg8[%get3A_871, %get3A_872] {strides = array<i32>} : memref<7x2048xf32, #tpu.memory_space<vmem>>, vector<16xf32>,
      %gt3A_874 = arith.cmpf ogt, %get3A_873, %select_n3A_866 : vector<16xf32>
      %select_n3A_875 = arith.select %gt3A_874, %get3A_873, %select_n3A_866 : vector<16xi1>, vector<16xf32>
      %jit3A_876 = arith.constant 3 : i32
      %broadcast_in_dim3A_877 = vector.broadcast %jit3A_876 : i32 to vector<16xi32>
      %select_n3A_878 = arith.select %gt3A_874, %broadcast_in_dim3A_877, %select_n3A_869 : vector<16xi1>, vector<16xi32>
      %get3A_879 = arith.constant 4 : i32
      %get3A_880 = arith.index_cast %get3A_879 : i32 to index
      %get3A_881 = arith.index_cast %mul3A_850 : i32 to index
      %get3A_882 = tpu.vector_load %arg8[%get3A_880, %get3A_881] {strides = array<i32>} : memref<7x2048xf32, #tpu.memory_space<vmem>>, vector<16xf32>,
      %gt3A_883 = arith.cmpf ogt, %get3A_882, %select_n3A_875 : vector<16xf32>
      %select_n3A_884 = arith.select %gt3A_883, %get3A_882, %select_n3A_875 : vector<16xi1>, vector<16xf32>
      %jit3A_885 = arith.constant 4 : i32
      %broadcast_in_dim3A_886 = vector.broadcast %jit3A_885 : i32 to vector<16xi32>
      %select_n3A_887 = arith.select %gt3A_883, %broadcast_in_dim3A_886, %select_n3A_878 : vector<16xi1>, vector<16xi32>
      %get3A_888 = arith.constant 5 : i32
      %get3A_889 = arith.index_cast %get3A_888 : i32 to index
      %get3A_890 = arith.index_cast %mul3A_850 : i32 to index
      %get3A_891 = tpu.vector_load %arg8[%get3A_889, %get3A_890] {strides = array<i32>} : memref<7x2048xf32, #tpu.memory_space<vmem>>, vector<16xf32>,
      %gt3A_892 = arith.cmpf ogt, %get3A_891, %select_n3A_884 : vector<16xf32>
      %select_n3A_893 = arith.select %gt3A_892, %get3A_891, %select_n3A_884 : vector<16xi1>, vector<16xf32>
      %jit3A_894 = arith.constant 5 : i32
      %broadcast_in_dim3A_895 = vector.broadcast %jit3A_894 : i32 to vector<16xi32>
      %select_n3A_896 = arith.select %gt3A_892, %broadcast_in_dim3A_895, %select_n3A_887 : vector<16xi1>, vector<16xi32>
      %get3A_897 = arith.constant 6 : i32
      %get3A_898 = arith.index_cast %get3A_897 : i32 to index
      %get3A_899 = arith.index_cast %mul3A_850 : i32 to index
      %get3A_900 = tpu.vector_load %arg8[%get3A_898, %get3A_899] {strides = array<i32>} : memref<7x2048xf32, #tpu.memory_space<vmem>>, vector<16xf32>,
      %gt3A_901 = arith.cmpf ogt, %get3A_900, %select_n3A_893 : vector<16xf32>
      %select_n3A_902 = arith.select %gt3A_901, %get3A_900, %select_n3A_893 : vector<16xi1>, vector<16xf32>
      %jit3A_903 = arith.constant 6 : i32
      %broadcast_in_dim3A_904 = vector.broadcast %jit3A_903 : i32 to vector<16xi32>
      %select_n3A_905 = arith.select %gt3A_901, %broadcast_in_dim3A_904, %select_n3A_896 : vector<16xi1>, vector<16xi32>
      %get3A_906 = arith.index_cast %mul3A_850 : i32 to index
      %get3A_907 = tpu.vector_load %arg10[%get3A_906] {strides = array<i32>} : memref<2048xf32, #tpu.memory_space<vmem>>, vector<16xf32>,
      %get3A_908 = arith.index_cast %mul3A_850 : i32 to index
      %get3A_909 = tpu.vector_load %arg12[%get3A_908] {strides = array<i32>} : memref<2048xf32, #tpu.memory_space<vmem>>, vector<16xf32>,
      %get3A_910 = arith.index_cast %mul3A_850 : i32 to index
      %get3A_911 = tpu.vector_load %arg14[%get3A_910] {strides = array<i32>} : memref<2048xf32, #tpu.memory_space<vmem>>, vector<16xf32>,
      %sub3A = arith.subf %get3A_909, %get3A_911 : vector<16xf32>
      %abs3A = math.absf %sub3A : vector<16xf32>
      %gt3A_912 = arith.constant 2.500000e-01 : f32
      %gt3A_913 = vector.broadcast %gt3A_912 : f32 to vector<16xf32>
      %gt3A_914 = arith.cmpf ogt, %abs3A, %gt3A_913 : vector<16xf32>
      %gt3A_915 = arith.cmpf ogt, %get3A_909, %get3A_911 : vector<16xf32>
      %sub3A_916 = arith.constant 1.000000e+00 : f32
      %sub3A_917 = vector.broadcast %sub3A_916 : f32 to vector<16xf32>
      %sub3A_918 = arith.subf %sub3A_917, %get3A_909 : vector<16xf32>
      %sub3A_919 = arith.constant 1.000000e+00 : f32
      %sub3A_920 = vector.broadcast %sub3A_919 : f32 to vector<16xf32>
      %sub3A_921 = arith.subf %sub3A_920, %get3A_911 : vector<16xf32>
      %mul3A_922 = arith.constant 0.699999988 : f32
      %mul3A_923 = vector.broadcast %mul3A_922 : f32 to vector<16xf32>
      %mul3A_924 = arith.mulf %mul3A_923, %sub3A_921 : vector<16xf32>
      %max3A = arith.maximumf %sub3A_918, %mul3A_924 : vector<16xf32>
      %sub3A_925 = arith.constant 1.000000e+00 : f32
      %sub3A_926 = vector.broadcast %sub3A_925 : f32 to vector<16xf32>
      %sub3A_927 = arith.subf %sub3A_926, %get3A_911 : vector<16xf32>
      %sub3A_928 = arith.constant 1.000000e+00 : f32
      %sub3A_929 = vector.broadcast %sub3A_928 : f32 to vector<16xf32>
      %sub3A_930 = arith.subf %sub3A_929, %get3A_909 : vector<16xf32>
      %mul3A_931 = arith.constant 0.699999988 : f32
      %mul3A_932 = vector.broadcast %mul3A_931 : f32 to vector<16xf32>
      %mul3A_933 = arith.mulf %mul3A_932, %sub3A_930 : vector<16xf32>
      %max3A_934 = arith.maximumf %sub3A_927, %mul3A_933 : vector<16xf32>
      %select_n3A_935 = arith.select %gt3A_915, %max3A, %max3A_934 : vector<16xi1>, vector<16xf32>
      %select_n3A_936 = arith.select %gt3A_914, %select_n3A_935, %get3A_907 : vector<16xi1>, vector<16xf32>
      %mul3A_937 = arith.constant 0.699999988 : f32
      %mul3A_938 = vector.broadcast %mul3A_937 : f32 to vector<16xf32>
      %mul3A_939 = arith.mulf %mul3A_938, %select_n3A_936 : vector<16xf32>
      %sub3A_940 = arith.constant 1.000000e+00 : f32
      %sub3A_941 = vector.broadcast %sub3A_940 : f32 to vector<16xf32>
      %sub3A_942 = arith.subf %sub3A_941, %select_n3A_902 : vector<16xf32>
      %add3A_943 = arith.addf %mul3A_939, %sub3A_942 : vector<16xf32>
      %gt3A_944 = arith.constant 5.000000e-01 : f32
      %gt3A_945 = vector.broadcast %gt3A_944 : f32 to vector<16xf32>
      %gt3A_946 = arith.cmpf ogt, %add3A_943, %gt3A_945 : vector<16xf32>
      %jit3A_947 = arith.constant 7 : i32
      %broadcast_in_dim3A_948 = vector.broadcast %jit3A_947 : i32 to vector<16xi32>
      %select_n3A_949 = arith.select %gt3A_946, %broadcast_in_dim3A_948, %select_n3A_905 : vector<16xi1>, vector<16xi32>
      %swap3A = arith.index_cast %mul3A_850 : i32 to index
      %swap3A_950 = tpu.vector_load %arg16[%swap3A] {strides = array<i32>} : memref<2048xi32, #tpu.memory_space<vmem>>, vector<16xi32>,
      tpu.vector_store %arg16[%swap3A], %select_n3A_949 {strides = array<i32>} : memref<2048xi32, #tpu.memory_space<vmem>>, vector<16xi32>,
      %scan3A_951 = arith.constant 0 : i32
      scf.yield %scan3A_951 : i32
    }
    %scan3A_314 = arith.constant 128 : i32
    %add3A_315 = arith.constant 6144 : i32
    %add3A_316 = arith.addi %mul3A_2, %add3A_315 : i32
    %dma_start3A_317 = arith.constant 1 : i32
    %dma_start3A_318 = tpu.memref_slice %arg6[%add3A_316] : memref<720896xi32, #tpu.memory_space<hbm>> -> memref<2048xi32, #tpu.memory_space<hbm>>
    %dma_start3A_319 = tpu.memref_slice %arg18[%dma_start3A_317] : memref<2x!tpu.dma_semaphore, #tpu.memory_space<semaphore_mem>> -> memref<1x!tpu.dma_semaphore, #tpu.memory_space<semaphore_mem>>
    %dma_start3A_320 = tpu.memref_squeeze %dma_start3A_319 : memref<1x!tpu.dma_semaphore, #tpu.memory_space<semaphore_mem>> -> memref<!tpu.dma_semaphore, #tpu.memory_space<semaphore_mem>>
    %dma_start3A_321 = tpu.memref_slice %arg6[%add3A_316] : memref<720896xi32, #tpu.memory_space<hbm>> -> memref<2048xi32, #tpu.memory_space<hbm>>
    tpu.enqueue_dma source(%arg16 : memref<2048xi32, #tpu.memory_space<vmem>>) target(%dma_start3A_321 : memref<2048xi32, #tpu.memory_space<hbm>>) target_semaphore(%dma_start3A_320 : memref<!tpu.dma_semaphore, #tpu.memory_space<semaphore_mem>>)
    %add3A_322 = arith.constant 10240 : i32
    %add3A_323 = arith.addi %mul3A_2, %add3A_322 : i32
    %dma_start3A_324 = arith.constant 1 : i32
    %dma_start3A_325 = arith.constant 0 : i32
    %dma_start3A_326 = arith.constant 0 : i32
    %dma_start3A_327 = tpu.memref_slice %arg2[%dma_start3A_326, %add3A_323] : memref<7x1048576xf32, #tpu.memory_space<hbm>> -> memref<7x2048xf32, #tpu.memory_space<hbm>>
    %dma_start3A_328 = tpu.memref_slice %arg17[%dma_start3A_324, %dma_start3A_325] : memref<2x4x!tpu.dma_semaphore, #tpu.memory_space<semaphore_mem>> -> memref<1x1x!tpu.dma_semaphore, #tpu.memory_space<semaphore_mem>>
    %dma_start3A_329 = tpu.memref_squeeze %dma_start3A_328 : memref<1x1x!tpu.dma_semaphore, #tpu.memory_space<semaphore_mem>> -> memref<!tpu.dma_semaphore, #tpu.memory_space<semaphore_mem>>
    %dma_start3A_330 = arith.constant 0 : i32
    %dma_start3A_331 = tpu.memref_slice %arg2[%dma_start3A_330, %add3A_323] : memref<7x1048576xf32, #tpu.memory_space<hbm>> -> memref<7x2048xf32, #tpu.memory_space<hbm>>
    tpu.enqueue_dma source(%dma_start3A_331 : memref<7x2048xf32, #tpu.memory_space<hbm>>) target(%arg8 : memref<7x2048xf32, #tpu.memory_space<vmem>>) target_semaphore(%dma_start3A_329 : memref<!tpu.dma_semaphore, #tpu.memory_space<semaphore_mem>>)
    %dma_start3A_332 = arith.constant 1 : i32
    %dma_start3A_333 = arith.constant 1 : i32
    %dma_start3A_334 = tpu.memref_slice %arg3[%add3A_323] : memref<1048576xf32, #tpu.memory_space<hbm>> -> memref<2048xf32, #tpu.memory_space<hbm>>
    %dma_start3A_335 = tpu.memref_slice %arg17[%dma_start3A_332, %dma_start3A_333] : memref<2x4x!tpu.dma_semaphore, #tpu.memory_space<semaphore_mem>> -> memref<1x1x!tpu.dma_semaphore, #tpu.memory_space<semaphore_mem>>
    %dma_start3A_336 = tpu.memref_squeeze %dma_start3A_335 : memref<1x1x!tpu.dma_semaphore, #tpu.memory_space<semaphore_mem>> -> memref<!tpu.dma_semaphore, #tpu.memory_space<semaphore_mem>>
    %dma_start3A_337 = tpu.memref_slice %arg3[%add3A_323] : memref<1048576xf32, #tpu.memory_space<hbm>> -> memref<2048xf32, #tpu.memory_space<hbm>>
    tpu.enqueue_dma source(%dma_start3A_337 : memref<2048xf32, #tpu.memory_space<hbm>>) target(%arg10 : memref<2048xf32, #tpu.memory_space<vmem>>) target_semaphore(%dma_start3A_336 : memref<!tpu.dma_semaphore, #tpu.memory_space<semaphore_mem>>)
    %dma_start3A_338 = arith.constant 1 : i32
    %dma_start3A_339 = arith.constant 2 : i32
    %dma_start3A_340 = tpu.memref_slice %arg4[%add3A_323] : memref<1048576xf32, #tpu.memory_space<hbm>> -> memref<2048xf32, #tpu.memory_space<hbm>>
    %dma_start3A_341 = tpu.memref_slice %arg17[%dma_start3A_338, %dma_start3A_339] : memref<2x4x!tpu.dma_semaphore, #tpu.memory_space<semaphore_mem>> -> memref<1x1x!tpu.dma_semaphore, #tpu.memory_space<semaphore_mem>>
    %dma_start3A_342 = tpu.memref_squeeze %dma_start3A_341 : memref<1x1x!tpu.dma_semaphore, #tpu.memory_space<semaphore_mem>> -> memref<!tpu.dma_semaphore, #tpu.memory_space<semaphore_mem>>
    %dma_start3A_343 = tpu.memref_slice %arg4[%add3A_323] : memref<1048576xf32, #tpu.memory_space<hbm>> -> memref<2048xf32, #tpu.memory_space<hbm>>
    tpu.enqueue_dma source(%dma_start3A_343 : memref<2048xf32, #tpu.memory_space<hbm>>) target(%arg12 : memref<2048xf32, #tpu.memory_space<vmem>>) target_semaphore(%dma_start3A_342 : memref<!tpu.dma_semaphore, #tpu.memory_space<semaphore_mem>>)
    %dma_start3A_344 = arith.constant 1 : i32
    %dma_start3A_345 = arith.constant 3 : i32
    %dma_start3A_346 = tpu.memref_slice %arg5[%add3A_323] : memref<1048576xf32, #tpu.memory_space<hbm>> -> memref<2048xf32, #tpu.memory_space<hbm>>
    %dma_start3A_347 = tpu.memref_slice %arg17[%dma_start3A_344, %dma_start3A_345] : memref<2x4x!tpu.dma_semaphore, #tpu.memory_space<semaphore_mem>> -> memref<1x1x!tpu.dma_semaphore, #tpu.memory_space<semaphore_mem>>
    %dma_start3A_348 = tpu.memref_squeeze %dma_start3A_347 : memref<1x1x!tpu.dma_semaphore, #tpu.memory_space<semaphore_mem>> -> memref<!tpu.dma_semaphore, #tpu.memory_space<semaphore_mem>>
    %dma_start3A_349 = tpu.memref_slice %arg5[%add3A_323] : memref<1048576xf32, #tpu.memory_space<hbm>> -> memref<2048xf32, #tpu.memory_space<hbm>>
    tpu.enqueue_dma source(%dma_start3A_349 : memref<2048xf32, #tpu.memory_space<hbm>>) target(%arg14 : memref<2048xf32, #tpu.memory_space<vmem>>) target_semaphore(%dma_start3A_348 : memref<!tpu.dma_semaphore, #tpu.memory_space<semaphore_mem>>)
    %add3A_350 = arith.constant 8192 : i32
    %add3A_351 = arith.addi %mul3A_2, %add3A_350 : i32
    %dma_wait3A_352 = arith.constant 0 : i32
    %dma_wait3A_353 = arith.constant 0 : i32
    %dma_wait3A_354 = arith.constant 0 : i32
    %dma_wait3A_355 = tpu.memref_slice %arg2[%dma_wait3A_354, %add3A_351] : memref<7x1048576xf32, #tpu.memory_space<hbm>> -> memref<7x2048xf32, #tpu.memory_space<hbm>>
    %dma_wait3A_356 = tpu.memref_slice %arg17[%dma_wait3A_352, %dma_wait3A_353] : memref<2x4x!tpu.dma_semaphore, #tpu.memory_space<semaphore_mem>> -> memref<1x1x!tpu.dma_semaphore, #tpu.memory_space<semaphore_mem>>
    %dma_wait3A_357 = tpu.memref_squeeze %dma_wait3A_356 : memref<1x1x!tpu.dma_semaphore, #tpu.memory_space<semaphore_mem>> -> memref<!tpu.dma_semaphore, #tpu.memory_space<semaphore_mem>>
    %dma_wait3A_358 = arith.constant 0 : i32
    %dma_wait3A_359 = tpu.memref_slice %arg2[%dma_wait3A_358, %add3A_351] : memref<7x1048576xf32, #tpu.memory_space<hbm>> -> memref<7x2048xf32, #tpu.memory_space<hbm>>
    tpu.wait_dma2 semaphore(%dma_wait3A_357 : memref<!tpu.dma_semaphore, #tpu.memory_space<semaphore_mem>>) src(%dma_wait3A_359 : memref<7x2048xf32, #tpu.memory_space<hbm>>) dst(%arg7 : memref<7x2048xf32, #tpu.memory_space<vmem>>)
    %dma_wait3A_360 = arith.constant 0 : i32
    %dma_wait3A_361 = arith.constant 1 : i32
    %dma_wait3A_362 = tpu.memref_slice %arg3[%add3A_351] : memref<1048576xf32, #tpu.memory_space<hbm>> -> memref<2048xf32, #tpu.memory_space<hbm>>
    %dma_wait3A_363 = tpu.memref_slice %arg17[%dma_wait3A_360, %dma_wait3A_361] : memref<2x4x!tpu.dma_semaphore, #tpu.memory_space<semaphore_mem>> -> memref<1x1x!tpu.dma_semaphore, #tpu.memory_space<semaphore_mem>>
    %dma_wait3A_364 = tpu.memref_squeeze %dma_wait3A_363 : memref<1x1x!tpu.dma_semaphore, #tpu.memory_space<semaphore_mem>> -> memref<!tpu.dma_semaphore, #tpu.memory_space<semaphore_mem>>
    %dma_wait3A_365 = tpu.memref_slice %arg3[%add3A_351] : memref<1048576xf32, #tpu.memory_space<hbm>> -> memref<2048xf32, #tpu.memory_space<hbm>>
    tpu.wait_dma2 semaphore(%dma_wait3A_364 : memref<!tpu.dma_semaphore, #tpu.memory_space<semaphore_mem>>) src(%dma_wait3A_365 : memref<2048xf32, #tpu.memory_space<hbm>>) dst(%arg9 : memref<2048xf32, #tpu.memory_space<vmem>>)
    %dma_wait3A_366 = arith.constant 0 : i32
    %dma_wait3A_367 = arith.constant 2 : i32
    %dma_wait3A_368 = tpu.memref_slice %arg4[%add3A_351] : memref<1048576xf32, #tpu.memory_space<hbm>> -> memref<2048xf32, #tpu.memory_space<hbm>>
    %dma_wait3A_369 = tpu.memref_slice %arg17[%dma_wait3A_366, %dma_wait3A_367] : memref<2x4x!tpu.dma_semaphore, #tpu.memory_space<semaphore_mem>> -> memref<1x1x!tpu.dma_semaphore, #tpu.memory_space<semaphore_mem>>
    %dma_wait3A_370 = tpu.memref_squeeze %dma_wait3A_369 : memref<1x1x!tpu.dma_semaphore, #tpu.memory_space<semaphore_mem>> -> memref<!tpu.dma_semaphore, #tpu.memory_space<semaphore_mem>>
    %dma_wait3A_371 = tpu.memref_slice %arg4[%add3A_351] : memref<1048576xf32, #tpu.memory_space<hbm>> -> memref<2048xf32, #tpu.memory_space<hbm>>
    tpu.wait_dma2 semaphore(%dma_wait3A_370 : memref<!tpu.dma_semaphore, #tpu.memory_space<semaphore_mem>>) src(%dma_wait3A_371 : memref<2048xf32, #tpu.memory_space<hbm>>) dst(%arg11 : memref<2048xf32, #tpu.memory_space<vmem>>)
    %dma_wait3A_372 = arith.constant 0 : i32
    %dma_wait3A_373 = arith.constant 3 : i32
    %dma_wait3A_374 = tpu.memref_slice %arg5[%add3A_351] : memref<1048576xf32, #tpu.memory_space<hbm>> -> memref<2048xf32, #tpu.memory_space<hbm>>
    %dma_wait3A_375 = tpu.memref_slice %arg17[%dma_wait3A_372, %dma_wait3A_373] : memref<2x4x!tpu.dma_semaphore, #tpu.memory_space<semaphore_mem>> -> memref<1x1x!tpu.dma_semaphore, #tpu.memory_space<semaphore_mem>>
    %dma_wait3A_376 = tpu.memref_squeeze %dma_wait3A_375 : memref<1x1x!tpu.dma_semaphore, #tpu.memory_space<semaphore_mem>> -> memref<!tpu.dma_semaphore, #tpu.memory_space<semaphore_mem>>
    %dma_wait3A_377 = tpu.memref_slice %arg5[%add3A_351] : memref<1048576xf32, #tpu.memory_space<hbm>> -> memref<2048xf32, #tpu.memory_space<hbm>>
    tpu.wait_dma2 semaphore(%dma_wait3A_376 : memref<!tpu.dma_semaphore, #tpu.memory_space<semaphore_mem>>) src(%dma_wait3A_377 : memref<2048xf32, #tpu.memory_space<hbm>>) dst(%arg13 : memref<2048xf32, #tpu.memory_space<vmem>>)
    %add3A_378 = arith.constant 4096 : i32
    %add3A_379 = arith.addi %mul3A_2, %add3A_378 : i32
    %dma_wait3A_380 = arith.constant 0 : i32
    %dma_wait3A_381 = tpu.memref_slice %arg6[%add3A_379] : memref<720896xi32, #tpu.memory_space<hbm>> -> memref<2048xi32, #tpu.memory_space<hbm>>
    %dma_wait3A_382 = tpu.memref_slice %arg18[%dma_wait3A_380] : memref<2x!tpu.dma_semaphore, #tpu.memory_space<semaphore_mem>> -> memref<1x!tpu.dma_semaphore, #tpu.memory_space<semaphore_mem>>
    %dma_wait3A_383 = tpu.memref_squeeze %dma_wait3A_382 : memref<1x!tpu.dma_semaphore, #tpu.memory_space<semaphore_mem>> -> memref<!tpu.dma_semaphore, #tpu.memory_space<semaphore_mem>>
    %dma_wait3A_384 = tpu.memref_slice %arg6[%add3A_379] : memref<720896xi32, #tpu.memory_space<hbm>> -> memref<2048xi32, #tpu.memory_space<hbm>>
    tpu.wait_dma2 semaphore(%dma_wait3A_383 : memref<!tpu.dma_semaphore, #tpu.memory_space<semaphore_mem>>) src(%arg15 : memref<2048xi32, #tpu.memory_space<vmem>>) dst(%dma_wait3A_384 : memref<2048xi32, #tpu.memory_space<hbm>>)
    %scan3A_385 = arith.constant 0 : i32
    %scan3A_386 = arith.constant 0 : i32
    %scan3A_387 = arith.constant 128 : i32
    %scan3A_388 = arith.addi %scan3A_386, %scan3A_387 : i32
    %scan3A_389 = arith.constant 1 : i32
    %scan3A_390 = scf.for %scan3A_847 = %scan3A_386 to %scan3A_388 step %scan3A_389 iter_args(%scan3A_848 = %scan3A_385) -> (i32)  : i32 {
      %mul3A_849 = arith.constant 16 : i32
      %mul3A_850 = arith.muli %scan3A_847, %mul3A_849 : i32
      %get3A = arith.constant 0 : i32
      %get3A_851 = arith.index_cast %get3A : i32 to index
      %get3A_852 = arith.index_cast %mul3A_850 : i32 to index
      %get3A_853 = tpu.vector_load %arg7[%get3A_851, %get3A_852] {strides = array<i32>} : memref<7x2048xf32, #tpu.memory_space<vmem>>, vector<16xf32>,
      %broadcast_in_dim3A = arith.constant 0 : i32
      %broadcast_in_dim3A_854 = vector.broadcast %broadcast_in_dim3A : i32 to vector<16xi32>
      %get3A_855 = arith.constant 1 : i32
      %get3A_856 = arith.index_cast %get3A_855 : i32 to index
      %get3A_857 = arith.index_cast %mul3A_850 : i32 to index
      %get3A_858 = tpu.vector_load %arg7[%get3A_856, %get3A_857] {strides = array<i32>} : memref<7x2048xf32, #tpu.memory_space<vmem>>, vector<16xf32>,
      %gt3A = arith.cmpf ogt, %get3A_858, %get3A_853 : vector<16xf32>
      %select_n3A = arith.select %gt3A, %get3A_858, %get3A_853 : vector<16xi1>, vector<16xf32>
      %jit3A = arith.constant 1 : i32
      %broadcast_in_dim3A_859 = vector.broadcast %jit3A : i32 to vector<16xi32>
      %select_n3A_860 = arith.select %gt3A, %broadcast_in_dim3A_859, %broadcast_in_dim3A_854 : vector<16xi1>, vector<16xi32>
      %get3A_861 = arith.constant 2 : i32
      %get3A_862 = arith.index_cast %get3A_861 : i32 to index
      %get3A_863 = arith.index_cast %mul3A_850 : i32 to index
      %get3A_864 = tpu.vector_load %arg7[%get3A_862, %get3A_863] {strides = array<i32>} : memref<7x2048xf32, #tpu.memory_space<vmem>>, vector<16xf32>,
      %gt3A_865 = arith.cmpf ogt, %get3A_864, %select_n3A : vector<16xf32>
      %select_n3A_866 = arith.select %gt3A_865, %get3A_864, %select_n3A : vector<16xi1>, vector<16xf32>
      %jit3A_867 = arith.constant 2 : i32
      %broadcast_in_dim3A_868 = vector.broadcast %jit3A_867 : i32 to vector<16xi32>
      %select_n3A_869 = arith.select %gt3A_865, %broadcast_in_dim3A_868, %select_n3A_860 : vector<16xi1>, vector<16xi32>
      %get3A_870 = arith.constant 3 : i32
      %get3A_871 = arith.index_cast %get3A_870 : i32 to index
      %get3A_872 = arith.index_cast %mul3A_850 : i32 to index
      %get3A_873 = tpu.vector_load %arg7[%get3A_871, %get3A_872] {strides = array<i32>} : memref<7x2048xf32, #tpu.memory_space<vmem>>, vector<16xf32>,
      %gt3A_874 = arith.cmpf ogt, %get3A_873, %select_n3A_866 : vector<16xf32>
      %select_n3A_875 = arith.select %gt3A_874, %get3A_873, %select_n3A_866 : vector<16xi1>, vector<16xf32>
      %jit3A_876 = arith.constant 3 : i32
      %broadcast_in_dim3A_877 = vector.broadcast %jit3A_876 : i32 to vector<16xi32>
      %select_n3A_878 = arith.select %gt3A_874, %broadcast_in_dim3A_877, %select_n3A_869 : vector<16xi1>, vector<16xi32>
      %get3A_879 = arith.constant 4 : i32
      %get3A_880 = arith.index_cast %get3A_879 : i32 to index
      %get3A_881 = arith.index_cast %mul3A_850 : i32 to index
      %get3A_882 = tpu.vector_load %arg7[%get3A_880, %get3A_881] {strides = array<i32>} : memref<7x2048xf32, #tpu.memory_space<vmem>>, vector<16xf32>,
      %gt3A_883 = arith.cmpf ogt, %get3A_882, %select_n3A_875 : vector<16xf32>
      %select_n3A_884 = arith.select %gt3A_883, %get3A_882, %select_n3A_875 : vector<16xi1>, vector<16xf32>
      %jit3A_885 = arith.constant 4 : i32
      %broadcast_in_dim3A_886 = vector.broadcast %jit3A_885 : i32 to vector<16xi32>
      %select_n3A_887 = arith.select %gt3A_883, %broadcast_in_dim3A_886, %select_n3A_878 : vector<16xi1>, vector<16xi32>
      %get3A_888 = arith.constant 5 : i32
      %get3A_889 = arith.index_cast %get3A_888 : i32 to index
      %get3A_890 = arith.index_cast %mul3A_850 : i32 to index
      %get3A_891 = tpu.vector_load %arg7[%get3A_889, %get3A_890] {strides = array<i32>} : memref<7x2048xf32, #tpu.memory_space<vmem>>, vector<16xf32>,
      %gt3A_892 = arith.cmpf ogt, %get3A_891, %select_n3A_884 : vector<16xf32>
      %select_n3A_893 = arith.select %gt3A_892, %get3A_891, %select_n3A_884 : vector<16xi1>, vector<16xf32>
      %jit3A_894 = arith.constant 5 : i32
      %broadcast_in_dim3A_895 = vector.broadcast %jit3A_894 : i32 to vector<16xi32>
      %select_n3A_896 = arith.select %gt3A_892, %broadcast_in_dim3A_895, %select_n3A_887 : vector<16xi1>, vector<16xi32>
      %get3A_897 = arith.constant 6 : i32
      %get3A_898 = arith.index_cast %get3A_897 : i32 to index
      %get3A_899 = arith.index_cast %mul3A_850 : i32 to index
      %get3A_900 = tpu.vector_load %arg7[%get3A_898, %get3A_899] {strides = array<i32>} : memref<7x2048xf32, #tpu.memory_space<vmem>>, vector<16xf32>,
      %gt3A_901 = arith.cmpf ogt, %get3A_900, %select_n3A_893 : vector<16xf32>
      %select_n3A_902 = arith.select %gt3A_901, %get3A_900, %select_n3A_893 : vector<16xi1>, vector<16xf32>
      %jit3A_903 = arith.constant 6 : i32
      %broadcast_in_dim3A_904 = vector.broadcast %jit3A_903 : i32 to vector<16xi32>
      %select_n3A_905 = arith.select %gt3A_901, %broadcast_in_dim3A_904, %select_n3A_896 : vector<16xi1>, vector<16xi32>
      %get3A_906 = arith.index_cast %mul3A_850 : i32 to index
      %get3A_907 = tpu.vector_load %arg9[%get3A_906] {strides = array<i32>} : memref<2048xf32, #tpu.memory_space<vmem>>, vector<16xf32>,
      %get3A_908 = arith.index_cast %mul3A_850 : i32 to index
      %get3A_909 = tpu.vector_load %arg11[%get3A_908] {strides = array<i32>} : memref<2048xf32, #tpu.memory_space<vmem>>, vector<16xf32>,
      %get3A_910 = arith.index_cast %mul3A_850 : i32 to index
      %get3A_911 = tpu.vector_load %arg13[%get3A_910] {strides = array<i32>} : memref<2048xf32, #tpu.memory_space<vmem>>, vector<16xf32>,
      %sub3A = arith.subf %get3A_909, %get3A_911 : vector<16xf32>
      %abs3A = math.absf %sub3A : vector<16xf32>
      %gt3A_912 = arith.constant 2.500000e-01 : f32
      %gt3A_913 = vector.broadcast %gt3A_912 : f32 to vector<16xf32>
      %gt3A_914 = arith.cmpf ogt, %abs3A, %gt3A_913 : vector<16xf32>
      %gt3A_915 = arith.cmpf ogt, %get3A_909, %get3A_911 : vector<16xf32>
      %sub3A_916 = arith.constant 1.000000e+00 : f32
      %sub3A_917 = vector.broadcast %sub3A_916 : f32 to vector<16xf32>
      %sub3A_918 = arith.subf %sub3A_917, %get3A_909 : vector<16xf32>
      %sub3A_919 = arith.constant 1.000000e+00 : f32
      %sub3A_920 = vector.broadcast %sub3A_919 : f32 to vector<16xf32>
      %sub3A_921 = arith.subf %sub3A_920, %get3A_911 : vector<16xf32>
      %mul3A_922 = arith.constant 0.699999988 : f32
      %mul3A_923 = vector.broadcast %mul3A_922 : f32 to vector<16xf32>
      %mul3A_924 = arith.mulf %mul3A_923, %sub3A_921 : vector<16xf32>
      %max3A = arith.maximumf %sub3A_918, %mul3A_924 : vector<16xf32>
      %sub3A_925 = arith.constant 1.000000e+00 : f32
      %sub3A_926 = vector.broadcast %sub3A_925 : f32 to vector<16xf32>
      %sub3A_927 = arith.subf %sub3A_926, %get3A_911 : vector<16xf32>
      %sub3A_928 = arith.constant 1.000000e+00 : f32
      %sub3A_929 = vector.broadcast %sub3A_928 : f32 to vector<16xf32>
      %sub3A_930 = arith.subf %sub3A_929, %get3A_909 : vector<16xf32>
      %mul3A_931 = arith.constant 0.699999988 : f32
      %mul3A_932 = vector.broadcast %mul3A_931 : f32 to vector<16xf32>
      %mul3A_933 = arith.mulf %mul3A_932, %sub3A_930 : vector<16xf32>
      %max3A_934 = arith.maximumf %sub3A_927, %mul3A_933 : vector<16xf32>
      %select_n3A_935 = arith.select %gt3A_915, %max3A, %max3A_934 : vector<16xi1>, vector<16xf32>
      %select_n3A_936 = arith.select %gt3A_914, %select_n3A_935, %get3A_907 : vector<16xi1>, vector<16xf32>
      %mul3A_937 = arith.constant 0.699999988 : f32
      %mul3A_938 = vector.broadcast %mul3A_937 : f32 to vector<16xf32>
      %mul3A_939 = arith.mulf %mul3A_938, %select_n3A_936 : vector<16xf32>
      %sub3A_940 = arith.constant 1.000000e+00 : f32
      %sub3A_941 = vector.broadcast %sub3A_940 : f32 to vector<16xf32>
      %sub3A_942 = arith.subf %sub3A_941, %select_n3A_902 : vector<16xf32>
      %add3A_943 = arith.addf %mul3A_939, %sub3A_942 : vector<16xf32>
      %gt3A_944 = arith.constant 5.000000e-01 : f32
      %gt3A_945 = vector.broadcast %gt3A_944 : f32 to vector<16xf32>
      %gt3A_946 = arith.cmpf ogt, %add3A_943, %gt3A_945 : vector<16xf32>
      %jit3A_947 = arith.constant 7 : i32
      %broadcast_in_dim3A_948 = vector.broadcast %jit3A_947 : i32 to vector<16xi32>
      %select_n3A_949 = arith.select %gt3A_946, %broadcast_in_dim3A_948, %select_n3A_905 : vector<16xi1>, vector<16xi32>
      %swap3A = arith.index_cast %mul3A_850 : i32 to index
      %swap3A_950 = tpu.vector_load %arg15[%swap3A] {strides = array<i32>} : memref<2048xi32, #tpu.memory_space<vmem>>, vector<16xi32>,
      tpu.vector_store %arg15[%swap3A], %select_n3A_949 {strides = array<i32>} : memref<2048xi32, #tpu.memory_space<vmem>>, vector<16xi32>,
      %scan3A_951 = arith.constant 0 : i32
      scf.yield %scan3A_951 : i32
    }
    %scan3A_391 = arith.constant 128 : i32
    %add3A_392 = arith.constant 8192 : i32
    %add3A_393 = arith.addi %mul3A_2, %add3A_392 : i32
    %dma_start3A_394 = arith.constant 0 : i32
    %dma_start3A_395 = tpu.memref_slice %arg6[%add3A_393] : memref<720896xi32, #tpu.memory_space<hbm>> -> memref<2048xi32, #tpu.memory_space<hbm>>
    %dma_start3A_396 = tpu.memref_slice %arg18[%dma_start3A_394] : memref<2x!tpu.dma_semaphore, #tpu.memory_space<semaphore_mem>> -> memref<1x!tpu.dma_semaphore, #tpu.memory_space<semaphore_mem>>
    %dma_start3A_397 = tpu.memref_squeeze %dma_start3A_396 : memref<1x!tpu.dma_semaphore, #tpu.memory_space<semaphore_mem>> -> memref<!tpu.dma_semaphore, #tpu.memory_space<semaphore_mem>>
    %dma_start3A_398 = tpu.memref_slice %arg6[%add3A_393] : memref<720896xi32, #tpu.memory_space<hbm>> -> memref<2048xi32, #tpu.memory_space<hbm>>
    tpu.enqueue_dma source(%arg15 : memref<2048xi32, #tpu.memory_space<vmem>>) target(%dma_start3A_398 : memref<2048xi32, #tpu.memory_space<hbm>>) target_semaphore(%dma_start3A_397 : memref<!tpu.dma_semaphore, #tpu.memory_space<semaphore_mem>>)
    %add3A_399 = arith.constant 12288 : i32
    %add3A_400 = arith.addi %mul3A_2, %add3A_399 : i32
    %dma_start3A_401 = arith.constant 0 : i32
    %dma_start3A_402 = arith.constant 0 : i32
    %dma_start3A_403 = arith.constant 0 : i32
    %dma_start3A_404 = tpu.memref_slice %arg2[%dma_start3A_403, %add3A_400] : memref<7x1048576xf32, #tpu.memory_space<hbm>> -> memref<7x2048xf32, #tpu.memory_space<hbm>>
    %dma_start3A_405 = tpu.memref_slice %arg17[%dma_start3A_401, %dma_start3A_402] : memref<2x4x!tpu.dma_semaphore, #tpu.memory_space<semaphore_mem>> -> memref<1x1x!tpu.dma_semaphore, #tpu.memory_space<semaphore_mem>>
    %dma_start3A_406 = tpu.memref_squeeze %dma_start3A_405 : memref<1x1x!tpu.dma_semaphore, #tpu.memory_space<semaphore_mem>> -> memref<!tpu.dma_semaphore, #tpu.memory_space<semaphore_mem>>
    %dma_start3A_407 = arith.constant 0 : i32
    %dma_start3A_408 = tpu.memref_slice %arg2[%dma_start3A_407, %add3A_400] : memref<7x1048576xf32, #tpu.memory_space<hbm>> -> memref<7x2048xf32, #tpu.memory_space<hbm>>
    tpu.enqueue_dma source(%dma_start3A_408 : memref<7x2048xf32, #tpu.memory_space<hbm>>) target(%arg7 : memref<7x2048xf32, #tpu.memory_space<vmem>>) target_semaphore(%dma_start3A_406 : memref<!tpu.dma_semaphore, #tpu.memory_space<semaphore_mem>>)
    %dma_start3A_409 = arith.constant 0 : i32
    %dma_start3A_410 = arith.constant 1 : i32
    %dma_start3A_411 = tpu.memref_slice %arg3[%add3A_400] : memref<1048576xf32, #tpu.memory_space<hbm>> -> memref<2048xf32, #tpu.memory_space<hbm>>
    %dma_start3A_412 = tpu.memref_slice %arg17[%dma_start3A_409, %dma_start3A_410] : memref<2x4x!tpu.dma_semaphore, #tpu.memory_space<semaphore_mem>> -> memref<1x1x!tpu.dma_semaphore, #tpu.memory_space<semaphore_mem>>
    %dma_start3A_413 = tpu.memref_squeeze %dma_start3A_412 : memref<1x1x!tpu.dma_semaphore, #tpu.memory_space<semaphore_mem>> -> memref<!tpu.dma_semaphore, #tpu.memory_space<semaphore_mem>>
    %dma_start3A_414 = tpu.memref_slice %arg3[%add3A_400] : memref<1048576xf32, #tpu.memory_space<hbm>> -> memref<2048xf32, #tpu.memory_space<hbm>>
    tpu.enqueue_dma source(%dma_start3A_414 : memref<2048xf32, #tpu.memory_space<hbm>>) target(%arg9 : memref<2048xf32, #tpu.memory_space<vmem>>) target_semaphore(%dma_start3A_413 : memref<!tpu.dma_semaphore, #tpu.memory_space<semaphore_mem>>)
    %dma_start3A_415 = arith.constant 0 : i32
    %dma_start3A_416 = arith.constant 2 : i32
    %dma_start3A_417 = tpu.memref_slice %arg4[%add3A_400] : memref<1048576xf32, #tpu.memory_space<hbm>> -> memref<2048xf32, #tpu.memory_space<hbm>>
    %dma_start3A_418 = tpu.memref_slice %arg17[%dma_start3A_415, %dma_start3A_416] : memref<2x4x!tpu.dma_semaphore, #tpu.memory_space<semaphore_mem>> -> memref<1x1x!tpu.dma_semaphore, #tpu.memory_space<semaphore_mem>>
    %dma_start3A_419 = tpu.memref_squeeze %dma_start3A_418 : memref<1x1x!tpu.dma_semaphore, #tpu.memory_space<semaphore_mem>> -> memref<!tpu.dma_semaphore, #tpu.memory_space<semaphore_mem>>
    %dma_start3A_420 = tpu.memref_slice %arg4[%add3A_400] : memref<1048576xf32, #tpu.memory_space<hbm>> -> memref<2048xf32, #tpu.memory_space<hbm>>
    tpu.enqueue_dma source(%dma_start3A_420 : memref<2048xf32, #tpu.memory_space<hbm>>) target(%arg11 : memref<2048xf32, #tpu.memory_space<vmem>>) target_semaphore(%dma_start3A_419 : memref<!tpu.dma_semaphore, #tpu.memory_space<semaphore_mem>>)
    %dma_start3A_421 = arith.constant 0 : i32
    %dma_start3A_422 = arith.constant 3 : i32
    %dma_start3A_423 = tpu.memref_slice %arg5[%add3A_400] : memref<1048576xf32, #tpu.memory_space<hbm>> -> memref<2048xf32, #tpu.memory_space<hbm>>
    %dma_start3A_424 = tpu.memref_slice %arg17[%dma_start3A_421, %dma_start3A_422] : memref<2x4x!tpu.dma_semaphore, #tpu.memory_space<semaphore_mem>> -> memref<1x1x!tpu.dma_semaphore, #tpu.memory_space<semaphore_mem>>
    %dma_start3A_425 = tpu.memref_squeeze %dma_start3A_424 : memref<1x1x!tpu.dma_semaphore, #tpu.memory_space<semaphore_mem>> -> memref<!tpu.dma_semaphore, #tpu.memory_space<semaphore_mem>>
    %dma_start3A_426 = tpu.memref_slice %arg5[%add3A_400] : memref<1048576xf32, #tpu.memory_space<hbm>> -> memref<2048xf32, #tpu.memory_space<hbm>>
    tpu.enqueue_dma source(%dma_start3A_426 : memref<2048xf32, #tpu.memory_space<hbm>>) target(%arg13 : memref<2048xf32, #tpu.memory_space<vmem>>) target_semaphore(%dma_start3A_425 : memref<!tpu.dma_semaphore, #tpu.memory_space<semaphore_mem>>)
    %add3A_427 = arith.constant 10240 : i32
    %add3A_428 = arith.addi %mul3A_2, %add3A_427 : i32
    %dma_wait3A_429 = arith.constant 1 : i32
    %dma_wait3A_430 = arith.constant 0 : i32
    %dma_wait3A_431 = arith.constant 0 : i32
    %dma_wait3A_432 = tpu.memref_slice %arg2[%dma_wait3A_431, %add3A_428] : memref<7x1048576xf32, #tpu.memory_space<hbm>> -> memref<7x2048xf32, #tpu.memory_space<hbm>>
    %dma_wait3A_433 = tpu.memref_slice %arg17[%dma_wait3A_429, %dma_wait3A_430] : memref<2x4x!tpu.dma_semaphore, #tpu.memory_space<semaphore_mem>> -> memref<1x1x!tpu.dma_semaphore, #tpu.memory_space<semaphore_mem>>
    %dma_wait3A_434 = tpu.memref_squeeze %dma_wait3A_433 : memref<1x1x!tpu.dma_semaphore, #tpu.memory_space<semaphore_mem>> -> memref<!tpu.dma_semaphore, #tpu.memory_space<semaphore_mem>>
    %dma_wait3A_435 = arith.constant 0 : i32
    %dma_wait3A_436 = tpu.memref_slice %arg2[%dma_wait3A_435, %add3A_428] : memref<7x1048576xf32, #tpu.memory_space<hbm>> -> memref<7x2048xf32, #tpu.memory_space<hbm>>
    tpu.wait_dma2 semaphore(%dma_wait3A_434 : memref<!tpu.dma_semaphore, #tpu.memory_space<semaphore_mem>>) src(%dma_wait3A_436 : memref<7x2048xf32, #tpu.memory_space<hbm>>) dst(%arg8 : memref<7x2048xf32, #tpu.memory_space<vmem>>)
    %dma_wait3A_437 = arith.constant 1 : i32
    %dma_wait3A_438 = arith.constant 1 : i32
    %dma_wait3A_439 = tpu.memref_slice %arg3[%add3A_428] : memref<1048576xf32, #tpu.memory_space<hbm>> -> memref<2048xf32, #tpu.memory_space<hbm>>
    %dma_wait3A_440 = tpu.memref_slice %arg17[%dma_wait3A_437, %dma_wait3A_438] : memref<2x4x!tpu.dma_semaphore, #tpu.memory_space<semaphore_mem>> -> memref<1x1x!tpu.dma_semaphore, #tpu.memory_space<semaphore_mem>>
    %dma_wait3A_441 = tpu.memref_squeeze %dma_wait3A_440 : memref<1x1x!tpu.dma_semaphore, #tpu.memory_space<semaphore_mem>> -> memref<!tpu.dma_semaphore, #tpu.memory_space<semaphore_mem>>
    %dma_wait3A_442 = tpu.memref_slice %arg3[%add3A_428] : memref<1048576xf32, #tpu.memory_space<hbm>> -> memref<2048xf32, #tpu.memory_space<hbm>>
    tpu.wait_dma2 semaphore(%dma_wait3A_441 : memref<!tpu.dma_semaphore, #tpu.memory_space<semaphore_mem>>) src(%dma_wait3A_442 : memref<2048xf32, #tpu.memory_space<hbm>>) dst(%arg10 : memref<2048xf32, #tpu.memory_space<vmem>>)
    %dma_wait3A_443 = arith.constant 1 : i32
    %dma_wait3A_444 = arith.constant 2 : i32
    %dma_wait3A_445 = tpu.memref_slice %arg4[%add3A_428] : memref<1048576xf32, #tpu.memory_space<hbm>> -> memref<2048xf32, #tpu.memory_space<hbm>>
    %dma_wait3A_446 = tpu.memref_slice %arg17[%dma_wait3A_443, %dma_wait3A_444] : memref<2x4x!tpu.dma_semaphore, #tpu.memory_space<semaphore_mem>> -> memref<1x1x!tpu.dma_semaphore, #tpu.memory_space<semaphore_mem>>
    %dma_wait3A_447 = tpu.memref_squeeze %dma_wait3A_446 : memref<1x1x!tpu.dma_semaphore, #tpu.memory_space<semaphore_mem>> -> memref<!tpu.dma_semaphore, #tpu.memory_space<semaphore_mem>>
    %dma_wait3A_448 = tpu.memref_slice %arg4[%add3A_428] : memref<1048576xf32, #tpu.memory_space<hbm>> -> memref<2048xf32, #tpu.memory_space<hbm>>
    tpu.wait_dma2 semaphore(%dma_wait3A_447 : memref<!tpu.dma_semaphore, #tpu.memory_space<semaphore_mem>>) src(%dma_wait3A_448 : memref<2048xf32, #tpu.memory_space<hbm>>) dst(%arg12 : memref<2048xf32, #tpu.memory_space<vmem>>)
    %dma_wait3A_449 = arith.constant 1 : i32
    %dma_wait3A_450 = arith.constant 3 : i32
    %dma_wait3A_451 = tpu.memref_slice %arg5[%add3A_428] : memref<1048576xf32, #tpu.memory_space<hbm>> -> memref<2048xf32, #tpu.memory_space<hbm>>
    %dma_wait3A_452 = tpu.memref_slice %arg17[%dma_wait3A_449, %dma_wait3A_450] : memref<2x4x!tpu.dma_semaphore, #tpu.memory_space<semaphore_mem>> -> memref<1x1x!tpu.dma_semaphore, #tpu.memory_space<semaphore_mem>>
    %dma_wait3A_453 = tpu.memref_squeeze %dma_wait3A_452 : memref<1x1x!tpu.dma_semaphore, #tpu.memory_space<semaphore_mem>> -> memref<!tpu.dma_semaphore, #tpu.memory_space<semaphore_mem>>
    %dma_wait3A_454 = tpu.memref_slice %arg5[%add3A_428] : memref<1048576xf32, #tpu.memory_space<hbm>> -> memref<2048xf32, #tpu.memory_space<hbm>>
    tpu.wait_dma2 semaphore(%dma_wait3A_453 : memref<!tpu.dma_semaphore, #tpu.memory_space<semaphore_mem>>) src(%dma_wait3A_454 : memref<2048xf32, #tpu.memory_space<hbm>>) dst(%arg14 : memref<2048xf32, #tpu.memory_space<vmem>>)
    %add3A_455 = arith.constant 6144 : i32
    %add3A_456 = arith.addi %mul3A_2, %add3A_455 : i32
    %dma_wait3A_457 = arith.constant 1 : i32
    %dma_wait3A_458 = tpu.memref_slice %arg6[%add3A_456] : memref<720896xi32, #tpu.memory_space<hbm>> -> memref<2048xi32, #tpu.memory_space<hbm>>
    %dma_wait3A_459 = tpu.memref_slice %arg18[%dma_wait3A_457] : memref<2x!tpu.dma_semaphore, #tpu.memory_space<semaphore_mem>> -> memref<1x!tpu.dma_semaphore, #tpu.memory_space<semaphore_mem>>
    %dma_wait3A_460 = tpu.memref_squeeze %dma_wait3A_459 : memref<1x!tpu.dma_semaphore, #tpu.memory_space<semaphore_mem>> -> memref<!tpu.dma_semaphore, #tpu.memory_space<semaphore_mem>>
    %dma_wait3A_461 = tpu.memref_slice %arg6[%add3A_456] : memref<720896xi32, #tpu.memory_space<hbm>> -> memref<2048xi32, #tpu.memory_space<hbm>>
    tpu.wait_dma2 semaphore(%dma_wait3A_460 : memref<!tpu.dma_semaphore, #tpu.memory_space<semaphore_mem>>) src(%arg16 : memref<2048xi32, #tpu.memory_space<vmem>>) dst(%dma_wait3A_461 : memref<2048xi32, #tpu.memory_space<hbm>>)
    %scan3A_462 = arith.constant 0 : i32
    %scan3A_463 = arith.constant 0 : i32
    %scan3A_464 = arith.constant 128 : i32
    %scan3A_465 = arith.addi %scan3A_463, %scan3A_464 : i32
    %scan3A_466 = arith.constant 1 : i32
    %scan3A_467 = scf.for %scan3A_847 = %scan3A_463 to %scan3A_465 step %scan3A_466 iter_args(%scan3A_848 = %scan3A_462) -> (i32)  : i32 {
      %mul3A_849 = arith.constant 16 : i32
      %mul3A_850 = arith.muli %scan3A_847, %mul3A_849 : i32
      %get3A = arith.constant 0 : i32
      %get3A_851 = arith.index_cast %get3A : i32 to index
      %get3A_852 = arith.index_cast %mul3A_850 : i32 to index
      %get3A_853 = tpu.vector_load %arg8[%get3A_851, %get3A_852] {strides = array<i32>} : memref<7x2048xf32, #tpu.memory_space<vmem>>, vector<16xf32>,
      %broadcast_in_dim3A = arith.constant 0 : i32
      %broadcast_in_dim3A_854 = vector.broadcast %broadcast_in_dim3A : i32 to vector<16xi32>
      %get3A_855 = arith.constant 1 : i32
      %get3A_856 = arith.index_cast %get3A_855 : i32 to index
      %get3A_857 = arith.index_cast %mul3A_850 : i32 to index
      %get3A_858 = tpu.vector_load %arg8[%get3A_856, %get3A_857] {strides = array<i32>} : memref<7x2048xf32, #tpu.memory_space<vmem>>, vector<16xf32>,
      %gt3A = arith.cmpf ogt, %get3A_858, %get3A_853 : vector<16xf32>
      %select_n3A = arith.select %gt3A, %get3A_858, %get3A_853 : vector<16xi1>, vector<16xf32>
      %jit3A = arith.constant 1 : i32
      %broadcast_in_dim3A_859 = vector.broadcast %jit3A : i32 to vector<16xi32>
      %select_n3A_860 = arith.select %gt3A, %broadcast_in_dim3A_859, %broadcast_in_dim3A_854 : vector<16xi1>, vector<16xi32>
      %get3A_861 = arith.constant 2 : i32
      %get3A_862 = arith.index_cast %get3A_861 : i32 to index
      %get3A_863 = arith.index_cast %mul3A_850 : i32 to index
      %get3A_864 = tpu.vector_load %arg8[%get3A_862, %get3A_863] {strides = array<i32>} : memref<7x2048xf32, #tpu.memory_space<vmem>>, vector<16xf32>,
      %gt3A_865 = arith.cmpf ogt, %get3A_864, %select_n3A : vector<16xf32>
      %select_n3A_866 = arith.select %gt3A_865, %get3A_864, %select_n3A : vector<16xi1>, vector<16xf32>
      %jit3A_867 = arith.constant 2 : i32
      %broadcast_in_dim3A_868 = vector.broadcast %jit3A_867 : i32 to vector<16xi32>
      %select_n3A_869 = arith.select %gt3A_865, %broadcast_in_dim3A_868, %select_n3A_860 : vector<16xi1>, vector<16xi32>
      %get3A_870 = arith.constant 3 : i32
      %get3A_871 = arith.index_cast %get3A_870 : i32 to index
      %get3A_872 = arith.index_cast %mul3A_850 : i32 to index
      %get3A_873 = tpu.vector_load %arg8[%get3A_871, %get3A_872] {strides = array<i32>} : memref<7x2048xf32, #tpu.memory_space<vmem>>, vector<16xf32>,
      %gt3A_874 = arith.cmpf ogt, %get3A_873, %select_n3A_866 : vector<16xf32>
      %select_n3A_875 = arith.select %gt3A_874, %get3A_873, %select_n3A_866 : vector<16xi1>, vector<16xf32>
      %jit3A_876 = arith.constant 3 : i32
      %broadcast_in_dim3A_877 = vector.broadcast %jit3A_876 : i32 to vector<16xi32>
      %select_n3A_878 = arith.select %gt3A_874, %broadcast_in_dim3A_877, %select_n3A_869 : vector<16xi1>, vector<16xi32>
      %get3A_879 = arith.constant 4 : i32
      %get3A_880 = arith.index_cast %get3A_879 : i32 to index
      %get3A_881 = arith.index_cast %mul3A_850 : i32 to index
      %get3A_882 = tpu.vector_load %arg8[%get3A_880, %get3A_881] {strides = array<i32>} : memref<7x2048xf32, #tpu.memory_space<vmem>>, vector<16xf32>,
      %gt3A_883 = arith.cmpf ogt, %get3A_882, %select_n3A_875 : vector<16xf32>
      %select_n3A_884 = arith.select %gt3A_883, %get3A_882, %select_n3A_875 : vector<16xi1>, vector<16xf32>
      %jit3A_885 = arith.constant 4 : i32
      %broadcast_in_dim3A_886 = vector.broadcast %jit3A_885 : i32 to vector<16xi32>
      %select_n3A_887 = arith.select %gt3A_883, %broadcast_in_dim3A_886, %select_n3A_878 : vector<16xi1>, vector<16xi32>
      %get3A_888 = arith.constant 5 : i32
      %get3A_889 = arith.index_cast %get3A_888 : i32 to index
      %get3A_890 = arith.index_cast %mul3A_850 : i32 to index
      %get3A_891 = tpu.vector_load %arg8[%get3A_889, %get3A_890] {strides = array<i32>} : memref<7x2048xf32, #tpu.memory_space<vmem>>, vector<16xf32>,
      %gt3A_892 = arith.cmpf ogt, %get3A_891, %select_n3A_884 : vector<16xf32>
      %select_n3A_893 = arith.select %gt3A_892, %get3A_891, %select_n3A_884 : vector<16xi1>, vector<16xf32>
      %jit3A_894 = arith.constant 5 : i32
      %broadcast_in_dim3A_895 = vector.broadcast %jit3A_894 : i32 to vector<16xi32>
      %select_n3A_896 = arith.select %gt3A_892, %broadcast_in_dim3A_895, %select_n3A_887 : vector<16xi1>, vector<16xi32>
      %get3A_897 = arith.constant 6 : i32
      %get3A_898 = arith.index_cast %get3A_897 : i32 to index
      %get3A_899 = arith.index_cast %mul3A_850 : i32 to index
      %get3A_900 = tpu.vector_load %arg8[%get3A_898, %get3A_899] {strides = array<i32>} : memref<7x2048xf32, #tpu.memory_space<vmem>>, vector<16xf32>,
      %gt3A_901 = arith.cmpf ogt, %get3A_900, %select_n3A_893 : vector<16xf32>
      %select_n3A_902 = arith.select %gt3A_901, %get3A_900, %select_n3A_893 : vector<16xi1>, vector<16xf32>
      %jit3A_903 = arith.constant 6 : i32
      %broadcast_in_dim3A_904 = vector.broadcast %jit3A_903 : i32 to vector<16xi32>
      %select_n3A_905 = arith.select %gt3A_901, %broadcast_in_dim3A_904, %select_n3A_896 : vector<16xi1>, vector<16xi32>
      %get3A_906 = arith.index_cast %mul3A_850 : i32 to index
      %get3A_907 = tpu.vector_load %arg10[%get3A_906] {strides = array<i32>} : memref<2048xf32, #tpu.memory_space<vmem>>, vector<16xf32>,
      %get3A_908 = arith.index_cast %mul3A_850 : i32 to index
      %get3A_909 = tpu.vector_load %arg12[%get3A_908] {strides = array<i32>} : memref<2048xf32, #tpu.memory_space<vmem>>, vector<16xf32>,
      %get3A_910 = arith.index_cast %mul3A_850 : i32 to index
      %get3A_911 = tpu.vector_load %arg14[%get3A_910] {strides = array<i32>} : memref<2048xf32, #tpu.memory_space<vmem>>, vector<16xf32>,
      %sub3A = arith.subf %get3A_909, %get3A_911 : vector<16xf32>
      %abs3A = math.absf %sub3A : vector<16xf32>
      %gt3A_912 = arith.constant 2.500000e-01 : f32
      %gt3A_913 = vector.broadcast %gt3A_912 : f32 to vector<16xf32>
      %gt3A_914 = arith.cmpf ogt, %abs3A, %gt3A_913 : vector<16xf32>
      %gt3A_915 = arith.cmpf ogt, %get3A_909, %get3A_911 : vector<16xf32>
      %sub3A_916 = arith.constant 1.000000e+00 : f32
      %sub3A_917 = vector.broadcast %sub3A_916 : f32 to vector<16xf32>
      %sub3A_918 = arith.subf %sub3A_917, %get3A_909 : vector<16xf32>
      %sub3A_919 = arith.constant 1.000000e+00 : f32
      %sub3A_920 = vector.broadcast %sub3A_919 : f32 to vector<16xf32>
      %sub3A_921 = arith.subf %sub3A_920, %get3A_911 : vector<16xf32>
      %mul3A_922 = arith.constant 0.699999988 : f32
      %mul3A_923 = vector.broadcast %mul3A_922 : f32 to vector<16xf32>
      %mul3A_924 = arith.mulf %mul3A_923, %sub3A_921 : vector<16xf32>
      %max3A = arith.maximumf %sub3A_918, %mul3A_924 : vector<16xf32>
      %sub3A_925 = arith.constant 1.000000e+00 : f32
      %sub3A_926 = vector.broadcast %sub3A_925 : f32 to vector<16xf32>
      %sub3A_927 = arith.subf %sub3A_926, %get3A_911 : vector<16xf32>
      %sub3A_928 = arith.constant 1.000000e+00 : f32
      %sub3A_929 = vector.broadcast %sub3A_928 : f32 to vector<16xf32>
      %sub3A_930 = arith.subf %sub3A_929, %get3A_909 : vector<16xf32>
      %mul3A_931 = arith.constant 0.699999988 : f32
      %mul3A_932 = vector.broadcast %mul3A_931 : f32 to vector<16xf32>
      %mul3A_933 = arith.mulf %mul3A_932, %sub3A_930 : vector<16xf32>
      %max3A_934 = arith.maximumf %sub3A_927, %mul3A_933 : vector<16xf32>
      %select_n3A_935 = arith.select %gt3A_915, %max3A, %max3A_934 : vector<16xi1>, vector<16xf32>
      %select_n3A_936 = arith.select %gt3A_914, %select_n3A_935, %get3A_907 : vector<16xi1>, vector<16xf32>
      %mul3A_937 = arith.constant 0.699999988 : f32
      %mul3A_938 = vector.broadcast %mul3A_937 : f32 to vector<16xf32>
      %mul3A_939 = arith.mulf %mul3A_938, %select_n3A_936 : vector<16xf32>
      %sub3A_940 = arith.constant 1.000000e+00 : f32
      %sub3A_941 = vector.broadcast %sub3A_940 : f32 to vector<16xf32>
      %sub3A_942 = arith.subf %sub3A_941, %select_n3A_902 : vector<16xf32>
      %add3A_943 = arith.addf %mul3A_939, %sub3A_942 : vector<16xf32>
      %gt3A_944 = arith.constant 5.000000e-01 : f32
      %gt3A_945 = vector.broadcast %gt3A_944 : f32 to vector<16xf32>
      %gt3A_946 = arith.cmpf ogt, %add3A_943, %gt3A_945 : vector<16xf32>
      %jit3A_947 = arith.constant 7 : i32
      %broadcast_in_dim3A_948 = vector.broadcast %jit3A_947 : i32 to vector<16xi32>
      %select_n3A_949 = arith.select %gt3A_946, %broadcast_in_dim3A_948, %select_n3A_905 : vector<16xi1>, vector<16xi32>
      %swap3A = arith.index_cast %mul3A_850 : i32 to index
      %swap3A_950 = tpu.vector_load %arg16[%swap3A] {strides = array<i32>} : memref<2048xi32, #tpu.memory_space<vmem>>, vector<16xi32>,
      tpu.vector_store %arg16[%swap3A], %select_n3A_949 {strides = array<i32>} : memref<2048xi32, #tpu.memory_space<vmem>>, vector<16xi32>,
      %scan3A_951 = arith.constant 0 : i32
      scf.yield %scan3A_951 : i32
    }
    %scan3A_468 = arith.constant 128 : i32
    %add3A_469 = arith.constant 10240 : i32
    %add3A_470 = arith.addi %mul3A_2, %add3A_469 : i32
    %dma_start3A_471 = arith.constant 1 : i32
    %dma_start3A_472 = tpu.memref_slice %arg6[%add3A_470] : memref<720896xi32, #tpu.memory_space<hbm>> -> memref<2048xi32, #tpu.memory_space<hbm>>
    %dma_start3A_473 = tpu.memref_slice %arg18[%dma_start3A_471] : memref<2x!tpu.dma_semaphore, #tpu.memory_space<semaphore_mem>> -> memref<1x!tpu.dma_semaphore, #tpu.memory_space<semaphore_mem>>
    %dma_start3A_474 = tpu.memref_squeeze %dma_start3A_473 : memref<1x!tpu.dma_semaphore, #tpu.memory_space<semaphore_mem>> -> memref<!tpu.dma_semaphore, #tpu.memory_space<semaphore_mem>>
    %dma_start3A_475 = tpu.memref_slice %arg6[%add3A_470] : memref<720896xi32, #tpu.memory_space<hbm>> -> memref<2048xi32, #tpu.memory_space<hbm>>
    tpu.enqueue_dma source(%arg16 : memref<2048xi32, #tpu.memory_space<vmem>>) target(%dma_start3A_475 : memref<2048xi32, #tpu.memory_space<hbm>>) target_semaphore(%dma_start3A_474 : memref<!tpu.dma_semaphore, #tpu.memory_space<semaphore_mem>>)
    %add3A_476 = arith.constant 14336 : i32
    %add3A_477 = arith.addi %mul3A_2, %add3A_476 : i32
    %dma_start3A_478 = arith.constant 1 : i32
    %dma_start3A_479 = arith.constant 0 : i32
    %dma_start3A_480 = arith.constant 0 : i32
    %dma_start3A_481 = tpu.memref_slice %arg2[%dma_start3A_480, %add3A_477] : memref<7x1048576xf32, #tpu.memory_space<hbm>> -> memref<7x2048xf32, #tpu.memory_space<hbm>>
    %dma_start3A_482 = tpu.memref_slice %arg17[%dma_start3A_478, %dma_start3A_479] : memref<2x4x!tpu.dma_semaphore, #tpu.memory_space<semaphore_mem>> -> memref<1x1x!tpu.dma_semaphore, #tpu.memory_space<semaphore_mem>>
    %dma_start3A_483 = tpu.memref_squeeze %dma_start3A_482 : memref<1x1x!tpu.dma_semaphore, #tpu.memory_space<semaphore_mem>> -> memref<!tpu.dma_semaphore, #tpu.memory_space<semaphore_mem>>
    %dma_start3A_484 = arith.constant 0 : i32
    %dma_start3A_485 = tpu.memref_slice %arg2[%dma_start3A_484, %add3A_477] : memref<7x1048576xf32, #tpu.memory_space<hbm>> -> memref<7x2048xf32, #tpu.memory_space<hbm>>
    tpu.enqueue_dma source(%dma_start3A_485 : memref<7x2048xf32, #tpu.memory_space<hbm>>) target(%arg8 : memref<7x2048xf32, #tpu.memory_space<vmem>>) target_semaphore(%dma_start3A_483 : memref<!tpu.dma_semaphore, #tpu.memory_space<semaphore_mem>>)
    %dma_start3A_486 = arith.constant 1 : i32
    %dma_start3A_487 = arith.constant 1 : i32
    %dma_start3A_488 = tpu.memref_slice %arg3[%add3A_477] : memref<1048576xf32, #tpu.memory_space<hbm>> -> memref<2048xf32, #tpu.memory_space<hbm>>
    %dma_start3A_489 = tpu.memref_slice %arg17[%dma_start3A_486, %dma_start3A_487] : memref<2x4x!tpu.dma_semaphore, #tpu.memory_space<semaphore_mem>> -> memref<1x1x!tpu.dma_semaphore, #tpu.memory_space<semaphore_mem>>
    %dma_start3A_490 = tpu.memref_squeeze %dma_start3A_489 : memref<1x1x!tpu.dma_semaphore, #tpu.memory_space<semaphore_mem>> -> memref<!tpu.dma_semaphore, #tpu.memory_space<semaphore_mem>>
    %dma_start3A_491 = tpu.memref_slice %arg3[%add3A_477] : memref<1048576xf32, #tpu.memory_space<hbm>> -> memref<2048xf32, #tpu.memory_space<hbm>>
    tpu.enqueue_dma source(%dma_start3A_491 : memref<2048xf32, #tpu.memory_space<hbm>>) target(%arg10 : memref<2048xf32, #tpu.memory_space<vmem>>) target_semaphore(%dma_start3A_490 : memref<!tpu.dma_semaphore, #tpu.memory_space<semaphore_mem>>)
    %dma_start3A_492 = arith.constant 1 : i32
    %dma_start3A_493 = arith.constant 2 : i32
    %dma_start3A_494 = tpu.memref_slice %arg4[%add3A_477] : memref<1048576xf32, #tpu.memory_space<hbm>> -> memref<2048xf32, #tpu.memory_space<hbm>>
    %dma_start3A_495 = tpu.memref_slice %arg17[%dma_start3A_492, %dma_start3A_493] : memref<2x4x!tpu.dma_semaphore, #tpu.memory_space<semaphore_mem>> -> memref<1x1x!tpu.dma_semaphore, #tpu.memory_space<semaphore_mem>>
    %dma_start3A_496 = tpu.memref_squeeze %dma_start3A_495 : memref<1x1x!tpu.dma_semaphore, #tpu.memory_space<semaphore_mem>> -> memref<!tpu.dma_semaphore, #tpu.memory_space<semaphore_mem>>
    %dma_start3A_497 = tpu.memref_slice %arg4[%add3A_477] : memref<1048576xf32, #tpu.memory_space<hbm>> -> memref<2048xf32, #tpu.memory_space<hbm>>
    tpu.enqueue_dma source(%dma_start3A_497 : memref<2048xf32, #tpu.memory_space<hbm>>) target(%arg12 : memref<2048xf32, #tpu.memory_space<vmem>>) target_semaphore(%dma_start3A_496 : memref<!tpu.dma_semaphore, #tpu.memory_space<semaphore_mem>>)
    %dma_start3A_498 = arith.constant 1 : i32
    %dma_start3A_499 = arith.constant 3 : i32
    %dma_start3A_500 = tpu.memref_slice %arg5[%add3A_477] : memref<1048576xf32, #tpu.memory_space<hbm>> -> memref<2048xf32, #tpu.memory_space<hbm>>
    %dma_start3A_501 = tpu.memref_slice %arg17[%dma_start3A_498, %dma_start3A_499] : memref<2x4x!tpu.dma_semaphore, #tpu.memory_space<semaphore_mem>> -> memref<1x1x!tpu.dma_semaphore, #tpu.memory_space<semaphore_mem>>
    %dma_start3A_502 = tpu.memref_squeeze %dma_start3A_501 : memref<1x1x!tpu.dma_semaphore, #tpu.memory_space<semaphore_mem>> -> memref<!tpu.dma_semaphore, #tpu.memory_space<semaphore_mem>>
    %dma_start3A_503 = tpu.memref_slice %arg5[%add3A_477] : memref<1048576xf32, #tpu.memory_space<hbm>> -> memref<2048xf32, #tpu.memory_space<hbm>>
    tpu.enqueue_dma source(%dma_start3A_503 : memref<2048xf32, #tpu.memory_space<hbm>>) target(%arg14 : memref<2048xf32, #tpu.memory_space<vmem>>) target_semaphore(%dma_start3A_502 : memref<!tpu.dma_semaphore, #tpu.memory_space<semaphore_mem>>)
    %add3A_504 = arith.constant 12288 : i32
    %add3A_505 = arith.addi %mul3A_2, %add3A_504 : i32
    %dma_wait3A_506 = arith.constant 0 : i32
    %dma_wait3A_507 = arith.constant 0 : i32
    %dma_wait3A_508 = arith.constant 0 : i32
    %dma_wait3A_509 = tpu.memref_slice %arg2[%dma_wait3A_508, %add3A_505] : memref<7x1048576xf32, #tpu.memory_space<hbm>> -> memref<7x2048xf32, #tpu.memory_space<hbm>>
    %dma_wait3A_510 = tpu.memref_slice %arg17[%dma_wait3A_506, %dma_wait3A_507] : memref<2x4x!tpu.dma_semaphore, #tpu.memory_space<semaphore_mem>> -> memref<1x1x!tpu.dma_semaphore, #tpu.memory_space<semaphore_mem>>
    %dma_wait3A_511 = tpu.memref_squeeze %dma_wait3A_510 : memref<1x1x!tpu.dma_semaphore, #tpu.memory_space<semaphore_mem>> -> memref<!tpu.dma_semaphore, #tpu.memory_space<semaphore_mem>>
    %dma_wait3A_512 = arith.constant 0 : i32
    %dma_wait3A_513 = tpu.memref_slice %arg2[%dma_wait3A_512, %add3A_505] : memref<7x1048576xf32, #tpu.memory_space<hbm>> -> memref<7x2048xf32, #tpu.memory_space<hbm>>
    tpu.wait_dma2 semaphore(%dma_wait3A_511 : memref<!tpu.dma_semaphore, #tpu.memory_space<semaphore_mem>>) src(%dma_wait3A_513 : memref<7x2048xf32, #tpu.memory_space<hbm>>) dst(%arg7 : memref<7x2048xf32, #tpu.memory_space<vmem>>)
    %dma_wait3A_514 = arith.constant 0 : i32
    %dma_wait3A_515 = arith.constant 1 : i32
    %dma_wait3A_516 = tpu.memref_slice %arg3[%add3A_505] : memref<1048576xf32, #tpu.memory_space<hbm>> -> memref<2048xf32, #tpu.memory_space<hbm>>
    %dma_wait3A_517 = tpu.memref_slice %arg17[%dma_wait3A_514, %dma_wait3A_515] : memref<2x4x!tpu.dma_semaphore, #tpu.memory_space<semaphore_mem>> -> memref<1x1x!tpu.dma_semaphore, #tpu.memory_space<semaphore_mem>>
    %dma_wait3A_518 = tpu.memref_squeeze %dma_wait3A_517 : memref<1x1x!tpu.dma_semaphore, #tpu.memory_space<semaphore_mem>> -> memref<!tpu.dma_semaphore, #tpu.memory_space<semaphore_mem>>
    %dma_wait3A_519 = tpu.memref_slice %arg3[%add3A_505] : memref<1048576xf32, #tpu.memory_space<hbm>> -> memref<2048xf32, #tpu.memory_space<hbm>>
    tpu.wait_dma2 semaphore(%dma_wait3A_518 : memref<!tpu.dma_semaphore, #tpu.memory_space<semaphore_mem>>) src(%dma_wait3A_519 : memref<2048xf32, #tpu.memory_space<hbm>>) dst(%arg9 : memref<2048xf32, #tpu.memory_space<vmem>>)
    %dma_wait3A_520 = arith.constant 0 : i32
    %dma_wait3A_521 = arith.constant 2 : i32
    %dma_wait3A_522 = tpu.memref_slice %arg4[%add3A_505] : memref<1048576xf32, #tpu.memory_space<hbm>> -> memref<2048xf32, #tpu.memory_space<hbm>>
    %dma_wait3A_523 = tpu.memref_slice %arg17[%dma_wait3A_520, %dma_wait3A_521] : memref<2x4x!tpu.dma_semaphore, #tpu.memory_space<semaphore_mem>> -> memref<1x1x!tpu.dma_semaphore, #tpu.memory_space<semaphore_mem>>
    %dma_wait3A_524 = tpu.memref_squeeze %dma_wait3A_523 : memref<1x1x!tpu.dma_semaphore, #tpu.memory_space<semaphore_mem>> -> memref<!tpu.dma_semaphore, #tpu.memory_space<semaphore_mem>>
    %dma_wait3A_525 = tpu.memref_slice %arg4[%add3A_505] : memref<1048576xf32, #tpu.memory_space<hbm>> -> memref<2048xf32, #tpu.memory_space<hbm>>
    tpu.wait_dma2 semaphore(%dma_wait3A_524 : memref<!tpu.dma_semaphore, #tpu.memory_space<semaphore_mem>>) src(%dma_wait3A_525 : memref<2048xf32, #tpu.memory_space<hbm>>) dst(%arg11 : memref<2048xf32, #tpu.memory_space<vmem>>)
    %dma_wait3A_526 = arith.constant 0 : i32
    %dma_wait3A_527 = arith.constant 3 : i32
    %dma_wait3A_528 = tpu.memref_slice %arg5[%add3A_505] : memref<1048576xf32, #tpu.memory_space<hbm>> -> memref<2048xf32, #tpu.memory_space<hbm>>
    %dma_wait3A_529 = tpu.memref_slice %arg17[%dma_wait3A_526, %dma_wait3A_527] : memref<2x4x!tpu.dma_semaphore, #tpu.memory_space<semaphore_mem>> -> memref<1x1x!tpu.dma_semaphore, #tpu.memory_space<semaphore_mem>>
    %dma_wait3A_530 = tpu.memref_squeeze %dma_wait3A_529 : memref<1x1x!tpu.dma_semaphore, #tpu.memory_space<semaphore_mem>> -> memref<!tpu.dma_semaphore, #tpu.memory_space<semaphore_mem>>
    %dma_wait3A_531 = tpu.memref_slice %arg5[%add3A_505] : memref<1048576xf32, #tpu.memory_space<hbm>> -> memref<2048xf32, #tpu.memory_space<hbm>>
    tpu.wait_dma2 semaphore(%dma_wait3A_530 : memref<!tpu.dma_semaphore, #tpu.memory_space<semaphore_mem>>) src(%dma_wait3A_531 : memref<2048xf32, #tpu.memory_space<hbm>>) dst(%arg13 : memref<2048xf32, #tpu.memory_space<vmem>>)
    %add3A_532 = arith.constant 8192 : i32
    %add3A_533 = arith.addi %mul3A_2, %add3A_532 : i32
    %dma_wait3A_534 = arith.constant 0 : i32
    %dma_wait3A_535 = tpu.memref_slice %arg6[%add3A_533] : memref<720896xi32, #tpu.memory_space<hbm>> -> memref<2048xi32, #tpu.memory_space<hbm>>
    %dma_wait3A_536 = tpu.memref_slice %arg18[%dma_wait3A_534] : memref<2x!tpu.dma_semaphore, #tpu.memory_space<semaphore_mem>> -> memref<1x!tpu.dma_semaphore, #tpu.memory_space<semaphore_mem>>
    %dma_wait3A_537 = tpu.memref_squeeze %dma_wait3A_536 : memref<1x!tpu.dma_semaphore, #tpu.memory_space<semaphore_mem>> -> memref<!tpu.dma_semaphore, #tpu.memory_space<semaphore_mem>>
    %dma_wait3A_538 = tpu.memref_slice %arg6[%add3A_533] : memref<720896xi32, #tpu.memory_space<hbm>> -> memref<2048xi32, #tpu.memory_space<hbm>>
    tpu.wait_dma2 semaphore(%dma_wait3A_537 : memref<!tpu.dma_semaphore, #tpu.memory_space<semaphore_mem>>) src(%arg15 : memref<2048xi32, #tpu.memory_space<vmem>>) dst(%dma_wait3A_538 : memref<2048xi32, #tpu.memory_space<hbm>>)
    %scan3A_539 = arith.constant 0 : i32
    %scan3A_540 = arith.constant 0 : i32
    %scan3A_541 = arith.constant 128 : i32
    %scan3A_542 = arith.addi %scan3A_540, %scan3A_541 : i32
    %scan3A_543 = arith.constant 1 : i32
    %scan3A_544 = scf.for %scan3A_847 = %scan3A_540 to %scan3A_542 step %scan3A_543 iter_args(%scan3A_848 = %scan3A_539) -> (i32)  : i32 {
      %mul3A_849 = arith.constant 16 : i32
      %mul3A_850 = arith.muli %scan3A_847, %mul3A_849 : i32
      %get3A = arith.constant 0 : i32
      %get3A_851 = arith.index_cast %get3A : i32 to index
      %get3A_852 = arith.index_cast %mul3A_850 : i32 to index
      %get3A_853 = tpu.vector_load %arg7[%get3A_851, %get3A_852] {strides = array<i32>} : memref<7x2048xf32, #tpu.memory_space<vmem>>, vector<16xf32>,
      %broadcast_in_dim3A = arith.constant 0 : i32
      %broadcast_in_dim3A_854 = vector.broadcast %broadcast_in_dim3A : i32 to vector<16xi32>
      %get3A_855 = arith.constant 1 : i32
      %get3A_856 = arith.index_cast %get3A_855 : i32 to index
      %get3A_857 = arith.index_cast %mul3A_850 : i32 to index
      %get3A_858 = tpu.vector_load %arg7[%get3A_856, %get3A_857] {strides = array<i32>} : memref<7x2048xf32, #tpu.memory_space<vmem>>, vector<16xf32>,
      %gt3A = arith.cmpf ogt, %get3A_858, %get3A_853 : vector<16xf32>
      %select_n3A = arith.select %gt3A, %get3A_858, %get3A_853 : vector<16xi1>, vector<16xf32>
      %jit3A = arith.constant 1 : i32
      %broadcast_in_dim3A_859 = vector.broadcast %jit3A : i32 to vector<16xi32>
      %select_n3A_860 = arith.select %gt3A, %broadcast_in_dim3A_859, %broadcast_in_dim3A_854 : vector<16xi1>, vector<16xi32>
      %get3A_861 = arith.constant 2 : i32
      %get3A_862 = arith.index_cast %get3A_861 : i32 to index
      %get3A_863 = arith.index_cast %mul3A_850 : i32 to index
      %get3A_864 = tpu.vector_load %arg7[%get3A_862, %get3A_863] {strides = array<i32>} : memref<7x2048xf32, #tpu.memory_space<vmem>>, vector<16xf32>,
      %gt3A_865 = arith.cmpf ogt, %get3A_864, %select_n3A : vector<16xf32>
      %select_n3A_866 = arith.select %gt3A_865, %get3A_864, %select_n3A : vector<16xi1>, vector<16xf32>
      %jit3A_867 = arith.constant 2 : i32
      %broadcast_in_dim3A_868 = vector.broadcast %jit3A_867 : i32 to vector<16xi32>
      %select_n3A_869 = arith.select %gt3A_865, %broadcast_in_dim3A_868, %select_n3A_860 : vector<16xi1>, vector<16xi32>
      %get3A_870 = arith.constant 3 : i32
      %get3A_871 = arith.index_cast %get3A_870 : i32 to index
      %get3A_872 = arith.index_cast %mul3A_850 : i32 to index
      %get3A_873 = tpu.vector_load %arg7[%get3A_871, %get3A_872] {strides = array<i32>} : memref<7x2048xf32, #tpu.memory_space<vmem>>, vector<16xf32>,
      %gt3A_874 = arith.cmpf ogt, %get3A_873, %select_n3A_866 : vector<16xf32>
      %select_n3A_875 = arith.select %gt3A_874, %get3A_873, %select_n3A_866 : vector<16xi1>, vector<16xf32>
      %jit3A_876 = arith.constant 3 : i32
      %broadcast_in_dim3A_877 = vector.broadcast %jit3A_876 : i32 to vector<16xi32>
      %select_n3A_878 = arith.select %gt3A_874, %broadcast_in_dim3A_877, %select_n3A_869 : vector<16xi1>, vector<16xi32>
      %get3A_879 = arith.constant 4 : i32
      %get3A_880 = arith.index_cast %get3A_879 : i32 to index
      %get3A_881 = arith.index_cast %mul3A_850 : i32 to index
      %get3A_882 = tpu.vector_load %arg7[%get3A_880, %get3A_881] {strides = array<i32>} : memref<7x2048xf32, #tpu.memory_space<vmem>>, vector<16xf32>,
      %gt3A_883 = arith.cmpf ogt, %get3A_882, %select_n3A_875 : vector<16xf32>
      %select_n3A_884 = arith.select %gt3A_883, %get3A_882, %select_n3A_875 : vector<16xi1>, vector<16xf32>
      %jit3A_885 = arith.constant 4 : i32
      %broadcast_in_dim3A_886 = vector.broadcast %jit3A_885 : i32 to vector<16xi32>
      %select_n3A_887 = arith.select %gt3A_883, %broadcast_in_dim3A_886, %select_n3A_878 : vector<16xi1>, vector<16xi32>
      %get3A_888 = arith.constant 5 : i32
      %get3A_889 = arith.index_cast %get3A_888 : i32 to index
      %get3A_890 = arith.index_cast %mul3A_850 : i32 to index
      %get3A_891 = tpu.vector_load %arg7[%get3A_889, %get3A_890] {strides = array<i32>} : memref<7x2048xf32, #tpu.memory_space<vmem>>, vector<16xf32>,
      %gt3A_892 = arith.cmpf ogt, %get3A_891, %select_n3A_884 : vector<16xf32>
      %select_n3A_893 = arith.select %gt3A_892, %get3A_891, %select_n3A_884 : vector<16xi1>, vector<16xf32>
      %jit3A_894 = arith.constant 5 : i32
      %broadcast_in_dim3A_895 = vector.broadcast %jit3A_894 : i32 to vector<16xi32>
      %select_n3A_896 = arith.select %gt3A_892, %broadcast_in_dim3A_895, %select_n3A_887 : vector<16xi1>, vector<16xi32>
      %get3A_897 = arith.constant 6 : i32
      %get3A_898 = arith.index_cast %get3A_897 : i32 to index
      %get3A_899 = arith.index_cast %mul3A_850 : i32 to index
      %get3A_900 = tpu.vector_load %arg7[%get3A_898, %get3A_899] {strides = array<i32>} : memref<7x2048xf32, #tpu.memory_space<vmem>>, vector<16xf32>,
      %gt3A_901 = arith.cmpf ogt, %get3A_900, %select_n3A_893 : vector<16xf32>
      %select_n3A_902 = arith.select %gt3A_901, %get3A_900, %select_n3A_893 : vector<16xi1>, vector<16xf32>
      %jit3A_903 = arith.constant 6 : i32
      %broadcast_in_dim3A_904 = vector.broadcast %jit3A_903 : i32 to vector<16xi32>
      %select_n3A_905 = arith.select %gt3A_901, %broadcast_in_dim3A_904, %select_n3A_896 : vector<16xi1>, vector<16xi32>
      %get3A_906 = arith.index_cast %mul3A_850 : i32 to index
      %get3A_907 = tpu.vector_load %arg9[%get3A_906] {strides = array<i32>} : memref<2048xf32, #tpu.memory_space<vmem>>, vector<16xf32>,
      %get3A_908 = arith.index_cast %mul3A_850 : i32 to index
      %get3A_909 = tpu.vector_load %arg11[%get3A_908] {strides = array<i32>} : memref<2048xf32, #tpu.memory_space<vmem>>, vector<16xf32>,
      %get3A_910 = arith.index_cast %mul3A_850 : i32 to index
      %get3A_911 = tpu.vector_load %arg13[%get3A_910] {strides = array<i32>} : memref<2048xf32, #tpu.memory_space<vmem>>, vector<16xf32>,
      %sub3A = arith.subf %get3A_909, %get3A_911 : vector<16xf32>
      %abs3A = math.absf %sub3A : vector<16xf32>
      %gt3A_912 = arith.constant 2.500000e-01 : f32
      %gt3A_913 = vector.broadcast %gt3A_912 : f32 to vector<16xf32>
      %gt3A_914 = arith.cmpf ogt, %abs3A, %gt3A_913 : vector<16xf32>
      %gt3A_915 = arith.cmpf ogt, %get3A_909, %get3A_911 : vector<16xf32>
      %sub3A_916 = arith.constant 1.000000e+00 : f32
      %sub3A_917 = vector.broadcast %sub3A_916 : f32 to vector<16xf32>
      %sub3A_918 = arith.subf %sub3A_917, %get3A_909 : vector<16xf32>
      %sub3A_919 = arith.constant 1.000000e+00 : f32
      %sub3A_920 = vector.broadcast %sub3A_919 : f32 to vector<16xf32>
      %sub3A_921 = arith.subf %sub3A_920, %get3A_911 : vector<16xf32>
      %mul3A_922 = arith.constant 0.699999988 : f32
      %mul3A_923 = vector.broadcast %mul3A_922 : f32 to vector<16xf32>
      %mul3A_924 = arith.mulf %mul3A_923, %sub3A_921 : vector<16xf32>
      %max3A = arith.maximumf %sub3A_918, %mul3A_924 : vector<16xf32>
      %sub3A_925 = arith.constant 1.000000e+00 : f32
      %sub3A_926 = vector.broadcast %sub3A_925 : f32 to vector<16xf32>
      %sub3A_927 = arith.subf %sub3A_926, %get3A_911 : vector<16xf32>
      %sub3A_928 = arith.constant 1.000000e+00 : f32
      %sub3A_929 = vector.broadcast %sub3A_928 : f32 to vector<16xf32>
      %sub3A_930 = arith.subf %sub3A_929, %get3A_909 : vector<16xf32>
      %mul3A_931 = arith.constant 0.699999988 : f32
      %mul3A_932 = vector.broadcast %mul3A_931 : f32 to vector<16xf32>
      %mul3A_933 = arith.mulf %mul3A_932, %sub3A_930 : vector<16xf32>
      %max3A_934 = arith.maximumf %sub3A_927, %mul3A_933 : vector<16xf32>
      %select_n3A_935 = arith.select %gt3A_915, %max3A, %max3A_934 : vector<16xi1>, vector<16xf32>
      %select_n3A_936 = arith.select %gt3A_914, %select_n3A_935, %get3A_907 : vector<16xi1>, vector<16xf32>
      %mul3A_937 = arith.constant 0.699999988 : f32
      %mul3A_938 = vector.broadcast %mul3A_937 : f32 to vector<16xf32>
      %mul3A_939 = arith.mulf %mul3A_938, %select_n3A_936 : vector<16xf32>
      %sub3A_940 = arith.constant 1.000000e+00 : f32
      %sub3A_941 = vector.broadcast %sub3A_940 : f32 to vector<16xf32>
      %sub3A_942 = arith.subf %sub3A_941, %select_n3A_902 : vector<16xf32>
      %add3A_943 = arith.addf %mul3A_939, %sub3A_942 : vector<16xf32>
      %gt3A_944 = arith.constant 5.000000e-01 : f32
      %gt3A_945 = vector.broadcast %gt3A_944 : f32 to vector<16xf32>
      %gt3A_946 = arith.cmpf ogt, %add3A_943, %gt3A_945 : vector<16xf32>
      %jit3A_947 = arith.constant 7 : i32
      %broadcast_in_dim3A_948 = vector.broadcast %jit3A_947 : i32 to vector<16xi32>
      %select_n3A_949 = arith.select %gt3A_946, %broadcast_in_dim3A_948, %select_n3A_905 : vector<16xi1>, vector<16xi32>
      %swap3A = arith.index_cast %mul3A_850 : i32 to index
      %swap3A_950 = tpu.vector_load %arg15[%swap3A] {strides = array<i32>} : memref<2048xi32, #tpu.memory_space<vmem>>, vector<16xi32>,
      tpu.vector_store %arg15[%swap3A], %select_n3A_949 {strides = array<i32>} : memref<2048xi32, #tpu.memory_space<vmem>>, vector<16xi32>,
      %scan3A_951 = arith.constant 0 : i32
      scf.yield %scan3A_951 : i32
    }
    %scan3A_545 = arith.constant 128 : i32
    %add3A_546 = arith.constant 12288 : i32
    %add3A_547 = arith.addi %mul3A_2, %add3A_546 : i32
    %dma_start3A_548 = arith.constant 0 : i32
    %dma_start3A_549 = tpu.memref_slice %arg6[%add3A_547] : memref<720896xi32, #tpu.memory_space<hbm>> -> memref<2048xi32, #tpu.memory_space<hbm>>
    %dma_start3A_550 = tpu.memref_slice %arg18[%dma_start3A_548] : memref<2x!tpu.dma_semaphore, #tpu.memory_space<semaphore_mem>> -> memref<1x!tpu.dma_semaphore, #tpu.memory_space<semaphore_mem>>
    %dma_start3A_551 = tpu.memref_squeeze %dma_start3A_550 : memref<1x!tpu.dma_semaphore, #tpu.memory_space<semaphore_mem>> -> memref<!tpu.dma_semaphore, #tpu.memory_space<semaphore_mem>>
    %dma_start3A_552 = tpu.memref_slice %arg6[%add3A_547] : memref<720896xi32, #tpu.memory_space<hbm>> -> memref<2048xi32, #tpu.memory_space<hbm>>
    tpu.enqueue_dma source(%arg15 : memref<2048xi32, #tpu.memory_space<vmem>>) target(%dma_start3A_552 : memref<2048xi32, #tpu.memory_space<hbm>>) target_semaphore(%dma_start3A_551 : memref<!tpu.dma_semaphore, #tpu.memory_space<semaphore_mem>>)
    %add3A_553 = arith.constant 16384 : i32
    %add3A_554 = arith.addi %mul3A_2, %add3A_553 : i32
    %dma_start3A_555 = arith.constant 0 : i32
    %dma_start3A_556 = arith.constant 0 : i32
    %dma_start3A_557 = arith.constant 0 : i32
    %dma_start3A_558 = tpu.memref_slice %arg2[%dma_start3A_557, %add3A_554] : memref<7x1048576xf32, #tpu.memory_space<hbm>> -> memref<7x2048xf32, #tpu.memory_space<hbm>>
    %dma_start3A_559 = tpu.memref_slice %arg17[%dma_start3A_555, %dma_start3A_556] : memref<2x4x!tpu.dma_semaphore, #tpu.memory_space<semaphore_mem>> -> memref<1x1x!tpu.dma_semaphore, #tpu.memory_space<semaphore_mem>>
    %dma_start3A_560 = tpu.memref_squeeze %dma_start3A_559 : memref<1x1x!tpu.dma_semaphore, #tpu.memory_space<semaphore_mem>> -> memref<!tpu.dma_semaphore, #tpu.memory_space<semaphore_mem>>
    %dma_start3A_561 = arith.constant 0 : i32
    %dma_start3A_562 = tpu.memref_slice %arg2[%dma_start3A_561, %add3A_554] : memref<7x1048576xf32, #tpu.memory_space<hbm>> -> memref<7x2048xf32, #tpu.memory_space<hbm>>
    tpu.enqueue_dma source(%dma_start3A_562 : memref<7x2048xf32, #tpu.memory_space<hbm>>) target(%arg7 : memref<7x2048xf32, #tpu.memory_space<vmem>>) target_semaphore(%dma_start3A_560 : memref<!tpu.dma_semaphore, #tpu.memory_space<semaphore_mem>>)
    %dma_start3A_563 = arith.constant 0 : i32
    %dma_start3A_564 = arith.constant 1 : i32
    %dma_start3A_565 = tpu.memref_slice %arg3[%add3A_554] : memref<1048576xf32, #tpu.memory_space<hbm>> -> memref<2048xf32, #tpu.memory_space<hbm>>
    %dma_start3A_566 = tpu.memref_slice %arg17[%dma_start3A_563, %dma_start3A_564] : memref<2x4x!tpu.dma_semaphore, #tpu.memory_space<semaphore_mem>> -> memref<1x1x!tpu.dma_semaphore, #tpu.memory_space<semaphore_mem>>
    %dma_start3A_567 = tpu.memref_squeeze %dma_start3A_566 : memref<1x1x!tpu.dma_semaphore, #tpu.memory_space<semaphore_mem>> -> memref<!tpu.dma_semaphore, #tpu.memory_space<semaphore_mem>>
    %dma_start3A_568 = tpu.memref_slice %arg3[%add3A_554] : memref<1048576xf32, #tpu.memory_space<hbm>> -> memref<2048xf32, #tpu.memory_space<hbm>>
    tpu.enqueue_dma source(%dma_start3A_568 : memref<2048xf32, #tpu.memory_space<hbm>>) target(%arg9 : memref<2048xf32, #tpu.memory_space<vmem>>) target_semaphore(%dma_start3A_567 : memref<!tpu.dma_semaphore, #tpu.memory_space<semaphore_mem>>)
    %dma_start3A_569 = arith.constant 0 : i32
    %dma_start3A_570 = arith.constant 2 : i32
    %dma_start3A_571 = tpu.memref_slice %arg4[%add3A_554] : memref<1048576xf32, #tpu.memory_space<hbm>> -> memref<2048xf32, #tpu.memory_space<hbm>>
    %dma_start3A_572 = tpu.memref_slice %arg17[%dma_start3A_569, %dma_start3A_570] : memref<2x4x!tpu.dma_semaphore, #tpu.memory_space<semaphore_mem>> -> memref<1x1x!tpu.dma_semaphore, #tpu.memory_space<semaphore_mem>>
    %dma_start3A_573 = tpu.memref_squeeze %dma_start3A_572 : memref<1x1x!tpu.dma_semaphore, #tpu.memory_space<semaphore_mem>> -> memref<!tpu.dma_semaphore, #tpu.memory_space<semaphore_mem>>
    %dma_start3A_574 = tpu.memref_slice %arg4[%add3A_554] : memref<1048576xf32, #tpu.memory_space<hbm>> -> memref<2048xf32, #tpu.memory_space<hbm>>
    tpu.enqueue_dma source(%dma_start3A_574 : memref<2048xf32, #tpu.memory_space<hbm>>) target(%arg11 : memref<2048xf32, #tpu.memory_space<vmem>>) target_semaphore(%dma_start3A_573 : memref<!tpu.dma_semaphore, #tpu.memory_space<semaphore_mem>>)
    %dma_start3A_575 = arith.constant 0 : i32
    %dma_start3A_576 = arith.constant 3 : i32
    %dma_start3A_577 = tpu.memref_slice %arg5[%add3A_554] : memref<1048576xf32, #tpu.memory_space<hbm>> -> memref<2048xf32, #tpu.memory_space<hbm>>
    %dma_start3A_578 = tpu.memref_slice %arg17[%dma_start3A_575, %dma_start3A_576] : memref<2x4x!tpu.dma_semaphore, #tpu.memory_space<semaphore_mem>> -> memref<1x1x!tpu.dma_semaphore, #tpu.memory_space<semaphore_mem>>
    %dma_start3A_579 = tpu.memref_squeeze %dma_start3A_578 : memref<1x1x!tpu.dma_semaphore, #tpu.memory_space<semaphore_mem>> -> memref<!tpu.dma_semaphore, #tpu.memory_space<semaphore_mem>>
    %dma_start3A_580 = tpu.memref_slice %arg5[%add3A_554] : memref<1048576xf32, #tpu.memory_space<hbm>> -> memref<2048xf32, #tpu.memory_space<hbm>>
    tpu.enqueue_dma source(%dma_start3A_580 : memref<2048xf32, #tpu.memory_space<hbm>>) target(%arg13 : memref<2048xf32, #tpu.memory_space<vmem>>) target_semaphore(%dma_start3A_579 : memref<!tpu.dma_semaphore, #tpu.memory_space<semaphore_mem>>)
    %add3A_581 = arith.constant 14336 : i32
    %add3A_582 = arith.addi %mul3A_2, %add3A_581 : i32
    %dma_wait3A_583 = arith.constant 1 : i32
    %dma_wait3A_584 = arith.constant 0 : i32
    %dma_wait3A_585 = arith.constant 0 : i32
    %dma_wait3A_586 = tpu.memref_slice %arg2[%dma_wait3A_585, %add3A_582] : memref<7x1048576xf32, #tpu.memory_space<hbm>> -> memref<7x2048xf32, #tpu.memory_space<hbm>>
    %dma_wait3A_587 = tpu.memref_slice %arg17[%dma_wait3A_583, %dma_wait3A_584] : memref<2x4x!tpu.dma_semaphore, #tpu.memory_space<semaphore_mem>> -> memref<1x1x!tpu.dma_semaphore, #tpu.memory_space<semaphore_mem>>
    %dma_wait3A_588 = tpu.memref_squeeze %dma_wait3A_587 : memref<1x1x!tpu.dma_semaphore, #tpu.memory_space<semaphore_mem>> -> memref<!tpu.dma_semaphore, #tpu.memory_space<semaphore_mem>>
    %dma_wait3A_589 = arith.constant 0 : i32
    %dma_wait3A_590 = tpu.memref_slice %arg2[%dma_wait3A_589, %add3A_582] : memref<7x1048576xf32, #tpu.memory_space<hbm>> -> memref<7x2048xf32, #tpu.memory_space<hbm>>
    tpu.wait_dma2 semaphore(%dma_wait3A_588 : memref<!tpu.dma_semaphore, #tpu.memory_space<semaphore_mem>>) src(%dma_wait3A_590 : memref<7x2048xf32, #tpu.memory_space<hbm>>) dst(%arg8 : memref<7x2048xf32, #tpu.memory_space<vmem>>)
    %dma_wait3A_591 = arith.constant 1 : i32
    %dma_wait3A_592 = arith.constant 1 : i32
    %dma_wait3A_593 = tpu.memref_slice %arg3[%add3A_582] : memref<1048576xf32, #tpu.memory_space<hbm>> -> memref<2048xf32, #tpu.memory_space<hbm>>
    %dma_wait3A_594 = tpu.memref_slice %arg17[%dma_wait3A_591, %dma_wait3A_592] : memref<2x4x!tpu.dma_semaphore, #tpu.memory_space<semaphore_mem>> -> memref<1x1x!tpu.dma_semaphore, #tpu.memory_space<semaphore_mem>>
    %dma_wait3A_595 = tpu.memref_squeeze %dma_wait3A_594 : memref<1x1x!tpu.dma_semaphore, #tpu.memory_space<semaphore_mem>> -> memref<!tpu.dma_semaphore, #tpu.memory_space<semaphore_mem>>
    %dma_wait3A_596 = tpu.memref_slice %arg3[%add3A_582] : memref<1048576xf32, #tpu.memory_space<hbm>> -> memref<2048xf32, #tpu.memory_space<hbm>>
    tpu.wait_dma2 semaphore(%dma_wait3A_595 : memref<!tpu.dma_semaphore, #tpu.memory_space<semaphore_mem>>) src(%dma_wait3A_596 : memref<2048xf32, #tpu.memory_space<hbm>>) dst(%arg10 : memref<2048xf32, #tpu.memory_space<vmem>>)
    %dma_wait3A_597 = arith.constant 1 : i32
    %dma_wait3A_598 = arith.constant 2 : i32
    %dma_wait3A_599 = tpu.memref_slice %arg4[%add3A_582] : memref<1048576xf32, #tpu.memory_space<hbm>> -> memref<2048xf32, #tpu.memory_space<hbm>>
    %dma_wait3A_600 = tpu.memref_slice %arg17[%dma_wait3A_597, %dma_wait3A_598] : memref<2x4x!tpu.dma_semaphore, #tpu.memory_space<semaphore_mem>> -> memref<1x1x!tpu.dma_semaphore, #tpu.memory_space<semaphore_mem>>
    %dma_wait3A_601 = tpu.memref_squeeze %dma_wait3A_600 : memref<1x1x!tpu.dma_semaphore, #tpu.memory_space<semaphore_mem>> -> memref<!tpu.dma_semaphore, #tpu.memory_space<semaphore_mem>>
    %dma_wait3A_602 = tpu.memref_slice %arg4[%add3A_582] : memref<1048576xf32, #tpu.memory_space<hbm>> -> memref<2048xf32, #tpu.memory_space<hbm>>
    tpu.wait_dma2 semaphore(%dma_wait3A_601 : memref<!tpu.dma_semaphore, #tpu.memory_space<semaphore_mem>>) src(%dma_wait3A_602 : memref<2048xf32, #tpu.memory_space<hbm>>) dst(%arg12 : memref<2048xf32, #tpu.memory_space<vmem>>)
    %dma_wait3A_603 = arith.constant 1 : i32
    %dma_wait3A_604 = arith.constant 3 : i32
    %dma_wait3A_605 = tpu.memref_slice %arg5[%add3A_582] : memref<1048576xf32, #tpu.memory_space<hbm>> -> memref<2048xf32, #tpu.memory_space<hbm>>
    %dma_wait3A_606 = tpu.memref_slice %arg17[%dma_wait3A_603, %dma_wait3A_604] : memref<2x4x!tpu.dma_semaphore, #tpu.memory_space<semaphore_mem>> -> memref<1x1x!tpu.dma_semaphore, #tpu.memory_space<semaphore_mem>>
    %dma_wait3A_607 = tpu.memref_squeeze %dma_wait3A_606 : memref<1x1x!tpu.dma_semaphore, #tpu.memory_space<semaphore_mem>> -> memref<!tpu.dma_semaphore, #tpu.memory_space<semaphore_mem>>
    %dma_wait3A_608 = tpu.memref_slice %arg5[%add3A_582] : memref<1048576xf32, #tpu.memory_space<hbm>> -> memref<2048xf32, #tpu.memory_space<hbm>>
    tpu.wait_dma2 semaphore(%dma_wait3A_607 : memref<!tpu.dma_semaphore, #tpu.memory_space<semaphore_mem>>) src(%dma_wait3A_608 : memref<2048xf32, #tpu.memory_space<hbm>>) dst(%arg14 : memref<2048xf32, #tpu.memory_space<vmem>>)
    %add3A_609 = arith.constant 10240 : i32
    %add3A_610 = arith.addi %mul3A_2, %add3A_609 : i32
    %dma_wait3A_611 = arith.constant 1 : i32
    %dma_wait3A_612 = tpu.memref_slice %arg6[%add3A_610] : memref<720896xi32, #tpu.memory_space<hbm>> -> memref<2048xi32, #tpu.memory_space<hbm>>
    %dma_wait3A_613 = tpu.memref_slice %arg18[%dma_wait3A_611] : memref<2x!tpu.dma_semaphore, #tpu.memory_space<semaphore_mem>> -> memref<1x!tpu.dma_semaphore, #tpu.memory_space<semaphore_mem>>
    %dma_wait3A_614 = tpu.memref_squeeze %dma_wait3A_613 : memref<1x!tpu.dma_semaphore, #tpu.memory_space<semaphore_mem>> -> memref<!tpu.dma_semaphore, #tpu.memory_space<semaphore_mem>>
    %dma_wait3A_615 = tpu.memref_slice %arg6[%add3A_610] : memref<720896xi32, #tpu.memory_space<hbm>> -> memref<2048xi32, #tpu.memory_space<hbm>>
    tpu.wait_dma2 semaphore(%dma_wait3A_614 : memref<!tpu.dma_semaphore, #tpu.memory_space<semaphore_mem>>) src(%arg16 : memref<2048xi32, #tpu.memory_space<vmem>>) dst(%dma_wait3A_615 : memref<2048xi32, #tpu.memory_space<hbm>>)
    %scan3A_616 = arith.constant 0 : i32
    %scan3A_617 = arith.constant 0 : i32
    %scan3A_618 = arith.constant 128 : i32
    %scan3A_619 = arith.addi %scan3A_617, %scan3A_618 : i32
    %scan3A_620 = arith.constant 1 : i32
    %scan3A_621 = scf.for %scan3A_847 = %scan3A_617 to %scan3A_619 step %scan3A_620 iter_args(%scan3A_848 = %scan3A_616) -> (i32)  : i32 {
      %mul3A_849 = arith.constant 16 : i32
      %mul3A_850 = arith.muli %scan3A_847, %mul3A_849 : i32
      %get3A = arith.constant 0 : i32
      %get3A_851 = arith.index_cast %get3A : i32 to index
      %get3A_852 = arith.index_cast %mul3A_850 : i32 to index
      %get3A_853 = tpu.vector_load %arg8[%get3A_851, %get3A_852] {strides = array<i32>} : memref<7x2048xf32, #tpu.memory_space<vmem>>, vector<16xf32>,
      %broadcast_in_dim3A = arith.constant 0 : i32
      %broadcast_in_dim3A_854 = vector.broadcast %broadcast_in_dim3A : i32 to vector<16xi32>
      %get3A_855 = arith.constant 1 : i32
      %get3A_856 = arith.index_cast %get3A_855 : i32 to index
      %get3A_857 = arith.index_cast %mul3A_850 : i32 to index
      %get3A_858 = tpu.vector_load %arg8[%get3A_856, %get3A_857] {strides = array<i32>} : memref<7x2048xf32, #tpu.memory_space<vmem>>, vector<16xf32>,
      %gt3A = arith.cmpf ogt, %get3A_858, %get3A_853 : vector<16xf32>
      %select_n3A = arith.select %gt3A, %get3A_858, %get3A_853 : vector<16xi1>, vector<16xf32>
      %jit3A = arith.constant 1 : i32
      %broadcast_in_dim3A_859 = vector.broadcast %jit3A : i32 to vector<16xi32>
      %select_n3A_860 = arith.select %gt3A, %broadcast_in_dim3A_859, %broadcast_in_dim3A_854 : vector<16xi1>, vector<16xi32>
      %get3A_861 = arith.constant 2 : i32
      %get3A_862 = arith.index_cast %get3A_861 : i32 to index
      %get3A_863 = arith.index_cast %mul3A_850 : i32 to index
      %get3A_864 = tpu.vector_load %arg8[%get3A_862, %get3A_863] {strides = array<i32>} : memref<7x2048xf32, #tpu.memory_space<vmem>>, vector<16xf32>,
      %gt3A_865 = arith.cmpf ogt, %get3A_864, %select_n3A : vector<16xf32>
      %select_n3A_866 = arith.select %gt3A_865, %get3A_864, %select_n3A : vector<16xi1>, vector<16xf32>
      %jit3A_867 = arith.constant 2 : i32
      %broadcast_in_dim3A_868 = vector.broadcast %jit3A_867 : i32 to vector<16xi32>
      %select_n3A_869 = arith.select %gt3A_865, %broadcast_in_dim3A_868, %select_n3A_860 : vector<16xi1>, vector<16xi32>
      %get3A_870 = arith.constant 3 : i32
      %get3A_871 = arith.index_cast %get3A_870 : i32 to index
      %get3A_872 = arith.index_cast %mul3A_850 : i32 to index
      %get3A_873 = tpu.vector_load %arg8[%get3A_871, %get3A_872] {strides = array<i32>} : memref<7x2048xf32, #tpu.memory_space<vmem>>, vector<16xf32>,
      %gt3A_874 = arith.cmpf ogt, %get3A_873, %select_n3A_866 : vector<16xf32>
      %select_n3A_875 = arith.select %gt3A_874, %get3A_873, %select_n3A_866 : vector<16xi1>, vector<16xf32>
      %jit3A_876 = arith.constant 3 : i32
      %broadcast_in_dim3A_877 = vector.broadcast %jit3A_876 : i32 to vector<16xi32>
      %select_n3A_878 = arith.select %gt3A_874, %broadcast_in_dim3A_877, %select_n3A_869 : vector<16xi1>, vector<16xi32>
      %get3A_879 = arith.constant 4 : i32
      %get3A_880 = arith.index_cast %get3A_879 : i32 to index
      %get3A_881 = arith.index_cast %mul3A_850 : i32 to index
      %get3A_882 = tpu.vector_load %arg8[%get3A_880, %get3A_881] {strides = array<i32>} : memref<7x2048xf32, #tpu.memory_space<vmem>>, vector<16xf32>,
      %gt3A_883 = arith.cmpf ogt, %get3A_882, %select_n3A_875 : vector<16xf32>
      %select_n3A_884 = arith.select %gt3A_883, %get3A_882, %select_n3A_875 : vector<16xi1>, vector<16xf32>
      %jit3A_885 = arith.constant 4 : i32
      %broadcast_in_dim3A_886 = vector.broadcast %jit3A_885 : i32 to vector<16xi32>
      %select_n3A_887 = arith.select %gt3A_883, %broadcast_in_dim3A_886, %select_n3A_878 : vector<16xi1>, vector<16xi32>
      %get3A_888 = arith.constant 5 : i32
      %get3A_889 = arith.index_cast %get3A_888 : i32 to index
      %get3A_890 = arith.index_cast %mul3A_850 : i32 to index
      %get3A_891 = tpu.vector_load %arg8[%get3A_889, %get3A_890] {strides = array<i32>} : memref<7x2048xf32, #tpu.memory_space<vmem>>, vector<16xf32>,
      %gt3A_892 = arith.cmpf ogt, %get3A_891, %select_n3A_884 : vector<16xf32>
      %select_n3A_893 = arith.select %gt3A_892, %get3A_891, %select_n3A_884 : vector<16xi1>, vector<16xf32>
      %jit3A_894 = arith.constant 5 : i32
      %broadcast_in_dim3A_895 = vector.broadcast %jit3A_894 : i32 to vector<16xi32>
      %select_n3A_896 = arith.select %gt3A_892, %broadcast_in_dim3A_895, %select_n3A_887 : vector<16xi1>, vector<16xi32>
      %get3A_897 = arith.constant 6 : i32
      %get3A_898 = arith.index_cast %get3A_897 : i32 to index
      %get3A_899 = arith.index_cast %mul3A_850 : i32 to index
      %get3A_900 = tpu.vector_load %arg8[%get3A_898, %get3A_899] {strides = array<i32>} : memref<7x2048xf32, #tpu.memory_space<vmem>>, vector<16xf32>,
      %gt3A_901 = arith.cmpf ogt, %get3A_900, %select_n3A_893 : vector<16xf32>
      %select_n3A_902 = arith.select %gt3A_901, %get3A_900, %select_n3A_893 : vector<16xi1>, vector<16xf32>
      %jit3A_903 = arith.constant 6 : i32
      %broadcast_in_dim3A_904 = vector.broadcast %jit3A_903 : i32 to vector<16xi32>
      %select_n3A_905 = arith.select %gt3A_901, %broadcast_in_dim3A_904, %select_n3A_896 : vector<16xi1>, vector<16xi32>
      %get3A_906 = arith.index_cast %mul3A_850 : i32 to index
      %get3A_907 = tpu.vector_load %arg10[%get3A_906] {strides = array<i32>} : memref<2048xf32, #tpu.memory_space<vmem>>, vector<16xf32>,
      %get3A_908 = arith.index_cast %mul3A_850 : i32 to index
      %get3A_909 = tpu.vector_load %arg12[%get3A_908] {strides = array<i32>} : memref<2048xf32, #tpu.memory_space<vmem>>, vector<16xf32>,
      %get3A_910 = arith.index_cast %mul3A_850 : i32 to index
      %get3A_911 = tpu.vector_load %arg14[%get3A_910] {strides = array<i32>} : memref<2048xf32, #tpu.memory_space<vmem>>, vector<16xf32>,
      %sub3A = arith.subf %get3A_909, %get3A_911 : vector<16xf32>
      %abs3A = math.absf %sub3A : vector<16xf32>
      %gt3A_912 = arith.constant 2.500000e-01 : f32
      %gt3A_913 = vector.broadcast %gt3A_912 : f32 to vector<16xf32>
      %gt3A_914 = arith.cmpf ogt, %abs3A, %gt3A_913 : vector<16xf32>
      %gt3A_915 = arith.cmpf ogt, %get3A_909, %get3A_911 : vector<16xf32>
      %sub3A_916 = arith.constant 1.000000e+00 : f32
      %sub3A_917 = vector.broadcast %sub3A_916 : f32 to vector<16xf32>
      %sub3A_918 = arith.subf %sub3A_917, %get3A_909 : vector<16xf32>
      %sub3A_919 = arith.constant 1.000000e+00 : f32
      %sub3A_920 = vector.broadcast %sub3A_919 : f32 to vector<16xf32>
      %sub3A_921 = arith.subf %sub3A_920, %get3A_911 : vector<16xf32>
      %mul3A_922 = arith.constant 0.699999988 : f32
      %mul3A_923 = vector.broadcast %mul3A_922 : f32 to vector<16xf32>
      %mul3A_924 = arith.mulf %mul3A_923, %sub3A_921 : vector<16xf32>
      %max3A = arith.maximumf %sub3A_918, %mul3A_924 : vector<16xf32>
      %sub3A_925 = arith.constant 1.000000e+00 : f32
      %sub3A_926 = vector.broadcast %sub3A_925 : f32 to vector<16xf32>
      %sub3A_927 = arith.subf %sub3A_926, %get3A_911 : vector<16xf32>
      %sub3A_928 = arith.constant 1.000000e+00 : f32
      %sub3A_929 = vector.broadcast %sub3A_928 : f32 to vector<16xf32>
      %sub3A_930 = arith.subf %sub3A_929, %get3A_909 : vector<16xf32>
      %mul3A_931 = arith.constant 0.699999988 : f32
      %mul3A_932 = vector.broadcast %mul3A_931 : f32 to vector<16xf32>
      %mul3A_933 = arith.mulf %mul3A_932, %sub3A_930 : vector<16xf32>
      %max3A_934 = arith.maximumf %sub3A_927, %mul3A_933 : vector<16xf32>
      %select_n3A_935 = arith.select %gt3A_915, %max3A, %max3A_934 : vector<16xi1>, vector<16xf32>
      %select_n3A_936 = arith.select %gt3A_914, %select_n3A_935, %get3A_907 : vector<16xi1>, vector<16xf32>
      %mul3A_937 = arith.constant 0.699999988 : f32
      %mul3A_938 = vector.broadcast %mul3A_937 : f32 to vector<16xf32>
      %mul3A_939 = arith.mulf %mul3A_938, %select_n3A_936 : vector<16xf32>
      %sub3A_940 = arith.constant 1.000000e+00 : f32
      %sub3A_941 = vector.broadcast %sub3A_940 : f32 to vector<16xf32>
      %sub3A_942 = arith.subf %sub3A_941, %select_n3A_902 : vector<16xf32>
      %add3A_943 = arith.addf %mul3A_939, %sub3A_942 : vector<16xf32>
      %gt3A_944 = arith.constant 5.000000e-01 : f32
      %gt3A_945 = vector.broadcast %gt3A_944 : f32 to vector<16xf32>
      %gt3A_946 = arith.cmpf ogt, %add3A_943, %gt3A_945 : vector<16xf32>
      %jit3A_947 = arith.constant 7 : i32
      %broadcast_in_dim3A_948 = vector.broadcast %jit3A_947 : i32 to vector<16xi32>
      %select_n3A_949 = arith.select %gt3A_946, %broadcast_in_dim3A_948, %select_n3A_905 : vector<16xi1>, vector<16xi32>
      %swap3A = arith.index_cast %mul3A_850 : i32 to index
      %swap3A_950 = tpu.vector_load %arg16[%swap3A] {strides = array<i32>} : memref<2048xi32, #tpu.memory_space<vmem>>, vector<16xi32>,
      tpu.vector_store %arg16[%swap3A], %select_n3A_949 {strides = array<i32>} : memref<2048xi32, #tpu.memory_space<vmem>>, vector<16xi32>,
      %scan3A_951 = arith.constant 0 : i32
      scf.yield %scan3A_951 : i32
    }
    %scan3A_622 = arith.constant 128 : i32
    %add3A_623 = arith.constant 14336 : i32
    %add3A_624 = arith.addi %mul3A_2, %add3A_623 : i32
    %dma_start3A_625 = arith.constant 1 : i32
    %dma_start3A_626 = tpu.memref_slice %arg6[%add3A_624] : memref<720896xi32, #tpu.memory_space<hbm>> -> memref<2048xi32, #tpu.memory_space<hbm>>
    %dma_start3A_627 = tpu.memref_slice %arg18[%dma_start3A_625] : memref<2x!tpu.dma_semaphore, #tpu.memory_space<semaphore_mem>> -> memref<1x!tpu.dma_semaphore, #tpu.memory_space<semaphore_mem>>
    %dma_start3A_628 = tpu.memref_squeeze %dma_start3A_627 : memref<1x!tpu.dma_semaphore, #tpu.memory_space<semaphore_mem>> -> memref<!tpu.dma_semaphore, #tpu.memory_space<semaphore_mem>>
    %dma_start3A_629 = tpu.memref_slice %arg6[%add3A_624] : memref<720896xi32, #tpu.memory_space<hbm>> -> memref<2048xi32, #tpu.memory_space<hbm>>
    tpu.enqueue_dma source(%arg16 : memref<2048xi32, #tpu.memory_space<vmem>>) target(%dma_start3A_629 : memref<2048xi32, #tpu.memory_space<hbm>>) target_semaphore(%dma_start3A_628 : memref<!tpu.dma_semaphore, #tpu.memory_space<semaphore_mem>>)
    %add3A_630 = arith.constant 18432 : i32
    %add3A_631 = arith.addi %mul3A_2, %add3A_630 : i32
    %dma_start3A_632 = arith.constant 1 : i32
    %dma_start3A_633 = arith.constant 0 : i32
    %dma_start3A_634 = arith.constant 0 : i32
    %dma_start3A_635 = tpu.memref_slice %arg2[%dma_start3A_634, %add3A_631] : memref<7x1048576xf32, #tpu.memory_space<hbm>> -> memref<7x2048xf32, #tpu.memory_space<hbm>>
    %dma_start3A_636 = tpu.memref_slice %arg17[%dma_start3A_632, %dma_start3A_633] : memref<2x4x!tpu.dma_semaphore, #tpu.memory_space<semaphore_mem>> -> memref<1x1x!tpu.dma_semaphore, #tpu.memory_space<semaphore_mem>>
    %dma_start3A_637 = tpu.memref_squeeze %dma_start3A_636 : memref<1x1x!tpu.dma_semaphore, #tpu.memory_space<semaphore_mem>> -> memref<!tpu.dma_semaphore, #tpu.memory_space<semaphore_mem>>
    %dma_start3A_638 = arith.constant 0 : i32
    %dma_start3A_639 = tpu.memref_slice %arg2[%dma_start3A_638, %add3A_631] : memref<7x1048576xf32, #tpu.memory_space<hbm>> -> memref<7x2048xf32, #tpu.memory_space<hbm>>
    tpu.enqueue_dma source(%dma_start3A_639 : memref<7x2048xf32, #tpu.memory_space<hbm>>) target(%arg8 : memref<7x2048xf32, #tpu.memory_space<vmem>>) target_semaphore(%dma_start3A_637 : memref<!tpu.dma_semaphore, #tpu.memory_space<semaphore_mem>>)
    %dma_start3A_640 = arith.constant 1 : i32
    %dma_start3A_641 = arith.constant 1 : i32
    %dma_start3A_642 = tpu.memref_slice %arg3[%add3A_631] : memref<1048576xf32, #tpu.memory_space<hbm>> -> memref<2048xf32, #tpu.memory_space<hbm>>
    %dma_start3A_643 = tpu.memref_slice %arg17[%dma_start3A_640, %dma_start3A_641] : memref<2x4x!tpu.dma_semaphore, #tpu.memory_space<semaphore_mem>> -> memref<1x1x!tpu.dma_semaphore, #tpu.memory_space<semaphore_mem>>
    %dma_start3A_644 = tpu.memref_squeeze %dma_start3A_643 : memref<1x1x!tpu.dma_semaphore, #tpu.memory_space<semaphore_mem>> -> memref<!tpu.dma_semaphore, #tpu.memory_space<semaphore_mem>>
    %dma_start3A_645 = tpu.memref_slice %arg3[%add3A_631] : memref<1048576xf32, #tpu.memory_space<hbm>> -> memref<2048xf32, #tpu.memory_space<hbm>>
    tpu.enqueue_dma source(%dma_start3A_645 : memref<2048xf32, #tpu.memory_space<hbm>>) target(%arg10 : memref<2048xf32, #tpu.memory_space<vmem>>) target_semaphore(%dma_start3A_644 : memref<!tpu.dma_semaphore, #tpu.memory_space<semaphore_mem>>)
    %dma_start3A_646 = arith.constant 1 : i32
    %dma_start3A_647 = arith.constant 2 : i32
    %dma_start3A_648 = tpu.memref_slice %arg4[%add3A_631] : memref<1048576xf32, #tpu.memory_space<hbm>> -> memref<2048xf32, #tpu.memory_space<hbm>>
    %dma_start3A_649 = tpu.memref_slice %arg17[%dma_start3A_646, %dma_start3A_647] : memref<2x4x!tpu.dma_semaphore, #tpu.memory_space<semaphore_mem>> -> memref<1x1x!tpu.dma_semaphore, #tpu.memory_space<semaphore_mem>>
    %dma_start3A_650 = tpu.memref_squeeze %dma_start3A_649 : memref<1x1x!tpu.dma_semaphore, #tpu.memory_space<semaphore_mem>> -> memref<!tpu.dma_semaphore, #tpu.memory_space<semaphore_mem>>
    %dma_start3A_651 = tpu.memref_slice %arg4[%add3A_631] : memref<1048576xf32, #tpu.memory_space<hbm>> -> memref<2048xf32, #tpu.memory_space<hbm>>
    tpu.enqueue_dma source(%dma_start3A_651 : memref<2048xf32, #tpu.memory_space<hbm>>) target(%arg12 : memref<2048xf32, #tpu.memory_space<vmem>>) target_semaphore(%dma_start3A_650 : memref<!tpu.dma_semaphore, #tpu.memory_space<semaphore_mem>>)
    %dma_start3A_652 = arith.constant 1 : i32
    %dma_start3A_653 = arith.constant 3 : i32
    %dma_start3A_654 = tpu.memref_slice %arg5[%add3A_631] : memref<1048576xf32, #tpu.memory_space<hbm>> -> memref<2048xf32, #tpu.memory_space<hbm>>
    %dma_start3A_655 = tpu.memref_slice %arg17[%dma_start3A_652, %dma_start3A_653] : memref<2x4x!tpu.dma_semaphore, #tpu.memory_space<semaphore_mem>> -> memref<1x1x!tpu.dma_semaphore, #tpu.memory_space<semaphore_mem>>
    %dma_start3A_656 = tpu.memref_squeeze %dma_start3A_655 : memref<1x1x!tpu.dma_semaphore, #tpu.memory_space<semaphore_mem>> -> memref<!tpu.dma_semaphore, #tpu.memory_space<semaphore_mem>>
    %dma_start3A_657 = tpu.memref_slice %arg5[%add3A_631] : memref<1048576xf32, #tpu.memory_space<hbm>> -> memref<2048xf32, #tpu.memory_space<hbm>>
    tpu.enqueue_dma source(%dma_start3A_657 : memref<2048xf32, #tpu.memory_space<hbm>>) target(%arg14 : memref<2048xf32, #tpu.memory_space<vmem>>) target_semaphore(%dma_start3A_656 : memref<!tpu.dma_semaphore, #tpu.memory_space<semaphore_mem>>)
    %add3A_658 = arith.constant 16384 : i32
    %add3A_659 = arith.addi %mul3A_2, %add3A_658 : i32
    %dma_wait3A_660 = arith.constant 0 : i32
    %dma_wait3A_661 = arith.constant 0 : i32
    %dma_wait3A_662 = arith.constant 0 : i32
    %dma_wait3A_663 = tpu.memref_slice %arg2[%dma_wait3A_662, %add3A_659] : memref<7x1048576xf32, #tpu.memory_space<hbm>> -> memref<7x2048xf32, #tpu.memory_space<hbm>>
    %dma_wait3A_664 = tpu.memref_slice %arg17[%dma_wait3A_660, %dma_wait3A_661] : memref<2x4x!tpu.dma_semaphore, #tpu.memory_space<semaphore_mem>> -> memref<1x1x!tpu.dma_semaphore, #tpu.memory_space<semaphore_mem>>
    %dma_wait3A_665 = tpu.memref_squeeze %dma_wait3A_664 : memref<1x1x!tpu.dma_semaphore, #tpu.memory_space<semaphore_mem>> -> memref<!tpu.dma_semaphore, #tpu.memory_space<semaphore_mem>>
    %dma_wait3A_666 = arith.constant 0 : i32
    %dma_wait3A_667 = tpu.memref_slice %arg2[%dma_wait3A_666, %add3A_659] : memref<7x1048576xf32, #tpu.memory_space<hbm>> -> memref<7x2048xf32, #tpu.memory_space<hbm>>
    tpu.wait_dma2 semaphore(%dma_wait3A_665 : memref<!tpu.dma_semaphore, #tpu.memory_space<semaphore_mem>>) src(%dma_wait3A_667 : memref<7x2048xf32, #tpu.memory_space<hbm>>) dst(%arg7 : memref<7x2048xf32, #tpu.memory_space<vmem>>)
    %dma_wait3A_668 = arith.constant 0 : i32
    %dma_wait3A_669 = arith.constant 1 : i32
    %dma_wait3A_670 = tpu.memref_slice %arg3[%add3A_659] : memref<1048576xf32, #tpu.memory_space<hbm>> -> memref<2048xf32, #tpu.memory_space<hbm>>
    %dma_wait3A_671 = tpu.memref_slice %arg17[%dma_wait3A_668, %dma_wait3A_669] : memref<2x4x!tpu.dma_semaphore, #tpu.memory_space<semaphore_mem>> -> memref<1x1x!tpu.dma_semaphore, #tpu.memory_space<semaphore_mem>>
    %dma_wait3A_672 = tpu.memref_squeeze %dma_wait3A_671 : memref<1x1x!tpu.dma_semaphore, #tpu.memory_space<semaphore_mem>> -> memref<!tpu.dma_semaphore, #tpu.memory_space<semaphore_mem>>
    %dma_wait3A_673 = tpu.memref_slice %arg3[%add3A_659] : memref<1048576xf32, #tpu.memory_space<hbm>> -> memref<2048xf32, #tpu.memory_space<hbm>>
    tpu.wait_dma2 semaphore(%dma_wait3A_672 : memref<!tpu.dma_semaphore, #tpu.memory_space<semaphore_mem>>) src(%dma_wait3A_673 : memref<2048xf32, #tpu.memory_space<hbm>>) dst(%arg9 : memref<2048xf32, #tpu.memory_space<vmem>>)
    %dma_wait3A_674 = arith.constant 0 : i32
    %dma_wait3A_675 = arith.constant 2 : i32
    %dma_wait3A_676 = tpu.memref_slice %arg4[%add3A_659] : memref<1048576xf32, #tpu.memory_space<hbm>> -> memref<2048xf32, #tpu.memory_space<hbm>>
    %dma_wait3A_677 = tpu.memref_slice %arg17[%dma_wait3A_674, %dma_wait3A_675] : memref<2x4x!tpu.dma_semaphore, #tpu.memory_space<semaphore_mem>> -> memref<1x1x!tpu.dma_semaphore, #tpu.memory_space<semaphore_mem>>
    %dma_wait3A_678 = tpu.memref_squeeze %dma_wait3A_677 : memref<1x1x!tpu.dma_semaphore, #tpu.memory_space<semaphore_mem>> -> memref<!tpu.dma_semaphore, #tpu.memory_space<semaphore_mem>>
    %dma_wait3A_679 = tpu.memref_slice %arg4[%add3A_659] : memref<1048576xf32, #tpu.memory_space<hbm>> -> memref<2048xf32, #tpu.memory_space<hbm>>
    tpu.wait_dma2 semaphore(%dma_wait3A_678 : memref<!tpu.dma_semaphore, #tpu.memory_space<semaphore_mem>>) src(%dma_wait3A_679 : memref<2048xf32, #tpu.memory_space<hbm>>) dst(%arg11 : memref<2048xf32, #tpu.memory_space<vmem>>)
    %dma_wait3A_680 = arith.constant 0 : i32
    %dma_wait3A_681 = arith.constant 3 : i32
    %dma_wait3A_682 = tpu.memref_slice %arg5[%add3A_659] : memref<1048576xf32, #tpu.memory_space<hbm>> -> memref<2048xf32, #tpu.memory_space<hbm>>
    %dma_wait3A_683 = tpu.memref_slice %arg17[%dma_wait3A_680, %dma_wait3A_681] : memref<2x4x!tpu.dma_semaphore, #tpu.memory_space<semaphore_mem>> -> memref<1x1x!tpu.dma_semaphore, #tpu.memory_space<semaphore_mem>>
    %dma_wait3A_684 = tpu.memref_squeeze %dma_wait3A_683 : memref<1x1x!tpu.dma_semaphore, #tpu.memory_space<semaphore_mem>> -> memref<!tpu.dma_semaphore, #tpu.memory_space<semaphore_mem>>
    %dma_wait3A_685 = tpu.memref_slice %arg5[%add3A_659] : memref<1048576xf32, #tpu.memory_space<hbm>> -> memref<2048xf32, #tpu.memory_space<hbm>>
    tpu.wait_dma2 semaphore(%dma_wait3A_684 : memref<!tpu.dma_semaphore, #tpu.memory_space<semaphore_mem>>) src(%dma_wait3A_685 : memref<2048xf32, #tpu.memory_space<hbm>>) dst(%arg13 : memref<2048xf32, #tpu.memory_space<vmem>>)
    %add3A_686 = arith.constant 12288 : i32
    %add3A_687 = arith.addi %mul3A_2, %add3A_686 : i32
    %dma_wait3A_688 = arith.constant 0 : i32
    %dma_wait3A_689 = tpu.memref_slice %arg6[%add3A_687] : memref<720896xi32, #tpu.memory_space<hbm>> -> memref<2048xi32, #tpu.memory_space<hbm>>
    %dma_wait3A_690 = tpu.memref_slice %arg18[%dma_wait3A_688] : memref<2x!tpu.dma_semaphore, #tpu.memory_space<semaphore_mem>> -> memref<1x!tpu.dma_semaphore, #tpu.memory_space<semaphore_mem>>
    %dma_wait3A_691 = tpu.memref_squeeze %dma_wait3A_690 : memref<1x!tpu.dma_semaphore, #tpu.memory_space<semaphore_mem>> -> memref<!tpu.dma_semaphore, #tpu.memory_space<semaphore_mem>>
    %dma_wait3A_692 = tpu.memref_slice %arg6[%add3A_687] : memref<720896xi32, #tpu.memory_space<hbm>> -> memref<2048xi32, #tpu.memory_space<hbm>>
    tpu.wait_dma2 semaphore(%dma_wait3A_691 : memref<!tpu.dma_semaphore, #tpu.memory_space<semaphore_mem>>) src(%arg15 : memref<2048xi32, #tpu.memory_space<vmem>>) dst(%dma_wait3A_692 : memref<2048xi32, #tpu.memory_space<hbm>>)
    %scan3A_693 = arith.constant 0 : i32
    %scan3A_694 = arith.constant 0 : i32
    %scan3A_695 = arith.constant 128 : i32
    %scan3A_696 = arith.addi %scan3A_694, %scan3A_695 : i32
    %scan3A_697 = arith.constant 1 : i32
    %scan3A_698 = scf.for %scan3A_847 = %scan3A_694 to %scan3A_696 step %scan3A_697 iter_args(%scan3A_848 = %scan3A_693) -> (i32)  : i32 {
      %mul3A_849 = arith.constant 16 : i32
      %mul3A_850 = arith.muli %scan3A_847, %mul3A_849 : i32
      %get3A = arith.constant 0 : i32
      %get3A_851 = arith.index_cast %get3A : i32 to index
      %get3A_852 = arith.index_cast %mul3A_850 : i32 to index
      %get3A_853 = tpu.vector_load %arg7[%get3A_851, %get3A_852] {strides = array<i32>} : memref<7x2048xf32, #tpu.memory_space<vmem>>, vector<16xf32>,
      %broadcast_in_dim3A = arith.constant 0 : i32
      %broadcast_in_dim3A_854 = vector.broadcast %broadcast_in_dim3A : i32 to vector<16xi32>
      %get3A_855 = arith.constant 1 : i32
      %get3A_856 = arith.index_cast %get3A_855 : i32 to index
      %get3A_857 = arith.index_cast %mul3A_850 : i32 to index
      %get3A_858 = tpu.vector_load %arg7[%get3A_856, %get3A_857] {strides = array<i32>} : memref<7x2048xf32, #tpu.memory_space<vmem>>, vector<16xf32>,
      %gt3A = arith.cmpf ogt, %get3A_858, %get3A_853 : vector<16xf32>
      %select_n3A = arith.select %gt3A, %get3A_858, %get3A_853 : vector<16xi1>, vector<16xf32>
      %jit3A = arith.constant 1 : i32
      %broadcast_in_dim3A_859 = vector.broadcast %jit3A : i32 to vector<16xi32>
      %select_n3A_860 = arith.select %gt3A, %broadcast_in_dim3A_859, %broadcast_in_dim3A_854 : vector<16xi1>, vector<16xi32>
      %get3A_861 = arith.constant 2 : i32
      %get3A_862 = arith.index_cast %get3A_861 : i32 to index
      %get3A_863 = arith.index_cast %mul3A_850 : i32 to index
      %get3A_864 = tpu.vector_load %arg7[%get3A_862, %get3A_863] {strides = array<i32>} : memref<7x2048xf32, #tpu.memory_space<vmem>>, vector<16xf32>,
      %gt3A_865 = arith.cmpf ogt, %get3A_864, %select_n3A : vector<16xf32>
      %select_n3A_866 = arith.select %gt3A_865, %get3A_864, %select_n3A : vector<16xi1>, vector<16xf32>
      %jit3A_867 = arith.constant 2 : i32
      %broadcast_in_dim3A_868 = vector.broadcast %jit3A_867 : i32 to vector<16xi32>
      %select_n3A_869 = arith.select %gt3A_865, %broadcast_in_dim3A_868, %select_n3A_860 : vector<16xi1>, vector<16xi32>
      %get3A_870 = arith.constant 3 : i32
      %get3A_871 = arith.index_cast %get3A_870 : i32 to index
      %get3A_872 = arith.index_cast %mul3A_850 : i32 to index
      %get3A_873 = tpu.vector_load %arg7[%get3A_871, %get3A_872] {strides = array<i32>} : memref<7x2048xf32, #tpu.memory_space<vmem>>, vector<16xf32>,
      %gt3A_874 = arith.cmpf ogt, %get3A_873, %select_n3A_866 : vector<16xf32>
      %select_n3A_875 = arith.select %gt3A_874, %get3A_873, %select_n3A_866 : vector<16xi1>, vector<16xf32>
      %jit3A_876 = arith.constant 3 : i32
      %broadcast_in_dim3A_877 = vector.broadcast %jit3A_876 : i32 to vector<16xi32>
      %select_n3A_878 = arith.select %gt3A_874, %broadcast_in_dim3A_877, %select_n3A_869 : vector<16xi1>, vector<16xi32>
      %get3A_879 = arith.constant 4 : i32
      %get3A_880 = arith.index_cast %get3A_879 : i32 to index
      %get3A_881 = arith.index_cast %mul3A_850 : i32 to index
      %get3A_882 = tpu.vector_load %arg7[%get3A_880, %get3A_881] {strides = array<i32>} : memref<7x2048xf32, #tpu.memory_space<vmem>>, vector<16xf32>,
      %gt3A_883 = arith.cmpf ogt, %get3A_882, %select_n3A_875 : vector<16xf32>
      %select_n3A_884 = arith.select %gt3A_883, %get3A_882, %select_n3A_875 : vector<16xi1>, vector<16xf32>
      %jit3A_885 = arith.constant 4 : i32
      %broadcast_in_dim3A_886 = vector.broadcast %jit3A_885 : i32 to vector<16xi32>
      %select_n3A_887 = arith.select %gt3A_883, %broadcast_in_dim3A_886, %select_n3A_878 : vector<16xi1>, vector<16xi32>
      %get3A_888 = arith.constant 5 : i32
      %get3A_889 = arith.index_cast %get3A_888 : i32 to index
      %get3A_890 = arith.index_cast %mul3A_850 : i32 to index
      %get3A_891 = tpu.vector_load %arg7[%get3A_889, %get3A_890] {strides = array<i32>} : memref<7x2048xf32, #tpu.memory_space<vmem>>, vector<16xf32>,
      %gt3A_892 = arith.cmpf ogt, %get3A_891, %select_n3A_884 : vector<16xf32>
      %select_n3A_893 = arith.select %gt3A_892, %get3A_891, %select_n3A_884 : vector<16xi1>, vector<16xf32>
      %jit3A_894 = arith.constant 5 : i32
      %broadcast_in_dim3A_895 = vector.broadcast %jit3A_894 : i32 to vector<16xi32>
      %select_n3A_896 = arith.select %gt3A_892, %broadcast_in_dim3A_895, %select_n3A_887 : vector<16xi1>, vector<16xi32>
      %get3A_897 = arith.constant 6 : i32
      %get3A_898 = arith.index_cast %get3A_897 : i32 to index
      %get3A_899 = arith.index_cast %mul3A_850 : i32 to index
      %get3A_900 = tpu.vector_load %arg7[%get3A_898, %get3A_899] {strides = array<i32>} : memref<7x2048xf32, #tpu.memory_space<vmem>>, vector<16xf32>,
      %gt3A_901 = arith.cmpf ogt, %get3A_900, %select_n3A_893 : vector<16xf32>
      %select_n3A_902 = arith.select %gt3A_901, %get3A_900, %select_n3A_893 : vector<16xi1>, vector<16xf32>
      %jit3A_903 = arith.constant 6 : i32
      %broadcast_in_dim3A_904 = vector.broadcast %jit3A_903 : i32 to vector<16xi32>
      %select_n3A_905 = arith.select %gt3A_901, %broadcast_in_dim3A_904, %select_n3A_896 : vector<16xi1>, vector<16xi32>
      %get3A_906 = arith.index_cast %mul3A_850 : i32 to index
      %get3A_907 = tpu.vector_load %arg9[%get3A_906] {strides = array<i32>} : memref<2048xf32, #tpu.memory_space<vmem>>, vector<16xf32>,
      %get3A_908 = arith.index_cast %mul3A_850 : i32 to index
      %get3A_909 = tpu.vector_load %arg11[%get3A_908] {strides = array<i32>} : memref<2048xf32, #tpu.memory_space<vmem>>, vector<16xf32>,
      %get3A_910 = arith.index_cast %mul3A_850 : i32 to index
      %get3A_911 = tpu.vector_load %arg13[%get3A_910] {strides = array<i32>} : memref<2048xf32, #tpu.memory_space<vmem>>, vector<16xf32>,
      %sub3A = arith.subf %get3A_909, %get3A_911 : vector<16xf32>
      %abs3A = math.absf %sub3A : vector<16xf32>
      %gt3A_912 = arith.constant 2.500000e-01 : f32
      %gt3A_913 = vector.broadcast %gt3A_912 : f32 to vector<16xf32>
      %gt3A_914 = arith.cmpf ogt, %abs3A, %gt3A_913 : vector<16xf32>
      %gt3A_915 = arith.cmpf ogt, %get3A_909, %get3A_911 : vector<16xf32>
      %sub3A_916 = arith.constant 1.000000e+00 : f32
      %sub3A_917 = vector.broadcast %sub3A_916 : f32 to vector<16xf32>
      %sub3A_918 = arith.subf %sub3A_917, %get3A_909 : vector<16xf32>
      %sub3A_919 = arith.constant 1.000000e+00 : f32
      %sub3A_920 = vector.broadcast %sub3A_919 : f32 to vector<16xf32>
      %sub3A_921 = arith.subf %sub3A_920, %get3A_911 : vector<16xf32>
      %mul3A_922 = arith.constant 0.699999988 : f32
      %mul3A_923 = vector.broadcast %mul3A_922 : f32 to vector<16xf32>
      %mul3A_924 = arith.mulf %mul3A_923, %sub3A_921 : vector<16xf32>
      %max3A = arith.maximumf %sub3A_918, %mul3A_924 : vector<16xf32>
      %sub3A_925 = arith.constant 1.000000e+00 : f32
      %sub3A_926 = vector.broadcast %sub3A_925 : f32 to vector<16xf32>
      %sub3A_927 = arith.subf %sub3A_926, %get3A_911 : vector<16xf32>
      %sub3A_928 = arith.constant 1.000000e+00 : f32
      %sub3A_929 = vector.broadcast %sub3A_928 : f32 to vector<16xf32>
      %sub3A_930 = arith.subf %sub3A_929, %get3A_909 : vector<16xf32>
      %mul3A_931 = arith.constant 0.699999988 : f32
      %mul3A_932 = vector.broadcast %mul3A_931 : f32 to vector<16xf32>
      %mul3A_933 = arith.mulf %mul3A_932, %sub3A_930 : vector<16xf32>
      %max3A_934 = arith.maximumf %sub3A_927, %mul3A_933 : vector<16xf32>
      %select_n3A_935 = arith.select %gt3A_915, %max3A, %max3A_934 : vector<16xi1>, vector<16xf32>
      %select_n3A_936 = arith.select %gt3A_914, %select_n3A_935, %get3A_907 : vector<16xi1>, vector<16xf32>
      %mul3A_937 = arith.constant 0.699999988 : f32
      %mul3A_938 = vector.broadcast %mul3A_937 : f32 to vector<16xf32>
      %mul3A_939 = arith.mulf %mul3A_938, %select_n3A_936 : vector<16xf32>
      %sub3A_940 = arith.constant 1.000000e+00 : f32
      %sub3A_941 = vector.broadcast %sub3A_940 : f32 to vector<16xf32>
      %sub3A_942 = arith.subf %sub3A_941, %select_n3A_902 : vector<16xf32>
      %add3A_943 = arith.addf %mul3A_939, %sub3A_942 : vector<16xf32>
      %gt3A_944 = arith.constant 5.000000e-01 : f32
      %gt3A_945 = vector.broadcast %gt3A_944 : f32 to vector<16xf32>
      %gt3A_946 = arith.cmpf ogt, %add3A_943, %gt3A_945 : vector<16xf32>
      %jit3A_947 = arith.constant 7 : i32
      %broadcast_in_dim3A_948 = vector.broadcast %jit3A_947 : i32 to vector<16xi32>
      %select_n3A_949 = arith.select %gt3A_946, %broadcast_in_dim3A_948, %select_n3A_905 : vector<16xi1>, vector<16xi32>
      %swap3A = arith.index_cast %mul3A_850 : i32 to index
      %swap3A_950 = tpu.vector_load %arg15[%swap3A] {strides = array<i32>} : memref<2048xi32, #tpu.memory_space<vmem>>, vector<16xi32>,
      tpu.vector_store %arg15[%swap3A], %select_n3A_949 {strides = array<i32>} : memref<2048xi32, #tpu.memory_space<vmem>>, vector<16xi32>,
      %scan3A_951 = arith.constant 0 : i32
      scf.yield %scan3A_951 : i32
    }
    %scan3A_699 = arith.constant 128 : i32
    %add3A_700 = arith.constant 16384 : i32
    %add3A_701 = arith.addi %mul3A_2, %add3A_700 : i32
    %dma_start3A_702 = arith.constant 0 : i32
    %dma_start3A_703 = tpu.memref_slice %arg6[%add3A_701] : memref<720896xi32, #tpu.memory_space<hbm>> -> memref<2048xi32, #tpu.memory_space<hbm>>
    %dma_start3A_704 = tpu.memref_slice %arg18[%dma_start3A_702] : memref<2x!tpu.dma_semaphore, #tpu.memory_space<semaphore_mem>> -> memref<1x!tpu.dma_semaphore, #tpu.memory_space<semaphore_mem>>
    %dma_start3A_705 = tpu.memref_squeeze %dma_start3A_704 : memref<1x!tpu.dma_semaphore, #tpu.memory_space<semaphore_mem>> -> memref<!tpu.dma_semaphore, #tpu.memory_space<semaphore_mem>>
    %dma_start3A_706 = tpu.memref_slice %arg6[%add3A_701] : memref<720896xi32, #tpu.memory_space<hbm>> -> memref<2048xi32, #tpu.memory_space<hbm>>
    tpu.enqueue_dma source(%arg15 : memref<2048xi32, #tpu.memory_space<vmem>>) target(%dma_start3A_706 : memref<2048xi32, #tpu.memory_space<hbm>>) target_semaphore(%dma_start3A_705 : memref<!tpu.dma_semaphore, #tpu.memory_space<semaphore_mem>>)
    %add3A_707 = arith.constant 20480 : i32
    %add3A_708 = arith.addi %mul3A_2, %add3A_707 : i32
    %dma_start3A_709 = arith.constant 0 : i32
    %dma_start3A_710 = arith.constant 0 : i32
    %dma_start3A_711 = arith.constant 0 : i32
    %dma_start3A_712 = tpu.memref_slice %arg2[%dma_start3A_711, %add3A_708] : memref<7x1048576xf32, #tpu.memory_space<hbm>> -> memref<7x2048xf32, #tpu.memory_space<hbm>>
    %dma_start3A_713 = tpu.memref_slice %arg17[%dma_start3A_709, %dma_start3A_710] : memref<2x4x!tpu.dma_semaphore, #tpu.memory_space<semaphore_mem>> -> memref<1x1x!tpu.dma_semaphore, #tpu.memory_space<semaphore_mem>>
    %dma_start3A_714 = tpu.memref_squeeze %dma_start3A_713 : memref<1x1x!tpu.dma_semaphore, #tpu.memory_space<semaphore_mem>> -> memref<!tpu.dma_semaphore, #tpu.memory_space<semaphore_mem>>
    %dma_start3A_715 = arith.constant 0 : i32
    %dma_start3A_716 = tpu.memref_slice %arg2[%dma_start3A_715, %add3A_708] : memref<7x1048576xf32, #tpu.memory_space<hbm>> -> memref<7x2048xf32, #tpu.memory_space<hbm>>
    tpu.enqueue_dma source(%dma_start3A_716 : memref<7x2048xf32, #tpu.memory_space<hbm>>) target(%arg7 : memref<7x2048xf32, #tpu.memory_space<vmem>>) target_semaphore(%dma_start3A_714 : memref<!tpu.dma_semaphore, #tpu.memory_space<semaphore_mem>>)
    %dma_start3A_717 = arith.constant 0 : i32
    %dma_start3A_718 = arith.constant 1 : i32
    %dma_start3A_719 = tpu.memref_slice %arg3[%add3A_708] : memref<1048576xf32, #tpu.memory_space<hbm>> -> memref<2048xf32, #tpu.memory_space<hbm>>
    %dma_start3A_720 = tpu.memref_slice %arg17[%dma_start3A_717, %dma_start3A_718] : memref<2x4x!tpu.dma_semaphore, #tpu.memory_space<semaphore_mem>> -> memref<1x1x!tpu.dma_semaphore, #tpu.memory_space<semaphore_mem>>
    %dma_start3A_721 = tpu.memref_squeeze %dma_start3A_720 : memref<1x1x!tpu.dma_semaphore, #tpu.memory_space<semaphore_mem>> -> memref<!tpu.dma_semaphore, #tpu.memory_space<semaphore_mem>>
    %dma_start3A_722 = tpu.memref_slice %arg3[%add3A_708] : memref<1048576xf32, #tpu.memory_space<hbm>> -> memref<2048xf32, #tpu.memory_space<hbm>>
    tpu.enqueue_dma source(%dma_start3A_722 : memref<2048xf32, #tpu.memory_space<hbm>>) target(%arg9 : memref<2048xf32, #tpu.memory_space<vmem>>) target_semaphore(%dma_start3A_721 : memref<!tpu.dma_semaphore, #tpu.memory_space<semaphore_mem>>)
    %dma_start3A_723 = arith.constant 0 : i32
    %dma_start3A_724 = arith.constant 2 : i32
    %dma_start3A_725 = tpu.memref_slice %arg4[%add3A_708] : memref<1048576xf32, #tpu.memory_space<hbm>> -> memref<2048xf32, #tpu.memory_space<hbm>>
    %dma_start3A_726 = tpu.memref_slice %arg17[%dma_start3A_723, %dma_start3A_724] : memref<2x4x!tpu.dma_semaphore, #tpu.memory_space<semaphore_mem>> -> memref<1x1x!tpu.dma_semaphore, #tpu.memory_space<semaphore_mem>>
    %dma_start3A_727 = tpu.memref_squeeze %dma_start3A_726 : memref<1x1x!tpu.dma_semaphore, #tpu.memory_space<semaphore_mem>> -> memref<!tpu.dma_semaphore, #tpu.memory_space<semaphore_mem>>
    %dma_start3A_728 = tpu.memref_slice %arg4[%add3A_708] : memref<1048576xf32, #tpu.memory_space<hbm>> -> memref<2048xf32, #tpu.memory_space<hbm>>
    tpu.enqueue_dma source(%dma_start3A_728 : memref<2048xf32, #tpu.memory_space<hbm>>) target(%arg11 : memref<2048xf32, #tpu.memory_space<vmem>>) target_semaphore(%dma_start3A_727 : memref<!tpu.dma_semaphore, #tpu.memory_space<semaphore_mem>>)
    %dma_start3A_729 = arith.constant 0 : i32
    %dma_start3A_730 = arith.constant 3 : i32
    %dma_start3A_731 = tpu.memref_slice %arg5[%add3A_708] : memref<1048576xf32, #tpu.memory_space<hbm>> -> memref<2048xf32, #tpu.memory_space<hbm>>
    %dma_start3A_732 = tpu.memref_slice %arg17[%dma_start3A_729, %dma_start3A_730] : memref<2x4x!tpu.dma_semaphore, #tpu.memory_space<semaphore_mem>> -> memref<1x1x!tpu.dma_semaphore, #tpu.memory_space<semaphore_mem>>
    %dma_start3A_733 = tpu.memref_squeeze %dma_start3A_732 : memref<1x1x!tpu.dma_semaphore, #tpu.memory_space<semaphore_mem>> -> memref<!tpu.dma_semaphore, #tpu.memory_space<semaphore_mem>>
    %dma_start3A_734 = tpu.memref_slice %arg5[%add3A_708] : memref<1048576xf32, #tpu.memory_space<hbm>> -> memref<2048xf32, #tpu.memory_space<hbm>>
    tpu.enqueue_dma source(%dma_start3A_734 : memref<2048xf32, #tpu.memory_space<hbm>>) target(%arg13 : memref<2048xf32, #tpu.memory_space<vmem>>) target_semaphore(%dma_start3A_733 : memref<!tpu.dma_semaphore, #tpu.memory_space<semaphore_mem>>)
    %add3A_735 = arith.constant 18432 : i32
    %add3A_736 = arith.addi %mul3A_2, %add3A_735 : i32
    %dma_wait3A_737 = arith.constant 1 : i32
    %dma_wait3A_738 = arith.constant 0 : i32
    %dma_wait3A_739 = arith.constant 0 : i32
    %dma_wait3A_740 = tpu.memref_slice %arg2[%dma_wait3A_739, %add3A_736] : memref<7x1048576xf32, #tpu.memory_space<hbm>> -> memref<7x2048xf32, #tpu.memory_space<hbm>>
    %dma_wait3A_741 = tpu.memref_slice %arg17[%dma_wait3A_737, %dma_wait3A_738] : memref<2x4x!tpu.dma_semaphore, #tpu.memory_space<semaphore_mem>> -> memref<1x1x!tpu.dma_semaphore, #tpu.memory_space<semaphore_mem>>
    %dma_wait3A_742 = tpu.memref_squeeze %dma_wait3A_741 : memref<1x1x!tpu.dma_semaphore, #tpu.memory_space<semaphore_mem>> -> memref<!tpu.dma_semaphore, #tpu.memory_space<semaphore_mem>>
    %dma_wait3A_743 = arith.constant 0 : i32
    %dma_wait3A_744 = tpu.memref_slice %arg2[%dma_wait3A_743, %add3A_736] : memref<7x1048576xf32, #tpu.memory_space<hbm>> -> memref<7x2048xf32, #tpu.memory_space<hbm>>
    tpu.wait_dma2 semaphore(%dma_wait3A_742 : memref<!tpu.dma_semaphore, #tpu.memory_space<semaphore_mem>>) src(%dma_wait3A_744 : memref<7x2048xf32, #tpu.memory_space<hbm>>) dst(%arg8 : memref<7x2048xf32, #tpu.memory_space<vmem>>)
    %dma_wait3A_745 = arith.constant 1 : i32
    %dma_wait3A_746 = arith.constant 1 : i32
    %dma_wait3A_747 = tpu.memref_slice %arg3[%add3A_736] : memref<1048576xf32, #tpu.memory_space<hbm>> -> memref<2048xf32, #tpu.memory_space<hbm>>
    %dma_wait3A_748 = tpu.memref_slice %arg17[%dma_wait3A_745, %dma_wait3A_746] : memref<2x4x!tpu.dma_semaphore, #tpu.memory_space<semaphore_mem>> -> memref<1x1x!tpu.dma_semaphore, #tpu.memory_space<semaphore_mem>>
    %dma_wait3A_749 = tpu.memref_squeeze %dma_wait3A_748 : memref<1x1x!tpu.dma_semaphore, #tpu.memory_space<semaphore_mem>> -> memref<!tpu.dma_semaphore, #tpu.memory_space<semaphore_mem>>
    %dma_wait3A_750 = tpu.memref_slice %arg3[%add3A_736] : memref<1048576xf32, #tpu.memory_space<hbm>> -> memref<2048xf32, #tpu.memory_space<hbm>>
    tpu.wait_dma2 semaphore(%dma_wait3A_749 : memref<!tpu.dma_semaphore, #tpu.memory_space<semaphore_mem>>) src(%dma_wait3A_750 : memref<2048xf32, #tpu.memory_space<hbm>>) dst(%arg10 : memref<2048xf32, #tpu.memory_space<vmem>>)
    %dma_wait3A_751 = arith.constant 1 : i32
    %dma_wait3A_752 = arith.constant 2 : i32
    %dma_wait3A_753 = tpu.memref_slice %arg4[%add3A_736] : memref<1048576xf32, #tpu.memory_space<hbm>> -> memref<2048xf32, #tpu.memory_space<hbm>>
    %dma_wait3A_754 = tpu.memref_slice %arg17[%dma_wait3A_751, %dma_wait3A_752] : memref<2x4x!tpu.dma_semaphore, #tpu.memory_space<semaphore_mem>> -> memref<1x1x!tpu.dma_semaphore, #tpu.memory_space<semaphore_mem>>
    %dma_wait3A_755 = tpu.memref_squeeze %dma_wait3A_754 : memref<1x1x!tpu.dma_semaphore, #tpu.memory_space<semaphore_mem>> -> memref<!tpu.dma_semaphore, #tpu.memory_space<semaphore_mem>>
    %dma_wait3A_756 = tpu.memref_slice %arg4[%add3A_736] : memref<1048576xf32, #tpu.memory_space<hbm>> -> memref<2048xf32, #tpu.memory_space<hbm>>
    tpu.wait_dma2 semaphore(%dma_wait3A_755 : memref<!tpu.dma_semaphore, #tpu.memory_space<semaphore_mem>>) src(%dma_wait3A_756 : memref<2048xf32, #tpu.memory_space<hbm>>) dst(%arg12 : memref<2048xf32, #tpu.memory_space<vmem>>)
    %dma_wait3A_757 = arith.constant 1 : i32
    %dma_wait3A_758 = arith.constant 3 : i32
    %dma_wait3A_759 = tpu.memref_slice %arg5[%add3A_736] : memref<1048576xf32, #tpu.memory_space<hbm>> -> memref<2048xf32, #tpu.memory_space<hbm>>
    %dma_wait3A_760 = tpu.memref_slice %arg17[%dma_wait3A_757, %dma_wait3A_758] : memref<2x4x!tpu.dma_semaphore, #tpu.memory_space<semaphore_mem>> -> memref<1x1x!tpu.dma_semaphore, #tpu.memory_space<semaphore_mem>>
    %dma_wait3A_761 = tpu.memref_squeeze %dma_wait3A_760 : memref<1x1x!tpu.dma_semaphore, #tpu.memory_space<semaphore_mem>> -> memref<!tpu.dma_semaphore, #tpu.memory_space<semaphore_mem>>
    %dma_wait3A_762 = tpu.memref_slice %arg5[%add3A_736] : memref<1048576xf32, #tpu.memory_space<hbm>> -> memref<2048xf32, #tpu.memory_space<hbm>>
    tpu.wait_dma2 semaphore(%dma_wait3A_761 : memref<!tpu.dma_semaphore, #tpu.memory_space<semaphore_mem>>) src(%dma_wait3A_762 : memref<2048xf32, #tpu.memory_space<hbm>>) dst(%arg14 : memref<2048xf32, #tpu.memory_space<vmem>>)
    %add3A_763 = arith.constant 14336 : i32
    %add3A_764 = arith.addi %mul3A_2, %add3A_763 : i32
    %dma_wait3A_765 = arith.constant 1 : i32
    %dma_wait3A_766 = tpu.memref_slice %arg6[%add3A_764] : memref<720896xi32, #tpu.memory_space<hbm>> -> memref<2048xi32, #tpu.memory_space<hbm>>
    %dma_wait3A_767 = tpu.memref_slice %arg18[%dma_wait3A_765] : memref<2x!tpu.dma_semaphore, #tpu.memory_space<semaphore_mem>> -> memref<1x!tpu.dma_semaphore, #tpu.memory_space<semaphore_mem>>
    %dma_wait3A_768 = tpu.memref_squeeze %dma_wait3A_767 : memref<1x!tpu.dma_semaphore, #tpu.memory_space<semaphore_mem>> -> memref<!tpu.dma_semaphore, #tpu.memory_space<semaphore_mem>>
    %dma_wait3A_769 = tpu.memref_slice %arg6[%add3A_764] : memref<720896xi32, #tpu.memory_space<hbm>> -> memref<2048xi32, #tpu.memory_space<hbm>>
    tpu.wait_dma2 semaphore(%dma_wait3A_768 : memref<!tpu.dma_semaphore, #tpu.memory_space<semaphore_mem>>) src(%arg16 : memref<2048xi32, #tpu.memory_space<vmem>>) dst(%dma_wait3A_769 : memref<2048xi32, #tpu.memory_space<hbm>>)
    %scan3A_770 = arith.constant 0 : i32
    %scan3A_771 = arith.constant 0 : i32
    %scan3A_772 = arith.constant 128 : i32
    %scan3A_773 = arith.addi %scan3A_771, %scan3A_772 : i32
    %scan3A_774 = arith.constant 1 : i32
    %scan3A_775 = scf.for %scan3A_847 = %scan3A_771 to %scan3A_773 step %scan3A_774 iter_args(%scan3A_848 = %scan3A_770) -> (i32)  : i32 {
      %mul3A_849 = arith.constant 16 : i32
      %mul3A_850 = arith.muli %scan3A_847, %mul3A_849 : i32
      %get3A = arith.constant 0 : i32
      %get3A_851 = arith.index_cast %get3A : i32 to index
      %get3A_852 = arith.index_cast %mul3A_850 : i32 to index
      %get3A_853 = tpu.vector_load %arg8[%get3A_851, %get3A_852] {strides = array<i32>} : memref<7x2048xf32, #tpu.memory_space<vmem>>, vector<16xf32>,
      %broadcast_in_dim3A = arith.constant 0 : i32
      %broadcast_in_dim3A_854 = vector.broadcast %broadcast_in_dim3A : i32 to vector<16xi32>
      %get3A_855 = arith.constant 1 : i32
      %get3A_856 = arith.index_cast %get3A_855 : i32 to index
      %get3A_857 = arith.index_cast %mul3A_850 : i32 to index
      %get3A_858 = tpu.vector_load %arg8[%get3A_856, %get3A_857] {strides = array<i32>} : memref<7x2048xf32, #tpu.memory_space<vmem>>, vector<16xf32>,
      %gt3A = arith.cmpf ogt, %get3A_858, %get3A_853 : vector<16xf32>
      %select_n3A = arith.select %gt3A, %get3A_858, %get3A_853 : vector<16xi1>, vector<16xf32>
      %jit3A = arith.constant 1 : i32
      %broadcast_in_dim3A_859 = vector.broadcast %jit3A : i32 to vector<16xi32>
      %select_n3A_860 = arith.select %gt3A, %broadcast_in_dim3A_859, %broadcast_in_dim3A_854 : vector<16xi1>, vector<16xi32>
      %get3A_861 = arith.constant 2 : i32
      %get3A_862 = arith.index_cast %get3A_861 : i32 to index
      %get3A_863 = arith.index_cast %mul3A_850 : i32 to index
      %get3A_864 = tpu.vector_load %arg8[%get3A_862, %get3A_863] {strides = array<i32>} : memref<7x2048xf32, #tpu.memory_space<vmem>>, vector<16xf32>,
      %gt3A_865 = arith.cmpf ogt, %get3A_864, %select_n3A : vector<16xf32>
      %select_n3A_866 = arith.select %gt3A_865, %get3A_864, %select_n3A : vector<16xi1>, vector<16xf32>
      %jit3A_867 = arith.constant 2 : i32
      %broadcast_in_dim3A_868 = vector.broadcast %jit3A_867 : i32 to vector<16xi32>
      %select_n3A_869 = arith.select %gt3A_865, %broadcast_in_dim3A_868, %select_n3A_860 : vector<16xi1>, vector<16xi32>
      %get3A_870 = arith.constant 3 : i32
      %get3A_871 = arith.index_cast %get3A_870 : i32 to index
      %get3A_872 = arith.index_cast %mul3A_850 : i32 to index
      %get3A_873 = tpu.vector_load %arg8[%get3A_871, %get3A_872] {strides = array<i32>} : memref<7x2048xf32, #tpu.memory_space<vmem>>, vector<16xf32>,
      %gt3A_874 = arith.cmpf ogt, %get3A_873, %select_n3A_866 : vector<16xf32>
      %select_n3A_875 = arith.select %gt3A_874, %get3A_873, %select_n3A_866 : vector<16xi1>, vector<16xf32>
      %jit3A_876 = arith.constant 3 : i32
      %broadcast_in_dim3A_877 = vector.broadcast %jit3A_876 : i32 to vector<16xi32>
      %select_n3A_878 = arith.select %gt3A_874, %broadcast_in_dim3A_877, %select_n3A_869 : vector<16xi1>, vector<16xi32>
      %get3A_879 = arith.constant 4 : i32
      %get3A_880 = arith.index_cast %get3A_879 : i32 to index
      %get3A_881 = arith.index_cast %mul3A_850 : i32 to index
      %get3A_882 = tpu.vector_load %arg8[%get3A_880, %get3A_881] {strides = array<i32>} : memref<7x2048xf32, #tpu.memory_space<vmem>>, vector<16xf32>,
      %gt3A_883 = arith.cmpf ogt, %get3A_882, %select_n3A_875 : vector<16xf32>
      %select_n3A_884 = arith.select %gt3A_883, %get3A_882, %select_n3A_875 : vector<16xi1>, vector<16xf32>
      %jit3A_885 = arith.constant 4 : i32
      %broadcast_in_dim3A_886 = vector.broadcast %jit3A_885 : i32 to vector<16xi32>
      %select_n3A_887 = arith.select %gt3A_883, %broadcast_in_dim3A_886, %select_n3A_878 : vector<16xi1>, vector<16xi32>
      %get3A_888 = arith.constant 5 : i32
      %get3A_889 = arith.index_cast %get3A_888 : i32 to index
      %get3A_890 = arith.index_cast %mul3A_850 : i32 to index
      %get3A_891 = tpu.vector_load %arg8[%get3A_889, %get3A_890] {strides = array<i32>} : memref<7x2048xf32, #tpu.memory_space<vmem>>, vector<16xf32>,
      %gt3A_892 = arith.cmpf ogt, %get3A_891, %select_n3A_884 : vector<16xf32>
      %select_n3A_893 = arith.select %gt3A_892, %get3A_891, %select_n3A_884 : vector<16xi1>, vector<16xf32>
      %jit3A_894 = arith.constant 5 : i32
      %broadcast_in_dim3A_895 = vector.broadcast %jit3A_894 : i32 to vector<16xi32>
      %select_n3A_896 = arith.select %gt3A_892, %broadcast_in_dim3A_895, %select_n3A_887 : vector<16xi1>, vector<16xi32>
      %get3A_897 = arith.constant 6 : i32
      %get3A_898 = arith.index_cast %get3A_897 : i32 to index
      %get3A_899 = arith.index_cast %mul3A_850 : i32 to index
      %get3A_900 = tpu.vector_load %arg8[%get3A_898, %get3A_899] {strides = array<i32>} : memref<7x2048xf32, #tpu.memory_space<vmem>>, vector<16xf32>,
      %gt3A_901 = arith.cmpf ogt, %get3A_900, %select_n3A_893 : vector<16xf32>
      %select_n3A_902 = arith.select %gt3A_901, %get3A_900, %select_n3A_893 : vector<16xi1>, vector<16xf32>
      %jit3A_903 = arith.constant 6 : i32
      %broadcast_in_dim3A_904 = vector.broadcast %jit3A_903 : i32 to vector<16xi32>
      %select_n3A_905 = arith.select %gt3A_901, %broadcast_in_dim3A_904, %select_n3A_896 : vector<16xi1>, vector<16xi32>
      %get3A_906 = arith.index_cast %mul3A_850 : i32 to index
      %get3A_907 = tpu.vector_load %arg10[%get3A_906] {strides = array<i32>} : memref<2048xf32, #tpu.memory_space<vmem>>, vector<16xf32>,
      %get3A_908 = arith.index_cast %mul3A_850 : i32 to index
      %get3A_909 = tpu.vector_load %arg12[%get3A_908] {strides = array<i32>} : memref<2048xf32, #tpu.memory_space<vmem>>, vector<16xf32>,
      %get3A_910 = arith.index_cast %mul3A_850 : i32 to index
      %get3A_911 = tpu.vector_load %arg14[%get3A_910] {strides = array<i32>} : memref<2048xf32, #tpu.memory_space<vmem>>, vector<16xf32>,
      %sub3A = arith.subf %get3A_909, %get3A_911 : vector<16xf32>
      %abs3A = math.absf %sub3A : vector<16xf32>
      %gt3A_912 = arith.constant 2.500000e-01 : f32
      %gt3A_913 = vector.broadcast %gt3A_912 : f32 to vector<16xf32>
      %gt3A_914 = arith.cmpf ogt, %abs3A, %gt3A_913 : vector<16xf32>
      %gt3A_915 = arith.cmpf ogt, %get3A_909, %get3A_911 : vector<16xf32>
      %sub3A_916 = arith.constant 1.000000e+00 : f32
      %sub3A_917 = vector.broadcast %sub3A_916 : f32 to vector<16xf32>
      %sub3A_918 = arith.subf %sub3A_917, %get3A_909 : vector<16xf32>
      %sub3A_919 = arith.constant 1.000000e+00 : f32
      %sub3A_920 = vector.broadcast %sub3A_919 : f32 to vector<16xf32>
      %sub3A_921 = arith.subf %sub3A_920, %get3A_911 : vector<16xf32>
      %mul3A_922 = arith.constant 0.699999988 : f32
      %mul3A_923 = vector.broadcast %mul3A_922 : f32 to vector<16xf32>
      %mul3A_924 = arith.mulf %mul3A_923, %sub3A_921 : vector<16xf32>
      %max3A = arith.maximumf %sub3A_918, %mul3A_924 : vector<16xf32>
      %sub3A_925 = arith.constant 1.000000e+00 : f32
      %sub3A_926 = vector.broadcast %sub3A_925 : f32 to vector<16xf32>
      %sub3A_927 = arith.subf %sub3A_926, %get3A_911 : vector<16xf32>
      %sub3A_928 = arith.constant 1.000000e+00 : f32
      %sub3A_929 = vector.broadcast %sub3A_928 : f32 to vector<16xf32>
      %sub3A_930 = arith.subf %sub3A_929, %get3A_909 : vector<16xf32>
      %mul3A_931 = arith.constant 0.699999988 : f32
      %mul3A_932 = vector.broadcast %mul3A_931 : f32 to vector<16xf32>
      %mul3A_933 = arith.mulf %mul3A_932, %sub3A_930 : vector<16xf32>
      %max3A_934 = arith.maximumf %sub3A_927, %mul3A_933 : vector<16xf32>
      %select_n3A_935 = arith.select %gt3A_915, %max3A, %max3A_934 : vector<16xi1>, vector<16xf32>
      %select_n3A_936 = arith.select %gt3A_914, %select_n3A_935, %get3A_907 : vector<16xi1>, vector<16xf32>
      %mul3A_937 = arith.constant 0.699999988 : f32
      %mul3A_938 = vector.broadcast %mul3A_937 : f32 to vector<16xf32>
      %mul3A_939 = arith.mulf %mul3A_938, %select_n3A_936 : vector<16xf32>
      %sub3A_940 = arith.constant 1.000000e+00 : f32
      %sub3A_941 = vector.broadcast %sub3A_940 : f32 to vector<16xf32>
      %sub3A_942 = arith.subf %sub3A_941, %select_n3A_902 : vector<16xf32>
      %add3A_943 = arith.addf %mul3A_939, %sub3A_942 : vector<16xf32>
      %gt3A_944 = arith.constant 5.000000e-01 : f32
      %gt3A_945 = vector.broadcast %gt3A_944 : f32 to vector<16xf32>
      %gt3A_946 = arith.cmpf ogt, %add3A_943, %gt3A_945 : vector<16xf32>
      %jit3A_947 = arith.constant 7 : i32
      %broadcast_in_dim3A_948 = vector.broadcast %jit3A_947 : i32 to vector<16xi32>
      %select_n3A_949 = arith.select %gt3A_946, %broadcast_in_dim3A_948, %select_n3A_905 : vector<16xi1>, vector<16xi32>
      %swap3A = arith.index_cast %mul3A_850 : i32 to index
      %swap3A_950 = tpu.vector_load %arg16[%swap3A] {strides = array<i32>} : memref<2048xi32, #tpu.memory_space<vmem>>, vector<16xi32>,
      tpu.vector_store %arg16[%swap3A], %select_n3A_949 {strides = array<i32>} : memref<2048xi32, #tpu.memory_space<vmem>>, vector<16xi32>,
      %scan3A_951 = arith.constant 0 : i32
      scf.yield %scan3A_951 : i32
    }
    %scan3A_776 = arith.constant 128 : i32
    %add3A_777 = arith.constant 18432 : i32
    %add3A_778 = arith.addi %mul3A_2, %add3A_777 : i32
    %dma_start3A_779 = arith.constant 1 : i32
    %dma_start3A_780 = tpu.memref_slice %arg6[%add3A_778] : memref<720896xi32, #tpu.memory_space<hbm>> -> memref<2048xi32, #tpu.memory_space<hbm>>
    %dma_start3A_781 = tpu.memref_slice %arg18[%dma_start3A_779] : memref<2x!tpu.dma_semaphore, #tpu.memory_space<semaphore_mem>> -> memref<1x!tpu.dma_semaphore, #tpu.memory_space<semaphore_mem>>
    %dma_start3A_782 = tpu.memref_squeeze %dma_start3A_781 : memref<1x!tpu.dma_semaphore, #tpu.memory_space<semaphore_mem>> -> memref<!tpu.dma_semaphore, #tpu.memory_space<semaphore_mem>>
    %dma_start3A_783 = tpu.memref_slice %arg6[%add3A_778] : memref<720896xi32, #tpu.memory_space<hbm>> -> memref<2048xi32, #tpu.memory_space<hbm>>
    tpu.enqueue_dma source(%arg16 : memref<2048xi32, #tpu.memory_space<vmem>>) target(%dma_start3A_783 : memref<2048xi32, #tpu.memory_space<hbm>>) target_semaphore(%dma_start3A_782 : memref<!tpu.dma_semaphore, #tpu.memory_space<semaphore_mem>>)
    %add3A_784 = arith.constant 20480 : i32
    %add3A_785 = arith.addi %mul3A_2, %add3A_784 : i32
    %dma_wait3A_786 = arith.constant 0 : i32
    %dma_wait3A_787 = arith.constant 0 : i32
    %dma_wait3A_788 = arith.constant 0 : i32
    %dma_wait3A_789 = tpu.memref_slice %arg2[%dma_wait3A_788, %add3A_785] : memref<7x1048576xf32, #tpu.memory_space<hbm>> -> memref<7x2048xf32, #tpu.memory_space<hbm>>
    %dma_wait3A_790 = tpu.memref_slice %arg17[%dma_wait3A_786, %dma_wait3A_787] : memref<2x4x!tpu.dma_semaphore, #tpu.memory_space<semaphore_mem>> -> memref<1x1x!tpu.dma_semaphore, #tpu.memory_space<semaphore_mem>>
    %dma_wait3A_791 = tpu.memref_squeeze %dma_wait3A_790 : memref<1x1x!tpu.dma_semaphore, #tpu.memory_space<semaphore_mem>> -> memref<!tpu.dma_semaphore, #tpu.memory_space<semaphore_mem>>
    %dma_wait3A_792 = arith.constant 0 : i32
    %dma_wait3A_793 = tpu.memref_slice %arg2[%dma_wait3A_792, %add3A_785] : memref<7x1048576xf32, #tpu.memory_space<hbm>> -> memref<7x2048xf32, #tpu.memory_space<hbm>>
    tpu.wait_dma2 semaphore(%dma_wait3A_791 : memref<!tpu.dma_semaphore, #tpu.memory_space<semaphore_mem>>) src(%dma_wait3A_793 : memref<7x2048xf32, #tpu.memory_space<hbm>>) dst(%arg7 : memref<7x2048xf32, #tpu.memory_space<vmem>>)
    %dma_wait3A_794 = arith.constant 0 : i32
    %dma_wait3A_795 = arith.constant 1 : i32
    %dma_wait3A_796 = tpu.memref_slice %arg3[%add3A_785] : memref<1048576xf32, #tpu.memory_space<hbm>> -> memref<2048xf32, #tpu.memory_space<hbm>>
    %dma_wait3A_797 = tpu.memref_slice %arg17[%dma_wait3A_794, %dma_wait3A_795] : memref<2x4x!tpu.dma_semaphore, #tpu.memory_space<semaphore_mem>> -> memref<1x1x!tpu.dma_semaphore, #tpu.memory_space<semaphore_mem>>
    %dma_wait3A_798 = tpu.memref_squeeze %dma_wait3A_797 : memref<1x1x!tpu.dma_semaphore, #tpu.memory_space<semaphore_mem>> -> memref<!tpu.dma_semaphore, #tpu.memory_space<semaphore_mem>>
    %dma_wait3A_799 = tpu.memref_slice %arg3[%add3A_785] : memref<1048576xf32, #tpu.memory_space<hbm>> -> memref<2048xf32, #tpu.memory_space<hbm>>
    tpu.wait_dma2 semaphore(%dma_wait3A_798 : memref<!tpu.dma_semaphore, #tpu.memory_space<semaphore_mem>>) src(%dma_wait3A_799 : memref<2048xf32, #tpu.memory_space<hbm>>) dst(%arg9 : memref<2048xf32, #tpu.memory_space<vmem>>)
    %dma_wait3A_800 = arith.constant 0 : i32
    %dma_wait3A_801 = arith.constant 2 : i32
    %dma_wait3A_802 = tpu.memref_slice %arg4[%add3A_785] : memref<1048576xf32, #tpu.memory_space<hbm>> -> memref<2048xf32, #tpu.memory_space<hbm>>
    %dma_wait3A_803 = tpu.memref_slice %arg17[%dma_wait3A_800, %dma_wait3A_801] : memref<2x4x!tpu.dma_semaphore, #tpu.memory_space<semaphore_mem>> -> memref<1x1x!tpu.dma_semaphore, #tpu.memory_space<semaphore_mem>>
    %dma_wait3A_804 = tpu.memref_squeeze %dma_wait3A_803 : memref<1x1x!tpu.dma_semaphore, #tpu.memory_space<semaphore_mem>> -> memref<!tpu.dma_semaphore, #tpu.memory_space<semaphore_mem>>
    %dma_wait3A_805 = tpu.memref_slice %arg4[%add3A_785] : memref<1048576xf32, #tpu.memory_space<hbm>> -> memref<2048xf32, #tpu.memory_space<hbm>>
    tpu.wait_dma2 semaphore(%dma_wait3A_804 : memref<!tpu.dma_semaphore, #tpu.memory_space<semaphore_mem>>) src(%dma_wait3A_805 : memref<2048xf32, #tpu.memory_space<hbm>>) dst(%arg11 : memref<2048xf32, #tpu.memory_space<vmem>>)
    %dma_wait3A_806 = arith.constant 0 : i32
    %dma_wait3A_807 = arith.constant 3 : i32
    %dma_wait3A_808 = tpu.memref_slice %arg5[%add3A_785] : memref<1048576xf32, #tpu.memory_space<hbm>> -> memref<2048xf32, #tpu.memory_space<hbm>>
    %dma_wait3A_809 = tpu.memref_slice %arg17[%dma_wait3A_806, %dma_wait3A_807] : memref<2x4x!tpu.dma_semaphore, #tpu.memory_space<semaphore_mem>> -> memref<1x1x!tpu.dma_semaphore, #tpu.memory_space<semaphore_mem>>
    %dma_wait3A_810 = tpu.memref_squeeze %dma_wait3A_809 : memref<1x1x!tpu.dma_semaphore, #tpu.memory_space<semaphore_mem>> -> memref<!tpu.dma_semaphore, #tpu.memory_space<semaphore_mem>>
    %dma_wait3A_811 = tpu.memref_slice %arg5[%add3A_785] : memref<1048576xf32, #tpu.memory_space<hbm>> -> memref<2048xf32, #tpu.memory_space<hbm>>
    tpu.wait_dma2 semaphore(%dma_wait3A_810 : memref<!tpu.dma_semaphore, #tpu.memory_space<semaphore_mem>>) src(%dma_wait3A_811 : memref<2048xf32, #tpu.memory_space<hbm>>) dst(%arg13 : memref<2048xf32, #tpu.memory_space<vmem>>)
    %add3A_812 = arith.constant 16384 : i32
    %add3A_813 = arith.addi %mul3A_2, %add3A_812 : i32
    %dma_wait3A_814 = arith.constant 0 : i32
    %dma_wait3A_815 = tpu.memref_slice %arg6[%add3A_813] : memref<720896xi32, #tpu.memory_space<hbm>> -> memref<2048xi32, #tpu.memory_space<hbm>>
    %dma_wait3A_816 = tpu.memref_slice %arg18[%dma_wait3A_814] : memref<2x!tpu.dma_semaphore, #tpu.memory_space<semaphore_mem>> -> memref<1x!tpu.dma_semaphore, #tpu.memory_space<semaphore_mem>>
    %dma_wait3A_817 = tpu.memref_squeeze %dma_wait3A_816 : memref<1x!tpu.dma_semaphore, #tpu.memory_space<semaphore_mem>> -> memref<!tpu.dma_semaphore, #tpu.memory_space<semaphore_mem>>
    %dma_wait3A_818 = tpu.memref_slice %arg6[%add3A_813] : memref<720896xi32, #tpu.memory_space<hbm>> -> memref<2048xi32, #tpu.memory_space<hbm>>
    tpu.wait_dma2 semaphore(%dma_wait3A_817 : memref<!tpu.dma_semaphore, #tpu.memory_space<semaphore_mem>>) src(%arg15 : memref<2048xi32, #tpu.memory_space<vmem>>) dst(%dma_wait3A_818 : memref<2048xi32, #tpu.memory_space<hbm>>)
    %scan3A_819 = arith.constant 0 : i32
    %scan3A_820 = arith.constant 0 : i32
    %scan3A_821 = arith.constant 128 : i32
    %scan3A_822 = arith.addi %scan3A_820, %scan3A_821 : i32
    %scan3A_823 = arith.constant 1 : i32
    %scan3A_824 = scf.for %scan3A_847 = %scan3A_820 to %scan3A_822 step %scan3A_823 iter_args(%scan3A_848 = %scan3A_819) -> (i32)  : i32 {
      %mul3A_849 = arith.constant 16 : i32
      %mul3A_850 = arith.muli %scan3A_847, %mul3A_849 : i32
      %get3A = arith.constant 0 : i32
      %get3A_851 = arith.index_cast %get3A : i32 to index
      %get3A_852 = arith.index_cast %mul3A_850 : i32 to index
      %get3A_853 = tpu.vector_load %arg7[%get3A_851, %get3A_852] {strides = array<i32>} : memref<7x2048xf32, #tpu.memory_space<vmem>>, vector<16xf32>,
      %broadcast_in_dim3A = arith.constant 0 : i32
      %broadcast_in_dim3A_854 = vector.broadcast %broadcast_in_dim3A : i32 to vector<16xi32>
      %get3A_855 = arith.constant 1 : i32
      %get3A_856 = arith.index_cast %get3A_855 : i32 to index
      %get3A_857 = arith.index_cast %mul3A_850 : i32 to index
      %get3A_858 = tpu.vector_load %arg7[%get3A_856, %get3A_857] {strides = array<i32>} : memref<7x2048xf32, #tpu.memory_space<vmem>>, vector<16xf32>,
      %gt3A = arith.cmpf ogt, %get3A_858, %get3A_853 : vector<16xf32>
      %select_n3A = arith.select %gt3A, %get3A_858, %get3A_853 : vector<16xi1>, vector<16xf32>
      %jit3A = arith.constant 1 : i32
      %broadcast_in_dim3A_859 = vector.broadcast %jit3A : i32 to vector<16xi32>
      %select_n3A_860 = arith.select %gt3A, %broadcast_in_dim3A_859, %broadcast_in_dim3A_854 : vector<16xi1>, vector<16xi32>
      %get3A_861 = arith.constant 2 : i32
      %get3A_862 = arith.index_cast %get3A_861 : i32 to index
      %get3A_863 = arith.index_cast %mul3A_850 : i32 to index
      %get3A_864 = tpu.vector_load %arg7[%get3A_862, %get3A_863] {strides = array<i32>} : memref<7x2048xf32, #tpu.memory_space<vmem>>, vector<16xf32>,
      %gt3A_865 = arith.cmpf ogt, %get3A_864, %select_n3A : vector<16xf32>
      %select_n3A_866 = arith.select %gt3A_865, %get3A_864, %select_n3A : vector<16xi1>, vector<16xf32>
      %jit3A_867 = arith.constant 2 : i32
      %broadcast_in_dim3A_868 = vector.broadcast %jit3A_867 : i32 to vector<16xi32>
      %select_n3A_869 = arith.select %gt3A_865, %broadcast_in_dim3A_868, %select_n3A_860 : vector<16xi1>, vector<16xi32>
      %get3A_870 = arith.constant 3 : i32
      %get3A_871 = arith.index_cast %get3A_870 : i32 to index
      %get3A_872 = arith.index_cast %mul3A_850 : i32 to index
      %get3A_873 = tpu.vector_load %arg7[%get3A_871, %get3A_872] {strides = array<i32>} : memref<7x2048xf32, #tpu.memory_space<vmem>>, vector<16xf32>,
      %gt3A_874 = arith.cmpf ogt, %get3A_873, %select_n3A_866 : vector<16xf32>
      %select_n3A_875 = arith.select %gt3A_874, %get3A_873, %select_n3A_866 : vector<16xi1>, vector<16xf32>
      %jit3A_876 = arith.constant 3 : i32
      %broadcast_in_dim3A_877 = vector.broadcast %jit3A_876 : i32 to vector<16xi32>
      %select_n3A_878 = arith.select %gt3A_874, %broadcast_in_dim3A_877, %select_n3A_869 : vector<16xi1>, vector<16xi32>
      %get3A_879 = arith.constant 4 : i32
      %get3A_880 = arith.index_cast %get3A_879 : i32 to index
      %get3A_881 = arith.index_cast %mul3A_850 : i32 to index
      %get3A_882 = tpu.vector_load %arg7[%get3A_880, %get3A_881] {strides = array<i32>} : memref<7x2048xf32, #tpu.memory_space<vmem>>, vector<16xf32>,
      %gt3A_883 = arith.cmpf ogt, %get3A_882, %select_n3A_875 : vector<16xf32>
      %select_n3A_884 = arith.select %gt3A_883, %get3A_882, %select_n3A_875 : vector<16xi1>, vector<16xf32>
      %jit3A_885 = arith.constant 4 : i32
      %broadcast_in_dim3A_886 = vector.broadcast %jit3A_885 : i32 to vector<16xi32>
      %select_n3A_887 = arith.select %gt3A_883, %broadcast_in_dim3A_886, %select_n3A_878 : vector<16xi1>, vector<16xi32>
      %get3A_888 = arith.constant 5 : i32
      %get3A_889 = arith.index_cast %get3A_888 : i32 to index
      %get3A_890 = arith.index_cast %mul3A_850 : i32 to index
      %get3A_891 = tpu.vector_load %arg7[%get3A_889, %get3A_890] {strides = array<i32>} : memref<7x2048xf32, #tpu.memory_space<vmem>>, vector<16xf32>,
      %gt3A_892 = arith.cmpf ogt, %get3A_891, %select_n3A_884 : vector<16xf32>
      %select_n3A_893 = arith.select %gt3A_892, %get3A_891, %select_n3A_884 : vector<16xi1>, vector<16xf32>
      %jit3A_894 = arith.constant 5 : i32
      %broadcast_in_dim3A_895 = vector.broadcast %jit3A_894 : i32 to vector<16xi32>
      %select_n3A_896 = arith.select %gt3A_892, %broadcast_in_dim3A_895, %select_n3A_887 : vector<16xi1>, vector<16xi32>
      %get3A_897 = arith.constant 6 : i32
      %get3A_898 = arith.index_cast %get3A_897 : i32 to index
      %get3A_899 = arith.index_cast %mul3A_850 : i32 to index
      %get3A_900 = tpu.vector_load %arg7[%get3A_898, %get3A_899] {strides = array<i32>} : memref<7x2048xf32, #tpu.memory_space<vmem>>, vector<16xf32>,
      %gt3A_901 = arith.cmpf ogt, %get3A_900, %select_n3A_893 : vector<16xf32>
      %select_n3A_902 = arith.select %gt3A_901, %get3A_900, %select_n3A_893 : vector<16xi1>, vector<16xf32>
      %jit3A_903 = arith.constant 6 : i32
      %broadcast_in_dim3A_904 = vector.broadcast %jit3A_903 : i32 to vector<16xi32>
      %select_n3A_905 = arith.select %gt3A_901, %broadcast_in_dim3A_904, %select_n3A_896 : vector<16xi1>, vector<16xi32>
      %get3A_906 = arith.index_cast %mul3A_850 : i32 to index
      %get3A_907 = tpu.vector_load %arg9[%get3A_906] {strides = array<i32>} : memref<2048xf32, #tpu.memory_space<vmem>>, vector<16xf32>,
      %get3A_908 = arith.index_cast %mul3A_850 : i32 to index
      %get3A_909 = tpu.vector_load %arg11[%get3A_908] {strides = array<i32>} : memref<2048xf32, #tpu.memory_space<vmem>>, vector<16xf32>,
      %get3A_910 = arith.index_cast %mul3A_850 : i32 to index
      %get3A_911 = tpu.vector_load %arg13[%get3A_910] {strides = array<i32>} : memref<2048xf32, #tpu.memory_space<vmem>>, vector<16xf32>,
      %sub3A = arith.subf %get3A_909, %get3A_911 : vector<16xf32>
      %abs3A = math.absf %sub3A : vector<16xf32>
      %gt3A_912 = arith.constant 2.500000e-01 : f32
      %gt3A_913 = vector.broadcast %gt3A_912 : f32 to vector<16xf32>
      %gt3A_914 = arith.cmpf ogt, %abs3A, %gt3A_913 : vector<16xf32>
      %gt3A_915 = arith.cmpf ogt, %get3A_909, %get3A_911 : vector<16xf32>
      %sub3A_916 = arith.constant 1.000000e+00 : f32
      %sub3A_917 = vector.broadcast %sub3A_916 : f32 to vector<16xf32>
      %sub3A_918 = arith.subf %sub3A_917, %get3A_909 : vector<16xf32>
      %sub3A_919 = arith.constant 1.000000e+00 : f32
      %sub3A_920 = vector.broadcast %sub3A_919 : f32 to vector<16xf32>
      %sub3A_921 = arith.subf %sub3A_920, %get3A_911 : vector<16xf32>
      %mul3A_922 = arith.constant 0.699999988 : f32
      %mul3A_923 = vector.broadcast %mul3A_922 : f32 to vector<16xf32>
      %mul3A_924 = arith.mulf %mul3A_923, %sub3A_921 : vector<16xf32>
      %max3A = arith.maximumf %sub3A_918, %mul3A_924 : vector<16xf32>
      %sub3A_925 = arith.constant 1.000000e+00 : f32
      %sub3A_926 = vector.broadcast %sub3A_925 : f32 to vector<16xf32>
      %sub3A_927 = arith.subf %sub3A_926, %get3A_911 : vector<16xf32>
      %sub3A_928 = arith.constant 1.000000e+00 : f32
      %sub3A_929 = vector.broadcast %sub3A_928 : f32 to vector<16xf32>
      %sub3A_930 = arith.subf %sub3A_929, %get3A_909 : vector<16xf32>
      %mul3A_931 = arith.constant 0.699999988 : f32
      %mul3A_932 = vector.broadcast %mul3A_931 : f32 to vector<16xf32>
      %mul3A_933 = arith.mulf %mul3A_932, %sub3A_930 : vector<16xf32>
      %max3A_934 = arith.maximumf %sub3A_927, %mul3A_933 : vector<16xf32>
      %select_n3A_935 = arith.select %gt3A_915, %max3A, %max3A_934 : vector<16xi1>, vector<16xf32>
      %select_n3A_936 = arith.select %gt3A_914, %select_n3A_935, %get3A_907 : vector<16xi1>, vector<16xf32>
      %mul3A_937 = arith.constant 0.699999988 : f32
      %mul3A_938 = vector.broadcast %mul3A_937 : f32 to vector<16xf32>
      %mul3A_939 = arith.mulf %mul3A_938, %select_n3A_936 : vector<16xf32>
      %sub3A_940 = arith.constant 1.000000e+00 : f32
      %sub3A_941 = vector.broadcast %sub3A_940 : f32 to vector<16xf32>
      %sub3A_942 = arith.subf %sub3A_941, %select_n3A_902 : vector<16xf32>
      %add3A_943 = arith.addf %mul3A_939, %sub3A_942 : vector<16xf32>
      %gt3A_944 = arith.constant 5.000000e-01 : f32
      %gt3A_945 = vector.broadcast %gt3A_944 : f32 to vector<16xf32>
      %gt3A_946 = arith.cmpf ogt, %add3A_943, %gt3A_945 : vector<16xf32>
      %jit3A_947 = arith.constant 7 : i32
      %broadcast_in_dim3A_948 = vector.broadcast %jit3A_947 : i32 to vector<16xi32>
      %select_n3A_949 = arith.select %gt3A_946, %broadcast_in_dim3A_948, %select_n3A_905 : vector<16xi1>, vector<16xi32>
      %swap3A = arith.index_cast %mul3A_850 : i32 to index
      %swap3A_950 = tpu.vector_load %arg15[%swap3A] {strides = array<i32>} : memref<2048xi32, #tpu.memory_space<vmem>>, vector<16xi32>,
      tpu.vector_store %arg15[%swap3A], %select_n3A_949 {strides = array<i32>} : memref<2048xi32, #tpu.memory_space<vmem>>, vector<16xi32>,
      %scan3A_951 = arith.constant 0 : i32
      scf.yield %scan3A_951 : i32
    }
    %scan3A_825 = arith.constant 128 : i32
    %add3A_826 = arith.constant 20480 : i32
    %add3A_827 = arith.addi %mul3A_2, %add3A_826 : i32
    %dma_start3A_828 = arith.constant 0 : i32
    %dma_start3A_829 = tpu.memref_slice %arg6[%add3A_827] : memref<720896xi32, #tpu.memory_space<hbm>> -> memref<2048xi32, #tpu.memory_space<hbm>>
    %dma_start3A_830 = tpu.memref_slice %arg18[%dma_start3A_828] : memref<2x!tpu.dma_semaphore, #tpu.memory_space<semaphore_mem>> -> memref<1x!tpu.dma_semaphore, #tpu.memory_space<semaphore_mem>>
    %dma_start3A_831 = tpu.memref_squeeze %dma_start3A_830 : memref<1x!tpu.dma_semaphore, #tpu.memory_space<semaphore_mem>> -> memref<!tpu.dma_semaphore, #tpu.memory_space<semaphore_mem>>
    %dma_start3A_832 = tpu.memref_slice %arg6[%add3A_827] : memref<720896xi32, #tpu.memory_space<hbm>> -> memref<2048xi32, #tpu.memory_space<hbm>>
    tpu.enqueue_dma source(%arg15 : memref<2048xi32, #tpu.memory_space<vmem>>) target(%dma_start3A_832 : memref<2048xi32, #tpu.memory_space<hbm>>) target_semaphore(%dma_start3A_831 : memref<!tpu.dma_semaphore, #tpu.memory_space<semaphore_mem>>)
    %add3A_833 = arith.constant 18432 : i32
    %add3A_834 = arith.addi %mul3A_2, %add3A_833 : i32
    %dma_wait3A_835 = arith.constant 1 : i32
    %dma_wait3A_836 = tpu.memref_slice %arg6[%add3A_834] : memref<720896xi32, #tpu.memory_space<hbm>> -> memref<2048xi32, #tpu.memory_space<hbm>>
    %dma_wait3A_837 = tpu.memref_slice %arg18[%dma_wait3A_835] : memref<2x!tpu.dma_semaphore, #tpu.memory_space<semaphore_mem>> -> memref<1x!tpu.dma_semaphore, #tpu.memory_space<semaphore_mem>>
    %dma_wait3A_838 = tpu.memref_squeeze %dma_wait3A_837 : memref<1x!tpu.dma_semaphore, #tpu.memory_space<semaphore_mem>> -> memref<!tpu.dma_semaphore, #tpu.memory_space<semaphore_mem>>
    %dma_wait3A_839 = tpu.memref_slice %arg6[%add3A_834] : memref<720896xi32, #tpu.memory_space<hbm>> -> memref<2048xi32, #tpu.memory_space<hbm>>
    tpu.wait_dma2 semaphore(%dma_wait3A_838 : memref<!tpu.dma_semaphore, #tpu.memory_space<semaphore_mem>>) src(%arg16 : memref<2048xi32, #tpu.memory_space<vmem>>) dst(%dma_wait3A_839 : memref<2048xi32, #tpu.memory_space<hbm>>)
    %add3A_840 = arith.constant 20480 : i32
    %add3A_841 = arith.addi %mul3A_2, %add3A_840 : i32
    %dma_wait3A_842 = arith.constant 0 : i32
    %dma_wait3A_843 = tpu.memref_slice %arg6[%add3A_841] : memref<720896xi32, #tpu.memory_space<hbm>> -> memref<2048xi32, #tpu.memory_space<hbm>>
    %dma_wait3A_844 = tpu.memref_slice %arg18[%dma_wait3A_842] : memref<2x!tpu.dma_semaphore, #tpu.memory_space<semaphore_mem>> -> memref<1x!tpu.dma_semaphore, #tpu.memory_space<semaphore_mem>>
    %dma_wait3A_845 = tpu.memref_squeeze %dma_wait3A_844 : memref<1x!tpu.dma_semaphore, #tpu.memory_space<semaphore_mem>> -> memref<!tpu.dma_semaphore, #tpu.memory_space<semaphore_mem>>
    %dma_wait3A_846 = tpu.memref_slice %arg6[%add3A_841] : memref<720896xi32, #tpu.memory_space<hbm>> -> memref<2048xi32, #tpu.memory_space<hbm>>
    tpu.wait_dma2 semaphore(%dma_wait3A_845 : memref<!tpu.dma_semaphore, #tpu.memory_space<semaphore_mem>>) src(%arg15 : memref<2048xi32, #tpu.memory_space<vmem>>) dst(%dma_wait3A_846 : memref<2048xi32, #tpu.memory_space<hbm>>)
    return
  }
}

module attributes {stable_mosaic.version = 14 : i64} {
  func.func @_tc_body(%arg0: i32, %arg1: memref<7x8192xf32, #tpu.memory_space<vmem>>, %arg2: memref<64x128xf32, #tpu.memory_space<vmem>>, %arg3: memref<64x128xf32, #tpu.memory_space<vmem>>, %arg4: memref<64x128xf32, #tpu.memory_space<vmem>>, %arg5: memref<64x128xi32, #tpu.memory_space<vmem>>) attributes {dimension_semantics = [#tpu.dimension_semantics<arbitrary>], iteration_bounds = array<i64: 40>, scalar_prefetch = 0 : i64, scratch_operands = 0 : i64, tpu.core_type = #tpu.core_type<tc>, window_params = [{transform_indices = @transform_0, window_bounds = array<i64: 7, 8192>}, {transform_indices = @transform_1, window_bounds = array<i64: 64, 128>}, {transform_indices = @transform_2, window_bounds = array<i64: 64, 128>}, {transform_indices = @transform_3, window_bounds = array<i64: 64, 128>}, {transform_indices = @transform_4, window_bounds = array<i64: 64, 128>}]} {
    %get3A = arith.constant 0 : index
    %get3A_0 = arith.constant 0 : index
    %get3A_1 = vector.load %arg1[%get3A, %get3A_0] : memref<7x8192xf32, #tpu.memory_space<vmem>>, vector<7x8192xf32>
    %reduce_max3A = arith.constant dense<0xFF800000> : vector<8192xf32>
    %reduce_max3A_2 = vector.multi_reduction <maximumf>, %get3A_1, %reduce_max3A [0] : vector<7x8192xf32> to vector<8192xf32>
    %broadcast_in_dim3A = vector.shape_cast %reduce_max3A_2 : vector<8192xf32> to vector<1x8192xf32>
    %iota3A = tpu.iota {dimensions = array<i32: 0>} : vector<7x8192xi32>
    %eq3A = vector.broadcast %broadcast_in_dim3A : vector<1x8192xf32> to vector<7x8192xf32>
    %eq3A_3 = arith.cmpf oeq, %get3A_1, %eq3A : vector<7x8192xf32>
    %jit3A = arith.constant 7 : i32
    %broadcast_in_dim3A_4 = vector.broadcast %jit3A : i32 to vector<7x8192xi32>
    %select_n3A = arith.select %eq3A_3, %iota3A, %broadcast_in_dim3A_4 : vector<7x8192xi1>, vector<7x8192xi32>
    %reduce_min3A = arith.constant dense<2147483647> : vector<8192xi32>
    %reduce_min3A_5 = vector.multi_reduction <minsi>, %select_n3A, %reduce_min3A [0] : vector<7x8192xi32> to vector<8192xi32>
    %broadcast_in_dim3A_6 = vector.shape_cast %reduce_min3A_5 : vector<8192xi32> to vector<1x8192xi32>
    %reshape3A = vector.shape_cast %broadcast_in_dim3A : vector<1x8192xf32> to vector<64x128xf32>
    %reshape3A_7 = vector.shape_cast %broadcast_in_dim3A_6 : vector<1x8192xi32> to vector<64x128xi32>
    %get3A_8 = arith.constant 0 : index
    %get3A_9 = arith.constant 0 : index
    %get3A_10 = vector.load %arg2[%get3A_8, %get3A_9] : memref<64x128xf32, #tpu.memory_space<vmem>>, vector<64x128xf32>
    %get3A_11 = arith.constant 0 : index
    %get3A_12 = arith.constant 0 : index
    %get3A_13 = vector.load %arg3[%get3A_11, %get3A_12] : memref<64x128xf32, #tpu.memory_space<vmem>>, vector<64x128xf32>
    %get3A_14 = arith.constant 0 : index
    %get3A_15 = arith.constant 0 : index
    %get3A_16 = vector.load %arg4[%get3A_14, %get3A_15] : memref<64x128xf32, #tpu.memory_space<vmem>>, vector<64x128xf32>
    %sub3A = arith.subf %get3A_13, %get3A_16 : vector<64x128xf32>
    %abs3A = math.absf %sub3A : vector<64x128xf32>
    %gt3A = arith.constant 2.500000e-01 : f32
    %gt3A_17 = vector.broadcast %gt3A : f32 to vector<64x128xf32>
    %gt3A_18 = arith.cmpf ogt, %abs3A, %gt3A_17 : vector<64x128xf32>
    %gt3A_19 = arith.cmpf ogt, %get3A_13, %get3A_16 : vector<64x128xf32>
    %sub3A_20 = arith.constant 1.000000e+00 : f32
    %sub3A_21 = vector.broadcast %sub3A_20 : f32 to vector<64x128xf32>
    %sub3A_22 = arith.subf %sub3A_21, %get3A_13 : vector<64x128xf32>
    %sub3A_23 = arith.constant 1.000000e+00 : f32
    %sub3A_24 = vector.broadcast %sub3A_23 : f32 to vector<64x128xf32>
    %sub3A_25 = arith.subf %sub3A_24, %get3A_16 : vector<64x128xf32>
    %mul3A = arith.constant 0.699999988 : f32
    %mul3A_26 = vector.broadcast %mul3A : f32 to vector<64x128xf32>
    %mul3A_27 = arith.mulf %mul3A_26, %sub3A_25 : vector<64x128xf32>
    %max3A = arith.maximumf %sub3A_22, %mul3A_27 : vector<64x128xf32>
    %sub3A_28 = arith.constant 1.000000e+00 : f32
    %sub3A_29 = vector.broadcast %sub3A_28 : f32 to vector<64x128xf32>
    %sub3A_30 = arith.subf %sub3A_29, %get3A_16 : vector<64x128xf32>
    %sub3A_31 = arith.constant 1.000000e+00 : f32
    %sub3A_32 = vector.broadcast %sub3A_31 : f32 to vector<64x128xf32>
    %sub3A_33 = arith.subf %sub3A_32, %get3A_13 : vector<64x128xf32>
    %mul3A_34 = arith.constant 0.699999988 : f32
    %mul3A_35 = vector.broadcast %mul3A_34 : f32 to vector<64x128xf32>
    %mul3A_36 = arith.mulf %mul3A_35, %sub3A_33 : vector<64x128xf32>
    %max3A_37 = arith.maximumf %sub3A_30, %mul3A_36 : vector<64x128xf32>
    %select_n3A_38 = arith.select %gt3A_19, %max3A, %max3A_37 : vector<64x128xi1>, vector<64x128xf32>
    %select_n3A_39 = arith.select %gt3A_18, %select_n3A_38, %get3A_10 : vector<64x128xi1>, vector<64x128xf32>
    %mul3A_40 = arith.constant 0.699999988 : f32
    %mul3A_41 = vector.broadcast %mul3A_40 : f32 to vector<64x128xf32>
    %mul3A_42 = arith.mulf %mul3A_41, %select_n3A_39 : vector<64x128xf32>
    %sub3A_43 = arith.constant 1.000000e+00 : f32
    %sub3A_44 = vector.broadcast %sub3A_43 : f32 to vector<64x128xf32>
    %sub3A_45 = arith.subf %sub3A_44, %reshape3A : vector<64x128xf32>
    %add3A = arith.addf %mul3A_42, %sub3A_45 : vector<64x128xf32>
    %gt3A_46 = arith.constant 5.000000e-01 : f32
    %gt3A_47 = vector.broadcast %gt3A_46 : f32 to vector<64x128xf32>
    %gt3A_48 = arith.cmpf ogt, %add3A, %gt3A_47 : vector<64x128xf32>
    %jit3A_49 = arith.constant 7 : i32
    %broadcast_in_dim3A_50 = vector.broadcast %jit3A_49 : i32 to vector<64x128xi32>
    %select_n3A_51 = arith.select %gt3A_48, %broadcast_in_dim3A_50, %reshape3A_7 : vector<64x128xi1>, vector<64x128xi32>
    %swap3A = arith.constant 0 : index
    %swap3A_52 = arith.constant 0 : index
    %swap3A_53 = vector.load %arg5[%swap3A, %swap3A_52] : memref<64x128xi32, #tpu.memory_space<vmem>>, vector<64x128xi32>
    tpu.vector_store %arg5[%swap3A, %swap3A_52], %select_n3A_51 {strides = array<i32>} : memref<64x128xi32, #tpu.memory_space<vmem>>, vector<64x128xi32>,
    return
  }
  func.func @transform_0(%arg0: i32) -> (i32, i32) {
    %add3A = arith.constant 88 : i32
    %add3A_0 = arith.addi %add3A, %arg0 : i32
    %c0_i32 = arith.constant 0 : i32
    %c0_i32_1 = arith.constant 0 : i32
    return %c0_i32, %add3A_0 : i32, i32
  }
  func.func @transform_1(%arg0: i32) -> (i32, i32) {
    %add3A = arith.constant 88 : i32
    %add3A_0 = arith.addi %add3A, %arg0 : i32
    %c0_i32 = arith.constant 0 : i32
    %c0_i32_1 = arith.constant 0 : i32
    return %add3A_0, %c0_i32 : i32, i32
  }
  func.func @transform_2(%arg0: i32) -> (i32, i32) {
    %add3A = arith.constant 88 : i32
    %add3A_0 = arith.addi %add3A, %arg0 : i32
    %c0_i32 = arith.constant 0 : i32
    %c0_i32_1 = arith.constant 0 : i32
    return %add3A_0, %c0_i32 : i32, i32
  }
  func.func @transform_3(%arg0: i32) -> (i32, i32) {
    %add3A = arith.constant 88 : i32
    %add3A_0 = arith.addi %add3A, %arg0 : i32
    %c0_i32 = arith.constant 0 : i32
    %c0_i32_1 = arith.constant 0 : i32
    return %add3A_0, %c0_i32 : i32, i32
  }
  func.func @transform_4(%arg0: i32) -> (i32, i32) {
    %c0_i32 = arith.constant 0 : i32
    %c0_i32_0 = arith.constant 0 : i32
    return %arg0, %c0_i32 : i32, i32
  }
}

</mosaic_0001>

<sc_bundles>
// kernel: kernel.4.cloned.1.call-start
scs
__scs_entry_jumppad:
0x0: {  	(pc) =	sbr.rel $0x88, $3  }
0x1: {  	(tag) =	ssettag $0x0;
	lr =	simm.s32 $0x1  }
0x2: {  	[smem:$0x3F9D] =	sst lr;
	_ =	strace $0xD0000000  }
0x3: {  	_ = 	snop  }
0x4: {  	_ = 	snop  }
0x5: {  	_ = 	snop  }
0x6: {  	_ = 	snop  }
0x7: {  	_ = 	snop  }
__scs_overlays_trampoline_lowered:
0x8: {  	[smem:$0x3FAC] =	sst s0  }
0x9: {  	[smem:$0x3FAD] =	sst s1  }
0xa: {  	[smem:$0x3FAE] =	sst s2  }
0xb: {  	[smem:$0x3FAF] =	sst s3  }
0xc: {  	[smem:$0x3FB0] =	sst s4  }
0xd: {  	[smem:$0x3FB1] =	sst s5  }
0xe: {  	[smem:$0x3FB2] =	sst s6  }
0xf: {  	[smem:$0x3FB3] =	sst s7  }
0x10: {  	[smem:$0x3FB4] =	sst s8  }
0x11: {  	[smem:$0x3FB5] =	sst s9;
	s0 =	simm.s32 @!p0 $0x0  }
0x12: {  	s1 =	sld [smem:$0x3F9B];
	s0 =	simm.s32 @p0 $0x1  }
0x13: {  	[smem:$0x3FB6] =	sst s0;
	s0 =	simm.s32 @!p1 $0x0  }
0x14: {  	s2 =	sld [smem:$0x3F9A];
	s0 =	simm.s32 @p1 $0x1  }
0x15: {  	[smem:$0x3FB7] =	sst s0;
	s0 =	simm.s32 @!p2 $0x0  }
0x16: {  	s3 =	sld [smem:$0x3FDB];
	s0 =	simm.s32 @p2 $0x1  }
0x17: {  	s4 =	simm.s32 $0x1BF5;
	[smem:$0x3FB9] =	sst s0  }
0x18: {  	s0 =	sld [smem:$0x3F9C];
	_ =	swait.ge [sflag:s4], $0x0  }
0x19: {  	s7 =	sld [smem:$0x3F9D]  }
0x1a: {  	s8 =	sadd.s32 $0xFFFFE003, lr  }
0x1b: {  	s9 =	sadd.s32 $0xFFFFFEF7, lr;
	s5 =	simm.s32 $0xFFFFFFFF;
	p2 =	slt.u32 s8, $0xFFFFF086  }
0x1c: {  	p1 =	slt.u32 s9, $0xF7A;
	s5 =	simm.s32 @!p2 $0x0  }
0x1d: {  	s5 =	simm.s32 @p1 $0x1;
	p0 =	seq.s32 s7, s2  }
0x1e: {  	s7 =	smul.u32 @!p0 $0xF7A, s2;
	p2 =	seq.s32 @!p0 s5, $0x0  }
0x1f: {  	s9 =	smul.u32 $0xF7A, s1;
	s8 =	simm.s32 @!p0 $0x1BF5;
	p2 =	por !p2, p0  }
0x20: {  	[sflag:s8] =	ssyncset.s32 @!p0 $0xFFFFF086;
	s6 =	sadd.s32 @!p0 s3, s7;
	s7 =	simm.s32 @!p0 $0x108  }
0x21: {  	s3 =	sadd.s32 s3, s9;
	s6 =	sadd.s32 @!p0 $0x88, s6;
	s7 =	simm.s32 @p2 $0x1082  }
0x22: {  	[simem:s7], [sflag:s8] =	dma.local @!p0 [hbm:s6], $0xF7A  }
0x23: {  	s9 =	sor.u32 $0xD0000000, s2;
	s6 =	simm.s32 $0x108;
	_ =	swait.ge @!p0 [sflag:s8], $0x0  }
0x24: {  	s3 =	sadd.s32 $0x88, s3;
	s6 =	simm.s32 @!p1 $0x1082;
	[sflag:s4] =	ssyncset.s32 $0xFFFFF086  }
0x25: {  	[simem:s6], [sflag:s4] =	dma.local [hbm:s3], $0xF7A  }
0x26: {  	[smem:$0x3F9D] =	sst s1;
	(tag) =	ssettag s2;
	_ =	strace s9  }
0x27: {  	s1 =	sld [smem:$0x3FAD]  }
0x28: {  	s2 =	sld [smem:$0x3FAE]  }
0x29: {  	s4 =	sld [smem:$0x3FB0]  }
0x2a: {  	p0 =	seq.s32 s5, $0x0;
	s5 =	sld [smem:$0x3FB1]  }
0x2b: {  	s6 =	sld [smem:$0x3FB2]  }
0x2c: {  	s7 =	sld [smem:$0x3FB3]  }
0x2d: {  	s3 =	simm.s32 $0x108;
	s8 =	sld [smem:$0x3FB4]  }
0x2e: {  	s3 =	simm.s32 @!p0 $0x1082;
	s9 =	sld [smem:$0x3FB5]  }
0x2f: {  	lr =	sadd.s32 s0, s3;
	s0 =	sld [smem:$0x3FAC]  }
0x30: {  	s3 =	sld [smem:$0x3FAF]  }
0x31: {  	[smem:$0x3FB8] =	sst s10  }
0x32: {  	s10 =	sld [smem:$0x3FB6];
	_ =	sdelay $0x3  }
0x33: {  	p0 =	seq.s32 s10, $0x1;
	s10 =	sld [smem:$0x3FB8];
	_ =	sdelay $0x3  }
0x34: {  	[smem:$0x3FB8] =	sst s10  }
0x35: {  	s10 =	sld [smem:$0x3FB7];
	_ =	sdelay $0x3  }
0x36: {  	p1 =	seq.s32 s10, $0x1;
	s10 =	sld [smem:$0x3FB8];
	_ =	sdelay $0x3  }
0x37: {  	[smem:$0x3FB8] =	sst s10  }
0x38: {  	s10 =	sld [smem:$0x3FB9]  }
0x39: {  	_ = 	snop;
	(pc) =	sbr.ind lr, $3  }
0x3a: {  	_ = 	snop  }
0x3b: {  	_ = 	snop  }
0x3c: {  	p2 =	seq.s32 s10, $0x1;
	s10 =	sld [smem:$0x3FB8]  }
0x3d: {  	_ =	shalt  }
0x3e: {  	_ =	shalt  }
0x3f: {  	_ =	shalt  }
0x40: {  	_ =	shalt  }
0x41: {  	_ =	shalt  }
0x42: {  	_ =	shalt  }
0x43: {  	_ =	shalt  }
0x44: {  	_ =	shalt  }
0x45: {  	_ =	shalt  }
0x46: {  	_ =	shalt  }
0x47: {  	_ =	shalt  }
0x48: {  	_ =	shalt  }
0x49: {  	_ =	shalt  }
0x4a: {  	_ =	shalt  }
0x4b: {  	_ =	shalt  }
0x4c: {  	_ =	shalt  }
0x4d: {  	_ =	shalt  }
0x4e: {  	_ =	shalt  }
0x4f: {  	_ =	shalt  }
0x50: {  	_ =	shalt  }
0x51: {  	_ =	shalt  }
0x52: {  	_ =	shalt  }
0x53: {  	_ =	shalt  }
0x54: {  	_ =	shalt  }
0x55: {  	_ =	shalt  }
0x56: {  	_ =	shalt  }
0x57: {  	_ =	shalt  }
0x58: {  	_ =	shalt  }
0x59: {  	_ =	shalt  }
0x5a: {  	_ =	shalt  }
0x5b: {  	_ =	shalt  }
0x5c: {  	_ =	shalt  }
0x5d: {  	_ =	shalt  }
0x5e: {  	_ =	shalt  }
0x5f: {  	_ =	shalt  }
0x60: {  	_ =	shalt  }
0x61: {  	_ =	shalt  }
0x62: {  	_ =	shalt  }
0x63: {  	_ =	shalt  }
0x64: {  	_ =	shalt  }
0x65: {  	_ =	shalt  }
0x66: {  	_ =	shalt  }
0x67: {  	_ =	shalt  }
0x68: {  	_ =	shalt  }
0x69: {  	_ =	shalt  }
0x6a: {  	_ =	shalt  }
0x6b: {  	_ =	shalt  }
0x6c: {  	_ =	shalt  }
0x6d: {  	_ =	shalt  }
0x6e: {  	_ =	shalt  }
0x6f: {  	_ =	shalt  }
0x70: {  	_ =	shalt  }
0x71: {  	_ =	shalt  }
0x72: {  	_ =	shalt  }
0x73: {  	_ =	shalt  }
0x74: {  	_ =	shalt  }
0x75: {  	_ =	shalt  }
0x76: {  	_ =	shalt  }
0x77: {  	_ =	shalt  }
0x78: {  	_ =	shalt  }
0x79: {  	_ =	shalt  }
0x7a: {  	_ =	shalt  }
0x7b: {  	_ =	shalt  }
0x7c: {  	_ =	shalt  }
0x7d: {  	_ =	shalt  }
0x7e: {  	_ =	shalt  }
0x7f: {  	_ =	shalt  }
0x80: {  	_ =	shalt  }
0x81: {  	_ =	shalt  }
0x82: {  	_ =	shalt  }
0x83: {  	_ =	shalt  }
0x84: {  	_ =	shalt  }
0x85: {  	_ =	shalt  }
0x86: {  	_ =	shalt  }
0x87: {  	_ =	shalt  }
.Lfunc_end0:
.L_simem_size_0:
called_computation_lowered:
.L_overlay_start_0:
0x88: {  	s2 =	sld [smem:$0x3FD9]  }
0x89: {  	s3 =	sld [smem:$0x3FFE];
	_ =	sdelay $0x1  }
0x8a: {  	s1 =	srdreg.scid  }
0x8b: {  	s0 =	sand.u32 $0x1, s1  }
0x8c: {  	s17 =	sshll.u32 s0, $0xA;
	s2 =	sadd.s32 s3, s2  }
0x8d: {  	s2 =	sadd.s32 s2, s17  }
0x8e: {  	[smem:$0x3FC4] =	sst s2  }
0x8f: {  	_ = 	snop  }
0x90: {  	s2 =	sld [smem:$0x3FC9]  }
0x91: {  	s18 =	sld [smem:$0x3FC8]  }
0x92: {  	s4 =	sld [smem:$0x3FC7]  }
0x93: {  	s5 =	sld [smem:$0x3FC6];
	(tm) =	ssettm $0x1  }
0x94: {  	s6 =	sld [smem:$0x3FFB];
	_ =	sdelay $0x3  }
0x95: {  	_ =	strace s6  }
0x96: {  	s6 =	sld [smem:$0x3FFC];
	_ =	sdelay $0x3  }
0x97: {  	_ =	strace s6  }
0x98: {  	s6 =	sld [smem:$0x3FFD];
	_ =	sdelay $0x3  }
0x99: {  	_ =	strace s6  }
0x9a: {  	_ =	strace $0x8FFFFFFF  }
0x9b: {  	s19 =	sld [smem:$0x3FDB];
	_ =	sdelay $0x1  }
0x9c: {  	s7 =	simm.s32 $_scs_section_size  }
0x9d: {  	s8 =	simm.s32 $_size__tile_overlayer_lowered;
	s9 =	simm.s32 $_tile_overlayer_lowered  }
0x9e: {  	s22 =	simm.s32 $0x1BFF;
	s21 =	sshll.u32 s9, $0x1;
	s6 =	sadd.s32 s7, s19  }
0x9f: {  	s10 =	simm.s32 $0x0;
	s20 =	sshll.u32 s8, $0x1;
	s8 =	sadd.s32 s21, s6  }
0xa0: {  	[timem:s10], [sflag:s22] =	dma.local [hbm:s8], s20  }
0xa1: {  	_ =	swait.ge [sflag:s22], s20  }
0xa2: {  	s7 =	ssub.s32 $0x0, s20;
	[sflag:s22] =	ssyncset.done $0x0  }
0xa3: {  	[sflag:s22] =	ssyncadd.s32 s7;
	_ =	sdelay $0x1  }
0xa4: {  	s23 =	simm.s32 $0x1B8B  }
0xa5: {  	_ =	swait.ge [sflag:s23], $0x1  }
0xa6: {  	[sflag:s23] =	ssyncset.done $0x0  }
0xa7: {  	s25 =	simm.s32 $0x1B8E;
	s24 =	sld [smem:$0x3FFE];
	[sflag:s23] =	ssyncadd.s32 $0xFFFFFFFF  }
0xa8: {  	s26 =	simm.s32 $execute0_lowered;
	[smem:$0x3FD2] =	sst s25  }
0xa9: {  	s8 =	sshll.u32 s26, $0x1;
	_ =	strace $0x80000046;
	[dreg:$0x1] =	wrdreg $0xFFFFFFFF  }
0xaa: {  	s28 =	simm.s32 $_size_execute0_lowered;
	s6 =	sadd.s32 s6, s8;
	[dreg:$0x0] =	wrdreg $0x0  }
0xab: {  	s8 =	sshll.u32 s28, $0x1;
	[dreg:$0x2] =	wrdreg s6  }
0xac: {  	[dreg:$0x3] =	wrdreg s8  }
0xad: {  	[dreg:$0x4] =	wrdreg $0xC0  }
0xae: {  	_ =	task [dreg:s10], $0x5FFFF  }
0xaf: {  	[dreg:$0x1] =	wrdreg $0xFFFFFFFF  }
0xb0: {  	[dreg:$0x0] =	wrdreg $0x60  }
0xb1: {  	[dreg:$0x2] =	wrdreg s2  }
0xb2: {  	[dreg:$0x3] =	wrdreg s18  }
0xb3: {  	[dreg:$0x4] =	wrdreg s4  }
0xb4: {  	[dreg:$0x5] =	wrdreg s5  }
0xb5: {  	[dreg:$0x6] =	wrdreg s24  }
0xb6: {  	[dreg:$0x7] =	wrdreg $0x9  }
0xb7: {  	_ =	task.clear_ibuf [dreg:s10], $0x8FFFF;
	_ =	strace $0x90000046  }
0xb8: {  	s29 =	simm.s32 $0x9;
	_ =	strace $0x80000048  }
0xb9: {  	_ =	swait.ge [sflag:s29], $0x1  }
0xba: {  	[sflag:s29] =	ssyncadd.s32 $0xFFFFFFFF  }
0xbb: {  	_ =	strace $0x90000048  }
0xbc: {  	_ =	sfence  }
0xbd: {  	s30 =	sld [smem:$0x0];
	_ =	sdelay $0x2  }
0xbe: {  	s31 =	sshll.u32 s1, $0xD;
	s1 =	sshrl.u32 s1, $0x2  }
0xbf: {  	s3 =	sand.u32 $0x4000, s31;
	s1 =	sadd.s32 s1, s30  }
0xc0: {  	s0 =	sor.u32 s3, s0;
	s1 =	sshll.u32 s1, $0x11  }
0xc1: {  	s0 =	sor.u32 s1, s0  }
0xc2: {  	s0 =	sadd.s32 $0x8F2B, s0  }
0xc3: {  	[sflag:s0] =	ssyncadd.remote.s32 $0x1  }
0xc4: {  	_ =	sfence.sel $0xFFFF  }
0xc5: {  	[dreg:$0x0] =	wrdreg $0xFFFFFFFF;
	(pc) =	sbr.abs _section_cstart, $3  }
0xc6: {  	[dreg:$0x1] =	wrdreg $0xFFFFFFFF  }
0xc7: {  	_ =	task.clear_ibuf [dreg:s10], $0x2FFFF;
	_ =	strace $0x9FFFFFFF  }
0xc8: {  	(tm) =	ssettm $0x7FFFFFFF  }
0xc9: {  	_ =	shalt  }
tec
execute0_lowered:
.L_overlay_start_1:
0x0: {  	(tag) =	ssettag $0x1  }
0x1: {  	s1 =	srdreg.scid;
	s4 =	stileid.u32  }
0x2: {  	s3 =	rddreg [dreg:$0x0];
	s5 =	sand.u32 $0x1, s1;
	s16 =	sshll.u32 s4, $0x1  }
0x3: {  	s0 =	rddreg [dreg:$0x1];
	s6 =	sor.u32 s5, s16  }
0x4: {  	s2 =	rddreg [dreg:$0x2];
	s7 =	smul.u32 $0x5800, s6  }
0x5: {  	s8 =	rddreg [dreg:$0x4]  }
0x6: {  	s4 =	rddreg [dreg:$0x3];
	s1 =	simm.s32 $0x0;
	s9 =	sshrl.u32 s7, $0x3  }
0x7: {  	[smem:$0x7FF] =	sst s1;
	s19 =	sadd.s32 s0, s9  }
0x8: {  	s17 =	ssub.s32 $0x2, s5;
	s10 =	sadd.s32 s2, s9;
	[dreg:$0x6] =	wrdreg s19  }
0x9: {  	s20 =	sadd.s32 $0x800, s7;
	s21 =	sadd.s32 s4, s9;
	[dreg:$0x7] =	wrdreg s10  }
0xa: {  	s5 =	sadd.s32 $0xA00, s8;
	s8 =	sadd.s32 s3, s20;
	[dreg:$0x8] =	wrdreg s21  }
0xb: {  	s14 =	sadd.s32 $0x1800, s7;
	s9 =	sadd.s32 s5, s9;
	[dreg:$0x9] =	wrdreg s8  }
0xc: {  	s22 =	sshrl.u32 s20, $0x3;
	s16 =	sadd.s32 s3, s14;
	[dreg:$0xd] =	wrdreg s9  }
0xd: {  	s23 =	sadd.s32 s0, s22;
	[dreg:$0x13] =	wrdreg s16  }
0xe: {  	s11 =	sadd.s32 s2, s22;
	[dreg:$0xa] =	wrdreg s23  }
0xf: {  	s24 =	sadd.s32 $0x1000, s7;
	s25 =	sadd.s32 s4, s22;
	[dreg:$0xb] =	wrdreg s11  }
0x10: {  	s26 =	sshrl.u32 s24, $0x3;
	s8 =	sadd.s32 s3, s24;
	[dreg:$0xc] =	wrdreg s25  }
0x11: {  	s9 =	sadd.s32 s0, s26;
	[dreg:$0xe] =	wrdreg s8  }
0x12: {  	s12 =	sadd.s32 s2, s26;
	[dreg:$0xf] =	wrdreg s9  }
0x13: {  	s18 =	sshrl.u32 s17, $0x1;
	s13 =	sadd.s32 s4, s26;
	[dreg:$0x10] =	wrdreg s12  }
0x14: {  	s6 =	ssub.s32 s17, s18;
	s15 =	sadd.s32 s5, s22;
	[dreg:$0x11] =	wrdreg s13  }
0x15: {  	s17 =	sadd.s32 $0x2000, s7;
	s18 =	sadd.s32 s5, s26;
	[dreg:$0x12] =	wrdreg s15  }
0x16: {  	s19 =	sadd.s32 s3, s17;
	s8 =	sshrl.u32 s14, $0x3;
	[dreg:$0x14] =	wrdreg s18  }
0x17: {  	[dreg:$0x15] =	wrdreg s19;
	s20 =	sadd.s32 s0, s8  }
0x18: {  	s21 =	sadd.s32 s2, s8;
	[dreg:$0x16] =	wrdreg s20  }
0x19: {  	s22 =	sadd.s32 s4, s8;
	[dreg:$0x17] =	wrdreg s21  }
0x1a: {  	s23 =	sadd.s32 $0x2800, s7;
	s8 =	sadd.s32 s5, s8;
	[dreg:$0x18] =	wrdreg s22  }
0x1b: {  	s9 =	sshrl.u32 s17, $0x3;
	s24 =	sadd.s32 s3, s23;
	[dreg:$0x19] =	wrdreg s8  }
0x1c: {  	s25 =	sadd.s32 s0, s9;
	[dreg:$0x1a] =	wrdreg s24  }
0x1d: {  	s26 =	sadd.s32 s2, s9;
	[dreg:$0x1b] =	wrdreg s25  }
0x1e: {  	s11 =	sadd.s32 s4, s9;
	[dreg:$0x1c] =	wrdreg s26  }
0x1f: {  	s12 =	sadd.s32 $0x3000, s7;
	s9 =	sadd.s32 s5, s9;
	[dreg:$0x1d] =	wrdreg s11  }
0x20: {  	s17 =	sadd.s32 $0x3800, s7;
	s13 =	sadd.s32 s3, s12;
	[dreg:$0x1e] =	wrdreg s9  }
0x21: {  	s14 =	sshrl.u32 s12, $0x3;
	s19 =	sadd.s32 s3, s17;
	[dreg:$0x1f] =	wrdreg s13  }
0x22: {  	[smem:$0x7E6] =	sst s19;
	s21 =	sadd.s32 s0, s14  }
0x23: {  	s29 =	simm.s32 $0x4000;
	s22 =	sadd.s32 s2, s14;
	[smem:$0x7E7] =	sst s21  }
0x24: {  	s8 =	sshrl.u32 s23, $0x3;
	s23 =	sadd.s32 s4, s14;
	[smem:$0x7E8] =	sst s22  }
0x25: {  	s30 =	simm.s32 $0x8800;
	s9 =	sadd.s32 s5, s14;
	[smem:$0x7E9] =	sst s23  }
0x26: {  	s31 =	simm.s32 $0x9800;
	s19 =	sadd.s32 s3, s7;
	[smem:$0x7EA] =	sst s9  }
0x27: {  	s28 =	smax.u32 s6, $0x1;
	s15 =	sadd.s32 s0, s8;
	[smem:$0x7F5] =	sst s19  }
0x28: {  	s6 =	simm.s32 $0xB000;
	s16 =	sadd.s32 s2, s8;
	[smem:$0x7E2] =	sst s15  }
0x29: {  	s10 =	simm.s32 $0x5;
	s18 =	sadd.s32 s4, s8;
	[smem:$0x7E3] =	sst s16  }
0x2a: {  	s24 =	sadd.s32 $0x4000, s7;
	s8 =	sadd.s32 s5, s8;
	[smem:$0x7E4] =	sst s18  }
0x2b: {  	s20 =	sshrl.u32 s17, $0x3;
	s25 =	sadd.s32 s3, s24;
	[smem:$0x7E5] =	sst s8  }
0x2c: {  	s13 =	sadd.s32 $0x4800, s7;
	s26 =	sadd.s32 s0, s20;
	[smem:$0x7EB] =	sst s25  }
0x2d: {  	s7 =	sadd.s32 $0x5000, s7;
	s11 =	sadd.s32 s2, s20;
	[smem:$0x7EC] =	sst s26  }
0x2e: {  	s9 =	sshrl.u32 s24, $0x3;
	s12 =	sadd.s32 s4, s20;
	[smem:$0x7ED] =	sst s11  }
0x2f: {  	s14 =	sadd.s32 s3, s13;
	s3 =	sadd.s32 s3, s7;
	[smem:$0x7EE] =	sst s12  }
0x30: {  	s8 =	sadd.s32 s5, s20;
	[smem:$0x7F0] =	sst s14;
	s15 =	sshrl.u32 s13, $0x3  }
0x31: {  	s16 =	sadd.s32 s0, s9;
	s17 =	sadd.s32 s2, s9;
	[smem:$0x7F6] =	sst s3  }
0x32: {  	s18 =	sadd.s32 s4, s9;
	s9 =	sadd.s32 s5, s9;
	[smem:$0x7EF] =	sst s8  }
0x33: {  	s20 =	sshrl.u32 s7, $0x3;
	s3 =	simm.s32 $0x2;
	[smem:$0x7F1] =	sst s16  }
0x34: {  	s7 =	simm.s32 $0x8000;
	s11 =	simm.s32 $0x6;
	[smem:$0x7F2] =	sst s17  }
0x35: {  	s12 =	simm.s32 $0x7;
	s13 =	simm.s32 $0x8;
	[smem:$0x7F3] =	sst s18  }
0x36: {  	s14 =	simm.s32 $0xB800;
	[smem:$0x7F4] =	sst s9;
	s21 =	sadd.s32 s0, s15  }
0x37: {  	s0 =	sadd.s32 s0, s20;
	s22 =	sadd.s32 s2, s15;
	[smem:$0x7F7] =	sst s21  }
0x38: {  	s23 =	sadd.s32 s2, s20;
	s24 =	sadd.s32 s4, s15;
	[smem:$0x7F8] =	sst s0  }
0x39: {  	s25 =	sadd.s32 s4, s20;
	s26 =	sadd.s32 s5, s15;
	[smem:$0x7F9] =	sst s22  }
0x3a: {  	s2 =	simm.s32 $0x1;
	s4 =	simm.s32 $0x3;
	[smem:$0x7FA] =	sst s23  }
0x3b: {  	s8 =	simm.s32 $0x9000;
	s9 =	simm.s32 $0xA000;
	[smem:$0x7FB] =	sst s24  }
0x3c: {  	s15 =	simm.s32 $0x9;
	s16 =	simm.s32 $0xA;
	[smem:$0x7FC] =	sst s25  }
0x3d: {  	s17 =	simm.s32 $0x0;
	[smem:$0x7FD] =	sst s26;
	s26 =	sadd.s32 s5, s20  }
0x3e: {  	v0 =	vimm.s32 $0x0;
	s0 =	simm.s32 $0xA800;
	s5 =	simm.s32 $0x4;
	_ =	strace $0x80000047  }
.LBB2_1:
0x3f: {  	s18 =	sld [smem:$0x7F5];
	_ =	sdelay $0x2  }
0x40: {  	[tilespmem:s1], [sflag:$0x1] =	stream.linear.gather [hbm4b:s18+s1], $0x4000, $0x38;
	[tilespmem:$0xC000] =	vst v63  }
0x41: {  	s23 =	rddreg [dreg:$0x6]  }
0x42: {  	[tilespmem:s7], [sflag:$0x2] =	stream.linear.gather [hbm4b:s23+s1], $0x800, $0x38;
	[tilespmem:$0xC000] =	vst v63  }
0x43: {  	s24 =	rddreg [dreg:$0x7]  }
0x44: {  	[tilespmem:s8], [sflag:$0x3] =	stream.linear.gather [hbm4b:s24+s1], $0x800, $0x38;
	[tilespmem:$0xC000] =	vst v63  }
0x45: {  	s25 =	rddreg [dreg:$0x8]  }
0x46: {  	[tilespmem:s9], [sflag:$0x4] =	stream.linear.gather [hbm4b:s25+s1], $0x800, $0x38;
	[tilespmem:$0xC000] =	vst v63  }
0x47: {  	s19 =	rddreg [dreg:$0x9]  }
0x48: {  	[tilespmem:s29], [sflag:$0x5] =	stream.linear.gather [hbm4b:s19+s1], $0x4000, $0x38;
	[tilespmem:$0xC000] =	vst v63  }
0x49: {  	s20 =	rddreg [dreg:$0xa]  }
0x4a: {  	[tilespmem:s30], [sflag:$0x6] =	stream.linear.gather [hbm4b:s20+s1], $0x800, $0x38;
	[tilespmem:$0xC000] =	vst v63  }
0x4b: {  	s21 =	rddreg [dreg:$0xb]  }
0x4c: {  	[tilespmem:s31], [sflag:$0x7] =	stream.linear.gather [hbm4b:s21+s1], $0x800, $0x38;
	[tilespmem:$0xC000] =	vst v63  }
0x4d: {  	s22 =	rddreg [dreg:$0xc]  }
0x4e: {  	[tilespmem:s0], [sflag:$0x8] =	stream.linear.gather [hbm4b:s22+s1], $0x800, $0x38;
	[tilespmem:$0xC000] =	vst v63  }
0x4f: {  	_ =	swait.ge [sflag:s2], $0x4000  }
0x50: {  	[sflag:s2] =	ssyncset.done $0x0  }
0x51: {  	[sflag:s2] =	ssyncadd.s32 $0xFFFFC000  }
0x52: {  	_ =	swait.ge [sflag:s3], $0x800  }
0x53: {  	[sflag:s3] =	ssyncset.done $0x0  }
0x54: {  	[sflag:s3] =	ssyncadd.s32 $0xFFFFF800  }
0x55: {  	_ =	swait.ge [sflag:s4], $0x800  }
0x56: {  	[sflag:s4] =	ssyncset.done $0x0  }
0x57: {  	[sflag:s4] =	ssyncadd.s32 $0xFFFFF800  }
0x58: {  	_ =	swait.ge [sflag:s5], $0x800  }
0x59: {  	s23 =	sand.u32 $0x70, s1;
	s19 =	sand.u32 $0x3C00, s1;
	[sflag:s5] =	ssyncset.done $0x0  }
0x5a: {  	s18 =	sor.u32 s23, s19;
	[sflag:s5] =	ssyncadd.s32 $0xFFFFF800  }
0x5b: {  	v1 =	vld [tilespmem:s18+$0x80]  }
0x5c: {  	v2 =	vld [tilespmem:s18+$0x0];
	_ =	sdelay $0x1  }
0x5d: {  	v3 =	vld [tilespmem:s18+$0x100]  }
0x5e: {  	v4 =	vld [tilespmem:s9+$0x0]  }
0x5f: {  	v5 =	vld [tilespmem:s18+$0x180]  }
0x60: {  	v6 =	vld [tilespmem:s8+$0x0];
	vm0 =	vgt.f32 v1, v2  }
0x61: {  	v1 =	vsel vm0, v1, v2;
	v2 =	vld [tilespmem:s18+$0x200]  }
0x62: {  	vm1 =	vgt.f32 v3, v1  }
0x63: {  	v1 =	vsel vm1, v3, v1;
	v3 =	vld [tilespmem:s18+$0x280]  }
0x64: {  	vm2 =	vgt.f32 v5, v1  }
0x65: {  	v63 =	vld [tilespmem:s18+$0x300];
	v7 =	vsub.f32 $1.000000000e+00, v6;
	v8 =	vsub.f32 $1.000000000e+00, v4;
	v1 =	vsel vm2, v5, v1  }
0x66: {  	v9 =	vld [tilespmem:s7+$0x0];
	v10 =	vsub.f32 v6, v4;
	vm3 =	vgt.f32 v2, v1  }
0x67: {  	v11 =	vmul.f32 $6.999999880e-01, v7;
	v1 =	vsel vm3, v2, v1;
	v2 =	vmul.f32 $6.999999880e-01, v8  }
0x68: {  	vm5 =	vgt.f32 v6, v4;
	v10 =	vand.u32 $0x7FFFFFFF, v10;
	vm4 =	vgt.f32 v3, v1  }
0x69: {  	v1 =	vsel vm4, v3, v1;
	v2 =	vmax.f32 v7, v2;
	v3 =	vmax.f32 v8, v11  }
0x6a: {  	vm7 =	vgt.f32 v10, $2.500000000e-01;
	vm6 =	vgt.f32 v63, v1;
	v2 =	vsel vm5, v2, v3  }
0x6b: {  	v3 =	vsel vm0, $0x1, v0;
	v1 =	vsel vm6, v63, v1;
	v2 =	vsel vm7, v2, v9  }
0x6c: {  	v3 =	vsel vm1, $0x2, v3;
	v2 =	vmul.f32 $6.999999880e-01, v2;
	v1 =	vsub.f32 $1.000000000e+00, v1  }
0x6d: {  	v3 =	vsel vm2, $0x3, v3  }
0x6e: {  	v3 =	vsel vm3, $0x4, v3;
	v1 =	vadd.f32 v2, v1  }
0x6f: {  	s24 =	simm.s32 $0x10;
	v2 =	vsel vm4, $0x5, v3  }
0x70: {  	s23 =	simm.s32 $0x20;
	s19 =	simm.s32 $0x8000;
	s20 =	simm.s32 $0x80;
	v2 =	vsel vm6, $0x6, v2;
	vm15 =	vgt.f32 v1, $5.000000000e-01  }
0x71: {  	s25 =	sand.u32 $0x3C00, s20;
	s21 =	simm.s32 $0x9000;
	s18 =	sand.u32 $0x70, s24;
	v1 =	vsel vm15, $0x7, v2  }
0x72: {  	s22 =	simm.s32 $0xA000;
	s24 =	sor.u32 s18, s25;
	s18 =	simm.s32 $0xB000;
	[tilespmem:s6+$0x0] =	vst v1  }
.LBB2_2:
0x73: {  	p0 =	sne.s32 s23, $0x7F0;
	v1 =	vld [tilespmem:s24+$0x80]  }
0x74: {  	v2 =	vld [tilespmem:s24+$0x0];
	_ =	sdelay $0x1  }
0x75: {  	s22 =	sadd.s32 $0x10, s22;
	v3 =	vld [tilespmem:s24+$0x100]  }
0x76: {  	v4 =	vld [tilespmem:s22+$0x0]  }
0x77: {  	s21 =	sadd.s32 $0x10, s21;
	v5 =	vld [tilespmem:s24+$0x180]  }
0x78: {  	vm0 =	vgt.f32 v1, v2;
	v6 =	vld [tilespmem:s21+$0x0]  }
0x79: {  	v1 =	vsel vm0, v1, v2;
	v2 =	vld [tilespmem:s24+$0x200]  }
0x7a: {  	vm1 =	vgt.f32 v3, v1  }
0x7b: {  	v1 =	vsel vm1, v3, v1;
	v3 =	vld [tilespmem:s24+$0x280]  }
0x7c: {  	vm2 =	vgt.f32 v5, v1  }
0x7d: {  	s19 =	sadd.s32 $0x10, s19;
	v8 =	vsub.f32 $1.000000000e+00, v4;
	v1 =	vsel vm2, v5, v1;
	v5 =	vld [tilespmem:s24+$0x300];
	v7 =	vsub.f32 $1.000000000e+00, v6  }
0x7e: {  	v10 =	vsub.f32 v6, v4;
	vm3 =	vgt.f32 v2, v1;
	v9 =	vld [tilespmem:s19+$0x0]  }
0x7f: {  	v1 =	vsel vm3, v2, v1;
	v2 =	vmul.f32 $6.999999880e-01, v8;
	v11 =	vmul.f32 $6.999999880e-01, v7  }
0x80: {  	vm5 =	vgt.f32 v6, v4;
	v10 =	vand.u32 $0x7FFFFFFF, v10;
	vm4 =	vgt.f32 v3, v1  }
0x81: {  	v1 =	vsel vm4, v3, v1;
	v2 =	vmax.f32 v7, v2;
	v3 =	vmax.f32 v8, v11  }
0x82: {  	vm7 =	vgt.f32 v10, $2.500000000e-01;
	vm6 =	vgt.f32 v5, v1;
	v2 =	vsel vm5, v2, v3  }
0x83: {  	v3 =	vsel vm0, $0x1, v0;
	v1 =	vsel vm6, v5, v1;
	v2 =	vsel vm7, v2, v9  }
0x84: {  	v3 =	vsel vm1, $0x2, v3;
	v2 =	vmul.f32 $6.999999880e-01, v2;
	v1 =	vsub.f32 $1.000000000e+00, v1  }
0x85: {  	v3 =	vsel vm2, $0x3, v3  }
.Ltmp0:
0x86: {  	v3 =	vsel vm3, $0x4, v3;
	v1 =	vadd.f32 v2, v1;
	(pc) =	sbr.rel @p0 .LBB2_2-.Ltmp0, $4  }
0x87: {  	v2 =	vsel vm4, $0x5, v3  }
0x88: {  	s20 =	sadd.s32 $0x80, s20;
	v2 =	vsel vm6, $0x6, v2;
	vm0 =	vgt.f32 v1, $5.000000000e-01  }
0x89: {  	s18 =	sadd.s32 $0x10, s18;
	s25 =	sand.u32 $0x3C00, s20;
	s24 =	sand.u32 $0x70, s23;
	v1 =	vsel vm0, $0x7, v2  }
0x8a: {  	s23 =	sadd.s32 $0x10, s23;
	s24 =	sor.u32 s24, s25;
	[tilespmem:s18+$0x0] =	vst v1  }
0x8b: {  	v1 =	vld [tilespmem:s24+$0x80]  }
0x8c: {  	v2 =	vld [tilespmem:s24+$0x0];
	_ =	sdelay $0x1  }
0x8d: {  	v3 =	vld [tilespmem:s24+$0x100]  }
0x8e: {  	s20 =	sadd.s32 $0x10, s22;
	v5 =	vld [tilespmem:s24+$0x180]  }
0x8f: {  	s23 =	sadd.s32 $0x10, s21;
	v4 =	vld [tilespmem:s20+$0x0]  }
0x90: {  	v6 =	vld [tilespmem:s23+$0x0];
	vm0 =	vgt.f32 v1, v2  }
0x91: {  	v1 =	vsel vm0, v1, v2;
	v2 =	vld [tilespmem:s24+$0x200]  }
0x92: {  	vm1 =	vgt.f32 v3, v1  }
0x93: {  	v1 =	vsel vm1, v3, v1;
	v3 =	vld [tilespmem:s24+$0x280]  }
0x94: {  	vm2 =	vgt.f32 v5, v1  }
0x95: {  	v54 =	vld [tilespmem:s24+$0x300];
	s19 =	sadd.s32 $0x10, s19;
	v7 =	vsub.f32 $1.000000000e+00, v6;
	v8 =	vsub.f32 $1.000000000e+00, v4;
	v1 =	vsel vm2, v5, v1  }
0x96: {  	v9 =	vld [tilespmem:s19+$0x0];
	v10 =	vsub.f32 v6, v4;
	vm3 =	vgt.f32 v2, v1  }
0x97: {  	v11 =	vmul.f32 $6.999999880e-01, v7;
	v1 =	vsel vm3, v2, v1;
	v2 =	vmul.f32 $6.999999880e-01, v8  }
0x98: {  	vm5 =	vgt.f32 v6, v4;
	v10 =	vand.u32 $0x7FFFFFFF, v10;
	vm4 =	vgt.f32 v3, v1  }
0x99: {  	v1 =	vsel vm4, v3, v1;
	v2 =	vmax.f32 v7, v2;
	v3 =	vmax.f32 v8, v11  }
0x9a: {  	vm7 =	vgt.f32 v10, $2.500000000e-01;
	vm6 =	vgt.f32 v54, v1;
	v2 =	vsel vm5, v2, v3  }
0x9b: {  	v3 =	vsel vm0, $0x1, v0;
	v1 =	vsel vm6, v54, v1;
	v2 =	vsel vm7, v2, v9  }
0x9c: {  	v3 =	vsel vm1, $0x2, v3;
	v2 =	vmul.f32 $6.999999880e-01, v2;
	v1 =	vsub.f32 $1.000000000e+00, v1  }
0x9d: {  	v3 =	vsel vm2, $0x3, v3  }
0x9e: {  	v3 =	vsel vm3, $0x4, v3;
	v1 =	vadd.f32 v2, v1  }
0x9f: {  	v2 =	vsel vm4, $0x5, v3  }
0xa0: {  	v2 =	vsel vm6, $0x6, v2;
	vm14 =	vgt.f32 v1, $5.000000000e-01  }
0xa1: {  	s18 =	sadd.s32 $0x10, s18;
	v1 =	vsel vm14, $0x7, v2  }
0xa2: {  	s24 =	rddreg [dreg:$0xd];
	[tilespmem:s18+$0x0] =	vst v1;
	s18 =	simm.s32 $0x0  }
0xa3: {  	[hbm4b:s24+s18] =	stream.linear.scatter [tilespmem:s6], [sflag:$0x9], $0x800, $0x38;
	[tilespmem:$0xC000] =	vst v63  }
0xa4: {  	s25 =	rddreg [dreg:$0xe]  }
0xa5: {  	[tilespmem:s18], [sflag:$0x1] =	stream.linear.gather [hbm4b:s25+s18], $0x4000, $0x38;
	[tilespmem:$0xC000] =	vst v63  }
0xa6: {  	s20 =	rddreg [dreg:$0xf]  }
0xa7: {  	[tilespmem:s7], [sflag:$0x2] =	stream.linear.gather [hbm4b:s20+s18], $0x800, $0x38;
	[tilespmem:$0xC000] =	vst v63  }
0xa8: {  	s21 =	rddreg [dreg:$0x10]  }
0xa9: {  	[tilespmem:s8], [sflag:$0x3] =	stream.linear.gather [hbm4b:s21+s18], $0x800, $0x38;
	[tilespmem:$0xC000] =	vst v63  }
0xaa: {  	s22 =	rddreg [dreg:$0x11]  }
0xab: {  	[tilespmem:s9], [sflag:$0x4] =	stream.linear.gather [hbm4b:s22+s18], $0x800, $0x38;
	[tilespmem:$0xC000] =	vst v63  }
0xac: {  	_ =	swait.ge [sflag:s10], $0x4000  }
0xad: {  	[sflag:s10] =	ssyncset.done $0x0  }
0xae: {  	[sflag:s10] =	ssyncadd.s32 $0xFFFFC000  }
0xaf: {  	_ =	swait.ge [sflag:s11], $0x800  }
0xb0: {  	[sflag:s11] =	ssyncset.done $0x0  }
0xb1: {  	[sflag:s11] =	ssyncadd.s32 $0xFFFFF800  }
0xb2: {  	_ =	swait.ge [sflag:s12], $0x800  }
0xb3: {  	[sflag:s12] =	ssyncset.done $0x0  }
0xb4: {  	[sflag:s12] =	ssyncadd.s32 $0xFFFFF800  }
0xb5: {  	_ =	swait.ge [sflag:s13], $0x800  }
0xb6: {  	s23 =	sand.u32 $0x70, s18;
	s18 =	sand.u32 $0x3C00, s18;
	[sflag:s13] =	ssyncset.done $0x0  }
0xb7: {  	s24 =	sor.u32 s23, s18;
	[sflag:s13] =	ssyncadd.s32 $0xFFFFF800  }
0xb8: {  	v1 =	vld [tilespmem:s24+$0x4080]  }
0xb9: {  	v2 =	vld [tilespmem:s24+$0x4000];
	_ =	sdelay $0x1  }
0xba: {  	s19 =	simm.s32 $0xA800;
	v3 =	vld [tilespmem:s24+$0x4100]  }
0xbb: {  	v55 =	vld [tilespmem:s19+$0x0]  }
0xbc: {  	s20 =	simm.s32 $0x9800;
	v56 =	vld [tilespmem:s24+$0x4180]  }
0xbd: {  	v57 =	vld [tilespmem:s20+$0x0];
	vm0 =	vgt.f32 v1, v2  }
0xbe: {  	v1 =	vsel vm0, v1, v2;
	v2 =	vld [tilespmem:s24+$0x4200]  }
0xbf: {  	vm15 =	vgt.f32 v3, v1  }
0xc0: {  	v1 =	vsel vm15, v3, v1;
	v3 =	vld [tilespmem:s24+$0x4280]  }
0xc1: {  	vm9 =	vgt.f32 v56, v1  }
0xc2: {  	s18 =	simm.s32 $0x8800;
	v58 =	vld [tilespmem:s24+$0x4300];
	v59 =	vsub.f32 $1.000000000e+00, v57;
	v60 =	vsub.f32 $1.000000000e+00, v55;
	v1 =	vsel vm9, v56, v1  }
0xc3: {  	v61 =	vld [tilespmem:s18+$0x0];
	v62 =	vsub.f32 v57, v55;
	vm10 =	vgt.f32 v2, v1  }
0xc4: {  	v63 =	vmul.f32 $6.999999880e-01, v59;
	v1 =	vsel vm10, v2, v1;
	v2 =	vmul.f32 $6.999999880e-01, v60  }
0xc5: {  	vm12 =	vgt.f32 v57, v55;
	v10 =	vand.u32 $0x7FFFFFFF, v62;
	vm11 =	vgt.f32 v3, v1  }
0xc6: {  	v1 =	vsel vm11, v3, v1;
	v2 =	vmax.f32 v59, v2;
	v3 =	vmax.f32 v60, v63  }
0xc7: {  	vm14 =	vgt.f32 v10, $2.500000000e-01;
	vm13 =	vgt.f32 v58, v1;
	v2 =	vsel vm12, v2, v3  }
0xc8: {  	v3 =	vsel vm0, $0x1, v0;
	v1 =	vsel vm13, v58, v1;
	v2 =	vsel vm14, v2, v61  }
0xc9: {  	v3 =	vsel vm15, $0x2, v3;
	v2 =	vmul.f32 $6.999999880e-01, v2;
	v1 =	vsub.f32 $1.000000000e+00, v1  }
0xca: {  	v3 =	vsel vm9, $0x3, v3  }
0xcb: {  	v3 =	vsel vm10, $0x4, v3;
	v1 =	vadd.f32 v2, v1  }
0xcc: {  	v2 =	vsel vm11, $0x5, v3  }
0xcd: {  	s22 =	simm.s32 $0x80;
	s23 =	simm.s32 $0x10;
	v2 =	vsel vm13, $0x6, v2;
	vm15 =	vgt.f32 v1, $5.000000000e-01  }
0xce: {  	s21 =	simm.s32 $0xB800;
	s25 =	sand.u32 $0x3C00, s22;
	s23 =	sand.u32 $0x70, s23;
	v1 =	vsel vm15, $0x7, v2  }
0xcf: {  	s24 =	sor.u32 s23, s25;
	s23 =	simm.s32 $0x20;
	[tilespmem:s21+$0x0] =	vst v1  }
.LBB2_4:
0xd0: {  	p0 =	sne.s32 s23, $0x7F0;
	v1 =	vld [tilespmem:s24+$0x4080]  }
0xd1: {  	v2 =	vld [tilespmem:s24+$0x4000];
	_ =	sdelay $0x1  }
0xd2: {  	s19 =	sadd.s32 $0x10, s19;
	v3 =	vld [tilespmem:s24+$0x4100]  }
0xd3: {  	v4 =	vld [tilespmem:s19+$0x0]  }
0xd4: {  	s20 =	sadd.s32 $0x10, s20;
	v5 =	vld [tilespmem:s24+$0x4180]  }
0xd5: {  	vm0 =	vgt.f32 v1, v2;
	v6 =	vld [tilespmem:s20+$0x0]  }
0xd6: {  	v1 =	vsel vm0, v1, v2;
	v2 =	vld [tilespmem:s24+$0x4200]  }
0xd7: {  	vm1 =	vgt.f32 v3, v1  }
0xd8: {  	v1 =	vsel vm1, v3, v1;
	v3 =	vld [tilespmem:s24+$0x4280]  }
0xd9: {  	vm2 =	vgt.f32 v5, v1  }
0xda: {  	s18 =	sadd.s32 $0x10, s18;
	v8 =	vsub.f32 $1.000000000e+00, v4;
	v1 =	vsel vm2, v5, v1;
	v5 =	vld [tilespmem:s24+$0x4300];
	v7 =	vsub.f32 $1.000000000e+00, v6  }
0xdb: {  	v10 =	vsub.f32 v6, v4;
	vm3 =	vgt.f32 v2, v1;
	v9 =	vld [tilespmem:s18+$0x0]  }
0xdc: {  	v1 =	vsel vm3, v2, v1;
	v2 =	vmul.f32 $6.999999880e-01, v8;
	v11 =	vmul.f32 $6.999999880e-01, v7  }
0xdd: {  	vm5 =	vgt.f32 v6, v4;
	v10 =	vand.u32 $0x7FFFFFFF, v10;
	vm4 =	vgt.f32 v3, v1  }
0xde: {  	v1 =	vsel vm4, v3, v1;
	v2 =	vmax.f32 v7, v2;
	v3 =	vmax.f32 v8, v11  }
0xdf: {  	vm7 =	vgt.f32 v10, $2.500000000e-01;
	vm6 =	vgt.f32 v5, v1;
	v2 =	vsel vm5, v2, v3  }
0xe0: {  	v3 =	vsel vm0, $0x1, v0;
	v1 =	vsel vm6, v5, v1;
	v2 =	vsel vm7, v2, v9  }
0xe1: {  	v3 =	vsel vm1, $0x2, v3;
	v2 =	vmul.f32 $6.999999880e-01, v2;
	v1 =	vsub.f32 $1.000000000e+00, v1  }
0xe2: {  	v3 =	vsel vm2, $0x3, v3  }
.Ltmp1:
0xe3: {  	v3 =	vsel vm3, $0x4, v3;
	v1 =	vadd.f32 v2, v1;
	(pc) =	sbr.rel @p0 .LBB2_4-.Ltmp1, $4  }
0xe4: {  	v2 =	vsel vm4, $0x5, v3  }
0xe5: {  	s22 =	sadd.s32 $0x80, s22;
	v2 =	vsel vm6, $0x6, v2;
	vm0 =	vgt.f32 v1, $5.000000000e-01  }
0xe6: {  	s21 =	sadd.s32 $0x10, s21;
	s25 =	sand.u32 $0x3C00, s22;
	s24 =	sand.u32 $0x70, s23;
	v1 =	vsel vm0, $0x7, v2  }
0xe7: {  	s23 =	sadd.s32 $0x10, s23;
	s24 =	sor.u32 s24, s25;
	[tilespmem:s21+$0x0] =	vst v1  }
0xe8: {  	v1 =	vld [tilespmem:s24+$0x4080]  }
0xe9: {  	v2 =	vld [tilespmem:s24+$0x4000];
	_ =	sdelay $0x1  }
0xea: {  	v3 =	vld [tilespmem:s24+$0x4100]  }
0xeb: {  	s19 =	sadd.s32 $0x10, s19;
	v5 =	vld [tilespmem:s24+$0x4180]  }
0xec: {  	s22 =	sadd.s32 $0x10, s20;
	v4 =	vld [tilespmem:s19+$0x0]  }
0xed: {  	v6 =	vld [tilespmem:s22+$0x0];
	vm0 =	vgt.f32 v1, v2  }
0xee: {  	v1 =	vsel vm0, v1, v2;
	v2 =	vld [tilespmem:s24+$0x4200]  }
0xef: {  	vm1 =	vgt.f32 v3, v1  }
0xf0: {  	v1 =	vsel vm1, v3, v1;
	v3 =	vld [tilespmem:s24+$0x4280]  }
0xf1: {  	vm2 =	vgt.f32 v5, v1  }
0xf2: {  	v54 =	vld [tilespmem:s24+$0x4300];
	s18 =	sadd.s32 $0x10, s18;
	v7 =	vsub.f32 $1.000000000e+00, v6;
	v8 =	vsub.f32 $1.000000000e+00, v4;
	v1 =	vsel vm2, v5, v1  }
0xf3: {  	v9 =	vld [tilespmem:s18+$0x0];
	v10 =	vsub.f32 v6, v4;
	vm3 =	vgt.f32 v2, v1  }
0xf4: {  	v11 =	vmul.f32 $6.999999880e-01, v7;
	v1 =	vsel vm3, v2, v1;
	v2 =	vmul.f32 $6.999999880e-01, v8  }
0xf5: {  	vm5 =	vgt.f32 v6, v4;
	v10 =	vand.u32 $0x7FFFFFFF, v10;
	vm4 =	vgt.f32 v3, v1  }
0xf6: {  	v1 =	vsel vm4, v3, v1;
	v2 =	vmax.f32 v7, v2;
	v3 =	vmax.f32 v8, v11  }
0xf7: {  	vm7 =	vgt.f32 v10, $2.500000000e-01;
	vm6 =	vgt.f32 v54, v1;
	v2 =	vsel vm5, v2, v3  }
0xf8: {  	v3 =	vsel vm0, $0x1, v0;
	v1 =	vsel vm6, v54, v1;
	v2 =	vsel vm7, v2, v9  }
0xf9: {  	v3 =	vsel vm1, $0x2, v3;
	v2 =	vmul.f32 $6.999999880e-01, v2;
	v1 =	vsub.f32 $1.000000000e+00, v1  }
0xfa: {  	v3 =	vsel vm2, $0x3, v3  }
0xfb: {  	v3 =	vsel vm3, $0x4, v3;
	v1 =	vadd.f32 v2, v1  }
0xfc: {  	v2 =	vsel vm4, $0x5, v3  }
0xfd: {  	v2 =	vsel vm6, $0x6, v2;
	vm14 =	vgt.f32 v1, $5.000000000e-01  }
0xfe: {  	s23 =	sadd.s32 $0x10, s21;
	v1 =	vsel vm14, $0x7, v2  }
0xff: {  	s18 =	simm.s32 $0x0;
	s24 =	rddreg [dreg:$0x12];
	[tilespmem:s23+$0x0] =	vst v1  }
0x100: {  	[hbm4b:s24+s18] =	stream.linear.scatter [tilespmem:s14], [sflag:$0xA], $0x800, $0x38;
	[tilespmem:$0xC000] =	vst v63  }
0x101: {  	s25 =	rddreg [dreg:$0x13]  }
0x102: {  	[tilespmem:s29], [sflag:$0x5] =	stream.linear.gather [hbm4b:s25+s18], $0x4000, $0x38;
	[tilespmem:$0xC000] =	vst v63  }
0x103: {  	s20 =	rddreg [dreg:$0x16]  }
0x104: {  	[tilespmem:s30], [sflag:$0x6] =	stream.linear.gather [hbm4b:s20+s18], $0x800, $0x38;
	[tilespmem:$0xC000] =	vst v63  }
0x105: {  	s21 =	rddreg [dreg:$0x17]  }
0x106: {  	[tilespmem:s31], [sflag:$0x7] =	stream.linear.gather [hbm4b:s21+s18], $0x800, $0x38;
	[tilespmem:$0xC000] =	vst v63  }
0x107: {  	s22 =	rddreg [dreg:$0x18]  }
0x108: {  	[tilespmem:s0], [sflag:$0x8] =	stream.linear.gather [hbm4b:s22+s18], $0x800, $0x38;
	[tilespmem:$0xC000] =	vst v63  }
0x109: {  	_ =	swait.ge [sflag:s2], $0x4000  }
0x10a: {  	[sflag:s2] =	ssyncset.done $0x0  }
0x10b: {  	[sflag:s2] =	ssyncadd.s32 $0xFFFFC000  }
0x10c: {  	_ =	swait.ge [sflag:s3], $0x800  }
0x10d: {  	[sflag:s3] =	ssyncset.done $0x0  }
0x10e: {  	[sflag:s3] =	ssyncadd.s32 $0xFFFFF800  }
0x10f: {  	_ =	swait.ge [sflag:s4], $0x800  }
0x110: {  	[sflag:s4] =	ssyncset.done $0x0  }
0x111: {  	[sflag:s4] =	ssyncadd.s32 $0xFFFFF800  }
0x112: {  	_ =	swait.ge [sflag:s5], $0x800  }
0x113: {  	[sflag:s5] =	ssyncset.done $0x0  }
0x114: {  	[sflag:s5] =	ssyncadd.s32 $0xFFFFF800  }
0x115: {  	_ =	swait.ge [sflag:s15], $0x800  }
0x116: {  	s23 =	sand.u32 $0x70, s18;
	s18 =	sand.u32 $0x3C00, s18;
	[sflag:s15] =	ssyncset.done $0x0  }
0x117: {  	s24 =	sor.u32 s23, s18;
	[sflag:s15] =	ssyncadd.s32 $0xFFFFF800  }
0x118: {  	v1 =	vld [tilespmem:s24+$0x80]  }
0x119: {  	v2 =	vld [tilespmem:s24+$0x0];
	_ =	sdelay $0x1  }
0x11a: {  	s19 =	simm.s32 $0xA000;
	v3 =	vld [tilespmem:s24+$0x100]  }
0x11b: {  	v55 =	vld [tilespmem:s19+$0x0]  }
0x11c: {  	s20 =	simm.s32 $0x9000;
	v56 =	vld [tilespmem:s24+$0x180]  }
0x11d: {  	v57 =	vld [tilespmem:s20+$0x0];
	vm0 =	vgt.f32 v1, v2  }
0x11e: {  	v1 =	vsel vm0, v1, v2;
	v2 =	vld [tilespmem:s24+$0x200]  }
0x11f: {  	vm15 =	vgt.f32 v3, v1  }
0x120: {  	v1 =	vsel vm15, v3, v1;
	v3 =	vld [tilespmem:s24+$0x280]  }
0x121: {  	vm9 =	vgt.f32 v56, v1  }
0x122: {  	s18 =	simm.s32 $0x8000;
	v58 =	vld [tilespmem:s24+$0x300];
	v59 =	vsub.f32 $1.000000000e+00, v57;
	v60 =	vsub.f32 $1.000000000e+00, v55;
	v1 =	vsel vm9, v56, v1  }
0x123: {  	v61 =	vld [tilespmem:s18+$0x0];
	v62 =	vsub.f32 v57, v55;
	vm10 =	vgt.f32 v2, v1  }
0x124: {  	v63 =	vmul.f32 $6.999999880e-01, v59;
	v1 =	vsel vm10, v2, v1;
	v2 =	vmul.f32 $6.999999880e-01, v60  }
0x125: {  	vm12 =	vgt.f32 v57, v55;
	v10 =	vand.u32 $0x7FFFFFFF, v62;
	vm11 =	vgt.f32 v3, v1  }
0x126: {  	v1 =	vsel vm11, v3, v1;
	v2 =	vmax.f32 v59, v2;
	v3 =	vmax.f32 v60, v63  }
0x127: {  	vm14 =	vgt.f32 v10, $2.500000000e-01;
	vm13 =	vgt.f32 v58, v1;
	v2 =	vsel vm12, v2, v3  }
0x128: {  	v3 =	vsel vm0, $0x1, v0;
	v1 =	vsel vm13, v58, v1;
	v2 =	vsel vm14, v2, v61  }
0x129: {  	v3 =	vsel vm15, $0x2, v3;
	v2 =	vmul.f32 $6.999999880e-01, v2;
	v1 =	vsub.f32 $1.000000000e+00, v1  }
0x12a: {  	v3 =	vsel vm9, $0x3, v3  }
0x12b: {  	v3 =	vsel vm10, $0x4, v3;
	v1 =	vadd.f32 v2, v1  }
0x12c: {  	v2 =	vsel vm11, $0x5, v3  }
0x12d: {  	s22 =	simm.s32 $0x80;
	s23 =	simm.s32 $0x10;
	v2 =	vsel vm13, $0x6, v2;
	vm15 =	vgt.f32 v1, $5.000000000e-01  }
0x12e: {  	s21 =	simm.s32 $0xB000;
	s25 =	sand.u32 $0x3C00, s22;
	s23 =	sand.u32 $0x70, s23;
	v1 =	vsel vm15, $0x7, v2  }
0x12f: {  	s24 =	sor.u32 s23, s25;
	s23 =	simm.s32 $0x20;
	[tilespmem:s21+$0x0] =	vst v1  }
.LBB2_6:
0x130: {  	p0 =	sne.s32 s23, $0x7F0;
	v1 =	vld [tilespmem:s24+$0x80]  }
0x131: {  	v2 =	vld [tilespmem:s24+$0x0];
	_ =	sdelay $0x1  }
0x132: {  	s19 =	sadd.s32 $0x10, s19;
	v3 =	vld [tilespmem:s24+$0x100]  }
0x133: {  	v4 =	vld [tilespmem:s19+$0x0]  }
0x134: {  	s20 =	sadd.s32 $0x10, s20;
	v5 =	vld [tilespmem:s24+$0x180]  }
0x135: {  	vm0 =	vgt.f32 v1, v2;
	v6 =	vld [tilespmem:s20+$0x0]  }
0x136: {  	v1 =	vsel vm0, v1, v2;
	v2 =	vld [tilespmem:s24+$0x200]  }
0x137: {  	vm1 =	vgt.f32 v3, v1  }
0x138: {  	v1 =	vsel vm1, v3, v1;
	v3 =	vld [tilespmem:s24+$0x280]  }
0x139: {  	vm2 =	vgt.f32 v5, v1  }
0x13a: {  	s18 =	sadd.s32 $0x10, s18;
	v8 =	vsub.f32 $1.000000000e+00, v4;
	v1 =	vsel vm2, v5, v1;
	v5 =	vld [tilespmem:s24+$0x300];
	v7 =	vsub.f32 $1.000000000e+00, v6  }
0x13b: {  	v10 =	vsub.f32 v6, v4;
	vm3 =	vgt.f32 v2, v1;
	v9 =	vld [tilespmem:s18+$0x0]  }
0x13c: {  	v1 =	vsel vm3, v2, v1;
	v2 =	vmul.f32 $6.999999880e-01, v8;
	v11 =	vmul.f32 $6.999999880e-01, v7  }
0x13d: {  	vm5 =	vgt.f32 v6, v4;
	v10 =	vand.u32 $0x7FFFFFFF, v10;
	vm4 =	vgt.f32 v3, v1  }
0x13e: {  	v1 =	vsel vm4, v3, v1;
	v2 =	vmax.f32 v7, v2;
	v3 =	vmax.f32 v8, v11  }
0x13f: {  	vm7 =	vgt.f32 v10, $2.500000000e-01;
	vm6 =	vgt.f32 v5, v1;
	v2 =	vsel vm5, v2, v3  }
0x140: {  	v3 =	vsel vm0, $0x1, v0;
	v1 =	vsel vm6, v5, v1;
	v2 =	vsel vm7, v2, v9  }
0x141: {  	v3 =	vsel vm1, $0x2, v3;
	v2 =	vmul.f32 $6.999999880e-01, v2;
	v1 =	vsub.f32 $1.000000000e+00, v1  }
0x142: {  	v3 =	vsel vm2, $0x3, v3  }
.Ltmp2:
0x143: {  	v3 =	vsel vm3, $0x4, v3;
	v1 =	vadd.f32 v2, v1;
	(pc) =	sbr.rel @p0 .LBB2_6-.Ltmp2, $4  }
0x144: {  	v2 =	vsel vm4, $0x5, v3  }
0x145: {  	s22 =	sadd.s32 $0x80, s22;
	v2 =	vsel vm6, $0x6, v2;
	vm0 =	vgt.f32 v1, $5.000000000e-01  }
0x146: {  	s21 =	sadd.s32 $0x10, s21;
	s25 =	sand.u32 $0x3C00, s22;
	s24 =	sand.u32 $0x70, s23;
	v1 =	vsel vm0, $0x7, v2  }
0x147: {  	s23 =	sadd.s32 $0x10, s23;
	s24 =	sor.u32 s24, s25;
	[tilespmem:s21+$0x0] =	vst v1  }
0x148: {  	v1 =	vld [tilespmem:s24+$0x80]  }
0x149: {  	v2 =	vld [tilespmem:s24+$0x0];
	_ =	sdelay $0x1  }
0x14a: {  	v3 =	vld [tilespmem:s24+$0x100]  }
0x14b: {  	s19 =	sadd.s32 $0x10, s19;
	v5 =	vld [tilespmem:s24+$0x180]  }
0x14c: {  	s22 =	sadd.s32 $0x10, s20;
	v4 =	vld [tilespmem:s19+$0x0]  }
0x14d: {  	v6 =	vld [tilespmem:s22+$0x0];
	vm0 =	vgt.f32 v1, v2  }
0x14e: {  	v1 =	vsel vm0, v1, v2;
	v2 =	vld [tilespmem:s24+$0x200]  }
0x14f: {  	vm1 =	vgt.f32 v3, v1  }
0x150: {  	v1 =	vsel vm1, v3, v1;
	v3 =	vld [tilespmem:s24+$0x280]  }
0x151: {  	vm2 =	vgt.f32 v5, v1  }
0x152: {  	v54 =	vld [tilespmem:s24+$0x300];
	s18 =	sadd.s32 $0x10, s18;
	v7 =	vsub.f32 $1.000000000e+00, v6;
	v8 =	vsub.f32 $1.000000000e+00, v4;
	v1 =	vsel vm2, v5, v1  }
0x153: {  	v9 =	vld [tilespmem:s18+$0x0];
	v10 =	vsub.f32 v6, v4;
	vm3 =	vgt.f32 v2, v1  }
0x154: {  	v11 =	vmul.f32 $6.999999880e-01, v7;
	v1 =	vsel vm3, v2, v1;
	v2 =	vmul.f32 $6.999999880e-01, v8  }
0x155: {  	vm5 =	vgt.f32 v6, v4;
	v10 =	vand.u32 $0x7FFFFFFF, v10;
	vm4 =	vgt.f32 v3, v1  }
0x156: {  	v1 =	vsel vm4, v3, v1;
	v2 =	vmax.f32 v7, v2;
	v3 =	vmax.f32 v8, v11  }
0x157: {  	vm7 =	vgt.f32 v10, $2.500000000e-01;
	vm6 =	vgt.f32 v54, v1;
	v2 =	vsel vm5, v2, v3  }
0x158: {  	v3 =	vsel vm0, $0x1, v0;
	v1 =	vsel vm6, v54, v1;
	v2 =	vsel vm7, v2, v9  }
0x159: {  	v3 =	vsel vm1, $0x2, v3;
	v2 =	vmul.f32 $6.999999880e-01, v2;
	v1 =	vsub.f32 $1.000000000e+00, v1  }
0x15a: {  	v3 =	vsel vm2, $0x3, v3  }
0x15b: {  	v3 =	vsel vm3, $0x4, v3;
	v1 =	vadd.f32 v2, v1  }
0x15c: {  	v2 =	vsel vm4, $0x5, v3  }
0x15d: {  	v2 =	vsel vm6, $0x6, v2;
	vm14 =	vgt.f32 v1, $5.000000000e-01  }
0x15e: {  	s23 =	sadd.s32 $0x10, s21;
	v1 =	vsel vm14, $0x7, v2  }
0x15f: {  	s18 =	simm.s32 $0x0;
	s24 =	rddreg [dreg:$0x14];
	[tilespmem:s23+$0x0] =	vst v1  }
0x160: {  	[hbm4b:s24+s18] =	stream.linear.scatter [tilespmem:s6], [sflag:$0x9], $0x800, $0x38;
	[tilespmem:$0xC000] =	vst v63  }
0x161: {  	s25 =	rddreg [dreg:$0x15]  }
0x162: {  	[tilespmem:s18], [sflag:$0x1] =	stream.linear.gather [hbm4b:s25+s18], $0x4000, $0x38;
	[tilespmem:$0xC000] =	vst v63  }
0x163: {  	s20 =	rddreg [dreg:$0x1b]  }
0x164: {  	[tilespmem:s7], [sflag:$0x2] =	stream.linear.gather [hbm4b:s20+s18], $0x800, $0x38;
	[tilespmem:$0xC000] =	vst v63  }
0x165: {  	s21 =	rddreg [dreg:$0x1c]  }
0x166: {  	[tilespmem:s8], [sflag:$0x3] =	stream.linear.gather [hbm4b:s21+s18], $0x800, $0x38;
	[tilespmem:$0xC000] =	vst v63  }
0x167: {  	s22 =	rddreg [dreg:$0x1d]  }
0x168: {  	[tilespmem:s9], [sflag:$0x4] =	stream.linear.gather [hbm4b:s22+s18], $0x800, $0x38;
	[tilespmem:$0xC000] =	vst v63  }
0x169: {  	_ =	swait.ge [sflag:s10], $0x4000  }
0x16a: {  	[sflag:s10] =	ssyncset.done $0x0  }
0x16b: {  	[sflag:s10] =	ssyncadd.s32 $0xFFFFC000  }
0x16c: {  	_ =	swait.ge [sflag:s11], $0x800  }
0x16d: {  	[sflag:s11] =	ssyncset.done $0x0  }
0x16e: {  	[sflag:s11] =	ssyncadd.s32 $0xFFFFF800  }
0x16f: {  	_ =	swait.ge [sflag:s12], $0x800  }
0x170: {  	[sflag:s12] =	ssyncset.done $0x0  }
0x171: {  	[sflag:s12] =	ssyncadd.s32 $0xFFFFF800  }
0x172: {  	_ =	swait.ge [sflag:s13], $0x800  }
0x173: {  	[sflag:s13] =	ssyncset.done $0x0  }
0x174: {  	[sflag:s13] =	ssyncadd.s32 $0xFFFFF800  }
0x175: {  	_ =	swait.ge [sflag:s16], $0x800  }
0x176: {  	s23 =	sand.u32 $0x70, s18;
	s18 =	sand.u32 $0x3C00, s18;
	[sflag:s16] =	ssyncset.done $0x0  }
0x177: {  	s24 =	sor.u32 s23, s18;
	[sflag:s16] =	ssyncadd.s32 $0xFFFFF800  }
0x178: {  	v1 =	vld [tilespmem:s24+$0x4080]  }
0x179: {  	v2 =	vld [tilespmem:s24+$0x4000];
	_ =	sdelay $0x1  }
0x17a: {  	s19 =	simm.s32 $0xA800;
	v3 =	vld [tilespmem:s24+$0x4100]  }
0x17b: {  	v55 =	vld [tilespmem:s19+$0x0]  }
0x17c: {  	s20 =	simm.s32 $0x9800;
	v56 =	vld [tilespmem:s24+$0x4180]  }
0x17d: {  	v57 =	vld [tilespmem:s20+$0x0];
	vm0 =	vgt.f32 v1, v2  }
0x17e: {  	v1 =	vsel vm0, v1, v2;
	v2 =	vld [tilespmem:s24+$0x4200]  }
0x17f: {  	vm15 =	vgt.f32 v3, v1  }
0x180: {  	v1 =	vsel vm15, v3, v1;
	v3 =	vld [tilespmem:s24+$0x4280]  }
0x181: {  	vm9 =	vgt.f32 v56, v1  }
0x182: {  	s18 =	simm.s32 $0x8800;
	v58 =	vld [tilespmem:s24+$0x4300];
	v59 =	vsub.f32 $1.000000000e+00, v57;
	v60 =	vsub.f32 $1.000000000e+00, v55;
	v1 =	vsel vm9, v56, v1  }
0x183: {  	v61 =	vld [tilespmem:s18+$0x0];
	v62 =	vsub.f32 v57, v55;
	vm10 =	vgt.f32 v2, v1  }
0x184: {  	v63 =	vmul.f32 $6.999999880e-01, v59;
	v1 =	vsel vm10, v2, v1;
	v2 =	vmul.f32 $6.999999880e-01, v60  }
0x185: {  	vm12 =	vgt.f32 v57, v55;
	v10 =	vand.u32 $0x7FFFFFFF, v62;
	vm11 =	vgt.f32 v3, v1  }
0x186: {  	v1 =	vsel vm11, v3, v1;
	v2 =	vmax.f32 v59, v2;
	v3 =	vmax.f32 v60, v63  }
0x187: {  	vm14 =	vgt.f32 v10, $2.500000000e-01;
	vm13 =	vgt.f32 v58, v1;
	v2 =	vsel vm12, v2, v3  }
0x188: {  	v3 =	vsel vm0, $0x1, v0;
	v1 =	vsel vm13, v58, v1;
	v2 =	vsel vm14, v2, v61  }
0x189: {  	v3 =	vsel vm15, $0x2, v3;
	v2 =	vmul.f32 $6.999999880e-01, v2;
	v1 =	vsub.f32 $1.000000000e+00, v1  }
0x18a: {  	v3 =	vsel vm9, $0x3, v3  }
0x18b: {  	v3 =	vsel vm10, $0x4, v3;
	v1 =	vadd.f32 v2, v1  }
0x18c: {  	v2 =	vsel vm11, $0x5, v3  }
0x18d: {  	s22 =	simm.s32 $0x80;
	s23 =	simm.s32 $0x10;
	v2 =	vsel vm13, $0x6, v2;
	vm15 =	vgt.f32 v1, $5.000000000e-01  }
0x18e: {  	s21 =	simm.s32 $0xB800;
	s25 =	sand.u32 $0x3C00, s22;
	s23 =	sand.u32 $0x70, s23;
	v1 =	vsel vm15, $0x7, v2  }
0x18f: {  	s24 =	sor.u32 s23, s25;
	s23 =	simm.s32 $0x20;
	[tilespmem:s21+$0x0] =	vst v1  }
.LBB2_8:
0x190: {  	p0 =	sne.s32 s23, $0x7F0;
	v1 =	vld [tilespmem:s24+$0x4080]  }
0x191: {  	v2 =	vld [tilespmem:s24+$0x4000];
	_ =	sdelay $0x1  }
0x192: {  	s19 =	sadd.s32 $0x10, s19;
	v3 =	vld [tilespmem:s24+$0x4100]  }
0x193: {  	v4 =	vld [tilespmem:s19+$0x0]  }
0x194: {  	s20 =	sadd.s32 $0x10, s20;
	v5 =	vld [tilespmem:s24+$0x4180]  }
0x195: {  	vm0 =	vgt.f32 v1, v2;
	v6 =	vld [tilespmem:s20+$0x0]  }
0x196: {  	v1 =	vsel vm0, v1, v2;
	v2 =	vld [tilespmem:s24+$0x4200]  }
0x197: {  	vm1 =	vgt.f32 v3, v1  }
0x198: {  	v1 =	vsel vm1, v3, v1;
	v3 =	vld [tilespmem:s24+$0x4280]  }
0x199: {  	vm2 =	vgt.f32 v5, v1  }
0x19a: {  	s18 =	sadd.s32 $0x10, s18;
	v8 =	vsub.f32 $1.000000000e+00, v4;
	v1 =	vsel vm2, v5, v1;
	v5 =	vld [tilespmem:s24+$0x4300];
	v7 =	vsub.f32 $1.000000000e+00, v6  }
0x19b: {  	v10 =	vsub.f32 v6, v4;
	vm3 =	vgt.f32 v2, v1;
	v9 =	vld [tilespmem:s18+$0x0]  }
0x19c: {  	v1 =	vsel vm3, v2, v1;
	v2 =	vmul.f32 $6.999999880e-01, v8;
	v11 =	vmul.f32 $6.999999880e-01, v7  }
0x19d: {  	vm5 =	vgt.f32 v6, v4;
	v10 =	vand.u32 $0x7FFFFFFF, v10;
	vm4 =	vgt.f32 v3, v1  }
0x19e: {  	v1 =	vsel vm4, v3, v1;
	v2 =	vmax.f32 v7, v2;
	v3 =	vmax.f32 v8, v11  }
0x19f: {  	vm7 =	vgt.f32 v10, $2.500000000e-01;
	vm6 =	vgt.f32 v5, v1;
	v2 =	vsel vm5, v2, v3  }
0x1a0: {  	v3 =	vsel vm0, $0x1, v0;
	v1 =	vsel vm6, v5, v1;
	v2 =	vsel vm7, v2, v9  }
0x1a1: {  	v3 =	vsel vm1, $0x2, v3;
	v2 =	vmul.f32 $6.999999880e-01, v2;
	v1 =	vsub.f32 $1.000000000e+00, v1  }
0x1a2: {  	v3 =	vsel vm2, $0x3, v3  }
.Ltmp3:
0x1a3: {  	v3 =	vsel vm3, $0x4, v3;
	v1 =	vadd.f32 v2, v1;
	(pc) =	sbr.rel @p0 .LBB2_8-.Ltmp3, $4  }
0x1a4: {  	v2 =	vsel vm4, $0x5, v3  }
0x1a5: {  	s22 =	sadd.s32 $0x80, s22;
	v2 =	vsel vm6, $0x6, v2;
	vm0 =	vgt.f32 v1, $5.000000000e-01  }
0x1a6: {  	s21 =	sadd.s32 $0x10, s21;
	s25 =	sand.u32 $0x3C00, s22;
	s24 =	sand.u32 $0x70, s23;
	v1 =	vsel vm0, $0x7, v2  }
0x1a7: {  	s23 =	sadd.s32 $0x10, s23;
	s24 =	sor.u32 s24, s25;
	[tilespmem:s21+$0x0] =	vst v1  }
0x1a8: {  	v1 =	vld [tilespmem:s24+$0x4080]  }
0x1a9: {  	v2 =	vld [tilespmem:s24+$0x4000];
	_ =	sdelay $0x1  }
0x1aa: {  	v3 =	vld [tilespmem:s24+$0x4100]  }
0x1ab: {  	s19 =	sadd.s32 $0x10, s19;
	v5 =	vld [tilespmem:s24+$0x4180]  }
0x1ac: {  	s22 =	sadd.s32 $0x10, s20;
	v4 =	vld [tilespmem:s19+$0x0]  }
0x1ad: {  	v6 =	vld [tilespmem:s22+$0x0];
	vm0 =	vgt.f32 v1, v2  }
0x1ae: {  	v1 =	vsel vm0, v1, v2;
	v2 =	vld [tilespmem:s24+$0x4200]  }
0x1af: {  	vm1 =	vgt.f32 v3, v1  }
0x1b0: {  	v1 =	vsel vm1, v3, v1;
	v3 =	vld [tilespmem:s24+$0x4280]  }
0x1b1: {  	vm2 =	vgt.f32 v5, v1  }
0x1b2: {  	v54 =	vld [tilespmem:s24+$0x4300];
	s18 =	sadd.s32 $0x10, s18;
	v7 =	vsub.f32 $1.000000000e+00, v6;
	v8 =	vsub.f32 $1.000000000e+00, v4;
	v1 =	vsel vm2, v5, v1  }
0x1b3: {  	v9 =	vld [tilespmem:s18+$0x0];
	v10 =	vsub.f32 v6, v4;
	vm3 =	vgt.f32 v2, v1  }
0x1b4: {  	v11 =	vmul.f32 $6.999999880e-01, v7;
	v1 =	vsel vm3, v2, v1;
	v2 =	vmul.f32 $6.999999880e-01, v8  }
0x1b5: {  	vm5 =	vgt.f32 v6, v4;
	v10 =	vand.u32 $0x7FFFFFFF, v10;
	vm4 =	vgt.f32 v3, v1  }
0x1b6: {  	v1 =	vsel vm4, v3, v1;
	v2 =	vmax.f32 v7, v2;
	v3 =	vmax.f32 v8, v11  }
0x1b7: {  	vm7 =	vgt.f32 v10, $2.500000000e-01;
	vm6 =	vgt.f32 v54, v1;
	v2 =	vsel vm5, v2, v3  }
0x1b8: {  	v3 =	vsel vm0, $0x1, v0;
	v1 =	vsel vm6, v54, v1;
	v2 =	vsel vm7, v2, v9  }
0x1b9: {  	v3 =	vsel vm1, $0x2, v3;
	v2 =	vmul.f32 $6.999999880e-01, v2;
	v1 =	vsub.f32 $1.000000000e+00, v1  }
0x1ba: {  	v3 =	vsel vm2, $0x3, v3  }
0x1bb: {  	v3 =	vsel vm3, $0x4, v3;
	v1 =	vadd.f32 v2, v1  }
0x1bc: {  	v2 =	vsel vm4, $0x5, v3  }
0x1bd: {  	v2 =	vsel vm6, $0x6, v2;
	vm14 =	vgt.f32 v1, $5.000000000e-01  }
0x1be: {  	s23 =	sadd.s32 $0x10, s21;
	s25 =	rddreg [dreg:$0x1a];
	v1 =	vsel vm14, $0x7, v2  }
0x1bf: {  	s18 =	simm.s32 $0x0;
	s24 =	rddreg [dreg:$0x19];
	[tilespmem:s23+$0x0] =	vst v1  }
0x1c0: {  	[hbm4b:s24+s18] =	stream.linear.scatter [tilespmem:s14], [sflag:$0xA], $0x800, $0x38;
	[tilespmem:$0xC000] =	vst v63  }
0x1c1: {  	s20 =	sld [smem:$0x7E2]  }
0x1c2: {  	[tilespmem:s29], [sflag:$0x5] =	stream.linear.gather [hbm4b:s25+s18], $0x4000, $0x38;
	[tilespmem:$0xC000] =	vst v63  }
0x1c3: {  	s21 =	sld [smem:$0x7E3]  }
0x1c4: {  	[tilespmem:s30], [sflag:$0x6] =	stream.linear.gather [hbm4b:s20+s18], $0x800, $0x38;
	[tilespmem:$0xC000] =	vst v63  }
0x1c5: {  	s22 =	sld [smem:$0x7E4]  }
0x1c6: {  	[tilespmem:s31], [sflag:$0x7] =	stream.linear.gather [hbm4b:s21+s18], $0x800, $0x38;
	[tilespmem:$0xC000] =	vst v63  }
0x1c7: {  	_ = 	snop  }
0x1c8: {  	[tilespmem:s0], [sflag:$0x8] =	stream.linear.gather [hbm4b:s22+s18], $0x800, $0x38;
	[tilespmem:$0xC000] =	vst v63  }
0x1c9: {  	_ =	swait.ge [sflag:s2], $0x4000  }
0x1ca: {  	[sflag:s2] =	ssyncset.done $0x0  }
0x1cb: {  	[sflag:s2] =	ssyncadd.s32 $0xFFFFC000  }
0x1cc: {  	_ =	swait.ge [sflag:s3], $0x800  }
0x1cd: {  	[sflag:s3] =	ssyncset.done $0x0  }
0x1ce: {  	[sflag:s3] =	ssyncadd.s32 $0xFFFFF800  }
0x1cf: {  	_ =	swait.ge [sflag:s4], $0x800  }
0x1d0: {  	[sflag:s4] =	ssyncset.done $0x0  }
0x1d1: {  	[sflag:s4] =	ssyncadd.s32 $0xFFFFF800  }
0x1d2: {  	_ =	swait.ge [sflag:s5], $0x800  }
0x1d3: {  	[sflag:s5] =	ssyncset.done $0x0  }
0x1d4: {  	[sflag:s5] =	ssyncadd.s32 $0xFFFFF800  }
0x1d5: {  	_ =	swait.ge [sflag:s15], $0x800  }
0x1d6: {  	s23 =	sand.u32 $0x70, s18;
	s18 =	sand.u32 $0x3C00, s18;
	[sflag:s15] =	ssyncset.done $0x0  }
0x1d7: {  	s24 =	sor.u32 s23, s18;
	[sflag:s15] =	ssyncadd.s32 $0xFFFFF800  }
0x1d8: {  	v1 =	vld [tilespmem:s24+$0x80]  }
0x1d9: {  	v2 =	vld [tilespmem:s24+$0x0];
	_ =	sdelay $0x1  }
0x1da: {  	s19 =	simm.s32 $0xA000;
	v3 =	vld [tilespmem:s24+$0x100]  }
0x1db: {  	v55 =	vld [tilespmem:s19+$0x0]  }
0x1dc: {  	s20 =	simm.s32 $0x9000;
	v56 =	vld [tilespmem:s24+$0x180]  }
0x1dd: {  	v57 =	vld [tilespmem:s20+$0x0];
	vm0 =	vgt.f32 v1, v2  }
0x1de: {  	v1 =	vsel vm0, v1, v2;
	v2 =	vld [tilespmem:s24+$0x200]  }
0x1df: {  	vm15 =	vgt.f32 v3, v1  }
0x1e0: {  	v1 =	vsel vm15, v3, v1;
	v3 =	vld [tilespmem:s24+$0x280]  }
0x1e1: {  	vm9 =	vgt.f32 v56, v1  }
0x1e2: {  	s18 =	simm.s32 $0x8000;
	v58 =	vld [tilespmem:s24+$0x300];
	v59 =	vsub.f32 $1.000000000e+00, v57;
	v60 =	vsub.f32 $1.000000000e+00, v55;
	v1 =	vsel vm9, v56, v1  }
0x1e3: {  	v61 =	vld [tilespmem:s18+$0x0];
	v62 =	vsub.f32 v57, v55;
	vm10 =	vgt.f32 v2, v1  }
0x1e4: {  	v63 =	vmul.f32 $6.999999880e-01, v59;
	v1 =	vsel vm10, v2, v1;
	v2 =	vmul.f32 $6.999999880e-01, v60  }
0x1e5: {  	vm12 =	vgt.f32 v57, v55;
	v10 =	vand.u32 $0x7FFFFFFF, v62;
	vm11 =	vgt.f32 v3, v1  }
0x1e6: {  	v1 =	vsel vm11, v3, v1;
	v2 =	vmax.f32 v59, v2;
	v3 =	vmax.f32 v60, v63  }
0x1e7: {  	vm14 =	vgt.f32 v10, $2.500000000e-01;
	vm13 =	vgt.f32 v58, v1;
	v2 =	vsel vm12, v2, v3  }
0x1e8: {  	v3 =	vsel vm0, $0x1, v0;
	v1 =	vsel vm13, v58, v1;
	v2 =	vsel vm14, v2, v61  }
0x1e9: {  	v3 =	vsel vm15, $0x2, v3;
	v2 =	vmul.f32 $6.999999880e-01, v2;
	v1 =	vsub.f32 $1.000000000e+00, v1  }
0x1ea: {  	v3 =	vsel vm9, $0x3, v3  }
0x1eb: {  	v3 =	vsel vm10, $0x4, v3;
	v1 =	vadd.f32 v2, v1  }
0x1ec: {  	v2 =	vsel vm11, $0x5, v3  }
0x1ed: {  	s22 =	simm.s32 $0x80;
	s23 =	simm.s32 $0x10;
	v2 =	vsel vm13, $0x6, v2;
	vm15 =	vgt.f32 v1, $5.000000000e-01  }
0x1ee: {  	s21 =	simm.s32 $0xB000;
	s25 =	sand.u32 $0x3C00, s22;
	s23 =	sand.u32 $0x70, s23;
	v1 =	vsel vm15, $0x7, v2  }
0x1ef: {  	s24 =	sor.u32 s23, s25;
	s23 =	simm.s32 $0x20;
	[tilespmem:s21+$0x0] =	vst v1  }
.LBB2_10:
0x1f0: {  	p0 =	sne.s32 s23, $0x7F0;
	v1 =	vld [tilespmem:s24+$0x80]  }
0x1f1: {  	v2 =	vld [tilespmem:s24+$0x0];
	_ =	sdelay $0x1  }
0x1f2: {  	s19 =	sadd.s32 $0x10, s19;
	v3 =	vld [tilespmem:s24+$0x100]  }
0x1f3: {  	v4 =	vld [tilespmem:s19+$0x0]  }
0x1f4: {  	s20 =	sadd.s32 $0x10, s20;
	v5 =	vld [tilespmem:s24+$0x180]  }
0x1f5: {  	vm0 =	vgt.f32 v1, v2;
	v6 =	vld [tilespmem:s20+$0x0]  }
0x1f6: {  	v1 =	vsel vm0, v1, v2;
	v2 =	vld [tilespmem:s24+$0x200]  }
0x1f7: {  	vm1 =	vgt.f32 v3, v1  }
0x1f8: {  	v1 =	vsel vm1, v3, v1;
	v3 =	vld [tilespmem:s24+$0x280]  }
0x1f9: {  	vm2 =	vgt.f32 v5, v1  }
0x1fa: {  	s18 =	sadd.s32 $0x10, s18;
	v8 =	vsub.f32 $1.000000000e+00, v4;
	v1 =	vsel vm2, v5, v1;
	v5 =	vld [tilespmem:s24+$0x300];
	v7 =	vsub.f32 $1.000000000e+00, v6  }
0x1fb: {  	v10 =	vsub.f32 v6, v4;
	vm3 =	vgt.f32 v2, v1;
	v9 =	vld [tilespmem:s18+$0x0]  }
0x1fc: {  	v1 =	vsel vm3, v2, v1;
	v2 =	vmul.f32 $6.999999880e-01, v8;
	v11 =	vmul.f32 $6.999999880e-01, v7  }
0x1fd: {  	vm5 =	vgt.f32 v6, v4;
	v10 =	vand.u32 $0x7FFFFFFF, v10;
	vm4 =	vgt.f32 v3, v1  }
0x1fe: {  	v1 =	vsel vm4, v3, v1;
	v2 =	vmax.f32 v7, v2;
	v3 =	vmax.f32 v8, v11  }
0x1ff: {  	vm7 =	vgt.f32 v10, $2.500000000e-01;
	vm6 =	vgt.f32 v5, v1;
	v2 =	vsel vm5, v2, v3  }
0x200: {  	v3 =	vsel vm0, $0x1, v0;
	v1 =	vsel vm6, v5, v1;
	v2 =	vsel vm7, v2, v9  }
0x201: {  	v3 =	vsel vm1, $0x2, v3;
	v2 =	vmul.f32 $6.999999880e-01, v2;
	v1 =	vsub.f32 $1.000000000e+00, v1  }
0x202: {  	v3 =	vsel vm2, $0x3, v3  }
.Ltmp4:
0x203: {  	v3 =	vsel vm3, $0x4, v3;
	v1 =	vadd.f32 v2, v1;
	(pc) =	sbr.rel @p0 .LBB2_10-.Ltmp4, $4  }
0x204: {  	v2 =	vsel vm4, $0x5, v3  }
0x205: {  	s22 =	sadd.s32 $0x80, s22;
	v2 =	vsel vm6, $0x6, v2;
	vm0 =	vgt.f32 v1, $5.000000000e-01  }
0x206: {  	s21 =	sadd.s32 $0x10, s21;
	s25 =	sand.u32 $0x3C00, s22;
	s24 =	sand.u32 $0x70, s23;
	v1 =	vsel vm0, $0x7, v2  }
0x207: {  	s23 =	sadd.s32 $0x10, s23;
	s24 =	sor.u32 s24, s25;
	[tilespmem:s21+$0x0] =	vst v1  }
0x208: {  	v1 =	vld [tilespmem:s24+$0x80]  }
0x209: {  	v2 =	vld [tilespmem:s24+$0x0];
	_ =	sdelay $0x1  }
0x20a: {  	v3 =	vld [tilespmem:s24+$0x100]  }
0x20b: {  	s19 =	sadd.s32 $0x10, s19;
	v5 =	vld [tilespmem:s24+$0x180]  }
0x20c: {  	s22 =	sadd.s32 $0x10, s20;
	v4 =	vld [tilespmem:s19+$0x0]  }
0x20d: {  	v6 =	vld [tilespmem:s22+$0x0];
	vm0 =	vgt.f32 v1, v2  }
0x20e: {  	v1 =	vsel vm0, v1, v2;
	v2 =	vld [tilespmem:s24+$0x200]  }
0x20f: {  	vm1 =	vgt.f32 v3, v1  }
0x210: {  	v1 =	vsel vm1, v3, v1;
	v3 =	vld [tilespmem:s24+$0x280]  }
0x211: {  	vm2 =	vgt.f32 v5, v1  }
0x212: {  	v54 =	vld [tilespmem:s24+$0x300];
	s18 =	sadd.s32 $0x10, s18;
	v7 =	vsub.f32 $1.000000000e+00, v6;
	v8 =	vsub.f32 $1.000000000e+00, v4;
	v1 =	vsel vm2, v5, v1  }
0x213: {  	v9 =	vld [tilespmem:s18+$0x0];
	v10 =	vsub.f32 v6, v4;
	vm3 =	vgt.f32 v2, v1  }
0x214: {  	v11 =	vmul.f32 $6.999999880e-01, v7;
	v1 =	vsel vm3, v2, v1;
	v2 =	vmul.f32 $6.999999880e-01, v8  }
0x215: {  	vm5 =	vgt.f32 v6, v4;
	v10 =	vand.u32 $0x7FFFFFFF, v10;
	vm4 =	vgt.f32 v3, v1  }
0x216: {  	v1 =	vsel vm4, v3, v1;
	v2 =	vmax.f32 v7, v2;
	v3 =	vmax.f32 v8, v11  }
0x217: {  	vm7 =	vgt.f32 v10, $2.500000000e-01;
	vm6 =	vgt.f32 v54, v1;
	v2 =	vsel vm5, v2, v3  }
0x218: {  	v3 =	vsel vm0, $0x1, v0;
	v1 =	vsel vm6, v54, v1;
	v2 =	vsel vm7, v2, v9  }
0x219: {  	v3 =	vsel vm1, $0x2, v3;
	v2 =	vmul.f32 $6.999999880e-01, v2;
	v1 =	vsub.f32 $1.000000000e+00, v1  }
0x21a: {  	v3 =	vsel vm2, $0x3, v3  }
0x21b: {  	v3 =	vsel vm3, $0x4, v3;
	v1 =	vadd.f32 v2, v1  }
0x21c: {  	v2 =	vsel vm4, $0x5, v3  }
0x21d: {  	v2 =	vsel vm6, $0x6, v2;
	vm14 =	vgt.f32 v1, $5.000000000e-01  }
0x21e: {  	s23 =	sadd.s32 $0x10, s21;
	s25 =	rddreg [dreg:$0x1f];
	v1 =	vsel vm14, $0x7, v2  }
0x21f: {  	s18 =	simm.s32 $0x0;
	s24 =	rddreg [dreg:$0x1e];
	[tilespmem:s23+$0x0] =	vst v1  }
0x220: {  	[hbm4b:s24+s18] =	stream.linear.scatter [tilespmem:s6], [sflag:$0x9], $0x800, $0x38;
	[tilespmem:$0xC000] =	vst v63  }
0x221: {  	s20 =	sld [smem:$0x7E7]  }
0x222: {  	[tilespmem:s18], [sflag:$0x1] =	stream.linear.gather [hbm4b:s25+s18], $0x4000, $0x38;
	[tilespmem:$0xC000] =	vst v63  }
0x223: {  	s21 =	sld [smem:$0x7E8]  }
0x224: {  	[tilespmem:s7], [sflag:$0x2] =	stream.linear.gather [hbm4b:s20+s18], $0x800, $0x38;
	[tilespmem:$0xC000] =	vst v63  }
0x225: {  	s22 =	sld [smem:$0x7E9]  }
0x226: {  	[tilespmem:s8], [sflag:$0x3] =	stream.linear.gather [hbm4b:s21+s18], $0x800, $0x38;
	[tilespmem:$0xC000] =	vst v63  }
0x227: {  	_ = 	snop  }
0x228: {  	[tilespmem:s9], [sflag:$0x4] =	stream.linear.gather [hbm4b:s22+s18], $0x800, $0x38;
	[tilespmem:$0xC000] =	vst v63  }
0x229: {  	_ =	swait.ge [sflag:s10], $0x4000  }
0x22a: {  	[sflag:s10] =	ssyncset.done $0x0  }
0x22b: {  	[sflag:s10] =	ssyncadd.s32 $0xFFFFC000  }
0x22c: {  	_ =	swait.ge [sflag:s11], $0x800  }
0x22d: {  	[sflag:s11] =	ssyncset.done $0x0  }
0x22e: {  	[sflag:s11] =	ssyncadd.s32 $0xFFFFF800  }
0x22f: {  	_ =	swait.ge [sflag:s12], $0x800  }
0x230: {  	[sflag:s12] =	ssyncset.done $0x0  }
0x231: {  	[sflag:s12] =	ssyncadd.s32 $0xFFFFF800  }
0x232: {  	_ =	swait.ge [sflag:s13], $0x800  }
0x233: {  	[sflag:s13] =	ssyncset.done $0x0  }
0x234: {  	[sflag:s13] =	ssyncadd.s32 $0xFFFFF800  }
0x235: {  	_ =	swait.ge [sflag:s16], $0x800  }
0x236: {  	s23 =	sand.u32 $0x70, s18;
	s18 =	sand.u32 $0x3C00, s18;
	[sflag:s16] =	ssyncset.done $0x0  }
0x237: {  	s24 =	sor.u32 s23, s18;
	[sflag:s16] =	ssyncadd.s32 $0xFFFFF800  }
0x238: {  	v1 =	vld [tilespmem:s24+$0x4080]  }
0x239: {  	v2 =	vld [tilespmem:s24+$0x4000];
	_ =	sdelay $0x1  }
0x23a: {  	s19 =	simm.s32 $0xA800;
	v3 =	vld [tilespmem:s24+$0x4100]  }
0x23b: {  	v55 =	vld [tilespmem:s19+$0x0]  }
0x23c: {  	s20 =	simm.s32 $0x9800;
	v56 =	vld [tilespmem:s24+$0x4180]  }
0x23d: {  	v57 =	vld [tilespmem:s20+$0x0];
	vm0 =	vgt.f32 v1, v2  }
0x23e: {  	v1 =	vsel vm0, v1, v2;
	v2 =	vld [tilespmem:s24+$0x4200]  }
0x23f: {  	vm15 =	vgt.f32 v3, v1  }
0x240: {  	v1 =	vsel vm15, v3, v1;
	v3 =	vld [tilespmem:s24+$0x4280]  }
0x241: {  	vm9 =	vgt.f32 v56, v1  }
0x242: {  	s18 =	simm.s32 $0x8800;
	v58 =	vld [tilespmem:s24+$0x4300];
	v59 =	vsub.f32 $1.000000000e+00, v57;
	v60 =	vsub.f32 $1.000000000e+00, v55;
	v1 =	vsel vm9, v56, v1  }
0x243: {  	v61 =	vld [tilespmem:s18+$0x0];
	v62 =	vsub.f32 v57, v55;
	vm10 =	vgt.f32 v2, v1  }
0x244: {  	v63 =	vmul.f32 $6.999999880e-01, v59;
	v1 =	vsel vm10, v2, v1;
	v2 =	vmul.f32 $6.999999880e-01, v60  }
0x245: {  	vm12 =	vgt.f32 v57, v55;
	v10 =	vand.u32 $0x7FFFFFFF, v62;
	vm11 =	vgt.f32 v3, v1  }
0x246: {  	v1 =	vsel vm11, v3, v1;
	v2 =	vmax.f32 v59, v2;
	v3 =	vmax.f32 v60, v63  }
0x247: {  	vm14 =	vgt.f32 v10, $2.500000000e-01;
	vm13 =	vgt.f32 v58, v1;
	v2 =	vsel vm12, v2, v3  }
0x248: {  	v3 =	vsel vm0, $0x1, v0;
	v1 =	vsel vm13, v58, v1;
	v2 =	vsel vm14, v2, v61  }
0x249: {  	v3 =	vsel vm15, $0x2, v3;
	v2 =	vmul.f32 $6.999999880e-01, v2;
	v1 =	vsub.f32 $1.000000000e+00, v1  }
0x24a: {  	v3 =	vsel vm9, $0x3, v3  }
0x24b: {  	v3 =	vsel vm10, $0x4, v3;
	v1 =	vadd.f32 v2, v1  }
0x24c: {  	v2 =	vsel vm11, $0x5, v3  }
0x24d: {  	s22 =	simm.s32 $0x80;
	s23 =	simm.s32 $0x10;
	v2 =	vsel vm13, $0x6, v2;
	vm15 =	vgt.f32 v1, $5.000000000e-01  }
0x24e: {  	s21 =	simm.s32 $0xB800;
	s25 =	sand.u32 $0x3C00, s22;
	s23 =	sand.u32 $0x70, s23;
	v1 =	vsel vm15, $0x7, v2  }
0x24f: {  	s24 =	sor.u32 s23, s25;
	s23 =	simm.s32 $0x20;
	[tilespmem:s21+$0x0] =	vst v1  }
.LBB2_12:
0x250: {  	p0 =	sne.s32 s23, $0x7F0;
	v1 =	vld [tilespmem:s24+$0x4080]  }
0x251: {  	v2 =	vld [tilespmem:s24+$0x4000];
	_ =	sdelay $0x1  }
0x252: {  	s19 =	sadd.s32 $0x10, s19;
	v3 =	vld [tilespmem:s24+$0x4100]  }
0x253: {  	v4 =	vld [tilespmem:s19+$0x0]  }
0x254: {  	s20 =	sadd.s32 $0x10, s20;
	v5 =	vld [tilespmem:s24+$0x4180]  }
0x255: {  	vm0 =	vgt.f32 v1, v2;
	v6 =	vld [tilespmem:s20+$0x0]  }
0x256: {  	v1 =	vsel vm0, v1, v2;
	v2 =	vld [tilespmem:s24+$0x4200]  }
0x257: {  	vm1 =	vgt.f32 v3, v1  }
0x258: {  	v1 =	vsel vm1, v3, v1;
	v3 =	vld [tilespmem:s24+$0x4280]  }
0x259: {  	vm2 =	vgt.f32 v5, v1  }
0x25a: {  	s18 =	sadd.s32 $0x10, s18;
	v8 =	vsub.f32 $1.000000000e+00, v4;
	v1 =	vsel vm2, v5, v1;
	v5 =	vld [tilespmem:s24+$0x4300];
	v7 =	vsub.f32 $1.000000000e+00, v6  }
0x25b: {  	v10 =	vsub.f32 v6, v4;
	vm3 =	vgt.f32 v2, v1;
	v9 =	vld [tilespmem:s18+$0x0]  }
0x25c: {  	v1 =	vsel vm3, v2, v1;
	v2 =	vmul.f32 $6.999999880e-01, v8;
	v11 =	vmul.f32 $6.999999880e-01, v7  }
0x25d: {  	vm5 =	vgt.f32 v6, v4;
	v10 =	vand.u32 $0x7FFFFFFF, v10;
	vm4 =	vgt.f32 v3, v1  }
0x25e: {  	v1 =	vsel vm4, v3, v1;
	v2 =	vmax.f32 v7, v2;
	v3 =	vmax.f32 v8, v11  }
0x25f: {  	vm7 =	vgt.f32 v10, $2.500000000e-01;
	vm6 =	vgt.f32 v5, v1;
	v2 =	vsel vm5, v2, v3  }
0x260: {  	v3 =	vsel vm0, $0x1, v0;
	v1 =	vsel vm6, v5, v1;
	v2 =	vsel vm7, v2, v9  }
0x261: {  	v3 =	vsel vm1, $0x2, v3;
	v2 =	vmul.f32 $6.999999880e-01, v2;
	v1 =	vsub.f32 $1.000000000e+00, v1  }
0x262: {  	v3 =	vsel vm2, $0x3, v3  }
.Ltmp5:
0x263: {  	v3 =	vsel vm3, $0x4, v3;
	v1 =	vadd.f32 v2, v1;
	(pc) =	sbr.rel @p0 .LBB2_12-.Ltmp5, $4  }
0x264: {  	v2 =	vsel vm4, $0x5, v3  }
0x265: {  	s22 =	sadd.s32 $0x80, s22;
	v2 =	vsel vm6, $0x6, v2;
	vm0 =	vgt.f32 v1, $5.000000000e-01  }
0x266: {  	s21 =	sadd.s32 $0x10, s21;
	s25 =	sand.u32 $0x3C00, s22;
	s24 =	sand.u32 $0x70, s23;
	v1 =	vsel vm0, $0x7, v2  }
0x267: {  	s23 =	sadd.s32 $0x10, s23;
	s24 =	sor.u32 s24, s25;
	[tilespmem:s21+$0x0] =	vst v1  }
0x268: {  	v1 =	vld [tilespmem:s24+$0x4080]  }
0x269: {  	v2 =	vld [tilespmem:s24+$0x4000];
	_ =	sdelay $0x1  }
0x26a: {  	v3 =	vld [tilespmem:s24+$0x4100]  }
0x26b: {  	s19 =	sadd.s32 $0x10, s19;
	v5 =	vld [tilespmem:s24+$0x4180]  }
0x26c: {  	s22 =	sadd.s32 $0x10, s20;
	v4 =	vld [tilespmem:s19+$0x0]  }
0x26d: {  	v6 =	vld [tilespmem:s22+$0x0];
	vm0 =	vgt.f32 v1, v2  }
0x26e: {  	v1 =	vsel vm0, v1, v2;
	v2 =	vld [tilespmem:s24+$0x4200]  }
0x26f: {  	vm1 =	vgt.f32 v3, v1  }
0x270: {  	v1 =	vsel vm1, v3, v1;
	v3 =	vld [tilespmem:s24+$0x4280]  }
0x271: {  	vm2 =	vgt.f32 v5, v1  }
0x272: {  	v54 =	vld [tilespmem:s24+$0x4300];
	s18 =	sadd.s32 $0x10, s18;
	v7 =	vsub.f32 $1.000000000e+00, v6;
	v8 =	vsub.f32 $1.000000000e+00, v4;
	v1 =	vsel vm2, v5, v1  }
0x273: {  	v9 =	vld [tilespmem:s18+$0x0];
	v10 =	vsub.f32 v6, v4;
	vm3 =	vgt.f32 v2, v1  }
0x274: {  	v11 =	vmul.f32 $6.999999880e-01, v7;
	v1 =	vsel vm3, v2, v1;
	v2 =	vmul.f32 $6.999999880e-01, v8  }
0x275: {  	vm5 =	vgt.f32 v6, v4;
	v10 =	vand.u32 $0x7FFFFFFF, v10;
	vm4 =	vgt.f32 v3, v1  }
0x276: {  	v1 =	vsel vm4, v3, v1;
	v2 =	vmax.f32 v7, v2;
	v3 =	vmax.f32 v8, v11  }
0x277: {  	vm7 =	vgt.f32 v10, $2.500000000e-01;
	vm6 =	vgt.f32 v54, v1;
	v2 =	vsel vm5, v2, v3  }
0x278: {  	v3 =	vsel vm0, $0x1, v0;
	v1 =	vsel vm6, v54, v1;
	v2 =	vsel vm7, v2, v9  }
0x279: {  	v3 =	vsel vm1, $0x2, v3;
	v2 =	vmul.f32 $6.999999880e-01, v2;
	v1 =	vsub.f32 $1.000000000e+00, v1  }
0x27a: {  	v3 =	vsel vm2, $0x3, v3  }
0x27b: {  	v3 =	vsel vm3, $0x4, v3;
	v1 =	vadd.f32 v2, v1  }
0x27c: {  	v2 =	vsel vm4, $0x5, v3  }
0x27d: {  	s24 =	sld [smem:$0x7E5];
	v2 =	vsel vm6, $0x6, v2;
	vm14 =	vgt.f32 v1, $5.000000000e-01  }
0x27e: {  	s23 =	sadd.s32 $0x10, s21;
	v1 =	vsel vm14, $0x7, v2  }
0x27f: {  	s25 =	sld [smem:$0x7E6];
	s18 =	simm.s32 $0x0;
	[tilespmem:s23+$0x0] =	vst v1  }
0x280: {  	[hbm4b:s24+s18] =	stream.linear.scatter [tilespmem:s14], [sflag:$0xA], $0x800, $0x38;
	[tilespmem:$0xC000] =	vst v63  }
0x281: {  	s20 =	sld [smem:$0x7EC]  }
0x282: {  	[tilespmem:s29], [sflag:$0x5] =	stream.linear.gather [hbm4b:s25+s18], $0x4000, $0x38;
	[tilespmem:$0xC000] =	vst v63  }
0x283: {  	s21 =	sld [smem:$0x7ED]  }
0x284: {  	[tilespmem:s30], [sflag:$0x6] =	stream.linear.gather [hbm4b:s20+s18], $0x800, $0x38;
	[tilespmem:$0xC000] =	vst v63  }
0x285: {  	s22 =	sld [smem:$0x7EE]  }
0x286: {  	[tilespmem:s31], [sflag:$0x7] =	stream.linear.gather [hbm4b:s21+s18], $0x800, $0x38;
	[tilespmem:$0xC000] =	vst v63  }
0x287: {  	_ = 	snop  }
0x288: {  	[tilespmem:s0], [sflag:$0x8] =	stream.linear.gather [hbm4b:s22+s18], $0x800, $0x38;
	[tilespmem:$0xC000] =	vst v63  }
0x289: {  	_ =	swait.ge [sflag:s2], $0x4000  }
0x28a: {  	[sflag:s2] =	ssyncset.done $0x0  }
0x28b: {  	[sflag:s2] =	ssyncadd.s32 $0xFFFFC000  }
0x28c: {  	_ =	swait.ge [sflag:s3], $0x800  }
0x28d: {  	[sflag:s3] =	ssyncset.done $0x0  }
0x28e: {  	[sflag:s3] =	ssyncadd.s32 $0xFFFFF800  }
0x28f: {  	_ =	swait.ge [sflag:s4], $0x800  }
0x290: {  	[sflag:s4] =	ssyncset.done $0x0  }
0x291: {  	[sflag:s4] =	ssyncadd.s32 $0xFFFFF800  }
0x292: {  	_ =	swait.ge [sflag:s5], $0x800  }
0x293: {  	[sflag:s5] =	ssyncset.done $0x0  }
0x294: {  	[sflag:s5] =	ssyncadd.s32 $0xFFFFF800  }
0x295: {  	_ =	swait.ge [sflag:s15], $0x800  }
0x296: {  	s23 =	sand.u32 $0x70, s18;
	s18 =	sand.u32 $0x3C00, s18;
	[sflag:s15] =	ssyncset.done $0x0  }
0x297: {  	s24 =	sor.u32 s23, s18;
	[sflag:s15] =	ssyncadd.s32 $0xFFFFF800  }
0x298: {  	v1 =	vld [tilespmem:s24+$0x80]  }
0x299: {  	v2 =	vld [tilespmem:s24+$0x0];
	_ =	sdelay $0x1  }
0x29a: {  	s19 =	simm.s32 $0xA000;
	v3 =	vld [tilespmem:s24+$0x100]  }
0x29b: {  	v55 =	vld [tilespmem:s19+$0x0]  }
0x29c: {  	s20 =	simm.s32 $0x9000;
	v56 =	vld [tilespmem:s24+$0x180]  }
0x29d: {  	v57 =	vld [tilespmem:s20+$0x0];
	vm0 =	vgt.f32 v1, v2  }
0x29e: {  	v1 =	vsel vm0, v1, v2;
	v2 =	vld [tilespmem:s24+$0x200]  }
0x29f: {  	vm15 =	vgt.f32 v3, v1  }
0x2a0: {  	v1 =	vsel vm15, v3, v1;
	v3 =	vld [tilespmem:s24+$0x280]  }
0x2a1: {  	vm9 =	vgt.f32 v56, v1  }
0x2a2: {  	s18 =	simm.s32 $0x8000;
	v58 =	vld [tilespmem:s24+$0x300];
	v59 =	vsub.f32 $1.000000000e+00, v57;
	v60 =	vsub.f32 $1.000000000e+00, v55;
	v1 =	vsel vm9, v56, v1  }
0x2a3: {  	v61 =	vld [tilespmem:s18+$0x0];
	v62 =	vsub.f32 v57, v55;
	vm10 =	vgt.f32 v2, v1  }
0x2a4: {  	v63 =	vmul.f32 $6.999999880e-01, v59;
	v1 =	vsel vm10, v2, v1;
	v2 =	vmul.f32 $6.999999880e-01, v60  }
0x2a5: {  	vm12 =	vgt.f32 v57, v55;
	v10 =	vand.u32 $0x7FFFFFFF, v62;
	vm11 =	vgt.f32 v3, v1  }
0x2a6: {  	v1 =	vsel vm11, v3, v1;
	v2 =	vmax.f32 v59, v2;
	v3 =	vmax.f32 v60, v63  }
0x2a7: {  	vm14 =	vgt.f32 v10, $2.500000000e-01;
	vm13 =	vgt.f32 v58, v1;
	v2 =	vsel vm12, v2, v3  }
0x2a8: {  	v3 =	vsel vm0, $0x1, v0;
	v1 =	vsel vm13, v58, v1;
	v2 =	vsel vm14, v2, v61  }
0x2a9: {  	v3 =	vsel vm15, $0x2, v3;
	v2 =	vmul.f32 $6.999999880e-01, v2;
	v1 =	vsub.f32 $1.000000000e+00, v1  }
0x2aa: {  	v3 =	vsel vm9, $0x3, v3  }
0x2ab: {  	v3 =	vsel vm10, $0x4, v3;
	v1 =	vadd.f32 v2, v1  }
0x2ac: {  	v2 =	vsel vm11, $0x5, v3  }
0x2ad: {  	s22 =	simm.s32 $0x80;
	s23 =	simm.s32 $0x10;
	v2 =	vsel vm13, $0x6, v2;
	vm15 =	vgt.f32 v1, $5.000000000e-01  }
0x2ae: {  	s21 =	simm.s32 $0xB000;
	s25 =	sand.u32 $0x3C00, s22;
	s23 =	sand.u32 $0x70, s23;
	v1 =	vsel vm15, $0x7, v2  }
0x2af: {  	s24 =	sor.u32 s23, s25;
	s23 =	simm.s32 $0x20;
	[tilespmem:s21+$0x0] =	vst v1  }
.LBB2_14:
0x2b0: {  	p0 =	sne.s32 s23, $0x7F0;
	v1 =	vld [tilespmem:s24+$0x80]  }
0x2b1: {  	v2 =	vld [tilespmem:s24+$0x0];
	_ =	sdelay $0x1  }
0x2b2: {  	s19 =	sadd.s32 $0x10, s19;
	v3 =	vld [tilespmem:s24+$0x100]  }
0x2b3: {  	v4 =	vld [tilespmem:s19+$0x0]  }
0x2b4: {  	s20 =	sadd.s32 $0x10, s20;
	v5 =	vld [tilespmem:s24+$0x180]  }
0x2b5: {  	vm0 =	vgt.f32 v1, v2;
	v6 =	vld [tilespmem:s20+$0x0]  }
0x2b6: {  	v1 =	vsel vm0, v1, v2;
	v2 =	vld [tilespmem:s24+$0x200]  }
0x2b7: {  	vm1 =	vgt.f32 v3, v1  }
0x2b8: {  	v1 =	vsel vm1, v3, v1;
	v3 =	vld [tilespmem:s24+$0x280]  }
0x2b9: {  	vm2 =	vgt.f32 v5, v1  }
0x2ba: {  	s18 =	sadd.s32 $0x10, s18;
	v8 =	vsub.f32 $1.000000000e+00, v4;
	v1 =	vsel vm2, v5, v1;
	v5 =	vld [tilespmem:s24+$0x300];
	v7 =	vsub.f32 $1.000000000e+00, v6  }
0x2bb: {  	v10 =	vsub.f32 v6, v4;
	vm3 =	vgt.f32 v2, v1;
	v9 =	vld [tilespmem:s18+$0x0]  }
0x2bc: {  	v1 =	vsel vm3, v2, v1;
	v2 =	vmul.f32 $6.999999880e-01, v8;
	v11 =	vmul.f32 $6.999999880e-01, v7  }
0x2bd: {  	vm5 =	vgt.f32 v6, v4;
	v10 =	vand.u32 $0x7FFFFFFF, v10;
	vm4 =	vgt.f32 v3, v1  }
0x2be: {  	v1 =	vsel vm4, v3, v1;
	v2 =	vmax.f32 v7, v2;
	v3 =	vmax.f32 v8, v11  }
0x2bf: {  	vm7 =	vgt.f32 v10, $2.500000000e-01;
	vm6 =	vgt.f32 v5, v1;
	v2 =	vsel vm5, v2, v3  }
0x2c0: {  	v3 =	vsel vm0, $0x1, v0;
	v1 =	vsel vm6, v5, v1;
	v2 =	vsel vm7, v2, v9  }
0x2c1: {  	v3 =	vsel vm1, $0x2, v3;
	v2 =	vmul.f32 $6.999999880e-01, v2;
	v1 =	vsub.f32 $1.000000000e+00, v1  }
0x2c2: {  	v3 =	vsel vm2, $0x3, v3  }
.Ltmp6:
0x2c3: {  	v3 =	vsel vm3, $0x4, v3;
	v1 =	vadd.f32 v2, v1;
	(pc) =	sbr.rel @p0 .LBB2_14-.Ltmp6, $4  }
0x2c4: {  	v2 =	vsel vm4, $0x5, v3  }
0x2c5: {  	s22 =	sadd.s32 $0x80, s22;
	v2 =	vsel vm6, $0x6, v2;
	vm0 =	vgt.f32 v1, $5.000000000e-01  }
0x2c6: {  	s21 =	sadd.s32 $0x10, s21;
	s25 =	sand.u32 $0x3C00, s22;
	s24 =	sand.u32 $0x70, s23;
	v1 =	vsel vm0, $0x7, v2  }
0x2c7: {  	s23 =	sadd.s32 $0x10, s23;
	s24 =	sor.u32 s24, s25;
	[tilespmem:s21+$0x0] =	vst v1  }
0x2c8: {  	v1 =	vld [tilespmem:s24+$0x80]  }
0x2c9: {  	v2 =	vld [tilespmem:s24+$0x0];
	_ =	sdelay $0x1  }
0x2ca: {  	v3 =	vld [tilespmem:s24+$0x100]  }
0x2cb: {  	s19 =	sadd.s32 $0x10, s19;
	v5 =	vld [tilespmem:s24+$0x180]  }
0x2cc: {  	s22 =	sadd.s32 $0x10, s20;
	v4 =	vld [tilespmem:s19+$0x0]  }
0x2cd: {  	v6 =	vld [tilespmem:s22+$0x0];
	vm0 =	vgt.f32 v1, v2  }
0x2ce: {  	v1 =	vsel vm0, v1, v2;
	v2 =	vld [tilespmem:s24+$0x200]  }
0x2cf: {  	vm1 =	vgt.f32 v3, v1  }
0x2d0: {  	v1 =	vsel vm1, v3, v1;
	v3 =	vld [tilespmem:s24+$0x280]  }
0x2d1: {  	vm2 =	vgt.f32 v5, v1  }
0x2d2: {  	v54 =	vld [tilespmem:s24+$0x300];
	s18 =	sadd.s32 $0x10, s18;
	v7 =	vsub.f32 $1.000000000e+00, v6;
	v8 =	vsub.f32 $1.000000000e+00, v4;
	v1 =	vsel vm2, v5, v1  }
0x2d3: {  	v9 =	vld [tilespmem:s18+$0x0];
	v10 =	vsub.f32 v6, v4;
	vm3 =	vgt.f32 v2, v1  }
0x2d4: {  	v11 =	vmul.f32 $6.999999880e-01, v7;
	v1 =	vsel vm3, v2, v1;
	v2 =	vmul.f32 $6.999999880e-01, v8  }
0x2d5: {  	vm5 =	vgt.f32 v6, v4;
	v10 =	vand.u32 $0x7FFFFFFF, v10;
	vm4 =	vgt.f32 v3, v1  }
0x2d6: {  	v1 =	vsel vm4, v3, v1;
	v2 =	vmax.f32 v7, v2;
	v3 =	vmax.f32 v8, v11  }
0x2d7: {  	vm7 =	vgt.f32 v10, $2.500000000e-01;
	vm6 =	vgt.f32 v54, v1;
	v2 =	vsel vm5, v2, v3  }
0x2d8: {  	v3 =	vsel vm0, $0x1, v0;
	v1 =	vsel vm6, v54, v1;
	v2 =	vsel vm7, v2, v9  }
0x2d9: {  	v3 =	vsel vm1, $0x2, v3;
	v2 =	vmul.f32 $6.999999880e-01, v2;
	v1 =	vsub.f32 $1.000000000e+00, v1  }
0x2da: {  	v3 =	vsel vm2, $0x3, v3  }
0x2db: {  	v3 =	vsel vm3, $0x4, v3;
	v1 =	vadd.f32 v2, v1  }
0x2dc: {  	v2 =	vsel vm4, $0x5, v3  }
0x2dd: {  	s24 =	sld [smem:$0x7EA];
	v2 =	vsel vm6, $0x6, v2;
	vm14 =	vgt.f32 v1, $5.000000000e-01  }
0x2de: {  	s23 =	sadd.s32 $0x10, s21;
	v1 =	vsel vm14, $0x7, v2  }
0x2df: {  	s25 =	sld [smem:$0x7EB];
	s18 =	simm.s32 $0x0;
	[tilespmem:s23+$0x0] =	vst v1  }
0x2e0: {  	[hbm4b:s24+s18] =	stream.linear.scatter [tilespmem:s6], [sflag:$0x9], $0x800, $0x38;
	[tilespmem:$0xC000] =	vst v63  }
0x2e1: {  	s20 =	sld [smem:$0x7F1]  }
0x2e2: {  	[tilespmem:s18], [sflag:$0x1] =	stream.linear.gather [hbm4b:s25+s18], $0x4000, $0x38;
	[tilespmem:$0xC000] =	vst v63  }
0x2e3: {  	s21 =	sld [smem:$0x7F2]  }
0x2e4: {  	[tilespmem:s7], [sflag:$0x2] =	stream.linear.gather [hbm4b:s20+s18], $0x800, $0x38;
	[tilespmem:$0xC000] =	vst v63  }
0x2e5: {  	s22 =	sld [smem:$0x7F3]  }
0x2e6: {  	[tilespmem:s8], [sflag:$0x3] =	stream.linear.gather [hbm4b:s21+s18], $0x800, $0x38;
	[tilespmem:$0xC000] =	vst v63  }
0x2e7: {  	_ = 	snop  }
0x2e8: {  	[tilespmem:s9], [sflag:$0x4] =	stream.linear.gather [hbm4b:s22+s18], $0x800, $0x38;
	[tilespmem:$0xC000] =	vst v63  }
0x2e9: {  	_ =	swait.ge [sflag:s10], $0x4000  }
0x2ea: {  	[sflag:s10] =	ssyncset.done $0x0  }
0x2eb: {  	[sflag:s10] =	ssyncadd.s32 $0xFFFFC000  }
0x2ec: {  	_ =	swait.ge [sflag:s11], $0x800  }
0x2ed: {  	[sflag:s11] =	ssyncset.done $0x0  }
0x2ee: {  	[sflag:s11] =	ssyncadd.s32 $0xFFFFF800  }
0x2ef: {  	_ =	swait.ge [sflag:s12], $0x800  }
0x2f0: {  	[sflag:s12] =	ssyncset.done $0x0  }
0x2f1: {  	[sflag:s12] =	ssyncadd.s32 $0xFFFFF800  }
0x2f2: {  	_ =	swait.ge [sflag:s13], $0x800  }
0x2f3: {  	[sflag:s13] =	ssyncset.done $0x0  }
0x2f4: {  	[sflag:s13] =	ssyncadd.s32 $0xFFFFF800  }
0x2f5: {  	_ =	swait.ge [sflag:s16], $0x800  }
0x2f6: {  	s23 =	sand.u32 $0x70, s18;
	s18 =	sand.u32 $0x3C00, s18;
	[sflag:s16] =	ssyncset.done $0x0  }
0x2f7: {  	s24 =	sor.u32 s23, s18;
	[sflag:s16] =	ssyncadd.s32 $0xFFFFF800  }
0x2f8: {  	v1 =	vld [tilespmem:s24+$0x4080]  }
0x2f9: {  	v2 =	vld [tilespmem:s24+$0x4000];
	_ =	sdelay $0x1  }
0x2fa: {  	s19 =	simm.s32 $0xA800;
	v3 =	vld [tilespmem:s24+$0x4100]  }
0x2fb: {  	v55 =	vld [tilespmem:s19+$0x0]  }
0x2fc: {  	s20 =	simm.s32 $0x9800;
	v56 =	vld [tilespmem:s24+$0x4180]  }
0x2fd: {  	v57 =	vld [tilespmem:s20+$0x0];
	vm0 =	vgt.f32 v1, v2  }
0x2fe: {  	v1 =	vsel vm0, v1, v2;
	v2 =	vld [tilespmem:s24+$0x4200]  }
0x2ff: {  	vm15 =	vgt.f32 v3, v1  }
0x300: {  	v1 =	vsel vm15, v3, v1;
	v3 =	vld [tilespmem:s24+$0x4280]  }
0x301: {  	vm9 =	vgt.f32 v56, v1  }
0x302: {  	s18 =	simm.s32 $0x8800;
	v58 =	vld [tilespmem:s24+$0x4300];
	v59 =	vsub.f32 $1.000000000e+00, v57;
	v60 =	vsub.f32 $1.000000000e+00, v55;
	v1 =	vsel vm9, v56, v1  }
0x303: {  	v61 =	vld [tilespmem:s18+$0x0];
	v62 =	vsub.f32 v57, v55;
	vm10 =	vgt.f32 v2, v1  }
0x304: {  	v63 =	vmul.f32 $6.999999880e-01, v59;
	v1 =	vsel vm10, v2, v1;
	v2 =	vmul.f32 $6.999999880e-01, v60  }
0x305: {  	vm12 =	vgt.f32 v57, v55;
	v10 =	vand.u32 $0x7FFFFFFF, v62;
	vm11 =	vgt.f32 v3, v1  }
0x306: {  	v1 =	vsel vm11, v3, v1;
	v2 =	vmax.f32 v59, v2;
	v3 =	vmax.f32 v60, v63  }
0x307: {  	vm14 =	vgt.f32 v10, $2.500000000e-01;
	vm13 =	vgt.f32 v58, v1;
	v2 =	vsel vm12, v2, v3  }
0x308: {  	v3 =	vsel vm0, $0x1, v0;
	v1 =	vsel vm13, v58, v1;
	v2 =	vsel vm14, v2, v61  }
0x309: {  	v3 =	vsel vm15, $0x2, v3;
	v2 =	vmul.f32 $6.999999880e-01, v2;
	v1 =	vsub.f32 $1.000000000e+00, v1  }
0x30a: {  	v3 =	vsel vm9, $0x3, v3  }
0x30b: {  	v3 =	vsel vm10, $0x4, v3;
	v1 =	vadd.f32 v2, v1  }
0x30c: {  	v2 =	vsel vm11, $0x5, v3  }
0x30d: {  	s22 =	simm.s32 $0x80;
	s23 =	simm.s32 $0x10;
	v2 =	vsel vm13, $0x6, v2;
	vm15 =	vgt.f32 v1, $5.000000000e-01  }
0x30e: {  	s21 =	simm.s32 $0xB800;
	s25 =	sand.u32 $0x3C00, s22;
	s23 =	sand.u32 $0x70, s23;
	v1 =	vsel vm15, $0x7, v2  }
0x30f: {  	s24 =	sor.u32 s23, s25;
	s23 =	simm.s32 $0x20;
	[tilespmem:s21+$0x0] =	vst v1  }
.LBB2_16:
0x310: {  	p0 =	sne.s32 s23, $0x7F0;
	v1 =	vld [tilespmem:s24+$0x4080]  }
0x311: {  	v2 =	vld [tilespmem:s24+$0x4000];
	_ =	sdelay $0x1  }
0x312: {  	s19 =	sadd.s32 $0x10, s19;
	v3 =	vld [tilespmem:s24+$0x4100]  }
0x313: {  	v4 =	vld [tilespmem:s19+$0x0]  }
0x314: {  	s20 =	sadd.s32 $0x10, s20;
	v5 =	vld [tilespmem:s24+$0x4180]  }
0x315: {  	vm0 =	vgt.f32 v1, v2;
	v6 =	vld [tilespmem:s20+$0x0]  }
0x316: {  	v1 =	vsel vm0, v1, v2;
	v2 =	vld [tilespmem:s24+$0x4200]  }
0x317: {  	vm1 =	vgt.f32 v3, v1  }
0x318: {  	v1 =	vsel vm1, v3, v1;
	v3 =	vld [tilespmem:s24+$0x4280]  }
0x319: {  	vm2 =	vgt.f32 v5, v1  }
0x31a: {  	s18 =	sadd.s32 $0x10, s18;
	v8 =	vsub.f32 $1.000000000e+00, v4;
	v1 =	vsel vm2, v5, v1;
	v5 =	vld [tilespmem:s24+$0x4300];
	v7 =	vsub.f32 $1.000000000e+00, v6  }
0x31b: {  	v10 =	vsub.f32 v6, v4;
	vm3 =	vgt.f32 v2, v1;
	v9 =	vld [tilespmem:s18+$0x0]  }
0x31c: {  	v1 =	vsel vm3, v2, v1;
	v2 =	vmul.f32 $6.999999880e-01, v8;
	v11 =	vmul.f32 $6.999999880e-01, v7  }
0x31d: {  	vm5 =	vgt.f32 v6, v4;
	v10 =	vand.u32 $0x7FFFFFFF, v10;
	vm4 =	vgt.f32 v3, v1  }
0x31e: {  	v1 =	vsel vm4, v3, v1;
	v2 =	vmax.f32 v7, v2;
	v3 =	vmax.f32 v8, v11  }
0x31f: {  	vm7 =	vgt.f32 v10, $2.500000000e-01;
	vm6 =	vgt.f32 v5, v1;
	v2 =	vsel vm5, v2, v3  }
0x320: {  	v3 =	vsel vm0, $0x1, v0;
	v1 =	vsel vm6, v5, v1;
	v2 =	vsel vm7, v2, v9  }
0x321: {  	v3 =	vsel vm1, $0x2, v3;
	v2 =	vmul.f32 $6.999999880e-01, v2;
	v1 =	vsub.f32 $1.000000000e+00, v1  }
0x322: {  	v3 =	vsel vm2, $0x3, v3  }
.Ltmp7:
0x323: {  	v3 =	vsel vm3, $0x4, v3;
	v1 =	vadd.f32 v2, v1;
	(pc) =	sbr.rel @p0 .LBB2_16-.Ltmp7, $4  }
0x324: {  	v2 =	vsel vm4, $0x5, v3  }
0x325: {  	s22 =	sadd.s32 $0x80, s22;
	v2 =	vsel vm6, $0x6, v2;
	vm0 =	vgt.f32 v1, $5.000000000e-01  }
0x326: {  	s21 =	sadd.s32 $0x10, s21;
	s25 =	sand.u32 $0x3C00, s22;
	s24 =	sand.u32 $0x70, s23;
	v1 =	vsel vm0, $0x7, v2  }
0x327: {  	s23 =	sadd.s32 $0x10, s23;
	s24 =	sor.u32 s24, s25;
	[tilespmem:s21+$0x0] =	vst v1  }
0x328: {  	v1 =	vld [tilespmem:s24+$0x4080]  }
0x329: {  	v2 =	vld [tilespmem:s24+$0x4000];
	_ =	sdelay $0x1  }
0x32a: {  	v3 =	vld [tilespmem:s24+$0x4100]  }
0x32b: {  	s19 =	sadd.s32 $0x10, s19;
	v5 =	vld [tilespmem:s24+$0x4180]  }
0x32c: {  	s22 =	sadd.s32 $0x10, s20;
	v4 =	vld [tilespmem:s19+$0x0]  }
0x32d: {  	v6 =	vld [tilespmem:s22+$0x0];
	vm0 =	vgt.f32 v1, v2  }
0x32e: {  	v1 =	vsel vm0, v1, v2;
	v2 =	vld [tilespmem:s24+$0x4200]  }
0x32f: {  	vm1 =	vgt.f32 v3, v1  }
0x330: {  	v1 =	vsel vm1, v3, v1;
	v3 =	vld [tilespmem:s24+$0x4280]  }
0x331: {  	vm2 =	vgt.f32 v5, v1  }
0x332: {  	v54 =	vld [tilespmem:s24+$0x4300];
	s18 =	sadd.s32 $0x10, s18;
	v7 =	vsub.f32 $1.000000000e+00, v6;
	v8 =	vsub.f32 $1.000000000e+00, v4;
	v1 =	vsel vm2, v5, v1  }
0x333: {  	v9 =	vld [tilespmem:s18+$0x0];
	v10 =	vsub.f32 v6, v4;
	vm3 =	vgt.f32 v2, v1  }
0x334: {  	v11 =	vmul.f32 $6.999999880e-01, v7;
	v1 =	vsel vm3, v2, v1;
	v2 =	vmul.f32 $6.999999880e-01, v8  }
0x335: {  	vm5 =	vgt.f32 v6, v4;
	v10 =	vand.u32 $0x7FFFFFFF, v10;
	vm4 =	vgt.f32 v3, v1  }
0x336: {  	v1 =	vsel vm4, v3, v1;
	v2 =	vmax.f32 v7, v2;
	v3 =	vmax.f32 v8, v11  }
0x337: {  	vm7 =	vgt.f32 v10, $2.500000000e-01;
	vm6 =	vgt.f32 v54, v1;
	v2 =	vsel vm5, v2, v3  }
0x338: {  	v3 =	vsel vm0, $0x1, v0;
	v1 =	vsel vm6, v54, v1;
	v2 =	vsel vm7, v2, v9  }
0x339: {  	v3 =	vsel vm1, $0x2, v3;
	v2 =	vmul.f32 $6.999999880e-01, v2;
	v1 =	vsub.f32 $1.000000000e+00, v1  }
0x33a: {  	v3 =	vsel vm2, $0x3, v3  }
0x33b: {  	v3 =	vsel vm3, $0x4, v3;
	v1 =	vadd.f32 v2, v1  }
0x33c: {  	v2 =	vsel vm4, $0x5, v3  }
0x33d: {  	s24 =	sld [smem:$0x7EF];
	v2 =	vsel vm6, $0x6, v2;
	vm14 =	vgt.f32 v1, $5.000000000e-01  }
0x33e: {  	s23 =	sadd.s32 $0x10, s21;
	v1 =	vsel vm14, $0x7, v2  }
0x33f: {  	s25 =	sld [smem:$0x7F0];
	s18 =	simm.s32 $0x0;
	[tilespmem:s23+$0x0] =	vst v1  }
0x340: {  	[hbm4b:s24+s18] =	stream.linear.scatter [tilespmem:s14], [sflag:$0xA], $0x800, $0x38;
	[tilespmem:$0xC000] =	vst v63  }
0x341: {  	s20 =	sld [smem:$0x7F7]  }
0x342: {  	[tilespmem:s29], [sflag:$0x5] =	stream.linear.gather [hbm4b:s25+s18], $0x4000, $0x38;
	[tilespmem:$0xC000] =	vst v63  }
0x343: {  	s21 =	sld [smem:$0x7F9]  }
0x344: {  	[tilespmem:s30], [sflag:$0x6] =	stream.linear.gather [hbm4b:s20+s18], $0x800, $0x38;
	[tilespmem:$0xC000] =	vst v63  }
0x345: {  	s22 =	sld [smem:$0x7FB]  }
0x346: {  	[tilespmem:s31], [sflag:$0x7] =	stream.linear.gather [hbm4b:s21+s18], $0x800, $0x38;
	[tilespmem:$0xC000] =	vst v63  }
0x347: {  	_ = 	snop  }
0x348: {  	[tilespmem:s0], [sflag:$0x8] =	stream.linear.gather [hbm4b:s22+s18], $0x800, $0x38;
	[tilespmem:$0xC000] =	vst v63  }
0x349: {  	_ =	swait.ge [sflag:s2], $0x4000  }
0x34a: {  	[sflag:s2] =	ssyncset.done $0x0  }
0x34b: {  	[sflag:s2] =	ssyncadd.s32 $0xFFFFC000  }
0x34c: {  	_ =	swait.ge [sflag:s3], $0x800  }
0x34d: {  	[sflag:s3] =	ssyncset.done $0x0  }
0x34e: {  	[sflag:s3] =	ssyncadd.s32 $0xFFFFF800  }
0x34f: {  	_ =	swait.ge [sflag:s4], $0x800  }
0x350: {  	[sflag:s4] =	ssyncset.done $0x0  }
0x351: {  	[sflag:s4] =	ssyncadd.s32 $0xFFFFF800  }
0x352: {  	_ =	swait.ge [sflag:s5], $0x800  }
0x353: {  	[sflag:s5] =	ssyncset.done $0x0  }
0x354: {  	[sflag:s5] =	ssyncadd.s32 $0xFFFFF800  }
0x355: {  	_ =	swait.ge [sflag:s15], $0x800  }
0x356: {  	s23 =	sand.u32 $0x70, s18;
	s18 =	sand.u32 $0x3C00, s18;
	[sflag:s15] =	ssyncset.done $0x0  }
0x357: {  	s24 =	sor.u32 s23, s18;
	[sflag:s15] =	ssyncadd.s32 $0xFFFFF800  }
0x358: {  	v1 =	vld [tilespmem:s24+$0x80]  }
0x359: {  	v2 =	vld [tilespmem:s24+$0x0];
	_ =	sdelay $0x1  }
0x35a: {  	s19 =	simm.s32 $0xA000;
	v3 =	vld [tilespmem:s24+$0x100]  }
0x35b: {  	v55 =	vld [tilespmem:s19+$0x0]  }
0x35c: {  	s20 =	simm.s32 $0x9000;
	v56 =	vld [tilespmem:s24+$0x180]  }
0x35d: {  	v57 =	vld [tilespmem:s20+$0x0];
	vm0 =	vgt.f32 v1, v2  }
0x35e: {  	v1 =	vsel vm0, v1, v2;
	v2 =	vld [tilespmem:s24+$0x200]  }
0x35f: {  	vm15 =	vgt.f32 v3, v1  }
0x360: {  	v1 =	vsel vm15, v3, v1;
	v3 =	vld [tilespmem:s24+$0x280]  }
0x361: {  	vm9 =	vgt.f32 v56, v1  }
0x362: {  	s18 =	simm.s32 $0x8000;
	v58 =	vld [tilespmem:s24+$0x300];
	v59 =	vsub.f32 $1.000000000e+00, v57;
	v60 =	vsub.f32 $1.000000000e+00, v55;
	v1 =	vsel vm9, v56, v1  }
0x363: {  	v61 =	vld [tilespmem:s18+$0x0];
	v62 =	vsub.f32 v57, v55;
	vm10 =	vgt.f32 v2, v1  }
0x364: {  	v63 =	vmul.f32 $6.999999880e-01, v59;
	v1 =	vsel vm10, v2, v1;
	v2 =	vmul.f32 $6.999999880e-01, v60  }
0x365: {  	vm12 =	vgt.f32 v57, v55;
	v10 =	vand.u32 $0x7FFFFFFF, v62;
	vm11 =	vgt.f32 v3, v1  }
0x366: {  	v1 =	vsel vm11, v3, v1;
	v2 =	vmax.f32 v59, v2;
	v3 =	vmax.f32 v60, v63  }
0x367: {  	vm14 =	vgt.f32 v10, $2.500000000e-01;
	vm13 =	vgt.f32 v58, v1;
	v2 =	vsel vm12, v2, v3  }
0x368: {  	v3 =	vsel vm0, $0x1, v0;
	v1 =	vsel vm13, v58, v1;
	v2 =	vsel vm14, v2, v61  }
0x369: {  	v3 =	vsel vm15, $0x2, v3;
	v2 =	vmul.f32 $6.999999880e-01, v2;
	v1 =	vsub.f32 $1.000000000e+00, v1  }
0x36a: {  	v3 =	vsel vm9, $0x3, v3  }
0x36b: {  	v3 =	vsel vm10, $0x4, v3;
	v1 =	vadd.f32 v2, v1  }
0x36c: {  	v2 =	vsel vm11, $0x5, v3  }
0x36d: {  	s22 =	simm.s32 $0x80;
	s23 =	simm.s32 $0x10;
	v2 =	vsel vm13, $0x6, v2;
	vm15 =	vgt.f32 v1, $5.000000000e-01  }
0x36e: {  	s21 =	simm.s32 $0xB000;
	s25 =	sand.u32 $0x3C00, s22;
	s23 =	sand.u32 $0x70, s23;
	v1 =	vsel vm15, $0x7, v2  }
0x36f: {  	s24 =	sor.u32 s23, s25;
	s23 =	simm.s32 $0x20;
	[tilespmem:s21+$0x0] =	vst v1  }
.LBB2_18:
0x370: {  	p0 =	sne.s32 s23, $0x7F0;
	v1 =	vld [tilespmem:s24+$0x80]  }
0x371: {  	v2 =	vld [tilespmem:s24+$0x0];
	_ =	sdelay $0x1  }
0x372: {  	s19 =	sadd.s32 $0x10, s19;
	v3 =	vld [tilespmem:s24+$0x100]  }
0x373: {  	v4 =	vld [tilespmem:s19+$0x0]  }
0x374: {  	s20 =	sadd.s32 $0x10, s20;
	v5 =	vld [tilespmem:s24+$0x180]  }
0x375: {  	vm0 =	vgt.f32 v1, v2;
	v6 =	vld [tilespmem:s20+$0x0]  }
0x376: {  	v1 =	vsel vm0, v1, v2;
	v2 =	vld [tilespmem:s24+$0x200]  }
0x377: {  	vm1 =	vgt.f32 v3, v1  }
0x378: {  	v1 =	vsel vm1, v3, v1;
	v3 =	vld [tilespmem:s24+$0x280]  }
0x379: {  	vm2 =	vgt.f32 v5, v1  }
0x37a: {  	s18 =	sadd.s32 $0x10, s18;
	v8 =	vsub.f32 $1.000000000e+00, v4;
	v1 =	vsel vm2, v5, v1;
	v5 =	vld [tilespmem:s24+$0x300];
	v7 =	vsub.f32 $1.000000000e+00, v6  }
0x37b: {  	v10 =	vsub.f32 v6, v4;
	vm3 =	vgt.f32 v2, v1;
	v9 =	vld [tilespmem:s18+$0x0]  }
0x37c: {  	v1 =	vsel vm3, v2, v1;
	v2 =	vmul.f32 $6.999999880e-01, v8;
	v11 =	vmul.f32 $6.999999880e-01, v7  }
0x37d: {  	vm5 =	vgt.f32 v6, v4;
	v10 =	vand.u32 $0x7FFFFFFF, v10;
	vm4 =	vgt.f32 v3, v1  }
0x37e: {  	v1 =	vsel vm4, v3, v1;
	v2 =	vmax.f32 v7, v2;
	v3 =	vmax.f32 v8, v11  }
0x37f: {  	vm7 =	vgt.f32 v10, $2.500000000e-01;
	vm6 =	vgt.f32 v5, v1;
	v2 =	vsel vm5, v2, v3  }
0x380: {  	v3 =	vsel vm0, $0x1, v0;
	v1 =	vsel vm6, v5, v1;
	v2 =	vsel vm7, v2, v9  }
0x381: {  	v3 =	vsel vm1, $0x2, v3;
	v2 =	vmul.f32 $6.999999880e-01, v2;
	v1 =	vsub.f32 $1.000000000e+00, v1  }
0x382: {  	v3 =	vsel vm2, $0x3, v3  }
.Ltmp8:
0x383: {  	v3 =	vsel vm3, $0x4, v3;
	v1 =	vadd.f32 v2, v1;
	(pc) =	sbr.rel @p0 .LBB2_18-.Ltmp8, $4  }
0x384: {  	v2 =	vsel vm4, $0x5, v3  }
0x385: {  	s22 =	sadd.s32 $0x80, s22;
	v2 =	vsel vm6, $0x6, v2;
	vm0 =	vgt.f32 v1, $5.000000000e-01  }
0x386: {  	s21 =	sadd.s32 $0x10, s21;
	s25 =	sand.u32 $0x3C00, s22;
	s24 =	sand.u32 $0x70, s23;
	v1 =	vsel vm0, $0x7, v2  }
0x387: {  	s23 =	sadd.s32 $0x10, s23;
	s24 =	sor.u32 s24, s25;
	[tilespmem:s21+$0x0] =	vst v1  }
0x388: {  	v1 =	vld [tilespmem:s24+$0x80]  }
0x389: {  	v2 =	vld [tilespmem:s24+$0x0];
	_ =	sdelay $0x1  }
0x38a: {  	v3 =	vld [tilespmem:s24+$0x100]  }
0x38b: {  	s19 =	sadd.s32 $0x10, s19;
	v5 =	vld [tilespmem:s24+$0x180]  }
0x38c: {  	s22 =	sadd.s32 $0x10, s20;
	v4 =	vld [tilespmem:s19+$0x0]  }
0x38d: {  	v6 =	vld [tilespmem:s22+$0x0];
	vm0 =	vgt.f32 v1, v2  }
0x38e: {  	v1 =	vsel vm0, v1, v2;
	v2 =	vld [tilespmem:s24+$0x200]  }
0x38f: {  	vm1 =	vgt.f32 v3, v1  }
0x390: {  	v1 =	vsel vm1, v3, v1;
	v3 =	vld [tilespmem:s24+$0x280]  }
0x391: {  	vm2 =	vgt.f32 v5, v1  }
0x392: {  	v54 =	vld [tilespmem:s24+$0x300];
	s18 =	sadd.s32 $0x10, s18;
	v7 =	vsub.f32 $1.000000000e+00, v6;
	v8 =	vsub.f32 $1.000000000e+00, v4;
	v1 =	vsel vm2, v5, v1  }
0x393: {  	v9 =	vld [tilespmem:s18+$0x0];
	v10 =	vsub.f32 v6, v4;
	vm3 =	vgt.f32 v2, v1  }
0x394: {  	v11 =	vmul.f32 $6.999999880e-01, v7;
	v1 =	vsel vm3, v2, v1;
	v2 =	vmul.f32 $6.999999880e-01, v8  }
0x395: {  	vm5 =	vgt.f32 v6, v4;
	v10 =	vand.u32 $0x7FFFFFFF, v10;
	vm4 =	vgt.f32 v3, v1  }
0x396: {  	v1 =	vsel vm4, v3, v1;
	v2 =	vmax.f32 v7, v2;
	v3 =	vmax.f32 v8, v11  }
0x397: {  	vm7 =	vgt.f32 v10, $2.500000000e-01;
	vm6 =	vgt.f32 v54, v1;
	v2 =	vsel vm5, v2, v3  }
0x398: {  	v3 =	vsel vm0, $0x1, v0;
	v1 =	vsel vm6, v54, v1;
	v2 =	vsel vm7, v2, v9  }
0x399: {  	v3 =	vsel vm1, $0x2, v3;
	v2 =	vmul.f32 $6.999999880e-01, v2;
	v1 =	vsub.f32 $1.000000000e+00, v1  }
0x39a: {  	v3 =	vsel vm2, $0x3, v3  }
0x39b: {  	v3 =	vsel vm3, $0x4, v3;
	v1 =	vadd.f32 v2, v1  }
0x39c: {  	v2 =	vsel vm4, $0x5, v3  }
0x39d: {  	s24 =	sld [smem:$0x7F4];
	v2 =	vsel vm6, $0x6, v2;
	vm14 =	vgt.f32 v1, $5.000000000e-01  }
0x39e: {  	s23 =	sadd.s32 $0x10, s21;
	v1 =	vsel vm14, $0x7, v2  }
0x39f: {  	s25 =	sld [smem:$0x7F6];
	s18 =	simm.s32 $0x0;
	[tilespmem:s23+$0x0] =	vst v1  }
0x3a0: {  	[hbm4b:s24+s18] =	stream.linear.scatter [tilespmem:s6], [sflag:$0x9], $0x800, $0x38;
	[tilespmem:$0xC000] =	vst v63  }
0x3a1: {  	s20 =	sld [smem:$0x7F8]  }
0x3a2: {  	[tilespmem:s18], [sflag:$0x1] =	stream.linear.gather [hbm4b:s25+s18], $0x4000, $0x38;
	[tilespmem:$0xC000] =	vst v63  }
0x3a3: {  	s21 =	sld [smem:$0x7FA]  }
0x3a4: {  	[tilespmem:s7], [sflag:$0x2] =	stream.linear.gather [hbm4b:s20+s18], $0x800, $0x38;
	[tilespmem:$0xC000] =	vst v63  }
0x3a5: {  	s22 =	sld [smem:$0x7FC]  }
0x3a6: {  	[tilespmem:s8], [sflag:$0x3] =	stream.linear.gather [hbm4b:s21+s18], $0x800, $0x38;
	[tilespmem:$0xC000] =	vst v63  }
0x3a7: {  	_ = 	snop  }
0x3a8: {  	[tilespmem:s9], [sflag:$0x4] =	stream.linear.gather [hbm4b:s22+s18], $0x800, $0x38;
	[tilespmem:$0xC000] =	vst v63  }
0x3a9: {  	_ =	swait.ge [sflag:s10], $0x4000  }
0x3aa: {  	[sflag:s10] =	ssyncset.done $0x0  }
0x3ab: {  	[sflag:s10] =	ssyncadd.s32 $0xFFFFC000  }
0x3ac: {  	_ =	swait.ge [sflag:s11], $0x800  }
0x3ad: {  	[sflag:s11] =	ssyncset.done $0x0  }
0x3ae: {  	[sflag:s11] =	ssyncadd.s32 $0xFFFFF800  }
0x3af: {  	_ =	swait.ge [sflag:s12], $0x800  }
0x3b0: {  	[sflag:s12] =	ssyncset.done $0x0  }
0x3b1: {  	[sflag:s12] =	ssyncadd.s32 $0xFFFFF800  }
0x3b2: {  	_ =	swait.ge [sflag:s13], $0x800  }
0x3b3: {  	[sflag:s13] =	ssyncset.done $0x0  }
0x3b4: {  	[sflag:s13] =	ssyncadd.s32 $0xFFFFF800  }
0x3b5: {  	_ =	swait.ge [sflag:s16], $0x800  }
0x3b6: {  	s23 =	sand.u32 $0x70, s18;
	s18 =	sand.u32 $0x3C00, s18;
	[sflag:s16] =	ssyncset.done $0x0  }
0x3b7: {  	s24 =	sor.u32 s23, s18;
	[sflag:s16] =	ssyncadd.s32 $0xFFFFF800  }
0x3b8: {  	v1 =	vld [tilespmem:s24+$0x4080]  }
0x3b9: {  	v2 =	vld [tilespmem:s24+$0x4000];
	_ =	sdelay $0x1  }
0x3ba: {  	s19 =	simm.s32 $0xA800;
	v3 =	vld [tilespmem:s24+$0x4100]  }
0x3bb: {  	v55 =	vld [tilespmem:s19+$0x0]  }
0x3bc: {  	s20 =	simm.s32 $0x9800;
	v56 =	vld [tilespmem:s24+$0x4180]  }
0x3bd: {  	v57 =	vld [tilespmem:s20+$0x0];
	vm0 =	vgt.f32 v1, v2  }
0x3be: {  	v1 =	vsel vm0, v1, v2;
	v2 =	vld [tilespmem:s24+$0x4200]  }
0x3bf: {  	vm15 =	vgt.f32 v3, v1  }
0x3c0: {  	v1 =	vsel vm15, v3, v1;
	v3 =	vld [tilespmem:s24+$0x4280]  }
0x3c1: {  	vm9 =	vgt.f32 v56, v1  }
0x3c2: {  	s18 =	simm.s32 $0x8800;
	v58 =	vld [tilespmem:s24+$0x4300];
	v59 =	vsub.f32 $1.000000000e+00, v57;
	v60 =	vsub.f32 $1.000000000e+00, v55;
	v1 =	vsel vm9, v56, v1  }
0x3c3: {  	v61 =	vld [tilespmem:s18+$0x0];
	v62 =	vsub.f32 v57, v55;
	vm10 =	vgt.f32 v2, v1  }
0x3c4: {  	v63 =	vmul.f32 $6.999999880e-01, v59;
	v1 =	vsel vm10, v2, v1;
	v2 =	vmul.f32 $6.999999880e-01, v60  }
0x3c5: {  	vm12 =	vgt.f32 v57, v55;
	v10 =	vand.u32 $0x7FFFFFFF, v62;
	vm11 =	vgt.f32 v3, v1  }
0x3c6: {  	v1 =	vsel vm11, v3, v1;
	v2 =	vmax.f32 v59, v2;
	v3 =	vmax.f32 v60, v63  }
0x3c7: {  	vm14 =	vgt.f32 v10, $2.500000000e-01;
	vm13 =	vgt.f32 v58, v1;
	v2 =	vsel vm12, v2, v3  }
0x3c8: {  	v3 =	vsel vm0, $0x1, v0;
	v1 =	vsel vm13, v58, v1;
	v2 =	vsel vm14, v2, v61  }
0x3c9: {  	v3 =	vsel vm15, $0x2, v3;
	v2 =	vmul.f32 $6.999999880e-01, v2;
	v1 =	vsub.f32 $1.000000000e+00, v1  }
0x3ca: {  	v3 =	vsel vm9, $0x3, v3  }
0x3cb: {  	v3 =	vsel vm10, $0x4, v3;
	v1 =	vadd.f32 v2, v1  }
0x3cc: {  	v2 =	vsel vm11, $0x5, v3  }
0x3cd: {  	s22 =	simm.s32 $0x80;
	s23 =	simm.s32 $0x10;
	v2 =	vsel vm13, $0x6, v2;
	vm15 =	vgt.f32 v1, $5.000000000e-01  }
0x3ce: {  	s21 =	simm.s32 $0xB800;
	s25 =	sand.u32 $0x3C00, s22;
	s23 =	sand.u32 $0x70, s23;
	v1 =	vsel vm15, $0x7, v2  }
0x3cf: {  	s24 =	sor.u32 s23, s25;
	s23 =	simm.s32 $0x20;
	[tilespmem:s21+$0x0] =	vst v1  }
.LBB2_20:
0x3d0: {  	p0 =	sne.s32 s23, $0x7F0;
	v1 =	vld [tilespmem:s24+$0x4080]  }
0x3d1: {  	v2 =	vld [tilespmem:s24+$0x4000];
	_ =	sdelay $0x1  }
0x3d2: {  	s19 =	sadd.s32 $0x10, s19;
	v3 =	vld [tilespmem:s24+$0x4100]  }
0x3d3: {  	v4 =	vld [tilespmem:s19+$0x0]  }
0x3d4: {  	s20 =	sadd.s32 $0x10, s20;
	v5 =	vld [tilespmem:s24+$0x4180]  }
0x3d5: {  	vm0 =	vgt.f32 v1, v2;
	v6 =	vld [tilespmem:s20+$0x0]  }
0x3d6: {  	v1 =	vsel vm0, v1, v2;
	v2 =	vld [tilespmem:s24+$0x4200]  }
0x3d7: {  	vm1 =	vgt.f32 v3, v1  }
0x3d8: {  	v1 =	vsel vm1, v3, v1;
	v3 =	vld [tilespmem:s24+$0x4280]  }
0x3d9: {  	vm2 =	vgt.f32 v5, v1  }
0x3da: {  	s18 =	sadd.s32 $0x10, s18;
	v8 =	vsub.f32 $1.000000000e+00, v4;
	v1 =	vsel vm2, v5, v1;
	v5 =	vld [tilespmem:s24+$0x4300];
	v7 =	vsub.f32 $1.000000000e+00, v6  }
0x3db: {  	v10 =	vsub.f32 v6, v4;
	vm3 =	vgt.f32 v2, v1;
	v9 =	vld [tilespmem:s18+$0x0]  }
0x3dc: {  	v1 =	vsel vm3, v2, v1;
	v2 =	vmul.f32 $6.999999880e-01, v8;
	v11 =	vmul.f32 $6.999999880e-01, v7  }
0x3dd: {  	vm5 =	vgt.f32 v6, v4;
	v10 =	vand.u32 $0x7FFFFFFF, v10;
	vm4 =	vgt.f32 v3, v1  }
0x3de: {  	v1 =	vsel vm4, v3, v1;
	v2 =	vmax.f32 v7, v2;
	v3 =	vmax.f32 v8, v11  }
0x3df: {  	vm7 =	vgt.f32 v10, $2.500000000e-01;
	vm6 =	vgt.f32 v5, v1;
	v2 =	vsel vm5, v2, v3  }
0x3e0: {  	v3 =	vsel vm0, $0x1, v0;
	v1 =	vsel vm6, v5, v1;
	v2 =	vsel vm7, v2, v9  }
0x3e1: {  	v3 =	vsel vm1, $0x2, v3;
	v2 =	vmul.f32 $6.999999880e-01, v2;
	v1 =	vsub.f32 $1.000000000e+00, v1  }
0x3e2: {  	v3 =	vsel vm2, $0x3, v3  }
.Ltmp9:
0x3e3: {  	v3 =	vsel vm3, $0x4, v3;
	v1 =	vadd.f32 v2, v1;
	(pc) =	sbr.rel @p0 .LBB2_20-.Ltmp9, $4  }
0x3e4: {  	v2 =	vsel vm4, $0x5, v3  }
0x3e5: {  	s22 =	sadd.s32 $0x80, s22;
	v2 =	vsel vm6, $0x6, v2;
	vm0 =	vgt.f32 v1, $5.000000000e-01  }
0x3e6: {  	s21 =	sadd.s32 $0x10, s21;
	s25 =	sand.u32 $0x3C00, s22;
	s24 =	sand.u32 $0x70, s23;
	v1 =	vsel vm0, $0x7, v2  }
0x3e7: {  	s23 =	sadd.s32 $0x10, s23;
	s24 =	sor.u32 s24, s25;
	[tilespmem:s21+$0x0] =	vst v1  }
0x3e8: {  	v1 =	vld [tilespmem:s24+$0x4080]  }
0x3e9: {  	v2 =	vld [tilespmem:s24+$0x4000];
	_ =	sdelay $0x1  }
0x3ea: {  	v3 =	vld [tilespmem:s24+$0x4100]  }
0x3eb: {  	s19 =	sadd.s32 $0x10, s19;
	v5 =	vld [tilespmem:s24+$0x4180]  }
0x3ec: {  	s25 =	sadd.s32 $0x10, s20;
	v4 =	vld [tilespmem:s19+$0x0]  }
0x3ed: {  	v6 =	vld [tilespmem:s25+$0x0];
	vm0 =	vgt.f32 v1, v2  }
0x3ee: {  	v1 =	vsel vm0, v1, v2;
	v2 =	vld [tilespmem:s24+$0x4200]  }
0x3ef: {  	vm1 =	vgt.f32 v3, v1  }
0x3f0: {  	v1 =	vsel vm1, v3, v1;
	v3 =	vld [tilespmem:s24+$0x4280]  }
0x3f1: {  	vm2 =	vgt.f32 v5, v1  }
0x3f2: {  	v54 =	vld [tilespmem:s24+$0x4300];
	s18 =	sadd.s32 $0x10, s18;
	v7 =	vsub.f32 $1.000000000e+00, v6;
	v8 =	vsub.f32 $1.000000000e+00, v4;
	v1 =	vsel vm2, v5, v1  }
0x3f3: {  	v9 =	vld [tilespmem:s18+$0x0];
	v10 =	vsub.f32 v6, v4;
	vm3 =	vgt.f32 v2, v1  }
0x3f4: {  	v11 =	vmul.f32 $6.999999880e-01, v7;
	v1 =	vsel vm3, v2, v1;
	v2 =	vmul.f32 $6.999999880e-01, v8  }
0x3f5: {  	vm5 =	vgt.f32 v6, v4;
	v10 =	vand.u32 $0x7FFFFFFF, v10;
	vm4 =	vgt.f32 v3, v1  }
0x3f6: {  	v1 =	vsel vm4, v3, v1;
	v2 =	vmax.f32 v7, v2;
	v3 =	vmax.f32 v8, v11  }
0x3f7: {  	vm7 =	vgt.f32 v10, $2.500000000e-01;
	vm6 =	vgt.f32 v54, v1;
	v2 =	vsel vm5, v2, v3  }
0x3f8: {  	v3 =	vsel vm0, $0x1, v0;
	v1 =	vsel vm6, v54, v1;
	v2 =	vsel vm7, v2, v9  }
0x3f9: {  	v3 =	vsel vm1, $0x2, v3;
	v2 =	vmul.f32 $6.999999880e-01, v2;
	v1 =	vsub.f32 $1.000000000e+00, v1  }
0x3fa: {  	v3 =	vsel vm2, $0x3, v3  }
0x3fb: {  	v3 =	vsel vm3, $0x4, v3;
	v1 =	vadd.f32 v2, v1  }
0x3fc: {  	v2 =	vsel vm4, $0x5, v3  }
0x3fd: {  	s22 =	sld [smem:$0x7FD];
	v2 =	vsel vm6, $0x6, v2;
	vm14 =	vgt.f32 v1, $5.000000000e-01  }
0x3fe: {  	s20 =	sadd.s32 $0x10, s21;
	v1 =	vsel vm14, $0x7, v2  }
0x3ff: {  	s21 =	simm.s32 $0x0;
	[tilespmem:s20+$0x0] =	vst v1  }
0x400: {  	[hbm4b:s22+s21] =	stream.linear.scatter [tilespmem:s14], [sflag:$0xA], $0x800, $0x38;
	[tilespmem:$0xC000] =	vst v63  }
0x401: {  	_ =	swait.ge [sflag:s2], $0x4000  }
0x402: {  	[sflag:s2] =	ssyncset.done $0x0  }
0x403: {  	[sflag:s2] =	ssyncadd.s32 $0xFFFFC000  }
0x404: {  	_ =	swait.ge [sflag:s3], $0x800  }
0x405: {  	[sflag:s3] =	ssyncset.done $0x0  }
0x406: {  	[sflag:s3] =	ssyncadd.s32 $0xFFFFF800  }
0x407: {  	_ =	swait.ge [sflag:s4], $0x800  }
0x408: {  	[sflag:s4] =	ssyncset.done $0x0  }
0x409: {  	[sflag:s4] =	ssyncadd.s32 $0xFFFFF800  }
0x40a: {  	_ =	swait.ge [sflag:s5], $0x800  }
0x40b: {  	[sflag:s5] =	ssyncset.done $0x0  }
0x40c: {  	[sflag:s5] =	ssyncadd.s32 $0xFFFFF800  }
0x40d: {  	_ =	swait.ge [sflag:s15], $0x800  }
0x40e: {  	s23 =	sand.u32 $0x70, s21;
	s18 =	sand.u32 $0x3C00, s21;
	[sflag:s15] =	ssyncset.done $0x0  }
0x40f: {  	s24 =	sor.u32 s23, s18;
	[sflag:s15] =	ssyncadd.s32 $0xFFFFF800  }
0x410: {  	v1 =	vld [tilespmem:s24+$0x80]  }
0x411: {  	v2 =	vld [tilespmem:s24+$0x0];
	_ =	sdelay $0x1  }
0x412: {  	s19 =	simm.s32 $0xA000;
	v3 =	vld [tilespmem:s24+$0x100]  }
0x413: {  	v55 =	vld [tilespmem:s19+$0x0]  }
0x414: {  	s20 =	simm.s32 $0x9000;
	v56 =	vld [tilespmem:s24+$0x180]  }
0x415: {  	v57 =	vld [tilespmem:s20+$0x0];
	vm0 =	vgt.f32 v1, v2  }
0x416: {  	v1 =	vsel vm0, v1, v2;
	v2 =	vld [tilespmem:s24+$0x200]  }
0x417: {  	vm15 =	vgt.f32 v3, v1  }
0x418: {  	v1 =	vsel vm15, v3, v1;
	v3 =	vld [tilespmem:s24+$0x280]  }
0x419: {  	vm9 =	vgt.f32 v56, v1  }
0x41a: {  	s18 =	simm.s32 $0x8000;
	v58 =	vld [tilespmem:s24+$0x300];
	v59 =	vsub.f32 $1.000000000e+00, v57;
	v60 =	vsub.f32 $1.000000000e+00, v55;
	v1 =	vsel vm9, v56, v1  }
0x41b: {  	v61 =	vld [tilespmem:s18+$0x0];
	v62 =	vsub.f32 v57, v55;
	vm10 =	vgt.f32 v2, v1  }
0x41c: {  	v63 =	vmul.f32 $6.999999880e-01, v59;
	v1 =	vsel vm10, v2, v1;
	v2 =	vmul.f32 $6.999999880e-01, v60  }
0x41d: {  	vm12 =	vgt.f32 v57, v55;
	v10 =	vand.u32 $0x7FFFFFFF, v62;
	vm11 =	vgt.f32 v3, v1  }
0x41e: {  	v1 =	vsel vm11, v3, v1;
	v2 =	vmax.f32 v59, v2;
	v3 =	vmax.f32 v60, v63  }
0x41f: {  	vm14 =	vgt.f32 v10, $2.500000000e-01;
	vm13 =	vgt.f32 v58, v1;
	v2 =	vsel vm12, v2, v3  }
0x420: {  	v3 =	vsel vm0, $0x1, v0;
	v1 =	vsel vm13, v58, v1;
	v2 =	vsel vm14, v2, v61  }
0x421: {  	v3 =	vsel vm15, $0x2, v3;
	v2 =	vmul.f32 $6.999999880e-01, v2;
	v1 =	vsub.f32 $1.000000000e+00, v1  }
0x422: {  	v3 =	vsel vm9, $0x3, v3  }
0x423: {  	v3 =	vsel vm10, $0x4, v3;
	v1 =	vadd.f32 v2, v1  }
0x424: {  	v2 =	vsel vm11, $0x5, v3  }
0x425: {  	s23 =	simm.s32 $0x10;
	s22 =	simm.s32 $0x80;
	v2 =	vsel vm13, $0x6, v2;
	vm15 =	vgt.f32 v1, $5.000000000e-01  }
0x426: {  	s23 =	sand.u32 $0x70, s23;
	s21 =	simm.s32 $0xB000;
	s25 =	sand.u32 $0x3C00, s22;
	v1 =	vsel vm15, $0x7, v2  }
0x427: {  	s24 =	sor.u32 s23, s25;
	s23 =	simm.s32 $0x20;
	[tilespmem:s21+$0x0] =	vst v1  }
.LBB2_22:
0x428: {  	p0 =	sne.s32 s23, $0x7F0;
	v1 =	vld [tilespmem:s24+$0x80]  }
0x429: {  	v2 =	vld [tilespmem:s24+$0x0];
	_ =	sdelay $0x1  }
0x42a: {  	s19 =	sadd.s32 $0x10, s19;
	v3 =	vld [tilespmem:s24+$0x100]  }
0x42b: {  	v4 =	vld [tilespmem:s19+$0x0]  }
0x42c: {  	s20 =	sadd.s32 $0x10, s20;
	v5 =	vld [tilespmem:s24+$0x180]  }
0x42d: {  	vm0 =	vgt.f32 v1, v2;
	v6 =	vld [tilespmem:s20+$0x0]  }
0x42e: {  	v1 =	vsel vm0, v1, v2;
	v2 =	vld [tilespmem:s24+$0x200]  }
0x42f: {  	vm1 =	vgt.f32 v3, v1  }
0x430: {  	v1 =	vsel vm1, v3, v1;
	v3 =	vld [tilespmem:s24+$0x280]  }
0x431: {  	vm2 =	vgt.f32 v5, v1  }
0x432: {  	s18 =	sadd.s32 $0x10, s18;
	v8 =	vsub.f32 $1.000000000e+00, v4;
	v1 =	vsel vm2, v5, v1;
	v5 =	vld [tilespmem:s24+$0x300];
	v7 =	vsub.f32 $1.000000000e+00, v6  }
0x433: {  	v10 =	vsub.f32 v6, v4;
	vm3 =	vgt.f32 v2, v1;
	v9 =	vld [tilespmem:s18+$0x0]  }
0x434: {  	v1 =	vsel vm3, v2, v1;
	v2 =	vmul.f32 $6.999999880e-01, v8;
	v11 =	vmul.f32 $6.999999880e-01, v7  }
0x435: {  	vm5 =	vgt.f32 v6, v4;
	v10 =	vand.u32 $0x7FFFFFFF, v10;
	vm4 =	vgt.f32 v3, v1  }
0x436: {  	v1 =	vsel vm4, v3, v1;
	v2 =	vmax.f32 v7, v2;
	v3 =	vmax.f32 v8, v11  }
0x437: {  	vm7 =	vgt.f32 v10, $2.500000000e-01;
	vm6 =	vgt.f32 v5, v1;
	v2 =	vsel vm5, v2, v3  }
0x438: {  	v3 =	vsel vm0, $0x1, v0;
	v1 =	vsel vm6, v5, v1;
	v2 =	vsel vm7, v2, v9  }
0x439: {  	v3 =	vsel vm1, $0x2, v3;
	v2 =	vmul.f32 $6.999999880e-01, v2;
	v1 =	vsub.f32 $1.000000000e+00, v1  }
0x43a: {  	v3 =	vsel vm2, $0x3, v3  }
.Ltmp10:
0x43b: {  	v3 =	vsel vm3, $0x4, v3;
	v1 =	vadd.f32 v2, v1;
	(pc) =	sbr.rel @p0 .LBB2_22-.Ltmp10, $4  }
0x43c: {  	v2 =	vsel vm4, $0x5, v3  }
0x43d: {  	s22 =	sadd.s32 $0x80, s22;
	v2 =	vsel vm6, $0x6, v2;
	vm0 =	vgt.f32 v1, $5.000000000e-01  }
0x43e: {  	s21 =	sadd.s32 $0x10, s21;
	s25 =	sand.u32 $0x3C00, s22;
	s24 =	sand.u32 $0x70, s23;
	v1 =	vsel vm0, $0x7, v2  }
0x43f: {  	s23 =	sadd.s32 $0x10, s23;
	s24 =	sor.u32 s24, s25;
	[tilespmem:s21+$0x0] =	vst v1  }
0x440: {  	v1 =	vld [tilespmem:s24+$0x80]  }
0x441: {  	v2 =	vld [tilespmem:s24+$0x0];
	_ =	sdelay $0x1  }
0x442: {  	v3 =	vld [tilespmem:s24+$0x100]  }
0x443: {  	s19 =	sadd.s32 $0x10, s19;
	v5 =	vld [tilespmem:s24+$0x180]  }
0x444: {  	s23 =	sadd.s32 $0x10, s20;
	v4 =	vld [tilespmem:s19+$0x0]  }
0x445: {  	v6 =	vld [tilespmem:s23+$0x0];
	vm0 =	vgt.f32 v1, v2  }
0x446: {  	v1 =	vsel vm0, v1, v2;
	v2 =	vld [tilespmem:s24+$0x200]  }
0x447: {  	vm1 =	vgt.f32 v3, v1  }
0x448: {  	v1 =	vsel vm1, v3, v1;
	v3 =	vld [tilespmem:s24+$0x280]  }
0x449: {  	vm2 =	vgt.f32 v5, v1  }
0x44a: {  	v63 =	vld [tilespmem:s24+$0x300];
	s18 =	sadd.s32 $0x10, s18;
	v7 =	vsub.f32 $1.000000000e+00, v6;
	v8 =	vsub.f32 $1.000000000e+00, v4;
	v1 =	vsel vm2, v5, v1  }
0x44b: {  	v9 =	vld [tilespmem:s18+$0x0];
	v10 =	vsub.f32 v6, v4;
	vm3 =	vgt.f32 v2, v1  }
0x44c: {  	v11 =	vmul.f32 $6.999999880e-01, v7;
	v1 =	vsel vm3, v2, v1;
	v2 =	vmul.f32 $6.999999880e-01, v8  }
0x44d: {  	vm5 =	vgt.f32 v6, v4;
	v10 =	vand.u32 $0x7FFFFFFF, v10;
	vm4 =	vgt.f32 v3, v1  }
0x44e: {  	v1 =	vsel vm4, v3, v1;
	v2 =	vmax.f32 v7, v2;
	v3 =	vmax.f32 v8, v11  }
0x44f: {  	vm7 =	vgt.f32 v10, $2.500000000e-01;
	vm6 =	vgt.f32 v63, v1;
	v2 =	vsel vm5, v2, v3  }
0x450: {  	v3 =	vsel vm0, $0x1, v0;
	v1 =	vsel vm6, v63, v1;
	v2 =	vsel vm7, v2, v9  }
0x451: {  	v3 =	vsel vm1, $0x2, v3;
	v2 =	vmul.f32 $6.999999880e-01, v2;
	v1 =	vsub.f32 $1.000000000e+00, v1  }
0x452: {  	v3 =	vsel vm2, $0x3, v3  }
0x453: {  	v3 =	vsel vm3, $0x4, v3;
	v1 =	vadd.f32 v2, v1  }
0x454: {  	v2 =	vsel vm4, $0x5, v3  }
0x455: {  	v2 =	vsel vm6, $0x6, v2;
	vm15 =	vgt.f32 v1, $5.000000000e-01  }
0x456: {  	s25 =	sadd.s32 $0x10, s21;
	v1 =	vsel vm15, $0x7, v2  }
0x457: {  	s17 =	sadd.s32 $0x1, s17;
	[tilespmem:s25+$0x0] =	vst v1  }
0x458: {  	[hbm4b:s26+s1] =	stream.linear.scatter [tilespmem:s6], [sflag:$0x9], $0x800, $0x38;
	[tilespmem:$0xC000] =	vst v63  }
0x459: {  	p0 =	sne.s32 s17, s28;
	_ =	swait.ge [sflag:s16], $0x800  }
.Ltmp11:
0x45a: {  	[sflag:s16] =	ssyncset.done $0x0;
	(pc) =	sbr.rel @p0 .LBB2_1-.Ltmp11, $4  }
0x45b: {  	[sflag:s16] =	ssyncadd.s32 $0xFFFFF800  }
0x45c: {  	_ =	swait.ge [sflag:s15], $0x800  }
0x45d: {  	[sflag:s15] =	ssyncset.done $0x0  }
0x45e: {  	[sflag:s15] =	ssyncadd.s32 $0xFFFFF800  }
0x45f: {  	_ =	sfence.sel $0x180000  }
0x460: {  	[bflag:$0x0] =	sbarrier.arrive $0xFFFF  }
0x461: {  	_ =	strace $0x90000047  }
0x462: {  	s0 =	stileid.u32;
	[bflag:$0x2] =	sbarrier.arrive $0xFFFF  }
0x463: {  	p0 =	sne.s32 s0, $0x0;
	s0 =	rddreg [dreg:$0x5]  }
0x464: {  	s0 =	sadd.s32 @!p0 $0x100000, s0  }
0x465: {  	[sflag:s0] =	ssyncadd.tile.s32 @!p0 $0x1;
	_ =	shalt  }
.Lfunc_end2:
_tile_overlayer_lowered:
.L_overlay_start_2:
0x466: {  	(tag) =	ssettag $0x2  }
0x467: {  	s0 =	rddreg [dreg:$0x0];
	s2 =	stileid.u32  }
0x468: {  	s1 =	rddreg [dreg:$0x1];
	p0 =	sne.s32 s2, $0x0  }
0x469: {  	s3 =	rddreg [dreg:$0x2];
	[bflag:$0x3] =	sbarrier.arrive $0xFFFF;
	s2 =	simm.s32 @!p0 $0x1C0B  }
0x46a: {  	[timem:s3], [sflag:s2] =	dma.local @!p0 [hbm:s0], s1  }
0x46b: {  	s0 =	simm.s32 @!p0 $0xB  }
0x46c: {  	_ =	swait.ge @!p0 [sflag:s0], s1  }
0x46d: {  	s1 =	ssub.s32 @!p0 $0x0, s1;
	[sflag:s0] =	ssyncset.done @!p0 $0x0  }
0x46e: {  	[sflag:s0] =	ssyncadd.s32 @!p0 s1  }
0x46f: {  	[bflag:$0x3] =	sbarrier.arrive $0xFFFF  }
0x470: {  	_ =	shalt  }

</sc_bundles>
